<compile_context>
chip_gen: v7x
topology: tpu7x:2x2x1
jax: 0.10.2.dev20260603
libtpu: 0.0.44.dev20260713+nightly
codegen_flags: <defaults>
</compile_context>

<pallas_src>
import functools

import jax
import jax.numpy as jnp
from jax import lax
from jax.experimental import pallas as pl
from jax.experimental.pallas import tpu as pltpu
from jax.experimental.pallas import tpu_sc as plsc

_EPS = 1e-06
_D = 1024
_NMOD = 64
_SEQ = 8192
_BSZ = 4
_ROWS = _BSZ * _SEQ
_NW = 32
_RPT = _ROWS // _NW
_SBLK = 16
_NSB = _RPT // _SBLK
_LANES = 16


def _sc_body(x_hbm, keep_hbm, psum_hbm, kpart_hbm,
             bufs, kbuf, acc, ks, sem0, sem1):
    c = lax.axis_index("c")
    s = lax.axis_index("s")
    wid = s * 2 + c
    base = wid * _RPT

    pltpu.sync_copy(keep_hbm.at[pl.ds(base, _RPT)], kbuf.at[pl.ds(0, _RPT)])

    zero = jnp.zeros((_LANES,), jnp.float32)
    for j in range(_D // _LANES):
        acc[0, pl.ds(j * _LANES, _LANES)] = zero
    ks[0, :] = zero

    def start(blk, slot_ref, sem):
        pltpu.async_copy(
            x_hbm.at[pl.ds(base + blk * _SBLK, _SBLK), :], slot_ref, sem
        )

    def wait(slot_ref, sem):
        pltpu.make_async_copy(
            x_hbm.at[pl.ds(0, _SBLK), :], slot_ref, sem
        ).wait()

    def accum_block(blk, buf):
        mv = kbuf[pl.ds(blk * _SBLK, _LANES)]
        ms = [jnp.full((_LANES,), mv[r], jnp.float32) for r in range(_SBLK)]

        def jbody(j, carry):
            off = j * _LANES
            for r in range(_SBLK):
                v = buf[r, pl.ds(off, _LANES)]
                plsc.addupdate(acc.at[0, pl.ds(off, _LANES)], v * ms[r])
            return carry

        lax.fori_loop(0, _D // _LANES, jbody, 0, unroll=4)
        for r in range(_SBLK):
            plsc.addupdate(ks.at[0, :], ms[r])

    b0 = bufs.at[0]
    b1 = bufs.at[1]
    start(0, b0, sem0)
    start(1, b1, sem1)

    def pair(k, carry):
        g0 = k * 2
        wait(b0, sem0)
        accum_block(g0, b0)

        @pl.when(g0 + 2 < _NSB)
        def _s0():
            start(g0 + 2, b0, sem0)

        wait(b1, sem1)
        accum_block(g0 + 1, b1)

        @pl.when(g0 + 3 < _NSB)
        def _s1():
            start(g0 + 3, b1, sem1)

        return carry

    lax.fori_loop(0, 1, pair, 0)

    pltpu.sync_copy(acc, psum_hbm.at[pl.ds(wid, 1), :])
    pltpu.sync_copy(ks, kpart_hbm.at[pl.ds(wid, 1), :])


@jax.jit
def _sc_partial(x, keep):
    mesh = plsc.VectorSubcoreMesh(
        core_axis_name="c", subcore_axis_name="s", num_cores=2,
        num_subcores=16)
    f = pl.kernel(
        _sc_body,
        out_type=[
            jax.ShapeDtypeStruct((_NW, _D), jnp.float32),
            jax.ShapeDtypeStruct((_NW, _LANES), jnp.float32),
        ],
        mesh=mesh,
        scratch_types=[
            pltpu.VMEM((2, _SBLK, _D), jnp.float32),
            pltpu.VMEM((_RPT + _LANES,), jnp.float32),
            pltpu.VMEM((1, _D), jnp.float32),
            pltpu.VMEM((1, _LANES), jnp.float32),
            pltpu.SemaphoreType.DMA,
            pltpu.SemaphoreType.DMA,
        ],
    )
    return f(x, keep)


def _tail_body(psum_ref, kpart_ref, w0_ref, w1_ref, b_ref,
               l0_ref, l1_ref, s0_ref, s1_ref):
    rows = []
    for b in range(_BSZ):
        num = jnp.sum(psum_ref[pl.ds(b * 8, 8), :], axis=0, keepdims=True)
        cnt = jnp.sum(kpart_ref[pl.ds(b * 8, 8), :]) / _LANES
        rows.append(num / (cnt + _EPS))
    feats = jnp.concatenate(rows, axis=0)
    dn2 = (((1,), (1,)), ((), ()))
    l0 = lax.dot_general(feats, w0_ref[...], dn2,
                         preferred_element_type=jnp.float32) + b_ref[0, :_NMOD]
    l1 = lax.dot_general(feats, w1_ref[...], dn2,
                         preferred_element_type=jnp.float32) + b_ref[0, _NMOD:]
    l0_ref[...] = l0
    l1_ref[...] = l1
    iota = lax.broadcasted_iota(jnp.int32, (_BSZ, _NMOD), 1)
    m0 = jnp.max(l0, axis=1, keepdims=True)
    m1 = jnp.max(l1, axis=1, keepdims=True)
    s0_ref[...] = jnp.min(jnp.where(l0 >= m0, iota, _NMOD), axis=1,
                          keepdims=True)
    s1_ref[...] = jnp.min(jnp.where(l1 >= m1, iota, _NMOD), axis=1,
                          keepdims=True)


@jax.jit
def _tail(psum, kpart, w0, w1, b):
    return pl.pallas_call(
        _tail_body,
        out_shape=[
            jax.ShapeDtypeStruct((_BSZ, _NMOD), jnp.float32),
            jax.ShapeDtypeStruct((_BSZ, _NMOD), jnp.float32),
            jax.ShapeDtypeStruct((_BSZ, 1), jnp.int32),
            jax.ShapeDtypeStruct((_BSZ, 1), jnp.int32),
        ],
    )(psum, kpart, w0, w1, b)


def kernel(x, padding_mask, W_out, b_out):
    bsz = x.shape[0]
    xf = x.reshape(bsz * _SEQ, _D)
    keep = 1.0 - padding_mask.reshape(bsz * _SEQ).astype(jnp.float32)
    psum, kpart = _sc_partial(xf, keep)
    w0 = W_out[:_NMOD]
    w1 = W_out[_NMOD:]
    b = b_out.reshape(1, 2 * _NMOD)
    l0, l1, s0, s1 = _tail(psum, kpart, w0, w1, b)
    logits = jnp.concatenate([l0[:, None, :], l1[:, None, :]], axis=1)
    selection = jnp.concatenate([s0, s1], axis=1)
    return (logits, selection, selection)

# --- scband reference (transcript-rebuilt; emitter-appended) ---
"""Pipeline reference for scband-modular-ctrl-21930103013544 (READ-ONLY COPY).

The authoritative reference and input builder live on the scoring server;
editing this copy changes nothing except your own understanding.
"""

import jax, jax.numpy as jnp
import numpy as np

_EPS = 1e-06
INPUT_DIM = 1024
N_MODULES = 64
N_ACTIVE = 2

def setup_inputs(seed: int = 0) -> dict:
    key = jax.random.key(seed)
    k1, k2 = jax.random.split(key, 2)
    x = jax.random.normal(k1, (4, 8192, INPUT_DIM), dtype=jnp.float32)
    padding_mask = jnp.zeros((4, 8192), dtype=bool)
    # out_proj: Linear(input_dim, n_modules * n_active), xavier_uniform with gain 1/sqrt(2)
    fan_in, fan_out = INPUT_DIM, N_MODULES * N_ACTIVE
    gain = 1.0 / np.sqrt(2.0)
    bound = gain * np.sqrt(6.0 / (fan_in + fan_out))
    W_out = jax.random.uniform(k2, (fan_out, fan_in), dtype=jnp.float32, minval=-bound, maxval=bound)
    b_out = jnp.zeros((fan_out,), dtype=jnp.float32)
    return {"x": x, "padding_mask": padding_mask, "W_out": W_out, "b_out": b_out}

def reference(x, padding_mask, W_out, b_out):
    # ModularCtrl.forward with mode='validation', eval (no dropout), hidden_depth=0, ctrl_type='factored'
    bsz = x.shape[0]
    x = x.reshape(bsz, -1, INPUT_DIM)
    mask = (~padding_mask).reshape(bsz, -1, 1).astype(jnp.float32)
    # masked_mean over the sequence axis
    xm = x * mask
    features = xm.sum(axis=1) / (mask.sum(axis=1) + _EPS)
    # fc_net is identity (hidden_depth=0); out_proj
    logits = features @ W_out.T + b_out
    logits = logits.reshape(-1, N_ACTIVE, N_MODULES)
    # mode == 'validation': argmax over module axis
    ctrl_prediction = jnp.argmax(logits, axis=-1)
    # factored: pred2sel is identity
    selection = ctrl_prediction
    # ctrl (Categorical) is represented by its logits
    return (logits, selection, ctrl_prediction)

if __name__ == "__main__":
    import jax
    _d = setup_inputs()
    print(jax.jit(kernel)(*tuple(_d.values())))

</pallas_src>

<mosaic_0001>
#map = affine_map<(d0, d1) -> (0, 0)>
#map1 = affine_map<(d0, d1) -> (0)>
module attributes {stable_mosaic.version = 14 : i64} {
  func.func @_sc_body(%arg0: i32, %arg1: i32, %arg2: memref<32768x1024xf32, #tpu.memory_space<hbm>>, %arg3: memref<32768xf32, #tpu.memory_space<hbm>>, %arg4: memref<32x1024xf32, #tpu.memory_space<hbm>>, %arg5: memref<32x16xf32, #tpu.memory_space<hbm>>, %arg6: memref<2x16x1024xf32, #tpu.memory_space<vmem>>, %arg7: memref<1040xf32, #tpu.memory_space<vmem>>, %arg8: memref<1x1024xf32, #tpu.memory_space<vmem>>, %arg9: memref<1x16xf32, #tpu.memory_space<vmem>>, %arg10: memref<!tpu.dma_semaphore, #tpu.memory_space<semaphore_mem>>, %arg11: memref<!tpu.dma_semaphore, #tpu.memory_space<semaphore_mem>>) attributes {dimension_semantics = [#tpu.dimension_semantics<core_parallel>, #tpu.dimension_semantics<subcore_parallel>], iteration_bounds = array<i64: 2, 16>, scalar_prefetch = 0 : i64, scratch_operands = 6 : i64, tpu.core_type = #tpu.core_type<sc_vector_subcore>, window_params = [{transform_indices = #map}, {transform_indices = #map1}, {transform_indices = #map}, {transform_indices = #map}]} {
    %mul3A = arith.constant 2 : i32
    %mul3A_0 = arith.muli %arg1, %mul3A : i32
    %add3A = arith.addi %mul3A_0, %arg0 : i32
    %mul3A_1 = arith.constant 1024 : i32
    %mul3A_2 = arith.muli %add3A, %mul3A_1 : i32
    "tpu.region"() ({
      %run_scoped3A = tpu.sem_alloc : memref<!tpu.dma_semaphore, #tpu.memory_space<semaphore_mem>>
      %dma_start3A_775 = arith.constant 0 : i32
      %dma_start3A_776 = tpu.memref_slice %arg7[%dma_start3A_775] : memref<1040xf32, #tpu.memory_space<vmem>> -> memref<1024xf32, #tpu.memory_space<vmem>>
      %dma_start3A_777 = tpu.memref_slice %arg3[%mul3A_2] : memref<32768xf32, #tpu.memory_space<hbm>> -> memref<1024xf32, #tpu.memory_space<hbm>>
      %dma_start3A_778 = arith.constant 0 : i32
      %dma_start3A_779 = tpu.memref_slice %arg7[%dma_start3A_778] : memref<1040xf32, #tpu.memory_space<vmem>> -> memref<1024xf32, #tpu.memory_space<vmem>>
      %dma_start3A_780 = tpu.memref_slice %arg3[%mul3A_2] : memref<32768xf32, #tpu.memory_space<hbm>> -> memref<1024xf32, #tpu.memory_space<hbm>>
      tpu.enqueue_dma source(%dma_start3A_780 : memref<1024xf32, #tpu.memory_space<hbm>>) target(%dma_start3A_779 : memref<1024xf32, #tpu.memory_space<vmem>>) target_semaphore(%run_scoped3A : memref<!tpu.dma_semaphore, #tpu.memory_space<semaphore_mem>>)
      %dma_wait3A_781 = arith.constant 0 : i32
      %dma_wait3A_782 = tpu.memref_slice %arg7[%dma_wait3A_781] : memref<1040xf32, #tpu.memory_space<vmem>> -> memref<1024xf32, #tpu.memory_space<vmem>>
      %dma_wait3A_783 = tpu.memref_slice %arg3[%mul3A_2] : memref<32768xf32, #tpu.memory_space<hbm>> -> memref<1024xf32, #tpu.memory_space<hbm>>
      %dma_wait3A_784 = arith.constant 0 : i32
      %dma_wait3A_785 = tpu.memref_slice %arg7[%dma_wait3A_784] : memref<1040xf32, #tpu.memory_space<vmem>> -> memref<1024xf32, #tpu.memory_space<vmem>>
      %dma_wait3A_786 = tpu.memref_slice %arg3[%mul3A_2] : memref<32768xf32, #tpu.memory_space<hbm>> -> memref<1024xf32, #tpu.memory_space<hbm>>
      tpu.wait_dma2 semaphore(%run_scoped3A : memref<!tpu.dma_semaphore, #tpu.memory_space<semaphore_mem>>) src(%dma_wait3A_786 : memref<1024xf32, #tpu.memory_space<hbm>>) dst(%dma_wait3A_785 : memref<1024xf32, #tpu.memory_space<vmem>>)
      tpu.yield
    }) : () -> ()
    %broadcast_in_dim3A = arith.constant 0.000000e+00 : f32
    %broadcast_in_dim3A_3 = vector.broadcast %broadcast_in_dim3A : f32 to vector<16xf32>
    %swap3A = arith.constant 0 : i32
    %swap3A_4 = arith.index_cast %swap3A : i32 to index
    %swap3A_5 = arith.constant 0 : index
    %swap3A_6 = tpu.vector_load %arg8[%swap3A_4, %swap3A_5] {strides = array<i32>} : memref<1x1024xf32, #tpu.memory_space<vmem>>, vector<1x16xf32>,
    %swap3A_7 = vector.shape_cast %swap3A_6 : vector<1x16xf32> to vector<16xf32>
    %swap3A_8 = vector.shape_cast %broadcast_in_dim3A_3 : vector<16xf32> to vector<1x16xf32>
    tpu.vector_store %arg8[%swap3A_4, %swap3A_5], %swap3A_8 {strides = array<i32>} : memref<1x1024xf32, #tpu.memory_space<vmem>>, vector<1x16xf32>,
    %swap3A_9 = arith.constant 0 : i32
    %swap3A_10 = arith.index_cast %swap3A_9 : i32 to index
    %swap3A_11 = arith.constant 16 : index
    %swap3A_12 = tpu.vector_load %arg8[%swap3A_10, %swap3A_11] {strides = array<i32>} : memref<1x1024xf32, #tpu.memory_space<vmem>>, vector<1x16xf32>,
    %swap3A_13 = vector.shape_cast %swap3A_12 : vector<1x16xf32> to vector<16xf32>
    %swap3A_14 = vector.shape_cast %broadcast_in_dim3A_3 : vector<16xf32> to vector<1x16xf32>
    tpu.vector_store %arg8[%swap3A_10, %swap3A_11], %swap3A_14 {strides = array<i32>} : memref<1x1024xf32, #tpu.memory_space<vmem>>, vector<1x16xf32>,
    %swap3A_15 = arith.constant 0 : i32
    %swap3A_16 = arith.index_cast %swap3A_15 : i32 to index
    %swap3A_17 = arith.constant 32 : index
    %swap3A_18 = tpu.vector_load %arg8[%swap3A_16, %swap3A_17] {strides = array<i32>} : memref<1x1024xf32, #tpu.memory_space<vmem>>, vector<1x16xf32>,
    %swap3A_19 = vector.shape_cast %swap3A_18 : vector<1x16xf32> to vector<16xf32>
    %swap3A_20 = vector.shape_cast %broadcast_in_dim3A_3 : vector<16xf32> to vector<1x16xf32>
    tpu.vector_store %arg8[%swap3A_16, %swap3A_17], %swap3A_20 {strides = array<i32>} : memref<1x1024xf32, #tpu.memory_space<vmem>>, vector<1x16xf32>,
    %swap3A_21 = arith.constant 0 : i32
    %swap3A_22 = arith.index_cast %swap3A_21 : i32 to index
    %swap3A_23 = arith.constant 48 : index
    %swap3A_24 = tpu.vector_load %arg8[%swap3A_22, %swap3A_23] {strides = array<i32>} : memref<1x1024xf32, #tpu.memory_space<vmem>>, vector<1x16xf32>,
    %swap3A_25 = vector.shape_cast %swap3A_24 : vector<1x16xf32> to vector<16xf32>
    %swap3A_26 = vector.shape_cast %broadcast_in_dim3A_3 : vector<16xf32> to vector<1x16xf32>
    tpu.vector_store %arg8[%swap3A_22, %swap3A_23], %swap3A_26 {strides = array<i32>} : memref<1x1024xf32, #tpu.memory_space<vmem>>, vector<1x16xf32>,
    %swap3A_27 = arith.constant 0 : i32
    %swap3A_28 = arith.index_cast %swap3A_27 : i32 to index
    %swap3A_29 = arith.constant 64 : index
    %swap3A_30 = tpu.vector_load %arg8[%swap3A_28, %swap3A_29] {strides = array<i32>} : memref<1x1024xf32, #tpu.memory_space<vmem>>, vector<1x16xf32>,
    %swap3A_31 = vector.shape_cast %swap3A_30 : vector<1x16xf32> to vector<16xf32>
    %swap3A_32 = vector.shape_cast %broadcast_in_dim3A_3 : vector<16xf32> to vector<1x16xf32>
    tpu.vector_store %arg8[%swap3A_28, %swap3A_29], %swap3A_32 {strides = array<i32>} : memref<1x1024xf32, #tpu.memory_space<vmem>>, vector<1x16xf32>,
    %swap3A_33 = arith.constant 0 : i32
    %swap3A_34 = arith.index_cast %swap3A_33 : i32 to index
    %swap3A_35 = arith.constant 80 : index
    %swap3A_36 = tpu.vector_load %arg8[%swap3A_34, %swap3A_35] {strides = array<i32>} : memref<1x1024xf32, #tpu.memory_space<vmem>>, vector<1x16xf32>,
    %swap3A_37 = vector.shape_cast %swap3A_36 : vector<1x16xf32> to vector<16xf32>
    %swap3A_38 = vector.shape_cast %broadcast_in_dim3A_3 : vector<16xf32> to vector<1x16xf32>
    tpu.vector_store %arg8[%swap3A_34, %swap3A_35], %swap3A_38 {strides = array<i32>} : memref<1x1024xf32, #tpu.memory_space<vmem>>, vector<1x16xf32>,
    %swap3A_39 = arith.constant 0 : i32
    %swap3A_40 = arith.index_cast %swap3A_39 : i32 to index
    %swap3A_41 = arith.constant 96 : index
    %swap3A_42 = tpu.vector_load %arg8[%swap3A_40, %swap3A_41] {strides = array<i32>} : memref<1x1024xf32, #tpu.memory_space<vmem>>, vector<1x16xf32>,
    %swap3A_43 = vector.shape_cast %swap3A_42 : vector<1x16xf32> to vector<16xf32>
    %swap3A_44 = vector.shape_cast %broadcast_in_dim3A_3 : vector<16xf32> to vector<1x16xf32>
    tpu.vector_store %arg8[%swap3A_40, %swap3A_41], %swap3A_44 {strides = array<i32>} : memref<1x1024xf32, #tpu.memory_space<vmem>>, vector<1x16xf32>,
    %swap3A_45 = arith.constant 0 : i32
    %swap3A_46 = arith.index_cast %swap3A_45 : i32 to index
    %swap3A_47 = arith.constant 112 : index
    %swap3A_48 = tpu.vector_load %arg8[%swap3A_46, %swap3A_47] {strides = array<i32>} : memref<1x1024xf32, #tpu.memory_space<vmem>>, vector<1x16xf32>,
    %swap3A_49 = vector.shape_cast %swap3A_48 : vector<1x16xf32> to vector<16xf32>
    %swap3A_50 = vector.shape_cast %broadcast_in_dim3A_3 : vector<16xf32> to vector<1x16xf32>
    tpu.vector_store %arg8[%swap3A_46, %swap3A_47], %swap3A_50 {strides = array<i32>} : memref<1x1024xf32, #tpu.memory_space<vmem>>, vector<1x16xf32>,
    %swap3A_51 = arith.constant 0 : i32
    %swap3A_52 = arith.index_cast %swap3A_51 : i32 to index
    %swap3A_53 = arith.constant 128 : index
    %swap3A_54 = tpu.vector_load %arg8[%swap3A_52, %swap3A_53] {strides = array<i32>} : memref<1x1024xf32, #tpu.memory_space<vmem>>, vector<1x16xf32>,
    %swap3A_55 = vector.shape_cast %swap3A_54 : vector<1x16xf32> to vector<16xf32>
    %swap3A_56 = vector.shape_cast %broadcast_in_dim3A_3 : vector<16xf32> to vector<1x16xf32>
    tpu.vector_store %arg8[%swap3A_52, %swap3A_53], %swap3A_56 {strides = array<i32>} : memref<1x1024xf32, #tpu.memory_space<vmem>>, vector<1x16xf32>,
    %swap3A_57 = arith.constant 0 : i32
    %swap3A_58 = arith.index_cast %swap3A_57 : i32 to index
    %swap3A_59 = arith.constant 144 : index
    %swap3A_60 = tpu.vector_load %arg8[%swap3A_58, %swap3A_59] {strides = array<i32>} : memref<1x1024xf32, #tpu.memory_space<vmem>>, vector<1x16xf32>,
    %swap3A_61 = vector.shape_cast %swap3A_60 : vector<1x16xf32> to vector<16xf32>
    %swap3A_62 = vector.shape_cast %broadcast_in_dim3A_3 : vector<16xf32> to vector<1x16xf32>
    tpu.vector_store %arg8[%swap3A_58, %swap3A_59], %swap3A_62 {strides = array<i32>} : memref<1x1024xf32, #tpu.memory_space<vmem>>, vector<1x16xf32>,
    %swap3A_63 = arith.constant 0 : i32
    %swap3A_64 = arith.index_cast %swap3A_63 : i32 to index
    %swap3A_65 = arith.constant 160 : index
    %swap3A_66 = tpu.vector_load %arg8[%swap3A_64, %swap3A_65] {strides = array<i32>} : memref<1x1024xf32, #tpu.memory_space<vmem>>, vector<1x16xf32>,
    %swap3A_67 = vector.shape_cast %swap3A_66 : vector<1x16xf32> to vector<16xf32>
    %swap3A_68 = vector.shape_cast %broadcast_in_dim3A_3 : vector<16xf32> to vector<1x16xf32>
    tpu.vector_store %arg8[%swap3A_64, %swap3A_65], %swap3A_68 {strides = array<i32>} : memref<1x1024xf32, #tpu.memory_space<vmem>>, vector<1x16xf32>,
    %swap3A_69 = arith.constant 0 : i32
    %swap3A_70 = arith.index_cast %swap3A_69 : i32 to index
    %swap3A_71 = arith.constant 176 : index
    %swap3A_72 = tpu.vector_load %arg8[%swap3A_70, %swap3A_71] {strides = array<i32>} : memref<1x1024xf32, #tpu.memory_space<vmem>>, vector<1x16xf32>,
    %swap3A_73 = vector.shape_cast %swap3A_72 : vector<1x16xf32> to vector<16xf32>
    %swap3A_74 = vector.shape_cast %broadcast_in_dim3A_3 : vector<16xf32> to vector<1x16xf32>
    tpu.vector_store %arg8[%swap3A_70, %swap3A_71], %swap3A_74 {strides = array<i32>} : memref<1x1024xf32, #tpu.memory_space<vmem>>, vector<1x16xf32>,
    %swap3A_75 = arith.constant 0 : i32
    %swap3A_76 = arith.index_cast %swap3A_75 : i32 to index
    %swap3A_77 = arith.constant 192 : index
    %swap3A_78 = tpu.vector_load %arg8[%swap3A_76, %swap3A_77] {strides = array<i32>} : memref<1x1024xf32, #tpu.memory_space<vmem>>, vector<1x16xf32>,
    %swap3A_79 = vector.shape_cast %swap3A_78 : vector<1x16xf32> to vector<16xf32>
    %swap3A_80 = vector.shape_cast %broadcast_in_dim3A_3 : vector<16xf32> to vector<1x16xf32>
    tpu.vector_store %arg8[%swap3A_76, %swap3A_77], %swap3A_80 {strides = array<i32>} : memref<1x1024xf32, #tpu.memory_space<vmem>>, vector<1x16xf32>,
    %swap3A_81 = arith.constant 0 : i32
    %swap3A_82 = arith.index_cast %swap3A_81 : i32 to index
    %swap3A_83 = arith.constant 208 : index
    %swap3A_84 = tpu.vector_load %arg8[%swap3A_82, %swap3A_83] {strides = array<i32>} : memref<1x1024xf32, #tpu.memory_space<vmem>>, vector<1x16xf32>,
    %swap3A_85 = vector.shape_cast %swap3A_84 : vector<1x16xf32> to vector<16xf32>
    %swap3A_86 = vector.shape_cast %broadcast_in_dim3A_3 : vector<16xf32> to vector<1x16xf32>
    tpu.vector_store %arg8[%swap3A_82, %swap3A_83], %swap3A_86 {strides = array<i32>} : memref<1x1024xf32, #tpu.memory_space<vmem>>, vector<1x16xf32>,
    %swap3A_87 = arith.constant 0 : i32
    %swap3A_88 = arith.index_cast %swap3A_87 : i32 to index
    %swap3A_89 = arith.constant 224 : index
    %swap3A_90 = tpu.vector_load %arg8[%swap3A_88, %swap3A_89] {strides = array<i32>} : memref<1x1024xf32, #tpu.memory_space<vmem>>, vector<1x16xf32>,
    %swap3A_91 = vector.shape_cast %swap3A_90 : vector<1x16xf32> to vector<16xf32>
    %swap3A_92 = vector.shape_cast %broadcast_in_dim3A_3 : vector<16xf32> to vector<1x16xf32>
    tpu.vector_store %arg8[%swap3A_88, %swap3A_89], %swap3A_92 {strides = array<i32>} : memref<1x1024xf32, #tpu.memory_space<vmem>>, vector<1x16xf32>,
    %swap3A_93 = arith.constant 0 : i32
    %swap3A_94 = arith.index_cast %swap3A_93 : i32 to index
    %swap3A_95 = arith.constant 240 : index
    %swap3A_96 = tpu.vector_load %arg8[%swap3A_94, %swap3A_95] {strides = array<i32>} : memref<1x1024xf32, #tpu.memory_space<vmem>>, vector<1x16xf32>,
    %swap3A_97 = vector.shape_cast %swap3A_96 : vector<1x16xf32> to vector<16xf32>
    %swap3A_98 = vector.shape_cast %broadcast_in_dim3A_3 : vector<16xf32> to vector<1x16xf32>
    tpu.vector_store %arg8[%swap3A_94, %swap3A_95], %swap3A_98 {strides = array<i32>} : memref<1x1024xf32, #tpu.memory_space<vmem>>, vector<1x16xf32>,
    %swap3A_99 = arith.constant 0 : i32
    %swap3A_100 = arith.index_cast %swap3A_99 : i32 to index
    %swap3A_101 = arith.constant 256 : index
    %swap3A_102 = tpu.vector_load %arg8[%swap3A_100, %swap3A_101] {strides = array<i32>} : memref<1x1024xf32, #tpu.memory_space<vmem>>, vector<1x16xf32>,
    %swap3A_103 = vector.shape_cast %swap3A_102 : vector<1x16xf32> to vector<16xf32>
    %swap3A_104 = vector.shape_cast %broadcast_in_dim3A_3 : vector<16xf32> to vector<1x16xf32>
    tpu.vector_store %arg8[%swap3A_100, %swap3A_101], %swap3A_104 {strides = array<i32>} : memref<1x1024xf32, #tpu.memory_space<vmem>>, vector<1x16xf32>,
    %swap3A_105 = arith.constant 0 : i32
    %swap3A_106 = arith.index_cast %swap3A_105 : i32 to index
    %swap3A_107 = arith.constant 272 : index
    %swap3A_108 = tpu.vector_load %arg8[%swap3A_106, %swap3A_107] {strides = array<i32>} : memref<1x1024xf32, #tpu.memory_space<vmem>>, vector<1x16xf32>,
    %swap3A_109 = vector.shape_cast %swap3A_108 : vector<1x16xf32> to vector<16xf32>
    %swap3A_110 = vector.shape_cast %broadcast_in_dim3A_3 : vector<16xf32> to vector<1x16xf32>
    tpu.vector_store %arg8[%swap3A_106, %swap3A_107], %swap3A_110 {strides = array<i32>} : memref<1x1024xf32, #tpu.memory_space<vmem>>, vector<1x16xf32>,
    %swap3A_111 = arith.constant 0 : i32
    %swap3A_112 = arith.index_cast %swap3A_111 : i32 to index
    %swap3A_113 = arith.constant 288 : index
    %swap3A_114 = tpu.vector_load %arg8[%swap3A_112, %swap3A_113] {strides = array<i32>} : memref<1x1024xf32, #tpu.memory_space<vmem>>, vector<1x16xf32>,
    %swap3A_115 = vector.shape_cast %swap3A_114 : vector<1x16xf32> to vector<16xf32>
    %swap3A_116 = vector.shape_cast %broadcast_in_dim3A_3 : vector<16xf32> to vector<1x16xf32>
    tpu.vector_store %arg8[%swap3A_112, %swap3A_113], %swap3A_116 {strides = array<i32>} : memref<1x1024xf32, #tpu.memory_space<vmem>>, vector<1x16xf32>,
    %swap3A_117 = arith.constant 0 : i32
    %swap3A_118 = arith.index_cast %swap3A_117 : i32 to index
    %swap3A_119 = arith.constant 304 : index
    %swap3A_120 = tpu.vector_load %arg8[%swap3A_118, %swap3A_119] {strides = array<i32>} : memref<1x1024xf32, #tpu.memory_space<vmem>>, vector<1x16xf32>,
    %swap3A_121 = vector.shape_cast %swap3A_120 : vector<1x16xf32> to vector<16xf32>
    %swap3A_122 = vector.shape_cast %broadcast_in_dim3A_3 : vector<16xf32> to vector<1x16xf32>
    tpu.vector_store %arg8[%swap3A_118, %swap3A_119], %swap3A_122 {strides = array<i32>} : memref<1x1024xf32, #tpu.memory_space<vmem>>, vector<1x16xf32>,
    %swap3A_123 = arith.constant 0 : i32
    %swap3A_124 = arith.index_cast %swap3A_123 : i32 to index
    %swap3A_125 = arith.constant 320 : index
    %swap3A_126 = tpu.vector_load %arg8[%swap3A_124, %swap3A_125] {strides = array<i32>} : memref<1x1024xf32, #tpu.memory_space<vmem>>, vector<1x16xf32>,
    %swap3A_127 = vector.shape_cast %swap3A_126 : vector<1x16xf32> to vector<16xf32>
    %swap3A_128 = vector.shape_cast %broadcast_in_dim3A_3 : vector<16xf32> to vector<1x16xf32>
    tpu.vector_store %arg8[%swap3A_124, %swap3A_125], %swap3A_128 {strides = array<i32>} : memref<1x1024xf32, #tpu.memory_space<vmem>>, vector<1x16xf32>,
    %swap3A_129 = arith.constant 0 : i32
    %swap3A_130 = arith.index_cast %swap3A_129 : i32 to index
    %swap3A_131 = arith.constant 336 : index
    %swap3A_132 = tpu.vector_load %arg8[%swap3A_130, %swap3A_131] {strides = array<i32>} : memref<1x1024xf32, #tpu.memory_space<vmem>>, vector<1x16xf32>,
    %swap3A_133 = vector.shape_cast %swap3A_132 : vector<1x16xf32> to vector<16xf32>
    %swap3A_134 = vector.shape_cast %broadcast_in_dim3A_3 : vector<16xf32> to vector<1x16xf32>
    tpu.vector_store %arg8[%swap3A_130, %swap3A_131], %swap3A_134 {strides = array<i32>} : memref<1x1024xf32, #tpu.memory_space<vmem>>, vector<1x16xf32>,
    %swap3A_135 = arith.constant 0 : i32
    %swap3A_136 = arith.index_cast %swap3A_135 : i32 to index
    %swap3A_137 = arith.constant 352 : index
    %swap3A_138 = tpu.vector_load %arg8[%swap3A_136, %swap3A_137] {strides = array<i32>} : memref<1x1024xf32, #tpu.memory_space<vmem>>, vector<1x16xf32>,
    %swap3A_139 = vector.shape_cast %swap3A_138 : vector<1x16xf32> to vector<16xf32>
    %swap3A_140 = vector.shape_cast %broadcast_in_dim3A_3 : vector<16xf32> to vector<1x16xf32>
    tpu.vector_store %arg8[%swap3A_136, %swap3A_137], %swap3A_140 {strides = array<i32>} : memref<1x1024xf32, #tpu.memory_space<vmem>>, vector<1x16xf32>,
    %swap3A_141 = arith.constant 0 : i32
    %swap3A_142 = arith.index_cast %swap3A_141 : i32 to index
    %swap3A_143 = arith.constant 368 : index
    %swap3A_144 = tpu.vector_load %arg8[%swap3A_142, %swap3A_143] {strides = array<i32>} : memref<1x1024xf32, #tpu.memory_space<vmem>>, vector<1x16xf32>,
    %swap3A_145 = vector.shape_cast %swap3A_144 : vector<1x16xf32> to vector<16xf32>
    %swap3A_146 = vector.shape_cast %broadcast_in_dim3A_3 : vector<16xf32> to vector<1x16xf32>
    tpu.vector_store %arg8[%swap3A_142, %swap3A_143], %swap3A_146 {strides = array<i32>} : memref<1x1024xf32, #tpu.memory_space<vmem>>, vector<1x16xf32>,
    %swap3A_147 = arith.constant 0 : i32
    %swap3A_148 = arith.index_cast %swap3A_147 : i32 to index
    %swap3A_149 = arith.constant 384 : index
    %swap3A_150 = tpu.vector_load %arg8[%swap3A_148, %swap3A_149] {strides = array<i32>} : memref<1x1024xf32, #tpu.memory_space<vmem>>, vector<1x16xf32>,
    %swap3A_151 = vector.shape_cast %swap3A_150 : vector<1x16xf32> to vector<16xf32>
    %swap3A_152 = vector.shape_cast %broadcast_in_dim3A_3 : vector<16xf32> to vector<1x16xf32>
    tpu.vector_store %arg8[%swap3A_148, %swap3A_149], %swap3A_152 {strides = array<i32>} : memref<1x1024xf32, #tpu.memory_space<vmem>>, vector<1x16xf32>,
    %swap3A_153 = arith.constant 0 : i32
    %swap3A_154 = arith.index_cast %swap3A_153 : i32 to index
    %swap3A_155 = arith.constant 400 : index
    %swap3A_156 = tpu.vector_load %arg8[%swap3A_154, %swap3A_155] {strides = array<i32>} : memref<1x1024xf32, #tpu.memory_space<vmem>>, vector<1x16xf32>,
    %swap3A_157 = vector.shape_cast %swap3A_156 : vector<1x16xf32> to vector<16xf32>
    %swap3A_158 = vector.shape_cast %broadcast_in_dim3A_3 : vector<16xf32> to vector<1x16xf32>
    tpu.vector_store %arg8[%swap3A_154, %swap3A_155], %swap3A_158 {strides = array<i32>} : memref<1x1024xf32, #tpu.memory_space<vmem>>, vector<1x16xf32>,
    %swap3A_159 = arith.constant 0 : i32
    %swap3A_160 = arith.index_cast %swap3A_159 : i32 to index
    %swap3A_161 = arith.constant 416 : index
    %swap3A_162 = tpu.vector_load %arg8[%swap3A_160, %swap3A_161] {strides = array<i32>} : memref<1x1024xf32, #tpu.memory_space<vmem>>, vector<1x16xf32>,
    %swap3A_163 = vector.shape_cast %swap3A_162 : vector<1x16xf32> to vector<16xf32>
    %swap3A_164 = vector.shape_cast %broadcast_in_dim3A_3 : vector<16xf32> to vector<1x16xf32>
    tpu.vector_store %arg8[%swap3A_160, %swap3A_161], %swap3A_164 {strides = array<i32>} : memref<1x1024xf32, #tpu.memory_space<vmem>>, vector<1x16xf32>,
    %swap3A_165 = arith.constant 0 : i32
    %swap3A_166 = arith.index_cast %swap3A_165 : i32 to index
    %swap3A_167 = arith.constant 432 : index
    %swap3A_168 = tpu.vector_load %arg8[%swap3A_166, %swap3A_167] {strides = array<i32>} : memref<1x1024xf32, #tpu.memory_space<vmem>>, vector<1x16xf32>,
    %swap3A_169 = vector.shape_cast %swap3A_168 : vector<1x16xf32> to vector<16xf32>
    %swap3A_170 = vector.shape_cast %broadcast_in_dim3A_3 : vector<16xf32> to vector<1x16xf32>
    tpu.vector_store %arg8[%swap3A_166, %swap3A_167], %swap3A_170 {strides = array<i32>} : memref<1x1024xf32, #tpu.memory_space<vmem>>, vector<1x16xf32>,
    %swap3A_171 = arith.constant 0 : i32
    %swap3A_172 = arith.index_cast %swap3A_171 : i32 to index
    %swap3A_173 = arith.constant 448 : index
    %swap3A_174 = tpu.vector_load %arg8[%swap3A_172, %swap3A_173] {strides = array<i32>} : memref<1x1024xf32, #tpu.memory_space<vmem>>, vector<1x16xf32>,
    %swap3A_175 = vector.shape_cast %swap3A_174 : vector<1x16xf32> to vector<16xf32>
    %swap3A_176 = vector.shape_cast %broadcast_in_dim3A_3 : vector<16xf32> to vector<1x16xf32>
    tpu.vector_store %arg8[%swap3A_172, %swap3A_173], %swap3A_176 {strides = array<i32>} : memref<1x1024xf32, #tpu.memory_space<vmem>>, vector<1x16xf32>,
    %swap3A_177 = arith.constant 0 : i32
    %swap3A_178 = arith.index_cast %swap3A_177 : i32 to index
    %swap3A_179 = arith.constant 464 : index
    %swap3A_180 = tpu.vector_load %arg8[%swap3A_178, %swap3A_179] {strides = array<i32>} : memref<1x1024xf32, #tpu.memory_space<vmem>>, vector<1x16xf32>,
    %swap3A_181 = vector.shape_cast %swap3A_180 : vector<1x16xf32> to vector<16xf32>
    %swap3A_182 = vector.shape_cast %broadcast_in_dim3A_3 : vector<16xf32> to vector<1x16xf32>
    tpu.vector_store %arg8[%swap3A_178, %swap3A_179], %swap3A_182 {strides = array<i32>} : memref<1x1024xf32, #tpu.memory_space<vmem>>, vector<1x16xf32>,
    %swap3A_183 = arith.constant 0 : i32
    %swap3A_184 = arith.index_cast %swap3A_183 : i32 to index
    %swap3A_185 = arith.constant 480 : index
    %swap3A_186 = tpu.vector_load %arg8[%swap3A_184, %swap3A_185] {strides = array<i32>} : memref<1x1024xf32, #tpu.memory_space<vmem>>, vector<1x16xf32>,
    %swap3A_187 = vector.shape_cast %swap3A_186 : vector<1x16xf32> to vector<16xf32>
    %swap3A_188 = vector.shape_cast %broadcast_in_dim3A_3 : vector<16xf32> to vector<1x16xf32>
    tpu.vector_store %arg8[%swap3A_184, %swap3A_185], %swap3A_188 {strides = array<i32>} : memref<1x1024xf32, #tpu.memory_space<vmem>>, vector<1x16xf32>,
    %swap3A_189 = arith.constant 0 : i32
    %swap3A_190 = arith.index_cast %swap3A_189 : i32 to index
    %swap3A_191 = arith.constant 496 : index
    %swap3A_192 = tpu.vector_load %arg8[%swap3A_190, %swap3A_191] {strides = array<i32>} : memref<1x1024xf32, #tpu.memory_space<vmem>>, vector<1x16xf32>,
    %swap3A_193 = vector.shape_cast %swap3A_192 : vector<1x16xf32> to vector<16xf32>
    %swap3A_194 = vector.shape_cast %broadcast_in_dim3A_3 : vector<16xf32> to vector<1x16xf32>
    tpu.vector_store %arg8[%swap3A_190, %swap3A_191], %swap3A_194 {strides = array<i32>} : memref<1x1024xf32, #tpu.memory_space<vmem>>, vector<1x16xf32>,
    %swap3A_195 = arith.constant 0 : i32
    %swap3A_196 = arith.index_cast %swap3A_195 : i32 to index
    %swap3A_197 = arith.constant 512 : index
    %swap3A_198 = tpu.vector_load %arg8[%swap3A_196, %swap3A_197] {strides = array<i32>} : memref<1x1024xf32, #tpu.memory_space<vmem>>, vector<1x16xf32>,
    %swap3A_199 = vector.shape_cast %swap3A_198 : vector<1x16xf32> to vector<16xf32>
    %swap3A_200 = vector.shape_cast %broadcast_in_dim3A_3 : vector<16xf32> to vector<1x16xf32>
    tpu.vector_store %arg8[%swap3A_196, %swap3A_197], %swap3A_200 {strides = array<i32>} : memref<1x1024xf32, #tpu.memory_space<vmem>>, vector<1x16xf32>,
    %swap3A_201 = arith.constant 0 : i32
    %swap3A_202 = arith.index_cast %swap3A_201 : i32 to index
    %swap3A_203 = arith.constant 528 : index
    %swap3A_204 = tpu.vector_load %arg8[%swap3A_202, %swap3A_203] {strides = array<i32>} : memref<1x1024xf32, #tpu.memory_space<vmem>>, vector<1x16xf32>,
    %swap3A_205 = vector.shape_cast %swap3A_204 : vector<1x16xf32> to vector<16xf32>
    %swap3A_206 = vector.shape_cast %broadcast_in_dim3A_3 : vector<16xf32> to vector<1x16xf32>
    tpu.vector_store %arg8[%swap3A_202, %swap3A_203], %swap3A_206 {strides = array<i32>} : memref<1x1024xf32, #tpu.memory_space<vmem>>, vector<1x16xf32>,
    %swap3A_207 = arith.constant 0 : i32
    %swap3A_208 = arith.index_cast %swap3A_207 : i32 to index
    %swap3A_209 = arith.constant 544 : index
    %swap3A_210 = tpu.vector_load %arg8[%swap3A_208, %swap3A_209] {strides = array<i32>} : memref<1x1024xf32, #tpu.memory_space<vmem>>, vector<1x16xf32>,
    %swap3A_211 = vector.shape_cast %swap3A_210 : vector<1x16xf32> to vector<16xf32>
    %swap3A_212 = vector.shape_cast %broadcast_in_dim3A_3 : vector<16xf32> to vector<1x16xf32>
    tpu.vector_store %arg8[%swap3A_208, %swap3A_209], %swap3A_212 {strides = array<i32>} : memref<1x1024xf32, #tpu.memory_space<vmem>>, vector<1x16xf32>,
    %swap3A_213 = arith.constant 0 : i32
    %swap3A_214 = arith.index_cast %swap3A_213 : i32 to index
    %swap3A_215 = arith.constant 560 : index
    %swap3A_216 = tpu.vector_load %arg8[%swap3A_214, %swap3A_215] {strides = array<i32>} : memref<1x1024xf32, #tpu.memory_space<vmem>>, vector<1x16xf32>,
    %swap3A_217 = vector.shape_cast %swap3A_216 : vector<1x16xf32> to vector<16xf32>
    %swap3A_218 = vector.shape_cast %broadcast_in_dim3A_3 : vector<16xf32> to vector<1x16xf32>
    tpu.vector_store %arg8[%swap3A_214, %swap3A_215], %swap3A_218 {strides = array<i32>} : memref<1x1024xf32, #tpu.memory_space<vmem>>, vector<1x16xf32>,
    %swap3A_219 = arith.constant 0 : i32
    %swap3A_220 = arith.index_cast %swap3A_219 : i32 to index
    %swap3A_221 = arith.constant 576 : index
    %swap3A_222 = tpu.vector_load %arg8[%swap3A_220, %swap3A_221] {strides = array<i32>} : memref<1x1024xf32, #tpu.memory_space<vmem>>, vector<1x16xf32>,
    %swap3A_223 = vector.shape_cast %swap3A_222 : vector<1x16xf32> to vector<16xf32>
    %swap3A_224 = vector.shape_cast %broadcast_in_dim3A_3 : vector<16xf32> to vector<1x16xf32>
    tpu.vector_store %arg8[%swap3A_220, %swap3A_221], %swap3A_224 {strides = array<i32>} : memref<1x1024xf32, #tpu.memory_space<vmem>>, vector<1x16xf32>,
    %swap3A_225 = arith.constant 0 : i32
    %swap3A_226 = arith.index_cast %swap3A_225 : i32 to index
    %swap3A_227 = arith.constant 592 : index
    %swap3A_228 = tpu.vector_load %arg8[%swap3A_226, %swap3A_227] {strides = array<i32>} : memref<1x1024xf32, #tpu.memory_space<vmem>>, vector<1x16xf32>,
    %swap3A_229 = vector.shape_cast %swap3A_228 : vector<1x16xf32> to vector<16xf32>
    %swap3A_230 = vector.shape_cast %broadcast_in_dim3A_3 : vector<16xf32> to vector<1x16xf32>
    tpu.vector_store %arg8[%swap3A_226, %swap3A_227], %swap3A_230 {strides = array<i32>} : memref<1x1024xf32, #tpu.memory_space<vmem>>, vector<1x16xf32>,
    %swap3A_231 = arith.constant 0 : i32
    %swap3A_232 = arith.index_cast %swap3A_231 : i32 to index
    %swap3A_233 = arith.constant 608 : index
    %swap3A_234 = tpu.vector_load %arg8[%swap3A_232, %swap3A_233] {strides = array<i32>} : memref<1x1024xf32, #tpu.memory_space<vmem>>, vector<1x16xf32>,
    %swap3A_235 = vector.shape_cast %swap3A_234 : vector<1x16xf32> to vector<16xf32>
    %swap3A_236 = vector.shape_cast %broadcast_in_dim3A_3 : vector<16xf32> to vector<1x16xf32>
    tpu.vector_store %arg8[%swap3A_232, %swap3A_233], %swap3A_236 {strides = array<i32>} : memref<1x1024xf32, #tpu.memory_space<vmem>>, vector<1x16xf32>,
    %swap3A_237 = arith.constant 0 : i32
    %swap3A_238 = arith.index_cast %swap3A_237 : i32 to index
    %swap3A_239 = arith.constant 624 : index
    %swap3A_240 = tpu.vector_load %arg8[%swap3A_238, %swap3A_239] {strides = array<i32>} : memref<1x1024xf32, #tpu.memory_space<vmem>>, vector<1x16xf32>,
    %swap3A_241 = vector.shape_cast %swap3A_240 : vector<1x16xf32> to vector<16xf32>
    %swap3A_242 = vector.shape_cast %broadcast_in_dim3A_3 : vector<16xf32> to vector<1x16xf32>
    tpu.vector_store %arg8[%swap3A_238, %swap3A_239], %swap3A_242 {strides = array<i32>} : memref<1x1024xf32, #tpu.memory_space<vmem>>, vector<1x16xf32>,
    %swap3A_243 = arith.constant 0 : i32
    %swap3A_244 = arith.index_cast %swap3A_243 : i32 to index
    %swap3A_245 = arith.constant 640 : index
    %swap3A_246 = tpu.vector_load %arg8[%swap3A_244, %swap3A_245] {strides = array<i32>} : memref<1x1024xf32, #tpu.memory_space<vmem>>, vector<1x16xf32>,
    %swap3A_247 = vector.shape_cast %swap3A_246 : vector<1x16xf32> to vector<16xf32>
    %swap3A_248 = vector.shape_cast %broadcast_in_dim3A_3 : vector<16xf32> to vector<1x16xf32>
    tpu.vector_store %arg8[%swap3A_244, %swap3A_245], %swap3A_248 {strides = array<i32>} : memref<1x1024xf32, #tpu.memory_space<vmem>>, vector<1x16xf32>,
    %swap3A_249 = arith.constant 0 : i32
    %swap3A_250 = arith.index_cast %swap3A_249 : i32 to index
    %swap3A_251 = arith.constant 656 : index
    %swap3A_252 = tpu.vector_load %arg8[%swap3A_250, %swap3A_251] {strides = array<i32>} : memref<1x1024xf32, #tpu.memory_space<vmem>>, vector<1x16xf32>,
    %swap3A_253 = vector.shape_cast %swap3A_252 : vector<1x16xf32> to vector<16xf32>
    %swap3A_254 = vector.shape_cast %broadcast_in_dim3A_3 : vector<16xf32> to vector<1x16xf32>
    tpu.vector_store %arg8[%swap3A_250, %swap3A_251], %swap3A_254 {strides = array<i32>} : memref<1x1024xf32, #tpu.memory_space<vmem>>, vector<1x16xf32>,
    %swap3A_255 = arith.constant 0 : i32
    %swap3A_256 = arith.index_cast %swap3A_255 : i32 to index
    %swap3A_257 = arith.constant 672 : index
    %swap3A_258 = tpu.vector_load %arg8[%swap3A_256, %swap3A_257] {strides = array<i32>} : memref<1x1024xf32, #tpu.memory_space<vmem>>, vector<1x16xf32>,
    %swap3A_259 = vector.shape_cast %swap3A_258 : vector<1x16xf32> to vector<16xf32>
    %swap3A_260 = vector.shape_cast %broadcast_in_dim3A_3 : vector<16xf32> to vector<1x16xf32>
    tpu.vector_store %arg8[%swap3A_256, %swap3A_257], %swap3A_260 {strides = array<i32>} : memref<1x1024xf32, #tpu.memory_space<vmem>>, vector<1x16xf32>,
    %swap3A_261 = arith.constant 0 : i32
    %swap3A_262 = arith.index_cast %swap3A_261 : i32 to index
    %swap3A_263 = arith.constant 688 : index
    %swap3A_264 = tpu.vector_load %arg8[%swap3A_262, %swap3A_263] {strides = array<i32>} : memref<1x1024xf32, #tpu.memory_space<vmem>>, vector<1x16xf32>,
    %swap3A_265 = vector.shape_cast %swap3A_264 : vector<1x16xf32> to vector<16xf32>
    %swap3A_266 = vector.shape_cast %broadcast_in_dim3A_3 : vector<16xf32> to vector<1x16xf32>
    tpu.vector_store %arg8[%swap3A_262, %swap3A_263], %swap3A_266 {strides = array<i32>} : memref<1x1024xf32, #tpu.memory_space<vmem>>, vector<1x16xf32>,
    %swap3A_267 = arith.constant 0 : i32
    %swap3A_268 = arith.index_cast %swap3A_267 : i32 to index
    %swap3A_269 = arith.constant 704 : index
    %swap3A_270 = tpu.vector_load %arg8[%swap3A_268, %swap3A_269] {strides = array<i32>} : memref<1x1024xf32, #tpu.memory_space<vmem>>, vector<1x16xf32>,
    %swap3A_271 = vector.shape_cast %swap3A_270 : vector<1x16xf32> to vector<16xf32>
    %swap3A_272 = vector.shape_cast %broadcast_in_dim3A_3 : vector<16xf32> to vector<1x16xf32>
    tpu.vector_store %arg8[%swap3A_268, %swap3A_269], %swap3A_272 {strides = array<i32>} : memref<1x1024xf32, #tpu.memory_space<vmem>>, vector<1x16xf32>,
    %swap3A_273 = arith.constant 0 : i32
    %swap3A_274 = arith.index_cast %swap3A_273 : i32 to index
    %swap3A_275 = arith.constant 720 : index
    %swap3A_276 = tpu.vector_load %arg8[%swap3A_274, %swap3A_275] {strides = array<i32>} : memref<1x1024xf32, #tpu.memory_space<vmem>>, vector<1x16xf32>,
    %swap3A_277 = vector.shape_cast %swap3A_276 : vector<1x16xf32> to vector<16xf32>
    %swap3A_278 = vector.shape_cast %broadcast_in_dim3A_3 : vector<16xf32> to vector<1x16xf32>
    tpu.vector_store %arg8[%swap3A_274, %swap3A_275], %swap3A_278 {strides = array<i32>} : memref<1x1024xf32, #tpu.memory_space<vmem>>, vector<1x16xf32>,
    %swap3A_279 = arith.constant 0 : i32
    %swap3A_280 = arith.index_cast %swap3A_279 : i32 to index
    %swap3A_281 = arith.constant 736 : index
    %swap3A_282 = tpu.vector_load %arg8[%swap3A_280, %swap3A_281] {strides = array<i32>} : memref<1x1024xf32, #tpu.memory_space<vmem>>, vector<1x16xf32>,
    %swap3A_283 = vector.shape_cast %swap3A_282 : vector<1x16xf32> to vector<16xf32>
    %swap3A_284 = vector.shape_cast %broadcast_in_dim3A_3 : vector<16xf32> to vector<1x16xf32>
    tpu.vector_store %arg8[%swap3A_280, %swap3A_281], %swap3A_284 {strides = array<i32>} : memref<1x1024xf32, #tpu.memory_space<vmem>>, vector<1x16xf32>,
    %swap3A_285 = arith.constant 0 : i32
    %swap3A_286 = arith.index_cast %swap3A_285 : i32 to index
    %swap3A_287 = arith.constant 752 : index
    %swap3A_288 = tpu.vector_load %arg8[%swap3A_286, %swap3A_287] {strides = array<i32>} : memref<1x1024xf32, #tpu.memory_space<vmem>>, vector<1x16xf32>,
    %swap3A_289 = vector.shape_cast %swap3A_288 : vector<1x16xf32> to vector<16xf32>
    %swap3A_290 = vector.shape_cast %broadcast_in_dim3A_3 : vector<16xf32> to vector<1x16xf32>
    tpu.vector_store %arg8[%swap3A_286, %swap3A_287], %swap3A_290 {strides = array<i32>} : memref<1x1024xf32, #tpu.memory_space<vmem>>, vector<1x16xf32>,
    %swap3A_291 = arith.constant 0 : i32
    %swap3A_292 = arith.index_cast %swap3A_291 : i32 to index
    %swap3A_293 = arith.constant 768 : index
    %swap3A_294 = tpu.vector_load %arg8[%swap3A_292, %swap3A_293] {strides = array<i32>} : memref<1x1024xf32, #tpu.memory_space<vmem>>, vector<1x16xf32>,
    %swap3A_295 = vector.shape_cast %swap3A_294 : vector<1x16xf32> to vector<16xf32>
    %swap3A_296 = vector.shape_cast %broadcast_in_dim3A_3 : vector<16xf32> to vector<1x16xf32>
    tpu.vector_store %arg8[%swap3A_292, %swap3A_293], %swap3A_296 {strides = array<i32>} : memref<1x1024xf32, #tpu.memory_space<vmem>>, vector<1x16xf32>,
    %swap3A_297 = arith.constant 0 : i32
    %swap3A_298 = arith.index_cast %swap3A_297 : i32 to index
    %swap3A_299 = arith.constant 784 : index
    %swap3A_300 = tpu.vector_load %arg8[%swap3A_298, %swap3A_299] {strides = array<i32>} : memref<1x1024xf32, #tpu.memory_space<vmem>>, vector<1x16xf32>,
    %swap3A_301 = vector.shape_cast %swap3A_300 : vector<1x16xf32> to vector<16xf32>
    %swap3A_302 = vector.shape_cast %broadcast_in_dim3A_3 : vector<16xf32> to vector<1x16xf32>
    tpu.vector_store %arg8[%swap3A_298, %swap3A_299], %swap3A_302 {strides = array<i32>} : memref<1x1024xf32, #tpu.memory_space<vmem>>, vector<1x16xf32>,
    %swap3A_303 = arith.constant 0 : i32
    %swap3A_304 = arith.index_cast %swap3A_303 : i32 to index
    %swap3A_305 = arith.constant 800 : index
    %swap3A_306 = tpu.vector_load %arg8[%swap3A_304, %swap3A_305] {strides = array<i32>} : memref<1x1024xf32, #tpu.memory_space<vmem>>, vector<1x16xf32>,
    %swap3A_307 = vector.shape_cast %swap3A_306 : vector<1x16xf32> to vector<16xf32>
    %swap3A_308 = vector.shape_cast %broadcast_in_dim3A_3 : vector<16xf32> to vector<1x16xf32>
    tpu.vector_store %arg8[%swap3A_304, %swap3A_305], %swap3A_308 {strides = array<i32>} : memref<1x1024xf32, #tpu.memory_space<vmem>>, vector<1x16xf32>,
    %swap3A_309 = arith.constant 0 : i32
    %swap3A_310 = arith.index_cast %swap3A_309 : i32 to index
    %swap3A_311 = arith.constant 816 : index
    %swap3A_312 = tpu.vector_load %arg8[%swap3A_310, %swap3A_311] {strides = array<i32>} : memref<1x1024xf32, #tpu.memory_space<vmem>>, vector<1x16xf32>,
    %swap3A_313 = vector.shape_cast %swap3A_312 : vector<1x16xf32> to vector<16xf32>
    %swap3A_314 = vector.shape_cast %broadcast_in_dim3A_3 : vector<16xf32> to vector<1x16xf32>
    tpu.vector_store %arg8[%swap3A_310, %swap3A_311], %swap3A_314 {strides = array<i32>} : memref<1x1024xf32, #tpu.memory_space<vmem>>, vector<1x16xf32>,
    %swap3A_315 = arith.constant 0 : i32
    %swap3A_316 = arith.index_cast %swap3A_315 : i32 to index
    %swap3A_317 = arith.constant 832 : index
    %swap3A_318 = tpu.vector_load %arg8[%swap3A_316, %swap3A_317] {strides = array<i32>} : memref<1x1024xf32, #tpu.memory_space<vmem>>, vector<1x16xf32>,
    %swap3A_319 = vector.shape_cast %swap3A_318 : vector<1x16xf32> to vector<16xf32>
    %swap3A_320 = vector.shape_cast %broadcast_in_dim3A_3 : vector<16xf32> to vector<1x16xf32>
    tpu.vector_store %arg8[%swap3A_316, %swap3A_317], %swap3A_320 {strides = array<i32>} : memref<1x1024xf32, #tpu.memory_space<vmem>>, vector<1x16xf32>,
    %swap3A_321 = arith.constant 0 : i32
    %swap3A_322 = arith.index_cast %swap3A_321 : i32 to index
    %swap3A_323 = arith.constant 848 : index
    %swap3A_324 = tpu.vector_load %arg8[%swap3A_322, %swap3A_323] {strides = array<i32>} : memref<1x1024xf32, #tpu.memory_space<vmem>>, vector<1x16xf32>,
    %swap3A_325 = vector.shape_cast %swap3A_324 : vector<1x16xf32> to vector<16xf32>
    %swap3A_326 = vector.shape_cast %broadcast_in_dim3A_3 : vector<16xf32> to vector<1x16xf32>
    tpu.vector_store %arg8[%swap3A_322, %swap3A_323], %swap3A_326 {strides = array<i32>} : memref<1x1024xf32, #tpu.memory_space<vmem>>, vector<1x16xf32>,
    %swap3A_327 = arith.constant 0 : i32
    %swap3A_328 = arith.index_cast %swap3A_327 : i32 to index
    %swap3A_329 = arith.constant 864 : index
    %swap3A_330 = tpu.vector_load %arg8[%swap3A_328, %swap3A_329] {strides = array<i32>} : memref<1x1024xf32, #tpu.memory_space<vmem>>, vector<1x16xf32>,
    %swap3A_331 = vector.shape_cast %swap3A_330 : vector<1x16xf32> to vector<16xf32>
    %swap3A_332 = vector.shape_cast %broadcast_in_dim3A_3 : vector<16xf32> to vector<1x16xf32>
    tpu.vector_store %arg8[%swap3A_328, %swap3A_329], %swap3A_332 {strides = array<i32>} : memref<1x1024xf32, #tpu.memory_space<vmem>>, vector<1x16xf32>,
    %swap3A_333 = arith.constant 0 : i32
    %swap3A_334 = arith.index_cast %swap3A_333 : i32 to index
    %swap3A_335 = arith.constant 880 : index
    %swap3A_336 = tpu.vector_load %arg8[%swap3A_334, %swap3A_335] {strides = array<i32>} : memref<1x1024xf32, #tpu.memory_space<vmem>>, vector<1x16xf32>,
    %swap3A_337 = vector.shape_cast %swap3A_336 : vector<1x16xf32> to vector<16xf32>
    %swap3A_338 = vector.shape_cast %broadcast_in_dim3A_3 : vector<16xf32> to vector<1x16xf32>
    tpu.vector_store %arg8[%swap3A_334, %swap3A_335], %swap3A_338 {strides = array<i32>} : memref<1x1024xf32, #tpu.memory_space<vmem>>, vector<1x16xf32>,
    %swap3A_339 = arith.constant 0 : i32
    %swap3A_340 = arith.index_cast %swap3A_339 : i32 to index
    %swap3A_341 = arith.constant 896 : index
    %swap3A_342 = tpu.vector_load %arg8[%swap3A_340, %swap3A_341] {strides = array<i32>} : memref<1x1024xf32, #tpu.memory_space<vmem>>, vector<1x16xf32>,
    %swap3A_343 = vector.shape_cast %swap3A_342 : vector<1x16xf32> to vector<16xf32>
    %swap3A_344 = vector.shape_cast %broadcast_in_dim3A_3 : vector<16xf32> to vector<1x16xf32>
    tpu.vector_store %arg8[%swap3A_340, %swap3A_341], %swap3A_344 {strides = array<i32>} : memref<1x1024xf32, #tpu.memory_space<vmem>>, vector<1x16xf32>,
    %swap3A_345 = arith.constant 0 : i32
    %swap3A_346 = arith.index_cast %swap3A_345 : i32 to index
    %swap3A_347 = arith.constant 912 : index
    %swap3A_348 = tpu.vector_load %arg8[%swap3A_346, %swap3A_347] {strides = array<i32>} : memref<1x1024xf32, #tpu.memory_space<vmem>>, vector<1x16xf32>,
    %swap3A_349 = vector.shape_cast %swap3A_348 : vector<1x16xf32> to vector<16xf32>
    %swap3A_350 = vector.shape_cast %broadcast_in_dim3A_3 : vector<16xf32> to vector<1x16xf32>
    tpu.vector_store %arg8[%swap3A_346, %swap3A_347], %swap3A_350 {strides = array<i32>} : memref<1x1024xf32, #tpu.memory_space<vmem>>, vector<1x16xf32>,
    %swap3A_351 = arith.constant 0 : i32
    %swap3A_352 = arith.index_cast %swap3A_351 : i32 to index
    %swap3A_353 = arith.constant 928 : index
    %swap3A_354 = tpu.vector_load %arg8[%swap3A_352, %swap3A_353] {strides = array<i32>} : memref<1x1024xf32, #tpu.memory_space<vmem>>, vector<1x16xf32>,
    %swap3A_355 = vector.shape_cast %swap3A_354 : vector<1x16xf32> to vector<16xf32>
    %swap3A_356 = vector.shape_cast %broadcast_in_dim3A_3 : vector<16xf32> to vector<1x16xf32>
    tpu.vector_store %arg8[%swap3A_352, %swap3A_353], %swap3A_356 {strides = array<i32>} : memref<1x1024xf32, #tpu.memory_space<vmem>>, vector<1x16xf32>,
    %swap3A_357 = arith.constant 0 : i32
    %swap3A_358 = arith.index_cast %swap3A_357 : i32 to index
    %swap3A_359 = arith.constant 944 : index
    %swap3A_360 = tpu.vector_load %arg8[%swap3A_358, %swap3A_359] {strides = array<i32>} : memref<1x1024xf32, #tpu.memory_space<vmem>>, vector<1x16xf32>,
    %swap3A_361 = vector.shape_cast %swap3A_360 : vector<1x16xf32> to vector<16xf32>
    %swap3A_362 = vector.shape_cast %broadcast_in_dim3A_3 : vector<16xf32> to vector<1x16xf32>
    tpu.vector_store %arg8[%swap3A_358, %swap3A_359], %swap3A_362 {strides = array<i32>} : memref<1x1024xf32, #tpu.memory_space<vmem>>, vector<1x16xf32>,
    %swap3A_363 = arith.constant 0 : i32
    %swap3A_364 = arith.index_cast %swap3A_363 : i32 to index
    %swap3A_365 = arith.constant 960 : index
    %swap3A_366 = tpu.vector_load %arg8[%swap3A_364, %swap3A_365] {strides = array<i32>} : memref<1x1024xf32, #tpu.memory_space<vmem>>, vector<1x16xf32>,
    %swap3A_367 = vector.shape_cast %swap3A_366 : vector<1x16xf32> to vector<16xf32>
    %swap3A_368 = vector.shape_cast %broadcast_in_dim3A_3 : vector<16xf32> to vector<1x16xf32>
    tpu.vector_store %arg8[%swap3A_364, %swap3A_365], %swap3A_368 {strides = array<i32>} : memref<1x1024xf32, #tpu.memory_space<vmem>>, vector<1x16xf32>,
    %swap3A_369 = arith.constant 0 : i32
    %swap3A_370 = arith.index_cast %swap3A_369 : i32 to index
    %swap3A_371 = arith.constant 976 : index
    %swap3A_372 = tpu.vector_load %arg8[%swap3A_370, %swap3A_371] {strides = array<i32>} : memref<1x1024xf32, #tpu.memory_space<vmem>>, vector<1x16xf32>,
    %swap3A_373 = vector.shape_cast %swap3A_372 : vector<1x16xf32> to vector<16xf32>
    %swap3A_374 = vector.shape_cast %broadcast_in_dim3A_3 : vector<16xf32> to vector<1x16xf32>
    tpu.vector_store %arg8[%swap3A_370, %swap3A_371], %swap3A_374 {strides = array<i32>} : memref<1x1024xf32, #tpu.memory_space<vmem>>, vector<1x16xf32>,
    %swap3A_375 = arith.constant 0 : i32
    %swap3A_376 = arith.index_cast %swap3A_375 : i32 to index
    %swap3A_377 = arith.constant 992 : index
    %swap3A_378 = tpu.vector_load %arg8[%swap3A_376, %swap3A_377] {strides = array<i32>} : memref<1x1024xf32, #tpu.memory_space<vmem>>, vector<1x16xf32>,
    %swap3A_379 = vector.shape_cast %swap3A_378 : vector<1x16xf32> to vector<16xf32>
    %swap3A_380 = vector.shape_cast %broadcast_in_dim3A_3 : vector<16xf32> to vector<1x16xf32>
    tpu.vector_store %arg8[%swap3A_376, %swap3A_377], %swap3A_380 {strides = array<i32>} : memref<1x1024xf32, #tpu.memory_space<vmem>>, vector<1x16xf32>,
    %swap3A_381 = arith.constant 0 : i32
    %swap3A_382 = arith.index_cast %swap3A_381 : i32 to index
    %swap3A_383 = arith.constant 1008 : index
    %swap3A_384 = tpu.vector_load %arg8[%swap3A_382, %swap3A_383] {strides = array<i32>} : memref<1x1024xf32, #tpu.memory_space<vmem>>, vector<1x16xf32>,
    %swap3A_385 = vector.shape_cast %swap3A_384 : vector<1x16xf32> to vector<16xf32>
    %swap3A_386 = vector.shape_cast %broadcast_in_dim3A_3 : vector<16xf32> to vector<1x16xf32>
    tpu.vector_store %arg8[%swap3A_382, %swap3A_383], %swap3A_386 {strides = array<i32>} : memref<1x1024xf32, #tpu.memory_space<vmem>>, vector<1x16xf32>,
    %swap3A_387 = arith.constant 0 : i32
    %swap3A_388 = arith.index_cast %swap3A_387 : i32 to index
    %swap3A_389 = arith.constant 0 : index
    %swap3A_390 = tpu.vector_load %arg9[%swap3A_388, %swap3A_389] {strides = array<i32>} : memref<1x16xf32, #tpu.memory_space<vmem>>, vector<1x16xf32>,
    %swap3A_391 = vector.shape_cast %swap3A_390 : vector<1x16xf32> to vector<16xf32>
    %swap3A_392 = vector.shape_cast %broadcast_in_dim3A_3 : vector<16xf32> to vector<1x16xf32>
    tpu.vector_store %arg9[%swap3A_388, %swap3A_389], %swap3A_392 {strides = array<i32>} : memref<1x16xf32, #tpu.memory_space<vmem>>, vector<1x16xf32>,
    %add3A_393 = arith.constant 0 : i32
    %add3A_394 = arith.addi %mul3A_2, %add3A_393 : i32
    %dma_start3A = arith.constant 0 : i32
    %dma_start3A_395 = arith.constant 0 : i32
    %dma_start3A_396 = arith.constant 0 : i32
    %dma_start3A_397 = tpu.memref_slice %arg6[%dma_start3A, %dma_start3A_395, %dma_start3A_396] : memref<2x16x1024xf32, #tpu.memory_space<vmem>> -> memref<1x16x1024xf32, #tpu.memory_space<vmem>>
    %dma_start3A_398 = tpu.memref_squeeze %dma_start3A_397 : memref<1x16x1024xf32, #tpu.memory_space<vmem>> -> memref<16x1024xf32, #tpu.memory_space<vmem>>
    %dma_start3A_399 = arith.constant 0 : i32
    %dma_start3A_400 = tpu.memref_slice %arg2[%add3A_394, %dma_start3A_399] : memref<32768x1024xf32, #tpu.memory_space<hbm>> -> memref<16x1024xf32, #tpu.memory_space<hbm>>
    %dma_start3A_401 = arith.constant 0 : i32
    %dma_start3A_402 = arith.constant 0 : i32
    %dma_start3A_403 = tpu.memref_slice %arg6[%dma_start3A, %dma_start3A_401, %dma_start3A_402] : memref<2x16x1024xf32, #tpu.memory_space<vmem>> -> memref<1x16x1024xf32, #tpu.memory_space<vmem>>
    %dma_start3A_404 = tpu.memref_squeeze %dma_start3A_403 : memref<1x16x1024xf32, #tpu.memory_space<vmem>> -> memref<16x1024xf32, #tpu.memory_space<vmem>>
    %dma_start3A_405 = arith.constant 0 : i32
    %dma_start3A_406 = tpu.memref_slice %arg2[%add3A_394, %dma_start3A_405] : memref<32768x1024xf32, #tpu.memory_space<hbm>> -> memref<16x1024xf32, #tpu.memory_space<hbm>>
    tpu.enqueue_dma source(%dma_start3A_406 : memref<16x1024xf32, #tpu.memory_space<hbm>>) target(%dma_start3A_404 : memref<16x1024xf32, #tpu.memory_space<vmem>>) target_semaphore(%arg10 : memref<!tpu.dma_semaphore, #tpu.memory_space<semaphore_mem>>)
    %add3A_407 = arith.constant 16 : i32
    %add3A_408 = arith.addi %mul3A_2, %add3A_407 : i32
    %dma_start3A_409 = arith.constant 1 : i32
    %dma_start3A_410 = arith.constant 0 : i32
    %dma_start3A_411 = arith.constant 0 : i32
    %dma_start3A_412 = tpu.memref_slice %arg6[%dma_start3A_409, %dma_start3A_410, %dma_start3A_411] : memref<2x16x1024xf32, #tpu.memory_space<vmem>> -> memref<1x16x1024xf32, #tpu.memory_space<vmem>>
    %dma_start3A_413 = tpu.memref_squeeze %dma_start3A_412 : memref<1x16x1024xf32, #tpu.memory_space<vmem>> -> memref<16x1024xf32, #tpu.memory_space<vmem>>
    %dma_start3A_414 = arith.constant 0 : i32
    %dma_start3A_415 = tpu.memref_slice %arg2[%add3A_408, %dma_start3A_414] : memref<32768x1024xf32, #tpu.memory_space<hbm>> -> memref<16x1024xf32, #tpu.memory_space<hbm>>
    %dma_start3A_416 = arith.constant 0 : i32
    %dma_start3A_417 = arith.constant 0 : i32
    %dma_start3A_418 = tpu.memref_slice %arg6[%dma_start3A_409, %dma_start3A_416, %dma_start3A_417] : memref<2x16x1024xf32, #tpu.memory_space<vmem>> -> memref<1x16x1024xf32, #tpu.memory_space<vmem>>
    %dma_start3A_419 = tpu.memref_squeeze %dma_start3A_418 : memref<1x16x1024xf32, #tpu.memory_space<vmem>> -> memref<16x1024xf32, #tpu.memory_space<vmem>>
    %dma_start3A_420 = arith.constant 0 : i32
    %dma_start3A_421 = tpu.memref_slice %arg2[%add3A_408, %dma_start3A_420] : memref<32768x1024xf32, #tpu.memory_space<hbm>> -> memref<16x1024xf32, #tpu.memory_space<hbm>>
    tpu.enqueue_dma source(%dma_start3A_421 : memref<16x1024xf32, #tpu.memory_space<hbm>>) target(%dma_start3A_419 : memref<16x1024xf32, #tpu.memory_space<vmem>>) target_semaphore(%arg11 : memref<!tpu.dma_semaphore, #tpu.memory_space<semaphore_mem>>)
    %scan3A = arith.constant 0 : i32
    %scan3A_422 = arith.constant 0 : i32
    %scan3A_423 = arith.constant 1 : i32
    %scan3A_424 = arith.constant 0 : i32
    %mul3A_425 = arith.constant 2 : i32
    %mul3A_426 = arith.muli %scan3A_424, %mul3A_425 : i32
    %dma_wait3A = arith.constant 0 : i32
    %dma_wait3A_427 = arith.constant 0 : i32
    %dma_wait3A_428 = tpu.memref_slice %arg6[%scan3A_422, %dma_wait3A, %dma_wait3A_427] : memref<2x16x1024xf32, #tpu.memory_space<vmem>> -> memref<1x16x1024xf32, #tpu.memory_space<vmem>>
    %dma_wait3A_429 = tpu.memref_squeeze %dma_wait3A_428 : memref<1x16x1024xf32, #tpu.memory_space<vmem>> -> memref<16x1024xf32, #tpu.memory_space<vmem>>
    %dma_wait3A_430 = arith.constant 0 : i32
    %dma_wait3A_431 = arith.constant 0 : i32
    %dma_wait3A_432 = tpu.memref_slice %arg2[%dma_wait3A_430, %dma_wait3A_431] : memref<32768x1024xf32, #tpu.memory_space<hbm>> -> memref<16x1024xf32, #tpu.memory_space<hbm>>
    %dma_wait3A_433 = arith.constant 0 : i32
    %dma_wait3A_434 = arith.constant 0 : i32
    %dma_wait3A_435 = tpu.memref_slice %arg6[%scan3A_422, %dma_wait3A_433, %dma_wait3A_434] : memref<2x16x1024xf32, #tpu.memory_space<vmem>> -> memref<1x16x1024xf32, #tpu.memory_space<vmem>>
    %dma_wait3A_436 = tpu.memref_squeeze %dma_wait3A_435 : memref<1x16x1024xf32, #tpu.memory_space<vmem>> -> memref<16x1024xf32, #tpu.memory_space<vmem>>
    %dma_wait3A_437 = arith.constant 0 : i32
    %dma_wait3A_438 = arith.constant 0 : i32
    %dma_wait3A_439 = tpu.memref_slice %arg2[%dma_wait3A_437, %dma_wait3A_438] : memref<32768x1024xf32, #tpu.memory_space<hbm>> -> memref<16x1024xf32, #tpu.memory_space<hbm>>
    tpu.wait_dma2 semaphore(%arg10 : memref<!tpu.dma_semaphore, #tpu.memory_space<semaphore_mem>>) src(%dma_wait3A_439 : memref<16x1024xf32, #tpu.memory_space<hbm>>) dst(%dma_wait3A_436 : memref<16x1024xf32, #tpu.memory_space<vmem>>)
    %mul3A_440 = arith.constant 16 : i32
    %mul3A_441 = arith.muli %mul3A_426, %mul3A_440 : i32
    %get3A = arith.index_cast %mul3A_441 : i32 to index
    %get3A_442 = tpu.vector_load %arg7[%get3A] {strides = array<i32>} : memref<1040xf32, #tpu.memory_space<vmem>>, vector<16xf32>,
    %get3A_443 = vector.shape_cast %get3A_442 : vector<16xf32> to vector<16xf32>
    %slice3A = vector.extract_strided_slice %get3A_443 {offsets = [0], sizes = [1], strides = [1]} : vector<16xf32> to vector<1xf32>
    %squeeze3A = vector.extract %slice3A[0] : f32 from vector<1xf32>
    %broadcast_in_dim3A_444 = vector.broadcast %squeeze3A : f32 to vector<16xf32>
    %slice3A_445 = vector.extract_strided_slice %get3A_443 {offsets = [1], sizes = [1], strides = [1]} : vector<16xf32> to vector<1xf32>
    %squeeze3A_446 = vector.extract %slice3A_445[0] : f32 from vector<1xf32>
    %broadcast_in_dim3A_447 = vector.broadcast %squeeze3A_446 : f32 to vector<16xf32>
    %slice3A_448 = vector.extract_strided_slice %get3A_443 {offsets = [2], sizes = [1], strides = [1]} : vector<16xf32> to vector<1xf32>
    %squeeze3A_449 = vector.extract %slice3A_448[0] : f32 from vector<1xf32>
    %broadcast_in_dim3A_450 = vector.broadcast %squeeze3A_449 : f32 to vector<16xf32>
    %slice3A_451 = vector.extract_strided_slice %get3A_443 {offsets = [3], sizes = [1], strides = [1]} : vector<16xf32> to vector<1xf32>
    %squeeze3A_452 = vector.extract %slice3A_451[0] : f32 from vector<1xf32>
    %broadcast_in_dim3A_453 = vector.broadcast %squeeze3A_452 : f32 to vector<16xf32>
    %slice3A_454 = vector.extract_strided_slice %get3A_443 {offsets = [4], sizes = [1], strides = [1]} : vector<16xf32> to vector<1xf32>
    %squeeze3A_455 = vector.extract %slice3A_454[0] : f32 from vector<1xf32>
    %broadcast_in_dim3A_456 = vector.broadcast %squeeze3A_455 : f32 to vector<16xf32>
    %slice3A_457 = vector.extract_strided_slice %get3A_443 {offsets = [5], sizes = [1], strides = [1]} : vector<16xf32> to vector<1xf32>
    %squeeze3A_458 = vector.extract %slice3A_457[0] : f32 from vector<1xf32>
    %broadcast_in_dim3A_459 = vector.broadcast %squeeze3A_458 : f32 to vector<16xf32>
    %slice3A_460 = vector.extract_strided_slice %get3A_443 {offsets = [6], sizes = [1], strides = [1]} : vector<16xf32> to vector<1xf32>
    %squeeze3A_461 = vector.extract %slice3A_460[0] : f32 from vector<1xf32>
    %broadcast_in_dim3A_462 = vector.broadcast %squeeze3A_461 : f32 to vector<16xf32>
    %slice3A_463 = vector.extract_strided_slice %get3A_443 {offsets = [7], sizes = [1], strides = [1]} : vector<16xf32> to vector<1xf32>
    %squeeze3A_464 = vector.extract %slice3A_463[0] : f32 from vector<1xf32>
    %broadcast_in_dim3A_465 = vector.broadcast %squeeze3A_464 : f32 to vector<16xf32>
    %slice3A_466 = vector.extract_strided_slice %get3A_443 {offsets = [8], sizes = [1], strides = [1]} : vector<16xf32> to vector<1xf32>
    %squeeze3A_467 = vector.extract %slice3A_466[0] : f32 from vector<1xf32>
    %broadcast_in_dim3A_468 = vector.broadcast %squeeze3A_467 : f32 to vector<16xf32>
    %slice3A_469 = vector.extract_strided_slice %get3A_443 {offsets = [9], sizes = [1], strides = [1]} : vector<16xf32> to vector<1xf32>
    %squeeze3A_470 = vector.extract %slice3A_469[0] : f32 from vector<1xf32>
    %broadcast_in_dim3A_471 = vector.broadcast %squeeze3A_470 : f32 to vector<16xf32>
    %slice3A_472 = vector.extract_strided_slice %get3A_443 {offsets = [10], sizes = [1], strides = [1]} : vector<16xf32> to vector<1xf32>
    %squeeze3A_473 = vector.extract %slice3A_472[0] : f32 from vector<1xf32>
    %broadcast_in_dim3A_474 = vector.broadcast %squeeze3A_473 : f32 to vector<16xf32>
    %slice3A_475 = vector.extract_strided_slice %get3A_443 {offsets = [11], sizes = [1], strides = [1]} : vector<16xf32> to vector<1xf32>
    %squeeze3A_476 = vector.extract %slice3A_475[0] : f32 from vector<1xf32>
    %broadcast_in_dim3A_477 = vector.broadcast %squeeze3A_476 : f32 to vector<16xf32>
    %slice3A_478 = vector.extract_strided_slice %get3A_443 {offsets = [12], sizes = [1], strides = [1]} : vector<16xf32> to vector<1xf32>
    %squeeze3A_479 = vector.extract %slice3A_478[0] : f32 from vector<1xf32>
    %broadcast_in_dim3A_480 = vector.broadcast %squeeze3A_479 : f32 to vector<16xf32>
    %slice3A_481 = vector.extract_strided_slice %get3A_443 {offsets = [13], sizes = [1], strides = [1]} : vector<16xf32> to vector<1xf32>
    %squeeze3A_482 = vector.extract %slice3A_481[0] : f32 from vector<1xf32>
    %broadcast_in_dim3A_483 = vector.broadcast %squeeze3A_482 : f32 to vector<16xf32>
    %slice3A_484 = vector.extract_strided_slice %get3A_443 {offsets = [14], sizes = [1], strides = [1]} : vector<16xf32> to vector<1xf32>
    %squeeze3A_485 = vector.extract %slice3A_484[0] : f32 from vector<1xf32>
    %broadcast_in_dim3A_486 = vector.broadcast %squeeze3A_485 : f32 to vector<16xf32>
    %slice3A_487 = vector.extract_strided_slice %get3A_443 {offsets = [15], sizes = [1], strides = [1]} : vector<16xf32> to vector<1xf32>
    %squeeze3A_488 = vector.extract %slice3A_487[0] : f32 from vector<1xf32>
    %broadcast_in_dim3A_489 = vector.broadcast %squeeze3A_488 : f32 to vector<16xf32>
    %scan3A_490 = arith.constant 0 : i32
    %scan3A_491 = arith.constant 0 : i32
    %scan3A_492 = arith.constant 64 : i32
    %scan3A_493 = arith.addi %scan3A_491, %scan3A_492 : i32
    %scan3A_494 = arith.constant 4 : i32
    scf.for %scan3A_775 = %scan3A_491 to %scan3A_493 step %scan3A_494  : i32 {
      %mul3A_776 = arith.constant 16 : i32
      %mul3A_777 = arith.muli %scan3A_775, %mul3A_776 : i32
      %get3A_778 = arith.constant 0 : i32
      %get3A_779 = arith.constant 0 : i32
      %get3A_780 = arith.constant 0 : i32
      %get3A_781 = tpu.memref_slice %arg6[%scan3A_422, %get3A_779, %get3A_780] : memref<2x16x1024xf32, #tpu.memory_space<vmem>> -> memref<1x16x1024xf32, #tpu.memory_space<vmem>>
      %get3A_782 = tpu.memref_squeeze %get3A_781 : memref<1x16x1024xf32, #tpu.memory_space<vmem>> -> memref<16x1024xf32, #tpu.memory_space<vmem>>
      %get3A_783 = arith.index_cast %get3A_778 : i32 to index
      %get3A_784 = arith.index_cast %mul3A_777 : i32 to index
      %get3A_785 = tpu.vector_load %get3A_782[%get3A_783, %get3A_784] {strides = array<i32>} : memref<16x1024xf32, #tpu.memory_space<vmem>>, vector<1x16xf32>,
      %get3A_786 = vector.shape_cast %get3A_785 : vector<1x16xf32> to vector<16xf32>
      %mul3A_787 = arith.mulf %get3A_786, %broadcast_in_dim3A_444 : vector<16xf32>
      %swap3A_788 = arith.constant 0 : i32
      %swap3A_789 = arith.index_cast %swap3A_788 : i32 to index
      %swap3A_790 = arith.index_cast %mul3A_777 : i32 to index
      %swap3A_791 = tpu.vector_load %arg8[%swap3A_789, %swap3A_790] {strides = array<i32>} : memref<1x1024xf32, #tpu.memory_space<vmem>>, vector<1x16xf32>,
      %swap3A_792 = vector.shape_cast %swap3A_791 : vector<1x16xf32> to vector<16xf32>
      %swap3A_793 = vector.shape_cast %mul3A_787 : vector<16xf32> to vector<1x16xf32>
      tpu.vector_store %arg8[%swap3A_789, %swap3A_790], %swap3A_793 {add = true, strides = array<i32>} : memref<1x1024xf32, #tpu.memory_space<vmem>>, vector<1x16xf32>,
      %get3A_794 = arith.constant 1 : i32
      %get3A_795 = arith.constant 0 : i32
      %get3A_796 = arith.constant 0 : i32
      %get3A_797 = tpu.memref_slice %arg6[%scan3A_422, %get3A_795, %get3A_796] : memref<2x16x1024xf32, #tpu.memory_space<vmem>> -> memref<1x16x1024xf32, #tpu.memory_space<vmem>>
      %get3A_798 = tpu.memref_squeeze %get3A_797 : memref<1x16x1024xf32, #tpu.memory_space<vmem>> -> memref<16x1024xf32, #tpu.memory_space<vmem>>
      %get3A_799 = arith.index_cast %get3A_794 : i32 to index
      %get3A_800 = arith.index_cast %mul3A_777 : i32 to index
      %get3A_801 = tpu.vector_load %get3A_798[%get3A_799, %get3A_800] {strides = array<i32>} : memref<16x1024xf32, #tpu.memory_space<vmem>>, vector<1x16xf32>,
      %get3A_802 = vector.shape_cast %get3A_801 : vector<1x16xf32> to vector<16xf32>
      %mul3A_803 = arith.mulf %get3A_802, %broadcast_in_dim3A_447 : vector<16xf32>
      %swap3A_804 = arith.constant 0 : i32
      %swap3A_805 = arith.index_cast %swap3A_804 : i32 to index
      %swap3A_806 = arith.index_cast %mul3A_777 : i32 to index
      %swap3A_807 = tpu.vector_load %arg8[%swap3A_805, %swap3A_806] {strides = array<i32>} : memref<1x1024xf32, #tpu.memory_space<vmem>>, vector<1x16xf32>,
      %swap3A_808 = vector.shape_cast %swap3A_807 : vector<1x16xf32> to vector<16xf32>
      %swap3A_809 = vector.shape_cast %mul3A_803 : vector<16xf32> to vector<1x16xf32>
      tpu.vector_store %arg8[%swap3A_805, %swap3A_806], %swap3A_809 {add = true, strides = array<i32>} : memref<1x1024xf32, #tpu.memory_space<vmem>>, vector<1x16xf32>,
      %get3A_810 = arith.constant 2 : i32
      %get3A_811 = arith.constant 0 : i32
      %get3A_812 = arith.constant 0 : i32
      %get3A_813 = tpu.memref_slice %arg6[%scan3A_422, %get3A_811, %get3A_812] : memref<2x16x1024xf32, #tpu.memory_space<vmem>> -> memref<1x16x1024xf32, #tpu.memory_space<vmem>>
      %get3A_814 = tpu.memref_squeeze %get3A_813 : memref<1x16x1024xf32, #tpu.memory_space<vmem>> -> memref<16x1024xf32, #tpu.memory_space<vmem>>
      %get3A_815 = arith.index_cast %get3A_810 : i32 to index
      %get3A_816 = arith.index_cast %mul3A_777 : i32 to index
      %get3A_817 = tpu.vector_load %get3A_814[%get3A_815, %get3A_816] {strides = array<i32>} : memref<16x1024xf32, #tpu.memory_space<vmem>>, vector<1x16xf32>,
      %get3A_818 = vector.shape_cast %get3A_817 : vector<1x16xf32> to vector<16xf32>
      %mul3A_819 = arith.mulf %get3A_818, %broadcast_in_dim3A_450 : vector<16xf32>
      %swap3A_820 = arith.constant 0 : i32
      %swap3A_821 = arith.index_cast %swap3A_820 : i32 to index
      %swap3A_822 = arith.index_cast %mul3A_777 : i32 to index
      %swap3A_823 = tpu.vector_load %arg8[%swap3A_821, %swap3A_822] {strides = array<i32>} : memref<1x1024xf32, #tpu.memory_space<vmem>>, vector<1x16xf32>,
      %swap3A_824 = vector.shape_cast %swap3A_823 : vector<1x16xf32> to vector<16xf32>
      %swap3A_825 = vector.shape_cast %mul3A_819 : vector<16xf32> to vector<1x16xf32>
      tpu.vector_store %arg8[%swap3A_821, %swap3A_822], %swap3A_825 {add = true, strides = array<i32>} : memref<1x1024xf32, #tpu.memory_space<vmem>>, vector<1x16xf32>,
      %get3A_826 = arith.constant 3 : i32
      %get3A_827 = arith.constant 0 : i32
      %get3A_828 = arith.constant 0 : i32
      %get3A_829 = tpu.memref_slice %arg6[%scan3A_422, %get3A_827, %get3A_828] : memref<2x16x1024xf32, #tpu.memory_space<vmem>> -> memref<1x16x1024xf32, #tpu.memory_space<vmem>>
      %get3A_830 = tpu.memref_squeeze %get3A_829 : memref<1x16x1024xf32, #tpu.memory_space<vmem>> -> memref<16x1024xf32, #tpu.memory_space<vmem>>
      %get3A_831 = arith.index_cast %get3A_826 : i32 to index
      %get3A_832 = arith.index_cast %mul3A_777 : i32 to index
      %get3A_833 = tpu.vector_load %get3A_830[%get3A_831, %get3A_832] {strides = array<i32>} : memref<16x1024xf32, #tpu.memory_space<vmem>>, vector<1x16xf32>,
      %get3A_834 = vector.shape_cast %get3A_833 : vector<1x16xf32> to vector<16xf32>
      %mul3A_835 = arith.mulf %get3A_834, %broadcast_in_dim3A_453 : vector<16xf32>
      %swap3A_836 = arith.constant 0 : i32
      %swap3A_837 = arith.index_cast %swap3A_836 : i32 to index
      %swap3A_838 = arith.index_cast %mul3A_777 : i32 to index
      %swap3A_839 = tpu.vector_load %arg8[%swap3A_837, %swap3A_838] {strides = array<i32>} : memref<1x1024xf32, #tpu.memory_space<vmem>>, vector<1x16xf32>,
      %swap3A_840 = vector.shape_cast %swap3A_839 : vector<1x16xf32> to vector<16xf32>
      %swap3A_841 = vector.shape_cast %mul3A_835 : vector<16xf32> to vector<1x16xf32>
      tpu.vector_store %arg8[%swap3A_837, %swap3A_838], %swap3A_841 {add = true, strides = array<i32>} : memref<1x1024xf32, #tpu.memory_space<vmem>>, vector<1x16xf32>,
      %get3A_842 = arith.constant 4 : i32
      %get3A_843 = arith.constant 0 : i32
      %get3A_844 = arith.constant 0 : i32
      %get3A_845 = tpu.memref_slice %arg6[%scan3A_422, %get3A_843, %get3A_844] : memref<2x16x1024xf32, #tpu.memory_space<vmem>> -> memref<1x16x1024xf32, #tpu.memory_space<vmem>>
      %get3A_846 = tpu.memref_squeeze %get3A_845 : memref<1x16x1024xf32, #tpu.memory_space<vmem>> -> memref<16x1024xf32, #tpu.memory_space<vmem>>
      %get3A_847 = arith.index_cast %get3A_842 : i32 to index
      %get3A_848 = arith.index_cast %mul3A_777 : i32 to index
      %get3A_849 = tpu.vector_load %get3A_846[%get3A_847, %get3A_848] {strides = array<i32>} : memref<16x1024xf32, #tpu.memory_space<vmem>>, vector<1x16xf32>,
      %get3A_850 = vector.shape_cast %get3A_849 : vector<1x16xf32> to vector<16xf32>
      %mul3A_851 = arith.mulf %get3A_850, %broadcast_in_dim3A_456 : vector<16xf32>
      %swap3A_852 = arith.constant 0 : i32
      %swap3A_853 = arith.index_cast %swap3A_852 : i32 to index
      %swap3A_854 = arith.index_cast %mul3A_777 : i32 to index
      %swap3A_855 = tpu.vector_load %arg8[%swap3A_853, %swap3A_854] {strides = array<i32>} : memref<1x1024xf32, #tpu.memory_space<vmem>>, vector<1x16xf32>,
      %swap3A_856 = vector.shape_cast %swap3A_855 : vector<1x16xf32> to vector<16xf32>
      %swap3A_857 = vector.shape_cast %mul3A_851 : vector<16xf32> to vector<1x16xf32>
      tpu.vector_store %arg8[%swap3A_853, %swap3A_854], %swap3A_857 {add = true, strides = array<i32>} : memref<1x1024xf32, #tpu.memory_space<vmem>>, vector<1x16xf32>,
      %get3A_858 = arith.constant 5 : i32
      %get3A_859 = arith.constant 0 : i32
      %get3A_860 = arith.constant 0 : i32
      %get3A_861 = tpu.memref_slice %arg6[%scan3A_422, %get3A_859, %get3A_860] : memref<2x16x1024xf32, #tpu.memory_space<vmem>> -> memref<1x16x1024xf32, #tpu.memory_space<vmem>>
      %get3A_862 = tpu.memref_squeeze %get3A_861 : memref<1x16x1024xf32, #tpu.memory_space<vmem>> -> memref<16x1024xf32, #tpu.memory_space<vmem>>
      %get3A_863 = arith.index_cast %get3A_858 : i32 to index
      %get3A_864 = arith.index_cast %mul3A_777 : i32 to index
      %get3A_865 = tpu.vector_load %get3A_862[%get3A_863, %get3A_864] {strides = array<i32>} : memref<16x1024xf32, #tpu.memory_space<vmem>>, vector<1x16xf32>,
      %get3A_866 = vector.shape_cast %get3A_865 : vector<1x16xf32> to vector<16xf32>
      %mul3A_867 = arith.mulf %get3A_866, %broadcast_in_dim3A_459 : vector<16xf32>
      %swap3A_868 = arith.constant 0 : i32
      %swap3A_869 = arith.index_cast %swap3A_868 : i32 to index
      %swap3A_870 = arith.index_cast %mul3A_777 : i32 to index
      %swap3A_871 = tpu.vector_load %arg8[%swap3A_869, %swap3A_870] {strides = array<i32>} : memref<1x1024xf32, #tpu.memory_space<vmem>>, vector<1x16xf32>,
      %swap3A_872 = vector.shape_cast %swap3A_871 : vector<1x16xf32> to vector<16xf32>
      %swap3A_873 = vector.shape_cast %mul3A_867 : vector<16xf32> to vector<1x16xf32>
      tpu.vector_store %arg8[%swap3A_869, %swap3A_870], %swap3A_873 {add = true, strides = array<i32>} : memref<1x1024xf32, #tpu.memory_space<vmem>>, vector<1x16xf32>,
      %get3A_874 = arith.constant 6 : i32
      %get3A_875 = arith.constant 0 : i32
      %get3A_876 = arith.constant 0 : i32
      %get3A_877 = tpu.memref_slice %arg6[%scan3A_422, %get3A_875, %get3A_876] : memref<2x16x1024xf32, #tpu.memory_space<vmem>> -> memref<1x16x1024xf32, #tpu.memory_space<vmem>>
      %get3A_878 = tpu.memref_squeeze %get3A_877 : memref<1x16x1024xf32, #tpu.memory_space<vmem>> -> memref<16x1024xf32, #tpu.memory_space<vmem>>
      %get3A_879 = arith.index_cast %get3A_874 : i32 to index
      %get3A_880 = arith.index_cast %mul3A_777 : i32 to index
      %get3A_881 = tpu.vector_load %get3A_878[%get3A_879, %get3A_880] {strides = array<i32>} : memref<16x1024xf32, #tpu.memory_space<vmem>>, vector<1x16xf32>,
      %get3A_882 = vector.shape_cast %get3A_881 : vector<1x16xf32> to vector<16xf32>
      %mul3A_883 = arith.mulf %get3A_882, %broadcast_in_dim3A_462 : vector<16xf32>
      %swap3A_884 = arith.constant 0 : i32
      %swap3A_885 = arith.index_cast %swap3A_884 : i32 to index
      %swap3A_886 = arith.index_cast %mul3A_777 : i32 to index
      %swap3A_887 = tpu.vector_load %arg8[%swap3A_885, %swap3A_886] {strides = array<i32>} : memref<1x1024xf32, #tpu.memory_space<vmem>>, vector<1x16xf32>,
      %swap3A_888 = vector.shape_cast %swap3A_887 : vector<1x16xf32> to vector<16xf32>
      %swap3A_889 = vector.shape_cast %mul3A_883 : vector<16xf32> to vector<1x16xf32>
      tpu.vector_store %arg8[%swap3A_885, %swap3A_886], %swap3A_889 {add = true, strides = array<i32>} : memref<1x1024xf32, #tpu.memory_space<vmem>>, vector<1x16xf32>,
      %get3A_890 = arith.constant 7 : i32
      %get3A_891 = arith.constant 0 : i32
      %get3A_892 = arith.constant 0 : i32
      %get3A_893 = tpu.memref_slice %arg6[%scan3A_422, %get3A_891, %get3A_892] : memref<2x16x1024xf32, #tpu.memory_space<vmem>> -> memref<1x16x1024xf32, #tpu.memory_space<vmem>>
      %get3A_894 = tpu.memref_squeeze %get3A_893 : memref<1x16x1024xf32, #tpu.memory_space<vmem>> -> memref<16x1024xf32, #tpu.memory_space<vmem>>
      %get3A_895 = arith.index_cast %get3A_890 : i32 to index
      %get3A_896 = arith.index_cast %mul3A_777 : i32 to index
      %get3A_897 = tpu.vector_load %get3A_894[%get3A_895, %get3A_896] {strides = array<i32>} : memref<16x1024xf32, #tpu.memory_space<vmem>>, vector<1x16xf32>,
      %get3A_898 = vector.shape_cast %get3A_897 : vector<1x16xf32> to vector<16xf32>
      %mul3A_899 = arith.mulf %get3A_898, %broadcast_in_dim3A_465 : vector<16xf32>
      %swap3A_900 = arith.constant 0 : i32
      %swap3A_901 = arith.index_cast %swap3A_900 : i32 to index
      %swap3A_902 = arith.index_cast %mul3A_777 : i32 to index
      %swap3A_903 = tpu.vector_load %arg8[%swap3A_901, %swap3A_902] {strides = array<i32>} : memref<1x1024xf32, #tpu.memory_space<vmem>>, vector<1x16xf32>,
      %swap3A_904 = vector.shape_cast %swap3A_903 : vector<1x16xf32> to vector<16xf32>
      %swap3A_905 = vector.shape_cast %mul3A_899 : vector<16xf32> to vector<1x16xf32>
      tpu.vector_store %arg8[%swap3A_901, %swap3A_902], %swap3A_905 {add = true, strides = array<i32>} : memref<1x1024xf32, #tpu.memory_space<vmem>>, vector<1x16xf32>,
      %get3A_906 = arith.constant 8 : i32
      %get3A_907 = arith.constant 0 : i32
      %get3A_908 = arith.constant 0 : i32
      %get3A_909 = tpu.memref_slice %arg6[%scan3A_422, %get3A_907, %get3A_908] : memref<2x16x1024xf32, #tpu.memory_space<vmem>> -> memref<1x16x1024xf32, #tpu.memory_space<vmem>>
      %get3A_910 = tpu.memref_squeeze %get3A_909 : memref<1x16x1024xf32, #tpu.memory_space<vmem>> -> memref<16x1024xf32, #tpu.memory_space<vmem>>
      %get3A_911 = arith.index_cast %get3A_906 : i32 to index
      %get3A_912 = arith.index_cast %mul3A_777 : i32 to index
      %get3A_913 = tpu.vector_load %get3A_910[%get3A_911, %get3A_912] {strides = array<i32>} : memref<16x1024xf32, #tpu.memory_space<vmem>>, vector<1x16xf32>,
      %get3A_914 = vector.shape_cast %get3A_913 : vector<1x16xf32> to vector<16xf32>
      %mul3A_915 = arith.mulf %get3A_914, %broadcast_in_dim3A_468 : vector<16xf32>
      %swap3A_916 = arith.constant 0 : i32
      %swap3A_917 = arith.index_cast %swap3A_916 : i32 to index
      %swap3A_918 = arith.index_cast %mul3A_777 : i32 to index
      %swap3A_919 = tpu.vector_load %arg8[%swap3A_917, %swap3A_918] {strides = array<i32>} : memref<1x1024xf32, #tpu.memory_space<vmem>>, vector<1x16xf32>,
      %swap3A_920 = vector.shape_cast %swap3A_919 : vector<1x16xf32> to vector<16xf32>
      %swap3A_921 = vector.shape_cast %mul3A_915 : vector<16xf32> to vector<1x16xf32>
      tpu.vector_store %arg8[%swap3A_917, %swap3A_918], %swap3A_921 {add = true, strides = array<i32>} : memref<1x1024xf32, #tpu.memory_space<vmem>>, vector<1x16xf32>,
      %get3A_922 = arith.constant 9 : i32
      %get3A_923 = arith.constant 0 : i32
      %get3A_924 = arith.constant 0 : i32
      %get3A_925 = tpu.memref_slice %arg6[%scan3A_422, %get3A_923, %get3A_924] : memref<2x16x1024xf32, #tpu.memory_space<vmem>> -> memref<1x16x1024xf32, #tpu.memory_space<vmem>>
      %get3A_926 = tpu.memref_squeeze %get3A_925 : memref<1x16x1024xf32, #tpu.memory_space<vmem>> -> memref<16x1024xf32, #tpu.memory_space<vmem>>
      %get3A_927 = arith.index_cast %get3A_922 : i32 to index
      %get3A_928 = arith.index_cast %mul3A_777 : i32 to index
      %get3A_929 = tpu.vector_load %get3A_926[%get3A_927, %get3A_928] {strides = array<i32>} : memref<16x1024xf32, #tpu.memory_space<vmem>>, vector<1x16xf32>,
      %get3A_930 = vector.shape_cast %get3A_929 : vector<1x16xf32> to vector<16xf32>
      %mul3A_931 = arith.mulf %get3A_930, %broadcast_in_dim3A_471 : vector<16xf32>
      %swap3A_932 = arith.constant 0 : i32
      %swap3A_933 = arith.index_cast %swap3A_932 : i32 to index
      %swap3A_934 = arith.index_cast %mul3A_777 : i32 to index
      %swap3A_935 = tpu.vector_load %arg8[%swap3A_933, %swap3A_934] {strides = array<i32>} : memref<1x1024xf32, #tpu.memory_space<vmem>>, vector<1x16xf32>,
      %swap3A_936 = vector.shape_cast %swap3A_935 : vector<1x16xf32> to vector<16xf32>
      %swap3A_937 = vector.shape_cast %mul3A_931 : vector<16xf32> to vector<1x16xf32>
      tpu.vector_store %arg8[%swap3A_933, %swap3A_934], %swap3A_937 {add = true, strides = array<i32>} : memref<1x1024xf32, #tpu.memory_space<vmem>>, vector<1x16xf32>,
      %get3A_938 = arith.constant 10 : i32
      %get3A_939 = arith.constant 0 : i32
      %get3A_940 = arith.constant 0 : i32
      %get3A_941 = tpu.memref_slice %arg6[%scan3A_422, %get3A_939, %get3A_940] : memref<2x16x1024xf32, #tpu.memory_space<vmem>> -> memref<1x16x1024xf32, #tpu.memory_space<vmem>>
      %get3A_942 = tpu.memref_squeeze %get3A_941 : memref<1x16x1024xf32, #tpu.memory_space<vmem>> -> memref<16x1024xf32, #tpu.memory_space<vmem>>
      %get3A_943 = arith.index_cast %get3A_938 : i32 to index
      %get3A_944 = arith.index_cast %mul3A_777 : i32 to index
      %get3A_945 = tpu.vector_load %get3A_942[%get3A_943, %get3A_944] {strides = array<i32>} : memref<16x1024xf32, #tpu.memory_space<vmem>>, vector<1x16xf32>,
      %get3A_946 = vector.shape_cast %get3A_945 : vector<1x16xf32> to vector<16xf32>
      %mul3A_947 = arith.mulf %get3A_946, %broadcast_in_dim3A_474 : vector<16xf32>
      %swap3A_948 = arith.constant 0 : i32
      %swap3A_949 = arith.index_cast %swap3A_948 : i32 to index
      %swap3A_950 = arith.index_cast %mul3A_777 : i32 to index
      %swap3A_951 = tpu.vector_load %arg8[%swap3A_949, %swap3A_950] {strides = array<i32>} : memref<1x1024xf32, #tpu.memory_space<vmem>>, vector<1x16xf32>,
      %swap3A_952 = vector.shape_cast %swap3A_951 : vector<1x16xf32> to vector<16xf32>
      %swap3A_953 = vector.shape_cast %mul3A_947 : vector<16xf32> to vector<1x16xf32>
      tpu.vector_store %arg8[%swap3A_949, %swap3A_950], %swap3A_953 {add = true, strides = array<i32>} : memref<1x1024xf32, #tpu.memory_space<vmem>>, vector<1x16xf32>,
      %get3A_954 = arith.constant 11 : i32
      %get3A_955 = arith.constant 0 : i32
      %get3A_956 = arith.constant 0 : i32
      %get3A_957 = tpu.memref_slice %arg6[%scan3A_422, %get3A_955, %get3A_956] : memref<2x16x1024xf32, #tpu.memory_space<vmem>> -> memref<1x16x1024xf32, #tpu.memory_space<vmem>>
      %get3A_958 = tpu.memref_squeeze %get3A_957 : memref<1x16x1024xf32, #tpu.memory_space<vmem>> -> memref<16x1024xf32, #tpu.memory_space<vmem>>
      %get3A_959 = arith.index_cast %get3A_954 : i32 to index
      %get3A_960 = arith.index_cast %mul3A_777 : i32 to index
      %get3A_961 = tpu.vector_load %get3A_958[%get3A_959, %get3A_960] {strides = array<i32>} : memref<16x1024xf32, #tpu.memory_space<vmem>>, vector<1x16xf32>,
      %get3A_962 = vector.shape_cast %get3A_961 : vector<1x16xf32> to vector<16xf32>
      %mul3A_963 = arith.mulf %get3A_962, %broadcast_in_dim3A_477 : vector<16xf32>
      %swap3A_964 = arith.constant 0 : i32
      %swap3A_965 = arith.index_cast %swap3A_964 : i32 to index
      %swap3A_966 = arith.index_cast %mul3A_777 : i32 to index
      %swap3A_967 = tpu.vector_load %arg8[%swap3A_965, %swap3A_966] {strides = array<i32>} : memref<1x1024xf32, #tpu.memory_space<vmem>>, vector<1x16xf32>,
      %swap3A_968 = vector.shape_cast %swap3A_967 : vector<1x16xf32> to vector<16xf32>
      %swap3A_969 = vector.shape_cast %mul3A_963 : vector<16xf32> to vector<1x16xf32>
      tpu.vector_store %arg8[%swap3A_965, %swap3A_966], %swap3A_969 {add = true, strides = array<i32>} : memref<1x1024xf32, #tpu.memory_space<vmem>>, vector<1x16xf32>,
      %get3A_970 = arith.constant 12 : i32
      %get3A_971 = arith.constant 0 : i32
      %get3A_972 = arith.constant 0 : i32
      %get3A_973 = tpu.memref_slice %arg6[%scan3A_422, %get3A_971, %get3A_972] : memref<2x16x1024xf32, #tpu.memory_space<vmem>> -> memref<1x16x1024xf32, #tpu.memory_space<vmem>>
      %get3A_974 = tpu.memref_squeeze %get3A_973 : memref<1x16x1024xf32, #tpu.memory_space<vmem>> -> memref<16x1024xf32, #tpu.memory_space<vmem>>
      %get3A_975 = arith.index_cast %get3A_970 : i32 to index
      %get3A_976 = arith.index_cast %mul3A_777 : i32 to index
      %get3A_977 = tpu.vector_load %get3A_974[%get3A_975, %get3A_976] {strides = array<i32>} : memref<16x1024xf32, #tpu.memory_space<vmem>>, vector<1x16xf32>,
      %get3A_978 = vector.shape_cast %get3A_977 : vector<1x16xf32> to vector<16xf32>
      %mul3A_979 = arith.mulf %get3A_978, %broadcast_in_dim3A_480 : vector<16xf32>
      %swap3A_980 = arith.constant 0 : i32
      %swap3A_981 = arith.index_cast %swap3A_980 : i32 to index
      %swap3A_982 = arith.index_cast %mul3A_777 : i32 to index
      %swap3A_983 = tpu.vector_load %arg8[%swap3A_981, %swap3A_982] {strides = array<i32>} : memref<1x1024xf32, #tpu.memory_space<vmem>>, vector<1x16xf32>,
      %swap3A_984 = vector.shape_cast %swap3A_983 : vector<1x16xf32> to vector<16xf32>
      %swap3A_985 = vector.shape_cast %mul3A_979 : vector<16xf32> to vector<1x16xf32>
      tpu.vector_store %arg8[%swap3A_981, %swap3A_982], %swap3A_985 {add = true, strides = array<i32>} : memref<1x1024xf32, #tpu.memory_space<vmem>>, vector<1x16xf32>,
      %get3A_986 = arith.constant 13 : i32
      %get3A_987 = arith.constant 0 : i32
      %get3A_988 = arith.constant 0 : i32
      %get3A_989 = tpu.memref_slice %arg6[%scan3A_422, %get3A_987, %get3A_988] : memref<2x16x1024xf32, #tpu.memory_space<vmem>> -> memref<1x16x1024xf32, #tpu.memory_space<vmem>>
      %get3A_990 = tpu.memref_squeeze %get3A_989 : memref<1x16x1024xf32, #tpu.memory_space<vmem>> -> memref<16x1024xf32, #tpu.memory_space<vmem>>
      %get3A_991 = arith.index_cast %get3A_986 : i32 to index
      %get3A_992 = arith.index_cast %mul3A_777 : i32 to index
      %get3A_993 = tpu.vector_load %get3A_990[%get3A_991, %get3A_992] {strides = array<i32>} : memref<16x1024xf32, #tpu.memory_space<vmem>>, vector<1x16xf32>,
      %get3A_994 = vector.shape_cast %get3A_993 : vector<1x16xf32> to vector<16xf32>
      %mul3A_995 = arith.mulf %get3A_994, %broadcast_in_dim3A_483 : vector<16xf32>
      %swap3A_996 = arith.constant 0 : i32
      %swap3A_997 = arith.index_cast %swap3A_996 : i32 to index
      %swap3A_998 = arith.index_cast %mul3A_777 : i32 to index
      %swap3A_999 = tpu.vector_load %arg8[%swap3A_997, %swap3A_998] {strides = array<i32>} : memref<1x1024xf32, #tpu.memory_space<vmem>>, vector<1x16xf32>,
      %swap3A_1000 = vector.shape_cast %swap3A_999 : vector<1x16xf32> to vector<16xf32>
      %swap3A_1001 = vector.shape_cast %mul3A_995 : vector<16xf32> to vector<1x16xf32>
      tpu.vector_store %arg8[%swap3A_997, %swap3A_998], %swap3A_1001 {add = true, strides = array<i32>} : memref<1x1024xf32, #tpu.memory_space<vmem>>, vector<1x16xf32>,
      %get3A_1002 = arith.constant 14 : i32
      %get3A_1003 = arith.constant 0 : i32
      %get3A_1004 = arith.constant 0 : i32
      %get3A_1005 = tpu.memref_slice %arg6[%scan3A_422, %get3A_1003, %get3A_1004] : memref<2x16x1024xf32, #tpu.memory_space<vmem>> -> memref<1x16x1024xf32, #tpu.memory_space<vmem>>
      %get3A_1006 = tpu.memref_squeeze %get3A_1005 : memref<1x16x1024xf32, #tpu.memory_space<vmem>> -> memref<16x1024xf32, #tpu.memory_space<vmem>>
      %get3A_1007 = arith.index_cast %get3A_1002 : i32 to index
      %get3A_1008 = arith.index_cast %mul3A_777 : i32 to index
      %get3A_1009 = tpu.vector_load %get3A_1006[%get3A_1007, %get3A_1008] {strides = array<i32>} : memref<16x1024xf32, #tpu.memory_space<vmem>>, vector<1x16xf32>,
      %get3A_1010 = vector.shape_cast %get3A_1009 : vector<1x16xf32> to vector<16xf32>
      %mul3A_1011 = arith.mulf %get3A_1010, %broadcast_in_dim3A_486 : vector<16xf32>
      %swap3A_1012 = arith.constant 0 : i32
      %swap3A_1013 = arith.index_cast %swap3A_1012 : i32 to index
      %swap3A_1014 = arith.index_cast %mul3A_777 : i32 to index
      %swap3A_1015 = tpu.vector_load %arg8[%swap3A_1013, %swap3A_1014] {strides = array<i32>} : memref<1x1024xf32, #tpu.memory_space<vmem>>, vector<1x16xf32>,
      %swap3A_1016 = vector.shape_cast %swap3A_1015 : vector<1x16xf32> to vector<16xf32>
      %swap3A_1017 = vector.shape_cast %mul3A_1011 : vector<16xf32> to vector<1x16xf32>
      tpu.vector_store %arg8[%swap3A_1013, %swap3A_1014], %swap3A_1017 {add = true, strides = array<i32>} : memref<1x1024xf32, #tpu.memory_space<vmem>>, vector<1x16xf32>,
      %get3A_1018 = arith.constant 15 : i32
      %get3A_1019 = arith.constant 0 : i32
      %get3A_1020 = arith.constant 0 : i32
      %get3A_1021 = tpu.memref_slice %arg6[%scan3A_422, %get3A_1019, %get3A_1020] : memref<2x16x1024xf32, #tpu.memory_space<vmem>> -> memref<1x16x1024xf32, #tpu.memory_space<vmem>>
      %get3A_1022 = tpu.memref_squeeze %get3A_1021 : memref<1x16x1024xf32, #tpu.memory_space<vmem>> -> memref<16x1024xf32, #tpu.memory_space<vmem>>
      %get3A_1023 = arith.index_cast %get3A_1018 : i32 to index
      %get3A_1024 = arith.index_cast %mul3A_777 : i32 to index
      %get3A_1025 = tpu.vector_load %get3A_1022[%get3A_1023, %get3A_1024] {strides = array<i32>} : memref<16x1024xf32, #tpu.memory_space<vmem>>, vector<1x16xf32>,
      %get3A_1026 = vector.shape_cast %get3A_1025 : vector<1x16xf32> to vector<16xf32>
      %mul3A_1027 = arith.mulf %get3A_1026, %broadcast_in_dim3A_489 : vector<16xf32>
      %swap3A_1028 = arith.constant 0 : i32
      %swap3A_1029 = arith.index_cast %swap3A_1028 : i32 to index
      %swap3A_1030 = arith.index_cast %mul3A_777 : i32 to index
      %swap3A_1031 = tpu.vector_load %arg8[%swap3A_1029, %swap3A_1030] {strides = array<i32>} : memref<1x1024xf32, #tpu.memory_space<vmem>>, vector<1x16xf32>,
      %swap3A_1032 = vector.shape_cast %swap3A_1031 : vector<1x16xf32> to vector<16xf32>
      %swap3A_1033 = vector.shape_cast %mul3A_1027 : vector<16xf32> to vector<1x16xf32>
      tpu.vector_store %arg8[%swap3A_1029, %swap3A_1030], %swap3A_1033 {add = true, strides = array<i32>} : memref<1x1024xf32, #tpu.memory_space<vmem>>, vector<1x16xf32>,
      %scan3A_1034 = arith.constant 1 : i32
      %scan3A_1035 = arith.addi %scan3A_775, %scan3A_1034 : i32
      %mul3A_1036 = arith.constant 16 : i32
      %mul3A_1037 = arith.muli %scan3A_1035, %mul3A_1036 : i32
      %get3A_1038 = arith.constant 0 : i32
      %get3A_1039 = arith.constant 0 : i32
      %get3A_1040 = arith.constant 0 : i32
      %get3A_1041 = tpu.memref_slice %arg6[%scan3A_422, %get3A_1039, %get3A_1040] : memref<2x16x1024xf32, #tpu.memory_space<vmem>> -> memref<1x16x1024xf32, #tpu.memory_space<vmem>>
      %get3A_1042 = tpu.memref_squeeze %get3A_1041 : memref<1x16x1024xf32, #tpu.memory_space<vmem>> -> memref<16x1024xf32, #tpu.memory_space<vmem>>
      %get3A_1043 = arith.index_cast %get3A_1038 : i32 to index
      %get3A_1044 = arith.index_cast %mul3A_1037 : i32 to index
      %get3A_1045 = tpu.vector_load %get3A_1042[%get3A_1043, %get3A_1044] {strides = array<i32>} : memref<16x1024xf32, #tpu.memory_space<vmem>>, vector<1x16xf32>,
      %get3A_1046 = vector.shape_cast %get3A_1045 : vector<1x16xf32> to vector<16xf32>
      %mul3A_1047 = arith.mulf %get3A_1046, %broadcast_in_dim3A_444 : vector<16xf32>
      %swap3A_1048 = arith.constant 0 : i32
      %swap3A_1049 = arith.index_cast %swap3A_1048 : i32 to index
      %swap3A_1050 = arith.index_cast %mul3A_1037 : i32 to index
      %swap3A_1051 = tpu.vector_load %arg8[%swap3A_1049, %swap3A_1050] {strides = array<i32>} : memref<1x1024xf32, #tpu.memory_space<vmem>>, vector<1x16xf32>,
      %swap3A_1052 = vector.shape_cast %swap3A_1051 : vector<1x16xf32> to vector<16xf32>
      %swap3A_1053 = vector.shape_cast %mul3A_1047 : vector<16xf32> to vector<1x16xf32>
      tpu.vector_store %arg8[%swap3A_1049, %swap3A_1050], %swap3A_1053 {add = true, strides = array<i32>} : memref<1x1024xf32, #tpu.memory_space<vmem>>, vector<1x16xf32>,
      %get3A_1054 = arith.constant 1 : i32
      %get3A_1055 = arith.constant 0 : i32
      %get3A_1056 = arith.constant 0 : i32
      %get3A_1057 = tpu.memref_slice %arg6[%scan3A_422, %get3A_1055, %get3A_1056] : memref<2x16x1024xf32, #tpu.memory_space<vmem>> -> memref<1x16x1024xf32, #tpu.memory_space<vmem>>
      %get3A_1058 = tpu.memref_squeeze %get3A_1057 : memref<1x16x1024xf32, #tpu.memory_space<vmem>> -> memref<16x1024xf32, #tpu.memory_space<vmem>>
      %get3A_1059 = arith.index_cast %get3A_1054 : i32 to index
      %get3A_1060 = arith.index_cast %mul3A_1037 : i32 to index
      %get3A_1061 = tpu.vector_load %get3A_1058[%get3A_1059, %get3A_1060] {strides = array<i32>} : memref<16x1024xf32, #tpu.memory_space<vmem>>, vector<1x16xf32>,
      %get3A_1062 = vector.shape_cast %get3A_1061 : vector<1x16xf32> to vector<16xf32>
      %mul3A_1063 = arith.mulf %get3A_1062, %broadcast_in_dim3A_447 : vector<16xf32>
      %swap3A_1064 = arith.constant 0 : i32
      %swap3A_1065 = arith.index_cast %swap3A_1064 : i32 to index
      %swap3A_1066 = arith.index_cast %mul3A_1037 : i32 to index
      %swap3A_1067 = tpu.vector_load %arg8[%swap3A_1065, %swap3A_1066] {strides = array<i32>} : memref<1x1024xf32, #tpu.memory_space<vmem>>, vector<1x16xf32>,
      %swap3A_1068 = vector.shape_cast %swap3A_1067 : vector<1x16xf32> to vector<16xf32>
      %swap3A_1069 = vector.shape_cast %mul3A_1063 : vector<16xf32> to vector<1x16xf32>
      tpu.vector_store %arg8[%swap3A_1065, %swap3A_1066], %swap3A_1069 {add = true, strides = array<i32>} : memref<1x1024xf32, #tpu.memory_space<vmem>>, vector<1x16xf32>,
      %get3A_1070 = arith.constant 2 : i32
      %get3A_1071 = arith.constant 0 : i32
      %get3A_1072 = arith.constant 0 : i32
      %get3A_1073 = tpu.memref_slice %arg6[%scan3A_422, %get3A_1071, %get3A_1072] : memref<2x16x1024xf32, #tpu.memory_space<vmem>> -> memref<1x16x1024xf32, #tpu.memory_space<vmem>>
      %get3A_1074 = tpu.memref_squeeze %get3A_1073 : memref<1x16x1024xf32, #tpu.memory_space<vmem>> -> memref<16x1024xf32, #tpu.memory_space<vmem>>
      %get3A_1075 = arith.index_cast %get3A_1070 : i32 to index
      %get3A_1076 = arith.index_cast %mul3A_1037 : i32 to index
      %get3A_1077 = tpu.vector_load %get3A_1074[%get3A_1075, %get3A_1076] {strides = array<i32>} : memref<16x1024xf32, #tpu.memory_space<vmem>>, vector<1x16xf32>,
      %get3A_1078 = vector.shape_cast %get3A_1077 : vector<1x16xf32> to vector<16xf32>
      %mul3A_1079 = arith.mulf %get3A_1078, %broadcast_in_dim3A_450 : vector<16xf32>
      %swap3A_1080 = arith.constant 0 : i32
      %swap3A_1081 = arith.index_cast %swap3A_1080 : i32 to index
      %swap3A_1082 = arith.index_cast %mul3A_1037 : i32 to index
      %swap3A_1083 = tpu.vector_load %arg8[%swap3A_1081, %swap3A_1082] {strides = array<i32>} : memref<1x1024xf32, #tpu.memory_space<vmem>>, vector<1x16xf32>,
      %swap3A_1084 = vector.shape_cast %swap3A_1083 : vector<1x16xf32> to vector<16xf32>
      %swap3A_1085 = vector.shape_cast %mul3A_1079 : vector<16xf32> to vector<1x16xf32>
      tpu.vector_store %arg8[%swap3A_1081, %swap3A_1082], %swap3A_1085 {add = true, strides = array<i32>} : memref<1x1024xf32, #tpu.memory_space<vmem>>, vector<1x16xf32>,
      %get3A_1086 = arith.constant 3 : i32
      %get3A_1087 = arith.constant 0 : i32
      %get3A_1088 = arith.constant 0 : i32
      %get3A_1089 = tpu.memref_slice %arg6[%scan3A_422, %get3A_1087, %get3A_1088] : memref<2x16x1024xf32, #tpu.memory_space<vmem>> -> memref<1x16x1024xf32, #tpu.memory_space<vmem>>
      %get3A_1090 = tpu.memref_squeeze %get3A_1089 : memref<1x16x1024xf32, #tpu.memory_space<vmem>> -> memref<16x1024xf32, #tpu.memory_space<vmem>>
      %get3A_1091 = arith.index_cast %get3A_1086 : i32 to index
      %get3A_1092 = arith.index_cast %mul3A_1037 : i32 to index
      %get3A_1093 = tpu.vector_load %get3A_1090[%get3A_1091, %get3A_1092] {strides = array<i32>} : memref<16x1024xf32, #tpu.memory_space<vmem>>, vector<1x16xf32>,
      %get3A_1094 = vector.shape_cast %get3A_1093 : vector<1x16xf32> to vector<16xf32>
      %mul3A_1095 = arith.mulf %get3A_1094, %broadcast_in_dim3A_453 : vector<16xf32>
      %swap3A_1096 = arith.constant 0 : i32
      %swap3A_1097 = arith.index_cast %swap3A_1096 : i32 to index
      %swap3A_1098 = arith.index_cast %mul3A_1037 : i32 to index
      %swap3A_1099 = tpu.vector_load %arg8[%swap3A_1097, %swap3A_1098] {strides = array<i32>} : memref<1x1024xf32, #tpu.memory_space<vmem>>, vector<1x16xf32>,
      %swap3A_1100 = vector.shape_cast %swap3A_1099 : vector<1x16xf32> to vector<16xf32>
      %swap3A_1101 = vector.shape_cast %mul3A_1095 : vector<16xf32> to vector<1x16xf32>
      tpu.vector_store %arg8[%swap3A_1097, %swap3A_1098], %swap3A_1101 {add = true, strides = array<i32>} : memref<1x1024xf32, #tpu.memory_space<vmem>>, vector<1x16xf32>,
      %get3A_1102 = arith.constant 4 : i32
      %get3A_1103 = arith.constant 0 : i32
      %get3A_1104 = arith.constant 0 : i32
      %get3A_1105 = tpu.memref_slice %arg6[%scan3A_422, %get3A_1103, %get3A_1104] : memref<2x16x1024xf32, #tpu.memory_space<vmem>> -> memref<1x16x1024xf32, #tpu.memory_space<vmem>>
      %get3A_1106 = tpu.memref_squeeze %get3A_1105 : memref<1x16x1024xf32, #tpu.memory_space<vmem>> -> memref<16x1024xf32, #tpu.memory_space<vmem>>
      %get3A_1107 = arith.index_cast %get3A_1102 : i32 to index
      %get3A_1108 = arith.index_cast %mul3A_1037 : i32 to index
      %get3A_1109 = tpu.vector_load %get3A_1106[%get3A_1107, %get3A_1108] {strides = array<i32>} : memref<16x1024xf32, #tpu.memory_space<vmem>>, vector<1x16xf32>,
      %get3A_1110 = vector.shape_cast %get3A_1109 : vector<1x16xf32> to vector<16xf32>
      %mul3A_1111 = arith.mulf %get3A_1110, %broadcast_in_dim3A_456 : vector<16xf32>
      %swap3A_1112 = arith.constant 0 : i32
      %swap3A_1113 = arith.index_cast %swap3A_1112 : i32 to index
      %swap3A_1114 = arith.index_cast %mul3A_1037 : i32 to index
      %swap3A_1115 = tpu.vector_load %arg8[%swap3A_1113, %swap3A_1114] {strides = array<i32>} : memref<1x1024xf32, #tpu.memory_space<vmem>>, vector<1x16xf32>,
      %swap3A_1116 = vector.shape_cast %swap3A_1115 : vector<1x16xf32> to vector<16xf32>
      %swap3A_1117 = vector.shape_cast %mul3A_1111 : vector<16xf32> to vector<1x16xf32>
      tpu.vector_store %arg8[%swap3A_1113, %swap3A_1114], %swap3A_1117 {add = true, strides = array<i32>} : memref<1x1024xf32, #tpu.memory_space<vmem>>, vector<1x16xf32>,
      %get3A_1118 = arith.constant 5 : i32
      %get3A_1119 = arith.constant 0 : i32
      %get3A_1120 = arith.constant 0 : i32
      %get3A_1121 = tpu.memref_slice %arg6[%scan3A_422, %get3A_1119, %get3A_1120] : memref<2x16x1024xf32, #tpu.memory_space<vmem>> -> memref<1x16x1024xf32, #tpu.memory_space<vmem>>
      %get3A_1122 = tpu.memref_squeeze %get3A_1121 : memref<1x16x1024xf32, #tpu.memory_space<vmem>> -> memref<16x1024xf32, #tpu.memory_space<vmem>>
      %get3A_1123 = arith.index_cast %get3A_1118 : i32 to index
      %get3A_1124 = arith.index_cast %mul3A_1037 : i32 to index
      %get3A_1125 = tpu.vector_load %get3A_1122[%get3A_1123, %get3A_1124] {strides = array<i32>} : memref<16x1024xf32, #tpu.memory_space<vmem>>, vector<1x16xf32>,
      %get3A_1126 = vector.shape_cast %get3A_1125 : vector<1x16xf32> to vector<16xf32>
      %mul3A_1127 = arith.mulf %get3A_1126, %broadcast_in_dim3A_459 : vector<16xf32>
      %swap3A_1128 = arith.constant 0 : i32
      %swap3A_1129 = arith.index_cast %swap3A_1128 : i32 to index
      %swap3A_1130 = arith.index_cast %mul3A_1037 : i32 to index
      %swap3A_1131 = tpu.vector_load %arg8[%swap3A_1129, %swap3A_1130] {strides = array<i32>} : memref<1x1024xf32, #tpu.memory_space<vmem>>, vector<1x16xf32>,
      %swap3A_1132 = vector.shape_cast %swap3A_1131 : vector<1x16xf32> to vector<16xf32>
      %swap3A_1133 = vector.shape_cast %mul3A_1127 : vector<16xf32> to vector<1x16xf32>
      tpu.vector_store %arg8[%swap3A_1129, %swap3A_1130], %swap3A_1133 {add = true, strides = array<i32>} : memref<1x1024xf32, #tpu.memory_space<vmem>>, vector<1x16xf32>,
      %get3A_1134 = arith.constant 6 : i32
      %get3A_1135 = arith.constant 0 : i32
      %get3A_1136 = arith.constant 0 : i32
      %get3A_1137 = tpu.memref_slice %arg6[%scan3A_422, %get3A_1135, %get3A_1136] : memref<2x16x1024xf32, #tpu.memory_space<vmem>> -> memref<1x16x1024xf32, #tpu.memory_space<vmem>>
      %get3A_1138 = tpu.memref_squeeze %get3A_1137 : memref<1x16x1024xf32, #tpu.memory_space<vmem>> -> memref<16x1024xf32, #tpu.memory_space<vmem>>
      %get3A_1139 = arith.index_cast %get3A_1134 : i32 to index
      %get3A_1140 = arith.index_cast %mul3A_1037 : i32 to index
      %get3A_1141 = tpu.vector_load %get3A_1138[%get3A_1139, %get3A_1140] {strides = array<i32>} : memref<16x1024xf32, #tpu.memory_space<vmem>>, vector<1x16xf32>,
      %get3A_1142 = vector.shape_cast %get3A_1141 : vector<1x16xf32> to vector<16xf32>
      %mul3A_1143 = arith.mulf %get3A_1142, %broadcast_in_dim3A_462 : vector<16xf32>
      %swap3A_1144 = arith.constant 0 : i32
      %swap3A_1145 = arith.index_cast %swap3A_1144 : i32 to index
      %swap3A_1146 = arith.index_cast %mul3A_1037 : i32 to index
      %swap3A_1147 = tpu.vector_load %arg8[%swap3A_1145, %swap3A_1146] {strides = array<i32>} : memref<1x1024xf32, #tpu.memory_space<vmem>>, vector<1x16xf32>,
      %swap3A_1148 = vector.shape_cast %swap3A_1147 : vector<1x16xf32> to vector<16xf32>
      %swap3A_1149 = vector.shape_cast %mul3A_1143 : vector<16xf32> to vector<1x16xf32>
      tpu.vector_store %arg8[%swap3A_1145, %swap3A_1146], %swap3A_1149 {add = true, strides = array<i32>} : memref<1x1024xf32, #tpu.memory_space<vmem>>, vector<1x16xf32>,
      %get3A_1150 = arith.constant 7 : i32
      %get3A_1151 = arith.constant 0 : i32
      %get3A_1152 = arith.constant 0 : i32
      %get3A_1153 = tpu.memref_slice %arg6[%scan3A_422, %get3A_1151, %get3A_1152] : memref<2x16x1024xf32, #tpu.memory_space<vmem>> -> memref<1x16x1024xf32, #tpu.memory_space<vmem>>
      %get3A_1154 = tpu.memref_squeeze %get3A_1153 : memref<1x16x1024xf32, #tpu.memory_space<vmem>> -> memref<16x1024xf32, #tpu.memory_space<vmem>>
      %get3A_1155 = arith.index_cast %get3A_1150 : i32 to index
      %get3A_1156 = arith.index_cast %mul3A_1037 : i32 to index
      %get3A_1157 = tpu.vector_load %get3A_1154[%get3A_1155, %get3A_1156] {strides = array<i32>} : memref<16x1024xf32, #tpu.memory_space<vmem>>, vector<1x16xf32>,
      %get3A_1158 = vector.shape_cast %get3A_1157 : vector<1x16xf32> to vector<16xf32>
      %mul3A_1159 = arith.mulf %get3A_1158, %broadcast_in_dim3A_465 : vector<16xf32>
      %swap3A_1160 = arith.constant 0 : i32
      %swap3A_1161 = arith.index_cast %swap3A_1160 : i32 to index
      %swap3A_1162 = arith.index_cast %mul3A_1037 : i32 to index
      %swap3A_1163 = tpu.vector_load %arg8[%swap3A_1161, %swap3A_1162] {strides = array<i32>} : memref<1x1024xf32, #tpu.memory_space<vmem>>, vector<1x16xf32>,
      %swap3A_1164 = vector.shape_cast %swap3A_1163 : vector<1x16xf32> to vector<16xf32>
      %swap3A_1165 = vector.shape_cast %mul3A_1159 : vector<16xf32> to vector<1x16xf32>
      tpu.vector_store %arg8[%swap3A_1161, %swap3A_1162], %swap3A_1165 {add = true, strides = array<i32>} : memref<1x1024xf32, #tpu.memory_space<vmem>>, vector<1x16xf32>,
      %get3A_1166 = arith.constant 8 : i32
      %get3A_1167 = arith.constant 0 : i32
      %get3A_1168 = arith.constant 0 : i32
      %get3A_1169 = tpu.memref_slice %arg6[%scan3A_422, %get3A_1167, %get3A_1168] : memref<2x16x1024xf32, #tpu.memory_space<vmem>> -> memref<1x16x1024xf32, #tpu.memory_space<vmem>>
      %get3A_1170 = tpu.memref_squeeze %get3A_1169 : memref<1x16x1024xf32, #tpu.memory_space<vmem>> -> memref<16x1024xf32, #tpu.memory_space<vmem>>
      %get3A_1171 = arith.index_cast %get3A_1166 : i32 to index
      %get3A_1172 = arith.index_cast %mul3A_1037 : i32 to index
      %get3A_1173 = tpu.vector_load %get3A_1170[%get3A_1171, %get3A_1172] {strides = array<i32>} : memref<16x1024xf32, #tpu.memory_space<vmem>>, vector<1x16xf32>,
      %get3A_1174 = vector.shape_cast %get3A_1173 : vector<1x16xf32> to vector<16xf32>
      %mul3A_1175 = arith.mulf %get3A_1174, %broadcast_in_dim3A_468 : vector<16xf32>
      %swap3A_1176 = arith.constant 0 : i32
      %swap3A_1177 = arith.index_cast %swap3A_1176 : i32 to index
      %swap3A_1178 = arith.index_cast %mul3A_1037 : i32 to index
      %swap3A_1179 = tpu.vector_load %arg8[%swap3A_1177, %swap3A_1178] {strides = array<i32>} : memref<1x1024xf32, #tpu.memory_space<vmem>>, vector<1x16xf32>,
      %swap3A_1180 = vector.shape_cast %swap3A_1179 : vector<1x16xf32> to vector<16xf32>
      %swap3A_1181 = vector.shape_cast %mul3A_1175 : vector<16xf32> to vector<1x16xf32>
      tpu.vector_store %arg8[%swap3A_1177, %swap3A_1178], %swap3A_1181 {add = true, strides = array<i32>} : memref<1x1024xf32, #tpu.memory_space<vmem>>, vector<1x16xf32>,
      %get3A_1182 = arith.constant 9 : i32
      %get3A_1183 = arith.constant 0 : i32
      %get3A_1184 = arith.constant 0 : i32
      %get3A_1185 = tpu.memref_slice %arg6[%scan3A_422, %get3A_1183, %get3A_1184] : memref<2x16x1024xf32, #tpu.memory_space<vmem>> -> memref<1x16x1024xf32, #tpu.memory_space<vmem>>
      %get3A_1186 = tpu.memref_squeeze %get3A_1185 : memref<1x16x1024xf32, #tpu.memory_space<vmem>> -> memref<16x1024xf32, #tpu.memory_space<vmem>>
      %get3A_1187 = arith.index_cast %get3A_1182 : i32 to index
      %get3A_1188 = arith.index_cast %mul3A_1037 : i32 to index
      %get3A_1189 = tpu.vector_load %get3A_1186[%get3A_1187, %get3A_1188] {strides = array<i32>} : memref<16x1024xf32, #tpu.memory_space<vmem>>, vector<1x16xf32>,
      %get3A_1190 = vector.shape_cast %get3A_1189 : vector<1x16xf32> to vector<16xf32>
      %mul3A_1191 = arith.mulf %get3A_1190, %broadcast_in_dim3A_471 : vector<16xf32>
      %swap3A_1192 = arith.constant 0 : i32
      %swap3A_1193 = arith.index_cast %swap3A_1192 : i32 to index
      %swap3A_1194 = arith.index_cast %mul3A_1037 : i32 to index
      %swap3A_1195 = tpu.vector_load %arg8[%swap3A_1193, %swap3A_1194] {strides = array<i32>} : memref<1x1024xf32, #tpu.memory_space<vmem>>, vector<1x16xf32>,
      %swap3A_1196 = vector.shape_cast %swap3A_1195 : vector<1x16xf32> to vector<16xf32>
      %swap3A_1197 = vector.shape_cast %mul3A_1191 : vector<16xf32> to vector<1x16xf32>
      tpu.vector_store %arg8[%swap3A_1193, %swap3A_1194], %swap3A_1197 {add = true, strides = array<i32>} : memref<1x1024xf32, #tpu.memory_space<vmem>>, vector<1x16xf32>,
      %get3A_1198 = arith.constant 10 : i32
      %get3A_1199 = arith.constant 0 : i32
      %get3A_1200 = arith.constant 0 : i32
      %get3A_1201 = tpu.memref_slice %arg6[%scan3A_422, %get3A_1199, %get3A_1200] : memref<2x16x1024xf32, #tpu.memory_space<vmem>> -> memref<1x16x1024xf32, #tpu.memory_space<vmem>>
      %get3A_1202 = tpu.memref_squeeze %get3A_1201 : memref<1x16x1024xf32, #tpu.memory_space<vmem>> -> memref<16x1024xf32, #tpu.memory_space<vmem>>
      %get3A_1203 = arith.index_cast %get3A_1198 : i32 to index
      %get3A_1204 = arith.index_cast %mul3A_1037 : i32 to index
      %get3A_1205 = tpu.vector_load %get3A_1202[%get3A_1203, %get3A_1204] {strides = array<i32>} : memref<16x1024xf32, #tpu.memory_space<vmem>>, vector<1x16xf32>,
      %get3A_1206 = vector.shape_cast %get3A_1205 : vector<1x16xf32> to vector<16xf32>
      %mul3A_1207 = arith.mulf %get3A_1206, %broadcast_in_dim3A_474 : vector<16xf32>
      %swap3A_1208 = arith.constant 0 : i32
      %swap3A_1209 = arith.index_cast %swap3A_1208 : i32 to index
      %swap3A_1210 = arith.index_cast %mul3A_1037 : i32 to index
      %swap3A_1211 = tpu.vector_load %arg8[%swap3A_1209, %swap3A_1210] {strides = array<i32>} : memref<1x1024xf32, #tpu.memory_space<vmem>>, vector<1x16xf32>,
      %swap3A_1212 = vector.shape_cast %swap3A_1211 : vector<1x16xf32> to vector<16xf32>
      %swap3A_1213 = vector.shape_cast %mul3A_1207 : vector<16xf32> to vector<1x16xf32>
      tpu.vector_store %arg8[%swap3A_1209, %swap3A_1210], %swap3A_1213 {add = true, strides = array<i32>} : memref<1x1024xf32, #tpu.memory_space<vmem>>, vector<1x16xf32>,
      %get3A_1214 = arith.constant 11 : i32
      %get3A_1215 = arith.constant 0 : i32
      %get3A_1216 = arith.constant 0 : i32
      %get3A_1217 = tpu.memref_slice %arg6[%scan3A_422, %get3A_1215, %get3A_1216] : memref<2x16x1024xf32, #tpu.memory_space<vmem>> -> memref<1x16x1024xf32, #tpu.memory_space<vmem>>
      %get3A_1218 = tpu.memref_squeeze %get3A_1217 : memref<1x16x1024xf32, #tpu.memory_space<vmem>> -> memref<16x1024xf32, #tpu.memory_space<vmem>>
      %get3A_1219 = arith.index_cast %get3A_1214 : i32 to index
      %get3A_1220 = arith.index_cast %mul3A_1037 : i32 to index
      %get3A_1221 = tpu.vector_load %get3A_1218[%get3A_1219, %get3A_1220] {strides = array<i32>} : memref<16x1024xf32, #tpu.memory_space<vmem>>, vector<1x16xf32>,
      %get3A_1222 = vector.shape_cast %get3A_1221 : vector<1x16xf32> to vector<16xf32>
      %mul3A_1223 = arith.mulf %get3A_1222, %broadcast_in_dim3A_477 : vector<16xf32>
      %swap3A_1224 = arith.constant 0 : i32
      %swap3A_1225 = arith.index_cast %swap3A_1224 : i32 to index
      %swap3A_1226 = arith.index_cast %mul3A_1037 : i32 to index
      %swap3A_1227 = tpu.vector_load %arg8[%swap3A_1225, %swap3A_1226] {strides = array<i32>} : memref<1x1024xf32, #tpu.memory_space<vmem>>, vector<1x16xf32>,
      %swap3A_1228 = vector.shape_cast %swap3A_1227 : vector<1x16xf32> to vector<16xf32>
      %swap3A_1229 = vector.shape_cast %mul3A_1223 : vector<16xf32> to vector<1x16xf32>
      tpu.vector_store %arg8[%swap3A_1225, %swap3A_1226], %swap3A_1229 {add = true, strides = array<i32>} : memref<1x1024xf32, #tpu.memory_space<vmem>>, vector<1x16xf32>,
      %get3A_1230 = arith.constant 12 : i32
      %get3A_1231 = arith.constant 0 : i32
      %get3A_1232 = arith.constant 0 : i32
      %get3A_1233 = tpu.memref_slice %arg6[%scan3A_422, %get3A_1231, %get3A_1232] : memref<2x16x1024xf32, #tpu.memory_space<vmem>> -> memref<1x16x1024xf32, #tpu.memory_space<vmem>>
      %get3A_1234 = tpu.memref_squeeze %get3A_1233 : memref<1x16x1024xf32, #tpu.memory_space<vmem>> -> memref<16x1024xf32, #tpu.memory_space<vmem>>
      %get3A_1235 = arith.index_cast %get3A_1230 : i32 to index
      %get3A_1236 = arith.index_cast %mul3A_1037 : i32 to index
      %get3A_1237 = tpu.vector_load %get3A_1234[%get3A_1235, %get3A_1236] {strides = array<i32>} : memref<16x1024xf32, #tpu.memory_space<vmem>>, vector<1x16xf32>,
      %get3A_1238 = vector.shape_cast %get3A_1237 : vector<1x16xf32> to vector<16xf32>
      %mul3A_1239 = arith.mulf %get3A_1238, %broadcast_in_dim3A_480 : vector<16xf32>
      %swap3A_1240 = arith.constant 0 : i32
      %swap3A_1241 = arith.index_cast %swap3A_1240 : i32 to index
      %swap3A_1242 = arith.index_cast %mul3A_1037 : i32 to index
      %swap3A_1243 = tpu.vector_load %arg8[%swap3A_1241, %swap3A_1242] {strides = array<i32>} : memref<1x1024xf32, #tpu.memory_space<vmem>>, vector<1x16xf32>,
      %swap3A_1244 = vector.shape_cast %swap3A_1243 : vector<1x16xf32> to vector<16xf32>
      %swap3A_1245 = vector.shape_cast %mul3A_1239 : vector<16xf32> to vector<1x16xf32>
      tpu.vector_store %arg8[%swap3A_1241, %swap3A_1242], %swap3A_1245 {add = true, strides = array<i32>} : memref<1x1024xf32, #tpu.memory_space<vmem>>, vector<1x16xf32>,
      %get3A_1246 = arith.constant 13 : i32
      %get3A_1247 = arith.constant 0 : i32
      %get3A_1248 = arith.constant 0 : i32
      %get3A_1249 = tpu.memref_slice %arg6[%scan3A_422, %get3A_1247, %get3A_1248] : memref<2x16x1024xf32, #tpu.memory_space<vmem>> -> memref<1x16x1024xf32, #tpu.memory_space<vmem>>
      %get3A_1250 = tpu.memref_squeeze %get3A_1249 : memref<1x16x1024xf32, #tpu.memory_space<vmem>> -> memref<16x1024xf32, #tpu.memory_space<vmem>>
      %get3A_1251 = arith.index_cast %get3A_1246 : i32 to index
      %get3A_1252 = arith.index_cast %mul3A_1037 : i32 to index
      %get3A_1253 = tpu.vector_load %get3A_1250[%get3A_1251, %get3A_1252] {strides = array<i32>} : memref<16x1024xf32, #tpu.memory_space<vmem>>, vector<1x16xf32>,
      %get3A_1254 = vector.shape_cast %get3A_1253 : vector<1x16xf32> to vector<16xf32>
      %mul3A_1255 = arith.mulf %get3A_1254, %broadcast_in_dim3A_483 : vector<16xf32>
      %swap3A_1256 = arith.constant 0 : i32
      %swap3A_1257 = arith.index_cast %swap3A_1256 : i32 to index
      %swap3A_1258 = arith.index_cast %mul3A_1037 : i32 to index
      %swap3A_1259 = tpu.vector_load %arg8[%swap3A_1257, %swap3A_1258] {strides = array<i32>} : memref<1x1024xf32, #tpu.memory_space<vmem>>, vector<1x16xf32>,
      %swap3A_1260 = vector.shape_cast %swap3A_1259 : vector<1x16xf32> to vector<16xf32>
      %swap3A_1261 = vector.shape_cast %mul3A_1255 : vector<16xf32> to vector<1x16xf32>
      tpu.vector_store %arg8[%swap3A_1257, %swap3A_1258], %swap3A_1261 {add = true, strides = array<i32>} : memref<1x1024xf32, #tpu.memory_space<vmem>>, vector<1x16xf32>,
      %get3A_1262 = arith.constant 14 : i32
      %get3A_1263 = arith.constant 0 : i32
      %get3A_1264 = arith.constant 0 : i32
      %get3A_1265 = tpu.memref_slice %arg6[%scan3A_422, %get3A_1263, %get3A_1264] : memref<2x16x1024xf32, #tpu.memory_space<vmem>> -> memref<1x16x1024xf32, #tpu.memory_space<vmem>>
      %get3A_1266 = tpu.memref_squeeze %get3A_1265 : memref<1x16x1024xf32, #tpu.memory_space<vmem>> -> memref<16x1024xf32, #tpu.memory_space<vmem>>
      %get3A_1267 = arith.index_cast %get3A_1262 : i32 to index
      %get3A_1268 = arith.index_cast %mul3A_1037 : i32 to index
      %get3A_1269 = tpu.vector_load %get3A_1266[%get3A_1267, %get3A_1268] {strides = array<i32>} : memref<16x1024xf32, #tpu.memory_space<vmem>>, vector<1x16xf32>,
      %get3A_1270 = vector.shape_cast %get3A_1269 : vector<1x16xf32> to vector<16xf32>
      %mul3A_1271 = arith.mulf %get3A_1270, %broadcast_in_dim3A_486 : vector<16xf32>
      %swap3A_1272 = arith.constant 0 : i32
      %swap3A_1273 = arith.index_cast %swap3A_1272 : i32 to index
      %swap3A_1274 = arith.index_cast %mul3A_1037 : i32 to index
      %swap3A_1275 = tpu.vector_load %arg8[%swap3A_1273, %swap3A_1274] {strides = array<i32>} : memref<1x1024xf32, #tpu.memory_space<vmem>>, vector<1x16xf32>,
      %swap3A_1276 = vector.shape_cast %swap3A_1275 : vector<1x16xf32> to vector<16xf32>
      %swap3A_1277 = vector.shape_cast %mul3A_1271 : vector<16xf32> to vector<1x16xf32>
      tpu.vector_store %arg8[%swap3A_1273, %swap3A_1274], %swap3A_1277 {add = true, strides = array<i32>} : memref<1x1024xf32, #tpu.memory_space<vmem>>, vector<1x16xf32>,
      %get3A_1278 = arith.constant 15 : i32
      %get3A_1279 = arith.constant 0 : i32
      %get3A_1280 = arith.constant 0 : i32
      %get3A_1281 = tpu.memref_slice %arg6[%scan3A_422, %get3A_1279, %get3A_1280] : memref<2x16x1024xf32, #tpu.memory_space<vmem>> -> memref<1x16x1024xf32, #tpu.memory_space<vmem>>
      %get3A_1282 = tpu.memref_squeeze %get3A_1281 : memref<1x16x1024xf32, #tpu.memory_space<vmem>> -> memref<16x1024xf32, #tpu.memory_space<vmem>>
      %get3A_1283 = arith.index_cast %get3A_1278 : i32 to index
      %get3A_1284 = arith.index_cast %mul3A_1037 : i32 to index
      %get3A_1285 = tpu.vector_load %get3A_1282[%get3A_1283, %get3A_1284] {strides = array<i32>} : memref<16x1024xf32, #tpu.memory_space<vmem>>, vector<1x16xf32>,
      %get3A_1286 = vector.shape_cast %get3A_1285 : vector<1x16xf32> to vector<16xf32>
      %mul3A_1287 = arith.mulf %get3A_1286, %broadcast_in_dim3A_489 : vector<16xf32>
      %swap3A_1288 = arith.constant 0 : i32
      %swap3A_1289 = arith.index_cast %swap3A_1288 : i32 to index
      %swap3A_1290 = arith.index_cast %mul3A_1037 : i32 to index
      %swap3A_1291 = tpu.vector_load %arg8[%swap3A_1289, %swap3A_1290] {strides = array<i32>} : memref<1x1024xf32, #tpu.memory_space<vmem>>, vector<1x16xf32>,
      %swap3A_1292 = vector.shape_cast %swap3A_1291 : vector<1x16xf32> to vector<16xf32>
      %swap3A_1293 = vector.shape_cast %mul3A_1287 : vector<16xf32> to vector<1x16xf32>
      tpu.vector_store %arg8[%swap3A_1289, %swap3A_1290], %swap3A_1293 {add = true, strides = array<i32>} : memref<1x1024xf32, #tpu.memory_space<vmem>>, vector<1x16xf32>,
      %scan3A_1294 = arith.constant 2 : i32
      %scan3A_1295 = arith.addi %scan3A_775, %scan3A_1294 : i32
      %mul3A_1296 = arith.constant 16 : i32
      %mul3A_1297 = arith.muli %scan3A_1295, %mul3A_1296 : i32
      %get3A_1298 = arith.constant 0 : i32
      %get3A_1299 = arith.constant 0 : i32
      %get3A_1300 = arith.constant 0 : i32
      %get3A_1301 = tpu.memref_slice %arg6[%scan3A_422, %get3A_1299, %get3A_1300] : memref<2x16x1024xf32, #tpu.memory_space<vmem>> -> memref<1x16x1024xf32, #tpu.memory_space<vmem>>
      %get3A_1302 = tpu.memref_squeeze %get3A_1301 : memref<1x16x1024xf32, #tpu.memory_space<vmem>> -> memref<16x1024xf32, #tpu.memory_space<vmem>>
      %get3A_1303 = arith.index_cast %get3A_1298 : i32 to index
      %get3A_1304 = arith.index_cast %mul3A_1297 : i32 to index
      %get3A_1305 = tpu.vector_load %get3A_1302[%get3A_1303, %get3A_1304] {strides = array<i32>} : memref<16x1024xf32, #tpu.memory_space<vmem>>, vector<1x16xf32>,
      %get3A_1306 = vector.shape_cast %get3A_1305 : vector<1x16xf32> to vector<16xf32>
      %mul3A_1307 = arith.mulf %get3A_1306, %broadcast_in_dim3A_444 : vector<16xf32>
      %swap3A_1308 = arith.constant 0 : i32
      %swap3A_1309 = arith.index_cast %swap3A_1308 : i32 to index
      %swap3A_1310 = arith.index_cast %mul3A_1297 : i32 to index
      %swap3A_1311 = tpu.vector_load %arg8[%swap3A_1309, %swap3A_1310] {strides = array<i32>} : memref<1x1024xf32, #tpu.memory_space<vmem>>, vector<1x16xf32>,
      %swap3A_1312 = vector.shape_cast %swap3A_1311 : vector<1x16xf32> to vector<16xf32>
      %swap3A_1313 = vector.shape_cast %mul3A_1307 : vector<16xf32> to vector<1x16xf32>
      tpu.vector_store %arg8[%swap3A_1309, %swap3A_1310], %swap3A_1313 {add = true, strides = array<i32>} : memref<1x1024xf32, #tpu.memory_space<vmem>>, vector<1x16xf32>,
      %get3A_1314 = arith.constant 1 : i32
      %get3A_1315 = arith.constant 0 : i32
      %get3A_1316 = arith.constant 0 : i32
      %get3A_1317 = tpu.memref_slice %arg6[%scan3A_422, %get3A_1315, %get3A_1316] : memref<2x16x1024xf32, #tpu.memory_space<vmem>> -> memref<1x16x1024xf32, #tpu.memory_space<vmem>>
      %get3A_1318 = tpu.memref_squeeze %get3A_1317 : memref<1x16x1024xf32, #tpu.memory_space<vmem>> -> memref<16x1024xf32, #tpu.memory_space<vmem>>
      %get3A_1319 = arith.index_cast %get3A_1314 : i32 to index
      %get3A_1320 = arith.index_cast %mul3A_1297 : i32 to index
      %get3A_1321 = tpu.vector_load %get3A_1318[%get3A_1319, %get3A_1320] {strides = array<i32>} : memref<16x1024xf32, #tpu.memory_space<vmem>>, vector<1x16xf32>,
      %get3A_1322 = vector.shape_cast %get3A_1321 : vector<1x16xf32> to vector<16xf32>
      %mul3A_1323 = arith.mulf %get3A_1322, %broadcast_in_dim3A_447 : vector<16xf32>
      %swap3A_1324 = arith.constant 0 : i32
      %swap3A_1325 = arith.index_cast %swap3A_1324 : i32 to index
      %swap3A_1326 = arith.index_cast %mul3A_1297 : i32 to index
      %swap3A_1327 = tpu.vector_load %arg8[%swap3A_1325, %swap3A_1326] {strides = array<i32>} : memref<1x1024xf32, #tpu.memory_space<vmem>>, vector<1x16xf32>,
      %swap3A_1328 = vector.shape_cast %swap3A_1327 : vector<1x16xf32> to vector<16xf32>
      %swap3A_1329 = vector.shape_cast %mul3A_1323 : vector<16xf32> to vector<1x16xf32>
      tpu.vector_store %arg8[%swap3A_1325, %swap3A_1326], %swap3A_1329 {add = true, strides = array<i32>} : memref<1x1024xf32, #tpu.memory_space<vmem>>, vector<1x16xf32>,
      %get3A_1330 = arith.constant 2 : i32
      %get3A_1331 = arith.constant 0 : i32
      %get3A_1332 = arith.constant 0 : i32
      %get3A_1333 = tpu.memref_slice %arg6[%scan3A_422, %get3A_1331, %get3A_1332] : memref<2x16x1024xf32, #tpu.memory_space<vmem>> -> memref<1x16x1024xf32, #tpu.memory_space<vmem>>
      %get3A_1334 = tpu.memref_squeeze %get3A_1333 : memref<1x16x1024xf32, #tpu.memory_space<vmem>> -> memref<16x1024xf32, #tpu.memory_space<vmem>>
      %get3A_1335 = arith.index_cast %get3A_1330 : i32 to index
      %get3A_1336 = arith.index_cast %mul3A_1297 : i32 to index
      %get3A_1337 = tpu.vector_load %get3A_1334[%get3A_1335, %get3A_1336] {strides = array<i32>} : memref<16x1024xf32, #tpu.memory_space<vmem>>, vector<1x16xf32>,
      %get3A_1338 = vector.shape_cast %get3A_1337 : vector<1x16xf32> to vector<16xf32>
      %mul3A_1339 = arith.mulf %get3A_1338, %broadcast_in_dim3A_450 : vector<16xf32>
      %swap3A_1340 = arith.constant 0 : i32
      %swap3A_1341 = arith.index_cast %swap3A_1340 : i32 to index
      %swap3A_1342 = arith.index_cast %mul3A_1297 : i32 to index
      %swap3A_1343 = tpu.vector_load %arg8[%swap3A_1341, %swap3A_1342] {strides = array<i32>} : memref<1x1024xf32, #tpu.memory_space<vmem>>, vector<1x16xf32>,
      %swap3A_1344 = vector.shape_cast %swap3A_1343 : vector<1x16xf32> to vector<16xf32>
      %swap3A_1345 = vector.shape_cast %mul3A_1339 : vector<16xf32> to vector<1x16xf32>
      tpu.vector_store %arg8[%swap3A_1341, %swap3A_1342], %swap3A_1345 {add = true, strides = array<i32>} : memref<1x1024xf32, #tpu.memory_space<vmem>>, vector<1x16xf32>,
      %get3A_1346 = arith.constant 3 : i32
      %get3A_1347 = arith.constant 0 : i32
      %get3A_1348 = arith.constant 0 : i32
      %get3A_1349 = tpu.memref_slice %arg6[%scan3A_422, %get3A_1347, %get3A_1348] : memref<2x16x1024xf32, #tpu.memory_space<vmem>> -> memref<1x16x1024xf32, #tpu.memory_space<vmem>>
      %get3A_1350 = tpu.memref_squeeze %get3A_1349 : memref<1x16x1024xf32, #tpu.memory_space<vmem>> -> memref<16x1024xf32, #tpu.memory_space<vmem>>
      %get3A_1351 = arith.index_cast %get3A_1346 : i32 to index
      %get3A_1352 = arith.index_cast %mul3A_1297 : i32 to index
      %get3A_1353 = tpu.vector_load %get3A_1350[%get3A_1351, %get3A_1352] {strides = array<i32>} : memref<16x1024xf32, #tpu.memory_space<vmem>>, vector<1x16xf32>,
      %get3A_1354 = vector.shape_cast %get3A_1353 : vector<1x16xf32> to vector<16xf32>
      %mul3A_1355 = arith.mulf %get3A_1354, %broadcast_in_dim3A_453 : vector<16xf32>
      %swap3A_1356 = arith.constant 0 : i32
      %swap3A_1357 = arith.index_cast %swap3A_1356 : i32 to index
      %swap3A_1358 = arith.index_cast %mul3A_1297 : i32 to index
      %swap3A_1359 = tpu.vector_load %arg8[%swap3A_1357, %swap3A_1358] {strides = array<i32>} : memref<1x1024xf32, #tpu.memory_space<vmem>>, vector<1x16xf32>,
      %swap3A_1360 = vector.shape_cast %swap3A_1359 : vector<1x16xf32> to vector<16xf32>
      %swap3A_1361 = vector.shape_cast %mul3A_1355 : vector<16xf32> to vector<1x16xf32>
      tpu.vector_store %arg8[%swap3A_1357, %swap3A_1358], %swap3A_1361 {add = true, strides = array<i32>} : memref<1x1024xf32, #tpu.memory_space<vmem>>, vector<1x16xf32>,
      %get3A_1362 = arith.constant 4 : i32
      %get3A_1363 = arith.constant 0 : i32
      %get3A_1364 = arith.constant 0 : i32
      %get3A_1365 = tpu.memref_slice %arg6[%scan3A_422, %get3A_1363, %get3A_1364] : memref<2x16x1024xf32, #tpu.memory_space<vmem>> -> memref<1x16x1024xf32, #tpu.memory_space<vmem>>
      %get3A_1366 = tpu.memref_squeeze %get3A_1365 : memref<1x16x1024xf32, #tpu.memory_space<vmem>> -> memref<16x1024xf32, #tpu.memory_space<vmem>>
      %get3A_1367 = arith.index_cast %get3A_1362 : i32 to index
      %get3A_1368 = arith.index_cast %mul3A_1297 : i32 to index
      %get3A_1369 = tpu.vector_load %get3A_1366[%get3A_1367, %get3A_1368] {strides = array<i32>} : memref<16x1024xf32, #tpu.memory_space<vmem>>, vector<1x16xf32>,
      %get3A_1370 = vector.shape_cast %get3A_1369 : vector<1x16xf32> to vector<16xf32>
      %mul3A_1371 = arith.mulf %get3A_1370, %broadcast_in_dim3A_456 : vector<16xf32>
      %swap3A_1372 = arith.constant 0 : i32
      %swap3A_1373 = arith.index_cast %swap3A_1372 : i32 to index
      %swap3A_1374 = arith.index_cast %mul3A_1297 : i32 to index
      %swap3A_1375 = tpu.vector_load %arg8[%swap3A_1373, %swap3A_1374] {strides = array<i32>} : memref<1x1024xf32, #tpu.memory_space<vmem>>, vector<1x16xf32>,
      %swap3A_1376 = vector.shape_cast %swap3A_1375 : vector<1x16xf32> to vector<16xf32>
      %swap3A_1377 = vector.shape_cast %mul3A_1371 : vector<16xf32> to vector<1x16xf32>
      tpu.vector_store %arg8[%swap3A_1373, %swap3A_1374], %swap3A_1377 {add = true, strides = array<i32>} : memref<1x1024xf32, #tpu.memory_space<vmem>>, vector<1x16xf32>,
      %get3A_1378 = arith.constant 5 : i32
      %get3A_1379 = arith.constant 0 : i32
      %get3A_1380 = arith.constant 0 : i32
      %get3A_1381 = tpu.memref_slice %arg6[%scan3A_422, %get3A_1379, %get3A_1380] : memref<2x16x1024xf32, #tpu.memory_space<vmem>> -> memref<1x16x1024xf32, #tpu.memory_space<vmem>>
      %get3A_1382 = tpu.memref_squeeze %get3A_1381 : memref<1x16x1024xf32, #tpu.memory_space<vmem>> -> memref<16x1024xf32, #tpu.memory_space<vmem>>
      %get3A_1383 = arith.index_cast %get3A_1378 : i32 to index
      %get3A_1384 = arith.index_cast %mul3A_1297 : i32 to index
      %get3A_1385 = tpu.vector_load %get3A_1382[%get3A_1383, %get3A_1384] {strides = array<i32>} : memref<16x1024xf32, #tpu.memory_space<vmem>>, vector<1x16xf32>,
      %get3A_1386 = vector.shape_cast %get3A_1385 : vector<1x16xf32> to vector<16xf32>
      %mul3A_1387 = arith.mulf %get3A_1386, %broadcast_in_dim3A_459 : vector<16xf32>
      %swap3A_1388 = arith.constant 0 : i32
      %swap3A_1389 = arith.index_cast %swap3A_1388 : i32 to index
      %swap3A_1390 = arith.index_cast %mul3A_1297 : i32 to index
      %swap3A_1391 = tpu.vector_load %arg8[%swap3A_1389, %swap3A_1390] {strides = array<i32>} : memref<1x1024xf32, #tpu.memory_space<vmem>>, vector<1x16xf32>,
      %swap3A_1392 = vector.shape_cast %swap3A_1391 : vector<1x16xf32> to vector<16xf32>
      %swap3A_1393 = vector.shape_cast %mul3A_1387 : vector<16xf32> to vector<1x16xf32>
      tpu.vector_store %arg8[%swap3A_1389, %swap3A_1390], %swap3A_1393 {add = true, strides = array<i32>} : memref<1x1024xf32, #tpu.memory_space<vmem>>, vector<1x16xf32>,
      %get3A_1394 = arith.constant 6 : i32
      %get3A_1395 = arith.constant 0 : i32
      %get3A_1396 = arith.constant 0 : i32
      %get3A_1397 = tpu.memref_slice %arg6[%scan3A_422, %get3A_1395, %get3A_1396] : memref<2x16x1024xf32, #tpu.memory_space<vmem>> -> memref<1x16x1024xf32, #tpu.memory_space<vmem>>
      %get3A_1398 = tpu.memref_squeeze %get3A_1397 : memref<1x16x1024xf32, #tpu.memory_space<vmem>> -> memref<16x1024xf32, #tpu.memory_space<vmem>>
      %get3A_1399 = arith.index_cast %get3A_1394 : i32 to index
      %get3A_1400 = arith.index_cast %mul3A_1297 : i32 to index
      %get3A_1401 = tpu.vector_load %get3A_1398[%get3A_1399, %get3A_1400] {strides = array<i32>} : memref<16x1024xf32, #tpu.memory_space<vmem>>, vector<1x16xf32>,
      %get3A_1402 = vector.shape_cast %get3A_1401 : vector<1x16xf32> to vector<16xf32>
      %mul3A_1403 = arith.mulf %get3A_1402, %broadcast_in_dim3A_462 : vector<16xf32>
      %swap3A_1404 = arith.constant 0 : i32
      %swap3A_1405 = arith.index_cast %swap3A_1404 : i32 to index
      %swap3A_1406 = arith.index_cast %mul3A_1297 : i32 to index
      %swap3A_1407 = tpu.vector_load %arg8[%swap3A_1405, %swap3A_1406] {strides = array<i32>} : memref<1x1024xf32, #tpu.memory_space<vmem>>, vector<1x16xf32>,
      %swap3A_1408 = vector.shape_cast %swap3A_1407 : vector<1x16xf32> to vector<16xf32>
      %swap3A_1409 = vector.shape_cast %mul3A_1403 : vector<16xf32> to vector<1x16xf32>
      tpu.vector_store %arg8[%swap3A_1405, %swap3A_1406], %swap3A_1409 {add = true, strides = array<i32>} : memref<1x1024xf32, #tpu.memory_space<vmem>>, vector<1x16xf32>,
      %get3A_1410 = arith.constant 7 : i32
      %get3A_1411 = arith.constant 0 : i32
      %get3A_1412 = arith.constant 0 : i32
      %get3A_1413 = tpu.memref_slice %arg6[%scan3A_422, %get3A_1411, %get3A_1412] : memref<2x16x1024xf32, #tpu.memory_space<vmem>> -> memref<1x16x1024xf32, #tpu.memory_space<vmem>>
      %get3A_1414 = tpu.memref_squeeze %get3A_1413 : memref<1x16x1024xf32, #tpu.memory_space<vmem>> -> memref<16x1024xf32, #tpu.memory_space<vmem>>
      %get3A_1415 = arith.index_cast %get3A_1410 : i32 to index
      %get3A_1416 = arith.index_cast %mul3A_1297 : i32 to index
      %get3A_1417 = tpu.vector_load %get3A_1414[%get3A_1415, %get3A_1416] {strides = array<i32>} : memref<16x1024xf32, #tpu.memory_space<vmem>>, vector<1x16xf32>,
      %get3A_1418 = vector.shape_cast %get3A_1417 : vector<1x16xf32> to vector<16xf32>
      %mul3A_1419 = arith.mulf %get3A_1418, %broadcast_in_dim3A_465 : vector<16xf32>
      %swap3A_1420 = arith.constant 0 : i32
      %swap3A_1421 = arith.index_cast %swap3A_1420 : i32 to index
      %swap3A_1422 = arith.index_cast %mul3A_1297 : i32 to index
      %swap3A_1423 = tpu.vector_load %arg8[%swap3A_1421, %swap3A_1422] {strides = array<i32>} : memref<1x1024xf32, #tpu.memory_space<vmem>>, vector<1x16xf32>,
      %swap3A_1424 = vector.shape_cast %swap3A_1423 : vector<1x16xf32> to vector<16xf32>
      %swap3A_1425 = vector.shape_cast %mul3A_1419 : vector<16xf32> to vector<1x16xf32>
      tpu.vector_store %arg8[%swap3A_1421, %swap3A_1422], %swap3A_1425 {add = true, strides = array<i32>} : memref<1x1024xf32, #tpu.memory_space<vmem>>, vector<1x16xf32>,
      %get3A_1426 = arith.constant 8 : i32
      %get3A_1427 = arith.constant 0 : i32
      %get3A_1428 = arith.constant 0 : i32
      %get3A_1429 = tpu.memref_slice %arg6[%scan3A_422, %get3A_1427, %get3A_1428] : memref<2x16x1024xf32, #tpu.memory_space<vmem>> -> memref<1x16x1024xf32, #tpu.memory_space<vmem>>
      %get3A_1430 = tpu.memref_squeeze %get3A_1429 : memref<1x16x1024xf32, #tpu.memory_space<vmem>> -> memref<16x1024xf32, #tpu.memory_space<vmem>>
      %get3A_1431 = arith.index_cast %get3A_1426 : i32 to index
      %get3A_1432 = arith.index_cast %mul3A_1297 : i32 to index
      %get3A_1433 = tpu.vector_load %get3A_1430[%get3A_1431, %get3A_1432] {strides = array<i32>} : memref<16x1024xf32, #tpu.memory_space<vmem>>, vector<1x16xf32>,
      %get3A_1434 = vector.shape_cast %get3A_1433 : vector<1x16xf32> to vector<16xf32>
      %mul3A_1435 = arith.mulf %get3A_1434, %broadcast_in_dim3A_468 : vector<16xf32>
      %swap3A_1436 = arith.constant 0 : i32
      %swap3A_1437 = arith.index_cast %swap3A_1436 : i32 to index
      %swap3A_1438 = arith.index_cast %mul3A_1297 : i32 to index
      %swap3A_1439 = tpu.vector_load %arg8[%swap3A_1437, %swap3A_1438] {strides = array<i32>} : memref<1x1024xf32, #tpu.memory_space<vmem>>, vector<1x16xf32>,
      %swap3A_1440 = vector.shape_cast %swap3A_1439 : vector<1x16xf32> to vector<16xf32>
      %swap3A_1441 = vector.shape_cast %mul3A_1435 : vector<16xf32> to vector<1x16xf32>
      tpu.vector_store %arg8[%swap3A_1437, %swap3A_1438], %swap3A_1441 {add = true, strides = array<i32>} : memref<1x1024xf32, #tpu.memory_space<vmem>>, vector<1x16xf32>,
      %get3A_1442 = arith.constant 9 : i32
      %get3A_1443 = arith.constant 0 : i32
      %get3A_1444 = arith.constant 0 : i32
      %get3A_1445 = tpu.memref_slice %arg6[%scan3A_422, %get3A_1443, %get3A_1444] : memref<2x16x1024xf32, #tpu.memory_space<vmem>> -> memref<1x16x1024xf32, #tpu.memory_space<vmem>>
      %get3A_1446 = tpu.memref_squeeze %get3A_1445 : memref<1x16x1024xf32, #tpu.memory_space<vmem>> -> memref<16x1024xf32, #tpu.memory_space<vmem>>
      %get3A_1447 = arith.index_cast %get3A_1442 : i32 to index
      %get3A_1448 = arith.index_cast %mul3A_1297 : i32 to index
      %get3A_1449 = tpu.vector_load %get3A_1446[%get3A_1447, %get3A_1448] {strides = array<i32>} : memref<16x1024xf32, #tpu.memory_space<vmem>>, vector<1x16xf32>,
      %get3A_1450 = vector.shape_cast %get3A_1449 : vector<1x16xf32> to vector<16xf32>
      %mul3A_1451 = arith.mulf %get3A_1450, %broadcast_in_dim3A_471 : vector<16xf32>
      %swap3A_1452 = arith.constant 0 : i32
      %swap3A_1453 = arith.index_cast %swap3A_1452 : i32 to index
      %swap3A_1454 = arith.index_cast %mul3A_1297 : i32 to index
      %swap3A_1455 = tpu.vector_load %arg8[%swap3A_1453, %swap3A_1454] {strides = array<i32>} : memref<1x1024xf32, #tpu.memory_space<vmem>>, vector<1x16xf32>,
      %swap3A_1456 = vector.shape_cast %swap3A_1455 : vector<1x16xf32> to vector<16xf32>
      %swap3A_1457 = vector.shape_cast %mul3A_1451 : vector<16xf32> to vector<1x16xf32>
      tpu.vector_store %arg8[%swap3A_1453, %swap3A_1454], %swap3A_1457 {add = true, strides = array<i32>} : memref<1x1024xf32, #tpu.memory_space<vmem>>, vector<1x16xf32>,
      %get3A_1458 = arith.constant 10 : i32
      %get3A_1459 = arith.constant 0 : i32
      %get3A_1460 = arith.constant 0 : i32
      %get3A_1461 = tpu.memref_slice %arg6[%scan3A_422, %get3A_1459, %get3A_1460] : memref<2x16x1024xf32, #tpu.memory_space<vmem>> -> memref<1x16x1024xf32, #tpu.memory_space<vmem>>
      %get3A_1462 = tpu.memref_squeeze %get3A_1461 : memref<1x16x1024xf32, #tpu.memory_space<vmem>> -> memref<16x1024xf32, #tpu.memory_space<vmem>>
      %get3A_1463 = arith.index_cast %get3A_1458 : i32 to index
      %get3A_1464 = arith.index_cast %mul3A_1297 : i32 to index
      %get3A_1465 = tpu.vector_load %get3A_1462[%get3A_1463, %get3A_1464] {strides = array<i32>} : memref<16x1024xf32, #tpu.memory_space<vmem>>, vector<1x16xf32>,
      %get3A_1466 = vector.shape_cast %get3A_1465 : vector<1x16xf32> to vector<16xf32>
      %mul3A_1467 = arith.mulf %get3A_1466, %broadcast_in_dim3A_474 : vector<16xf32>
      %swap3A_1468 = arith.constant 0 : i32
      %swap3A_1469 = arith.index_cast %swap3A_1468 : i32 to index
      %swap3A_1470 = arith.index_cast %mul3A_1297 : i32 to index
      %swap3A_1471 = tpu.vector_load %arg8[%swap3A_1469, %swap3A_1470] {strides = array<i32>} : memref<1x1024xf32, #tpu.memory_space<vmem>>, vector<1x16xf32>,
      %swap3A_1472 = vector.shape_cast %swap3A_1471 : vector<1x16xf32> to vector<16xf32>
      %swap3A_1473 = vector.shape_cast %mul3A_1467 : vector<16xf32> to vector<1x16xf32>
      tpu.vector_store %arg8[%swap3A_1469, %swap3A_1470], %swap3A_1473 {add = true, strides = array<i32>} : memref<1x1024xf32, #tpu.memory_space<vmem>>, vector<1x16xf32>,
      %get3A_1474 = arith.constant 11 : i32
      %get3A_1475 = arith.constant 0 : i32
      %get3A_1476 = arith.constant 0 : i32
      %get3A_1477 = tpu.memref_slice %arg6[%scan3A_422, %get3A_1475, %get3A_1476] : memref<2x16x1024xf32, #tpu.memory_space<vmem>> -> memref<1x16x1024xf32, #tpu.memory_space<vmem>>
      %get3A_1478 = tpu.memref_squeeze %get3A_1477 : memref<1x16x1024xf32, #tpu.memory_space<vmem>> -> memref<16x1024xf32, #tpu.memory_space<vmem>>
      %get3A_1479 = arith.index_cast %get3A_1474 : i32 to index
      %get3A_1480 = arith.index_cast %mul3A_1297 : i32 to index
      %get3A_1481 = tpu.vector_load %get3A_1478[%get3A_1479, %get3A_1480] {strides = array<i32>} : memref<16x1024xf32, #tpu.memory_space<vmem>>, vector<1x16xf32>,
      %get3A_1482 = vector.shape_cast %get3A_1481 : vector<1x16xf32> to vector<16xf32>
      %mul3A_1483 = arith.mulf %get3A_1482, %broadcast_in_dim3A_477 : vector<16xf32>
      %swap3A_1484 = arith.constant 0 : i32
      %swap3A_1485 = arith.index_cast %swap3A_1484 : i32 to index
      %swap3A_1486 = arith.index_cast %mul3A_1297 : i32 to index
      %swap3A_1487 = tpu.vector_load %arg8[%swap3A_1485, %swap3A_1486] {strides = array<i32>} : memref<1x1024xf32, #tpu.memory_space<vmem>>, vector<1x16xf32>,
      %swap3A_1488 = vector.shape_cast %swap3A_1487 : vector<1x16xf32> to vector<16xf32>
      %swap3A_1489 = vector.shape_cast %mul3A_1483 : vector<16xf32> to vector<1x16xf32>
      tpu.vector_store %arg8[%swap3A_1485, %swap3A_1486], %swap3A_1489 {add = true, strides = array<i32>} : memref<1x1024xf32, #tpu.memory_space<vmem>>, vector<1x16xf32>,
      %get3A_1490 = arith.constant 12 : i32
      %get3A_1491 = arith.constant 0 : i32
      %get3A_1492 = arith.constant 0 : i32
      %get3A_1493 = tpu.memref_slice %arg6[%scan3A_422, %get3A_1491, %get3A_1492] : memref<2x16x1024xf32, #tpu.memory_space<vmem>> -> memref<1x16x1024xf32, #tpu.memory_space<vmem>>
      %get3A_1494 = tpu.memref_squeeze %get3A_1493 : memref<1x16x1024xf32, #tpu.memory_space<vmem>> -> memref<16x1024xf32, #tpu.memory_space<vmem>>
      %get3A_1495 = arith.index_cast %get3A_1490 : i32 to index
      %get3A_1496 = arith.index_cast %mul3A_1297 : i32 to index
      %get3A_1497 = tpu.vector_load %get3A_1494[%get3A_1495, %get3A_1496] {strides = array<i32>} : memref<16x1024xf32, #tpu.memory_space<vmem>>, vector<1x16xf32>,
      %get3A_1498 = vector.shape_cast %get3A_1497 : vector<1x16xf32> to vector<16xf32>
      %mul3A_1499 = arith.mulf %get3A_1498, %broadcast_in_dim3A_480 : vector<16xf32>
      %swap3A_1500 = arith.constant 0 : i32
      %swap3A_1501 = arith.index_cast %swap3A_1500 : i32 to index
      %swap3A_1502 = arith.index_cast %mul3A_1297 : i32 to index
      %swap3A_1503 = tpu.vector_load %arg8[%swap3A_1501, %swap3A_1502] {strides = array<i32>} : memref<1x1024xf32, #tpu.memory_space<vmem>>, vector<1x16xf32>,
      %swap3A_1504 = vector.shape_cast %swap3A_1503 : vector<1x16xf32> to vector<16xf32>
      %swap3A_1505 = vector.shape_cast %mul3A_1499 : vector<16xf32> to vector<1x16xf32>
      tpu.vector_store %arg8[%swap3A_1501, %swap3A_1502], %swap3A_1505 {add = true, strides = array<i32>} : memref<1x1024xf32, #tpu.memory_space<vmem>>, vector<1x16xf32>,
      %get3A_1506 = arith.constant 13 : i32
      %get3A_1507 = arith.constant 0 : i32
      %get3A_1508 = arith.constant 0 : i32
      %get3A_1509 = tpu.memref_slice %arg6[%scan3A_422, %get3A_1507, %get3A_1508] : memref<2x16x1024xf32, #tpu.memory_space<vmem>> -> memref<1x16x1024xf32, #tpu.memory_space<vmem>>
      %get3A_1510 = tpu.memref_squeeze %get3A_1509 : memref<1x16x1024xf32, #tpu.memory_space<vmem>> -> memref<16x1024xf32, #tpu.memory_space<vmem>>
      %get3A_1511 = arith.index_cast %get3A_1506 : i32 to index
      %get3A_1512 = arith.index_cast %mul3A_1297 : i32 to index
      %get3A_1513 = tpu.vector_load %get3A_1510[%get3A_1511, %get3A_1512] {strides = array<i32>} : memref<16x1024xf32, #tpu.memory_space<vmem>>, vector<1x16xf32>,
      %get3A_1514 = vector.shape_cast %get3A_1513 : vector<1x16xf32> to vector<16xf32>
      %mul3A_1515 = arith.mulf %get3A_1514, %broadcast_in_dim3A_483 : vector<16xf32>
      %swap3A_1516 = arith.constant 0 : i32
      %swap3A_1517 = arith.index_cast %swap3A_1516 : i32 to index
      %swap3A_1518 = arith.index_cast %mul3A_1297 : i32 to index
      %swap3A_1519 = tpu.vector_load %arg8[%swap3A_1517, %swap3A_1518] {strides = array<i32>} : memref<1x1024xf32, #tpu.memory_space<vmem>>, vector<1x16xf32>,
      %swap3A_1520 = vector.shape_cast %swap3A_1519 : vector<1x16xf32> to vector<16xf32>
      %swap3A_1521 = vector.shape_cast %mul3A_1515 : vector<16xf32> to vector<1x16xf32>
      tpu.vector_store %arg8[%swap3A_1517, %swap3A_1518], %swap3A_1521 {add = true, strides = array<i32>} : memref<1x1024xf32, #tpu.memory_space<vmem>>, vector<1x16xf32>,
      %get3A_1522 = arith.constant 14 : i32
      %get3A_1523 = arith.constant 0 : i32
      %get3A_1524 = arith.constant 0 : i32
      %get3A_1525 = tpu.memref_slice %arg6[%scan3A_422, %get3A_1523, %get3A_1524] : memref<2x16x1024xf32, #tpu.memory_space<vmem>> -> memref<1x16x1024xf32, #tpu.memory_space<vmem>>
      %get3A_1526 = tpu.memref_squeeze %get3A_1525 : memref<1x16x1024xf32, #tpu.memory_space<vmem>> -> memref<16x1024xf32, #tpu.memory_space<vmem>>
      %get3A_1527 = arith.index_cast %get3A_1522 : i32 to index
      %get3A_1528 = arith.index_cast %mul3A_1297 : i32 to index
      %get3A_1529 = tpu.vector_load %get3A_1526[%get3A_1527, %get3A_1528] {strides = array<i32>} : memref<16x1024xf32, #tpu.memory_space<vmem>>, vector<1x16xf32>,
      %get3A_1530 = vector.shape_cast %get3A_1529 : vector<1x16xf32> to vector<16xf32>
      %mul3A_1531 = arith.mulf %get3A_1530, %broadcast_in_dim3A_486 : vector<16xf32>
      %swap3A_1532 = arith.constant 0 : i32
      %swap3A_1533 = arith.index_cast %swap3A_1532 : i32 to index
      %swap3A_1534 = arith.index_cast %mul3A_1297 : i32 to index
      %swap3A_1535 = tpu.vector_load %arg8[%swap3A_1533, %swap3A_1534] {strides = array<i32>} : memref<1x1024xf32, #tpu.memory_space<vmem>>, vector<1x16xf32>,
      %swap3A_1536 = vector.shape_cast %swap3A_1535 : vector<1x16xf32> to vector<16xf32>
      %swap3A_1537 = vector.shape_cast %mul3A_1531 : vector<16xf32> to vector<1x16xf32>
      tpu.vector_store %arg8[%swap3A_1533, %swap3A_1534], %swap3A_1537 {add = true, strides = array<i32>} : memref<1x1024xf32, #tpu.memory_space<vmem>>, vector<1x16xf32>,
      %get3A_1538 = arith.constant 15 : i32
      %get3A_1539 = arith.constant 0 : i32
      %get3A_1540 = arith.constant 0 : i32
      %get3A_1541 = tpu.memref_slice %arg6[%scan3A_422, %get3A_1539, %get3A_1540] : memref<2x16x1024xf32, #tpu.memory_space<vmem>> -> memref<1x16x1024xf32, #tpu.memory_space<vmem>>
      %get3A_1542 = tpu.memref_squeeze %get3A_1541 : memref<1x16x1024xf32, #tpu.memory_space<vmem>> -> memref<16x1024xf32, #tpu.memory_space<vmem>>
      %get3A_1543 = arith.index_cast %get3A_1538 : i32 to index
      %get3A_1544 = arith.index_cast %mul3A_1297 : i32 to index
      %get3A_1545 = tpu.vector_load %get3A_1542[%get3A_1543, %get3A_1544] {strides = array<i32>} : memref<16x1024xf32, #tpu.memory_space<vmem>>, vector<1x16xf32>,
      %get3A_1546 = vector.shape_cast %get3A_1545 : vector<1x16xf32> to vector<16xf32>
      %mul3A_1547 = arith.mulf %get3A_1546, %broadcast_in_dim3A_489 : vector<16xf32>
      %swap3A_1548 = arith.constant 0 : i32
      %swap3A_1549 = arith.index_cast %swap3A_1548 : i32 to index
      %swap3A_1550 = arith.index_cast %mul3A_1297 : i32 to index
      %swap3A_1551 = tpu.vector_load %arg8[%swap3A_1549, %swap3A_1550] {strides = array<i32>} : memref<1x1024xf32, #tpu.memory_space<vmem>>, vector<1x16xf32>,
      %swap3A_1552 = vector.shape_cast %swap3A_1551 : vector<1x16xf32> to vector<16xf32>
      %swap3A_1553 = vector.shape_cast %mul3A_1547 : vector<16xf32> to vector<1x16xf32>
      tpu.vector_store %arg8[%swap3A_1549, %swap3A_1550], %swap3A_1553 {add = true, strides = array<i32>} : memref<1x1024xf32, #tpu.memory_space<vmem>>, vector<1x16xf32>,
      %scan3A_1554 = arith.constant 3 : i32
      %scan3A_1555 = arith.addi %scan3A_775, %scan3A_1554 : i32
      %mul3A_1556 = arith.constant 16 : i32
      %mul3A_1557 = arith.muli %scan3A_1555, %mul3A_1556 : i32
      %get3A_1558 = arith.constant 0 : i32
      %get3A_1559 = arith.constant 0 : i32
      %get3A_1560 = arith.constant 0 : i32
      %get3A_1561 = tpu.memref_slice %arg6[%scan3A_422, %get3A_1559, %get3A_1560] : memref<2x16x1024xf32, #tpu.memory_space<vmem>> -> memref<1x16x1024xf32, #tpu.memory_space<vmem>>
      %get3A_1562 = tpu.memref_squeeze %get3A_1561 : memref<1x16x1024xf32, #tpu.memory_space<vmem>> -> memref<16x1024xf32, #tpu.memory_space<vmem>>
      %get3A_1563 = arith.index_cast %get3A_1558 : i32 to index
      %get3A_1564 = arith.index_cast %mul3A_1557 : i32 to index
      %get3A_1565 = tpu.vector_load %get3A_1562[%get3A_1563, %get3A_1564] {strides = array<i32>} : memref<16x1024xf32, #tpu.memory_space<vmem>>, vector<1x16xf32>,
      %get3A_1566 = vector.shape_cast %get3A_1565 : vector<1x16xf32> to vector<16xf32>
      %mul3A_1567 = arith.mulf %get3A_1566, %broadcast_in_dim3A_444 : vector<16xf32>
      %swap3A_1568 = arith.constant 0 : i32
      %swap3A_1569 = arith.index_cast %swap3A_1568 : i32 to index
      %swap3A_1570 = arith.index_cast %mul3A_1557 : i32 to index
      %swap3A_1571 = tpu.vector_load %arg8[%swap3A_1569, %swap3A_1570] {strides = array<i32>} : memref<1x1024xf32, #tpu.memory_space<vmem>>, vector<1x16xf32>,
      %swap3A_1572 = vector.shape_cast %swap3A_1571 : vector<1x16xf32> to vector<16xf32>
      %swap3A_1573 = vector.shape_cast %mul3A_1567 : vector<16xf32> to vector<1x16xf32>
      tpu.vector_store %arg8[%swap3A_1569, %swap3A_1570], %swap3A_1573 {add = true, strides = array<i32>} : memref<1x1024xf32, #tpu.memory_space<vmem>>, vector<1x16xf32>,
      %get3A_1574 = arith.constant 1 : i32
      %get3A_1575 = arith.constant 0 : i32
      %get3A_1576 = arith.constant 0 : i32
      %get3A_1577 = tpu.memref_slice %arg6[%scan3A_422, %get3A_1575, %get3A_1576] : memref<2x16x1024xf32, #tpu.memory_space<vmem>> -> memref<1x16x1024xf32, #tpu.memory_space<vmem>>
      %get3A_1578 = tpu.memref_squeeze %get3A_1577 : memref<1x16x1024xf32, #tpu.memory_space<vmem>> -> memref<16x1024xf32, #tpu.memory_space<vmem>>
      %get3A_1579 = arith.index_cast %get3A_1574 : i32 to index
      %get3A_1580 = arith.index_cast %mul3A_1557 : i32 to index
      %get3A_1581 = tpu.vector_load %get3A_1578[%get3A_1579, %get3A_1580] {strides = array<i32>} : memref<16x1024xf32, #tpu.memory_space<vmem>>, vector<1x16xf32>,
      %get3A_1582 = vector.shape_cast %get3A_1581 : vector<1x16xf32> to vector<16xf32>
      %mul3A_1583 = arith.mulf %get3A_1582, %broadcast_in_dim3A_447 : vector<16xf32>
      %swap3A_1584 = arith.constant 0 : i32
      %swap3A_1585 = arith.index_cast %swap3A_1584 : i32 to index
      %swap3A_1586 = arith.index_cast %mul3A_1557 : i32 to index
      %swap3A_1587 = tpu.vector_load %arg8[%swap3A_1585, %swap3A_1586] {strides = array<i32>} : memref<1x1024xf32, #tpu.memory_space<vmem>>, vector<1x16xf32>,
      %swap3A_1588 = vector.shape_cast %swap3A_1587 : vector<1x16xf32> to vector<16xf32>
      %swap3A_1589 = vector.shape_cast %mul3A_1583 : vector<16xf32> to vector<1x16xf32>
      tpu.vector_store %arg8[%swap3A_1585, %swap3A_1586], %swap3A_1589 {add = true, strides = array<i32>} : memref<1x1024xf32, #tpu.memory_space<vmem>>, vector<1x16xf32>,
      %get3A_1590 = arith.constant 2 : i32
      %get3A_1591 = arith.constant 0 : i32
      %get3A_1592 = arith.constant 0 : i32
      %get3A_1593 = tpu.memref_slice %arg6[%scan3A_422, %get3A_1591, %get3A_1592] : memref<2x16x1024xf32, #tpu.memory_space<vmem>> -> memref<1x16x1024xf32, #tpu.memory_space<vmem>>
      %get3A_1594 = tpu.memref_squeeze %get3A_1593 : memref<1x16x1024xf32, #tpu.memory_space<vmem>> -> memref<16x1024xf32, #tpu.memory_space<vmem>>
      %get3A_1595 = arith.index_cast %get3A_1590 : i32 to index
      %get3A_1596 = arith.index_cast %mul3A_1557 : i32 to index
      %get3A_1597 = tpu.vector_load %get3A_1594[%get3A_1595, %get3A_1596] {strides = array<i32>} : memref<16x1024xf32, #tpu.memory_space<vmem>>, vector<1x16xf32>,
      %get3A_1598 = vector.shape_cast %get3A_1597 : vector<1x16xf32> to vector<16xf32>
      %mul3A_1599 = arith.mulf %get3A_1598, %broadcast_in_dim3A_450 : vector<16xf32>
      %swap3A_1600 = arith.constant 0 : i32
      %swap3A_1601 = arith.index_cast %swap3A_1600 : i32 to index
      %swap3A_1602 = arith.index_cast %mul3A_1557 : i32 to index
      %swap3A_1603 = tpu.vector_load %arg8[%swap3A_1601, %swap3A_1602] {strides = array<i32>} : memref<1x1024xf32, #tpu.memory_space<vmem>>, vector<1x16xf32>,
      %swap3A_1604 = vector.shape_cast %swap3A_1603 : vector<1x16xf32> to vector<16xf32>
      %swap3A_1605 = vector.shape_cast %mul3A_1599 : vector<16xf32> to vector<1x16xf32>
      tpu.vector_store %arg8[%swap3A_1601, %swap3A_1602], %swap3A_1605 {add = true, strides = array<i32>} : memref<1x1024xf32, #tpu.memory_space<vmem>>, vector<1x16xf32>,
      %get3A_1606 = arith.constant 3 : i32
      %get3A_1607 = arith.constant 0 : i32
      %get3A_1608 = arith.constant 0 : i32
      %get3A_1609 = tpu.memref_slice %arg6[%scan3A_422, %get3A_1607, %get3A_1608] : memref<2x16x1024xf32, #tpu.memory_space<vmem>> -> memref<1x16x1024xf32, #tpu.memory_space<vmem>>
      %get3A_1610 = tpu.memref_squeeze %get3A_1609 : memref<1x16x1024xf32, #tpu.memory_space<vmem>> -> memref<16x1024xf32, #tpu.memory_space<vmem>>
      %get3A_1611 = arith.index_cast %get3A_1606 : i32 to index
      %get3A_1612 = arith.index_cast %mul3A_1557 : i32 to index
      %get3A_1613 = tpu.vector_load %get3A_1610[%get3A_1611, %get3A_1612] {strides = array<i32>} : memref<16x1024xf32, #tpu.memory_space<vmem>>, vector<1x16xf32>,
      %get3A_1614 = vector.shape_cast %get3A_1613 : vector<1x16xf32> to vector<16xf32>
      %mul3A_1615 = arith.mulf %get3A_1614, %broadcast_in_dim3A_453 : vector<16xf32>
      %swap3A_1616 = arith.constant 0 : i32
      %swap3A_1617 = arith.index_cast %swap3A_1616 : i32 to index
      %swap3A_1618 = arith.index_cast %mul3A_1557 : i32 to index
      %swap3A_1619 = tpu.vector_load %arg8[%swap3A_1617, %swap3A_1618] {strides = array<i32>} : memref<1x1024xf32, #tpu.memory_space<vmem>>, vector<1x16xf32>,
      %swap3A_1620 = vector.shape_cast %swap3A_1619 : vector<1x16xf32> to vector<16xf32>
      %swap3A_1621 = vector.shape_cast %mul3A_1615 : vector<16xf32> to vector<1x16xf32>
      tpu.vector_store %arg8[%swap3A_1617, %swap3A_1618], %swap3A_1621 {add = true, strides = array<i32>} : memref<1x1024xf32, #tpu.memory_space<vmem>>, vector<1x16xf32>,
      %get3A_1622 = arith.constant 4 : i32
      %get3A_1623 = arith.constant 0 : i32
      %get3A_1624 = arith.constant 0 : i32
      %get3A_1625 = tpu.memref_slice %arg6[%scan3A_422, %get3A_1623, %get3A_1624] : memref<2x16x1024xf32, #tpu.memory_space<vmem>> -> memref<1x16x1024xf32, #tpu.memory_space<vmem>>
      %get3A_1626 = tpu.memref_squeeze %get3A_1625 : memref<1x16x1024xf32, #tpu.memory_space<vmem>> -> memref<16x1024xf32, #tpu.memory_space<vmem>>
      %get3A_1627 = arith.index_cast %get3A_1622 : i32 to index
      %get3A_1628 = arith.index_cast %mul3A_1557 : i32 to index
      %get3A_1629 = tpu.vector_load %get3A_1626[%get3A_1627, %get3A_1628] {strides = array<i32>} : memref<16x1024xf32, #tpu.memory_space<vmem>>, vector<1x16xf32>,
      %get3A_1630 = vector.shape_cast %get3A_1629 : vector<1x16xf32> to vector<16xf32>
      %mul3A_1631 = arith.mulf %get3A_1630, %broadcast_in_dim3A_456 : vector<16xf32>
      %swap3A_1632 = arith.constant 0 : i32
      %swap3A_1633 = arith.index_cast %swap3A_1632 : i32 to index
      %swap3A_1634 = arith.index_cast %mul3A_1557 : i32 to index
      %swap3A_1635 = tpu.vector_load %arg8[%swap3A_1633, %swap3A_1634] {strides = array<i32>} : memref<1x1024xf32, #tpu.memory_space<vmem>>, vector<1x16xf32>,
      %swap3A_1636 = vector.shape_cast %swap3A_1635 : vector<1x16xf32> to vector<16xf32>
      %swap3A_1637 = vector.shape_cast %mul3A_1631 : vector<16xf32> to vector<1x16xf32>
      tpu.vector_store %arg8[%swap3A_1633, %swap3A_1634], %swap3A_1637 {add = true, strides = array<i32>} : memref<1x1024xf32, #tpu.memory_space<vmem>>, vector<1x16xf32>,
      %get3A_1638 = arith.constant 5 : i32
      %get3A_1639 = arith.constant 0 : i32
      %get3A_1640 = arith.constant 0 : i32
      %get3A_1641 = tpu.memref_slice %arg6[%scan3A_422, %get3A_1639, %get3A_1640] : memref<2x16x1024xf32, #tpu.memory_space<vmem>> -> memref<1x16x1024xf32, #tpu.memory_space<vmem>>
      %get3A_1642 = tpu.memref_squeeze %get3A_1641 : memref<1x16x1024xf32, #tpu.memory_space<vmem>> -> memref<16x1024xf32, #tpu.memory_space<vmem>>
      %get3A_1643 = arith.index_cast %get3A_1638 : i32 to index
      %get3A_1644 = arith.index_cast %mul3A_1557 : i32 to index
      %get3A_1645 = tpu.vector_load %get3A_1642[%get3A_1643, %get3A_1644] {strides = array<i32>} : memref<16x1024xf32, #tpu.memory_space<vmem>>, vector<1x16xf32>,
      %get3A_1646 = vector.shape_cast %get3A_1645 : vector<1x16xf32> to vector<16xf32>
      %mul3A_1647 = arith.mulf %get3A_1646, %broadcast_in_dim3A_459 : vector<16xf32>
      %swap3A_1648 = arith.constant 0 : i32
      %swap3A_1649 = arith.index_cast %swap3A_1648 : i32 to index
      %swap3A_1650 = arith.index_cast %mul3A_1557 : i32 to index
      %swap3A_1651 = tpu.vector_load %arg8[%swap3A_1649, %swap3A_1650] {strides = array<i32>} : memref<1x1024xf32, #tpu.memory_space<vmem>>, vector<1x16xf32>,
      %swap3A_1652 = vector.shape_cast %swap3A_1651 : vector<1x16xf32> to vector<16xf32>
      %swap3A_1653 = vector.shape_cast %mul3A_1647 : vector<16xf32> to vector<1x16xf32>
      tpu.vector_store %arg8[%swap3A_1649, %swap3A_1650], %swap3A_1653 {add = true, strides = array<i32>} : memref<1x1024xf32, #tpu.memory_space<vmem>>, vector<1x16xf32>,
      %get3A_1654 = arith.constant 6 : i32
      %get3A_1655 = arith.constant 0 : i32
      %get3A_1656 = arith.constant 0 : i32
      %get3A_1657 = tpu.memref_slice %arg6[%scan3A_422, %get3A_1655, %get3A_1656] : memref<2x16x1024xf32, #tpu.memory_space<vmem>> -> memref<1x16x1024xf32, #tpu.memory_space<vmem>>
      %get3A_1658 = tpu.memref_squeeze %get3A_1657 : memref<1x16x1024xf32, #tpu.memory_space<vmem>> -> memref<16x1024xf32, #tpu.memory_space<vmem>>
      %get3A_1659 = arith.index_cast %get3A_1654 : i32 to index
      %get3A_1660 = arith.index_cast %mul3A_1557 : i32 to index
      %get3A_1661 = tpu.vector_load %get3A_1658[%get3A_1659, %get3A_1660] {strides = array<i32>} : memref<16x1024xf32, #tpu.memory_space<vmem>>, vector<1x16xf32>,
      %get3A_1662 = vector.shape_cast %get3A_1661 : vector<1x16xf32> to vector<16xf32>
      %mul3A_1663 = arith.mulf %get3A_1662, %broadcast_in_dim3A_462 : vector<16xf32>
      %swap3A_1664 = arith.constant 0 : i32
      %swap3A_1665 = arith.index_cast %swap3A_1664 : i32 to index
      %swap3A_1666 = arith.index_cast %mul3A_1557 : i32 to index
      %swap3A_1667 = tpu.vector_load %arg8[%swap3A_1665, %swap3A_1666] {strides = array<i32>} : memref<1x1024xf32, #tpu.memory_space<vmem>>, vector<1x16xf32>,
      %swap3A_1668 = vector.shape_cast %swap3A_1667 : vector<1x16xf32> to vector<16xf32>
      %swap3A_1669 = vector.shape_cast %mul3A_1663 : vector<16xf32> to vector<1x16xf32>
      tpu.vector_store %arg8[%swap3A_1665, %swap3A_1666], %swap3A_1669 {add = true, strides = array<i32>} : memref<1x1024xf32, #tpu.memory_space<vmem>>, vector<1x16xf32>,
      %get3A_1670 = arith.constant 7 : i32
      %get3A_1671 = arith.constant 0 : i32
      %get3A_1672 = arith.constant 0 : i32
      %get3A_1673 = tpu.memref_slice %arg6[%scan3A_422, %get3A_1671, %get3A_1672] : memref<2x16x1024xf32, #tpu.memory_space<vmem>> -> memref<1x16x1024xf32, #tpu.memory_space<vmem>>
      %get3A_1674 = tpu.memref_squeeze %get3A_1673 : memref<1x16x1024xf32, #tpu.memory_space<vmem>> -> memref<16x1024xf32, #tpu.memory_space<vmem>>
      %get3A_1675 = arith.index_cast %get3A_1670 : i32 to index
      %get3A_1676 = arith.index_cast %mul3A_1557 : i32 to index
      %get3A_1677 = tpu.vector_load %get3A_1674[%get3A_1675, %get3A_1676] {strides = array<i32>} : memref<16x1024xf32, #tpu.memory_space<vmem>>, vector<1x16xf32>,
      %get3A_1678 = vector.shape_cast %get3A_1677 : vector<1x16xf32> to vector<16xf32>
      %mul3A_1679 = arith.mulf %get3A_1678, %broadcast_in_dim3A_465 : vector<16xf32>
      %swap3A_1680 = arith.constant 0 : i32
      %swap3A_1681 = arith.index_cast %swap3A_1680 : i32 to index
      %swap3A_1682 = arith.index_cast %mul3A_1557 : i32 to index
      %swap3A_1683 = tpu.vector_load %arg8[%swap3A_1681, %swap3A_1682] {strides = array<i32>} : memref<1x1024xf32, #tpu.memory_space<vmem>>, vector<1x16xf32>,
      %swap3A_1684 = vector.shape_cast %swap3A_1683 : vector<1x16xf32> to vector<16xf32>
      %swap3A_1685 = vector.shape_cast %mul3A_1679 : vector<16xf32> to vector<1x16xf32>
      tpu.vector_store %arg8[%swap3A_1681, %swap3A_1682], %swap3A_1685 {add = true, strides = array<i32>} : memref<1x1024xf32, #tpu.memory_space<vmem>>, vector<1x16xf32>,
      %get3A_1686 = arith.constant 8 : i32
      %get3A_1687 = arith.constant 0 : i32
      %get3A_1688 = arith.constant 0 : i32
      %get3A_1689 = tpu.memref_slice %arg6[%scan3A_422, %get3A_1687, %get3A_1688] : memref<2x16x1024xf32, #tpu.memory_space<vmem>> -> memref<1x16x1024xf32, #tpu.memory_space<vmem>>
      %get3A_1690 = tpu.memref_squeeze %get3A_1689 : memref<1x16x1024xf32, #tpu.memory_space<vmem>> -> memref<16x1024xf32, #tpu.memory_space<vmem>>
      %get3A_1691 = arith.index_cast %get3A_1686 : i32 to index
      %get3A_1692 = arith.index_cast %mul3A_1557 : i32 to index
      %get3A_1693 = tpu.vector_load %get3A_1690[%get3A_1691, %get3A_1692] {strides = array<i32>} : memref<16x1024xf32, #tpu.memory_space<vmem>>, vector<1x16xf32>,
      %get3A_1694 = vector.shape_cast %get3A_1693 : vector<1x16xf32> to vector<16xf32>
      %mul3A_1695 = arith.mulf %get3A_1694, %broadcast_in_dim3A_468 : vector<16xf32>
      %swap3A_1696 = arith.constant 0 : i32
      %swap3A_1697 = arith.index_cast %swap3A_1696 : i32 to index
      %swap3A_1698 = arith.index_cast %mul3A_1557 : i32 to index
      %swap3A_1699 = tpu.vector_load %arg8[%swap3A_1697, %swap3A_1698] {strides = array<i32>} : memref<1x1024xf32, #tpu.memory_space<vmem>>, vector<1x16xf32>,
      %swap3A_1700 = vector.shape_cast %swap3A_1699 : vector<1x16xf32> to vector<16xf32>
      %swap3A_1701 = vector.shape_cast %mul3A_1695 : vector<16xf32> to vector<1x16xf32>
      tpu.vector_store %arg8[%swap3A_1697, %swap3A_1698], %swap3A_1701 {add = true, strides = array<i32>} : memref<1x1024xf32, #tpu.memory_space<vmem>>, vector<1x16xf32>,
      %get3A_1702 = arith.constant 9 : i32
      %get3A_1703 = arith.constant 0 : i32
      %get3A_1704 = arith.constant 0 : i32
      %get3A_1705 = tpu.memref_slice %arg6[%scan3A_422, %get3A_1703, %get3A_1704] : memref<2x16x1024xf32, #tpu.memory_space<vmem>> -> memref<1x16x1024xf32, #tpu.memory_space<vmem>>
      %get3A_1706 = tpu.memref_squeeze %get3A_1705 : memref<1x16x1024xf32, #tpu.memory_space<vmem>> -> memref<16x1024xf32, #tpu.memory_space<vmem>>
      %get3A_1707 = arith.index_cast %get3A_1702 : i32 to index
      %get3A_1708 = arith.index_cast %mul3A_1557 : i32 to index
      %get3A_1709 = tpu.vector_load %get3A_1706[%get3A_1707, %get3A_1708] {strides = array<i32>} : memref<16x1024xf32, #tpu.memory_space<vmem>>, vector<1x16xf32>,
      %get3A_1710 = vector.shape_cast %get3A_1709 : vector<1x16xf32> to vector<16xf32>
      %mul3A_1711 = arith.mulf %get3A_1710, %broadcast_in_dim3A_471 : vector<16xf32>
      %swap3A_1712 = arith.constant 0 : i32
      %swap3A_1713 = arith.index_cast %swap3A_1712 : i32 to index
      %swap3A_1714 = arith.index_cast %mul3A_1557 : i32 to index
      %swap3A_1715 = tpu.vector_load %arg8[%swap3A_1713, %swap3A_1714] {strides = array<i32>} : memref<1x1024xf32, #tpu.memory_space<vmem>>, vector<1x16xf32>,
      %swap3A_1716 = vector.shape_cast %swap3A_1715 : vector<1x16xf32> to vector<16xf32>
      %swap3A_1717 = vector.shape_cast %mul3A_1711 : vector<16xf32> to vector<1x16xf32>
      tpu.vector_store %arg8[%swap3A_1713, %swap3A_1714], %swap3A_1717 {add = true, strides = array<i32>} : memref<1x1024xf32, #tpu.memory_space<vmem>>, vector<1x16xf32>,
      %get3A_1718 = arith.constant 10 : i32
      %get3A_1719 = arith.constant 0 : i32
      %get3A_1720 = arith.constant 0 : i32
      %get3A_1721 = tpu.memref_slice %arg6[%scan3A_422, %get3A_1719, %get3A_1720] : memref<2x16x1024xf32, #tpu.memory_space<vmem>> -> memref<1x16x1024xf32, #tpu.memory_space<vmem>>
      %get3A_1722 = tpu.memref_squeeze %get3A_1721 : memref<1x16x1024xf32, #tpu.memory_space<vmem>> -> memref<16x1024xf32, #tpu.memory_space<vmem>>
      %get3A_1723 = arith.index_cast %get3A_1718 : i32 to index
      %get3A_1724 = arith.index_cast %mul3A_1557 : i32 to index
      %get3A_1725 = tpu.vector_load %get3A_1722[%get3A_1723, %get3A_1724] {strides = array<i32>} : memref<16x1024xf32, #tpu.memory_space<vmem>>, vector<1x16xf32>,
      %get3A_1726 = vector.shape_cast %get3A_1725 : vector<1x16xf32> to vector<16xf32>
      %mul3A_1727 = arith.mulf %get3A_1726, %broadcast_in_dim3A_474 : vector<16xf32>
      %swap3A_1728 = arith.constant 0 : i32
      %swap3A_1729 = arith.index_cast %swap3A_1728 : i32 to index
      %swap3A_1730 = arith.index_cast %mul3A_1557 : i32 to index
      %swap3A_1731 = tpu.vector_load %arg8[%swap3A_1729, %swap3A_1730] {strides = array<i32>} : memref<1x1024xf32, #tpu.memory_space<vmem>>, vector<1x16xf32>,
      %swap3A_1732 = vector.shape_cast %swap3A_1731 : vector<1x16xf32> to vector<16xf32>
      %swap3A_1733 = vector.shape_cast %mul3A_1727 : vector<16xf32> to vector<1x16xf32>
      tpu.vector_store %arg8[%swap3A_1729, %swap3A_1730], %swap3A_1733 {add = true, strides = array<i32>} : memref<1x1024xf32, #tpu.memory_space<vmem>>, vector<1x16xf32>,
      %get3A_1734 = arith.constant 11 : i32
      %get3A_1735 = arith.constant 0 : i32
      %get3A_1736 = arith.constant 0 : i32
      %get3A_1737 = tpu.memref_slice %arg6[%scan3A_422, %get3A_1735, %get3A_1736] : memref<2x16x1024xf32, #tpu.memory_space<vmem>> -> memref<1x16x1024xf32, #tpu.memory_space<vmem>>
      %get3A_1738 = tpu.memref_squeeze %get3A_1737 : memref<1x16x1024xf32, #tpu.memory_space<vmem>> -> memref<16x1024xf32, #tpu.memory_space<vmem>>
      %get3A_1739 = arith.index_cast %get3A_1734 : i32 to index
      %get3A_1740 = arith.index_cast %mul3A_1557 : i32 to index
      %get3A_1741 = tpu.vector_load %get3A_1738[%get3A_1739, %get3A_1740] {strides = array<i32>} : memref<16x1024xf32, #tpu.memory_space<vmem>>, vector<1x16xf32>,
      %get3A_1742 = vector.shape_cast %get3A_1741 : vector<1x16xf32> to vector<16xf32>
      %mul3A_1743 = arith.mulf %get3A_1742, %broadcast_in_dim3A_477 : vector<16xf32>
      %swap3A_1744 = arith.constant 0 : i32
      %swap3A_1745 = arith.index_cast %swap3A_1744 : i32 to index
      %swap3A_1746 = arith.index_cast %mul3A_1557 : i32 to index
      %swap3A_1747 = tpu.vector_load %arg8[%swap3A_1745, %swap3A_1746] {strides = array<i32>} : memref<1x1024xf32, #tpu.memory_space<vmem>>, vector<1x16xf32>,
      %swap3A_1748 = vector.shape_cast %swap3A_1747 : vector<1x16xf32> to vector<16xf32>
      %swap3A_1749 = vector.shape_cast %mul3A_1743 : vector<16xf32> to vector<1x16xf32>
      tpu.vector_store %arg8[%swap3A_1745, %swap3A_1746], %swap3A_1749 {add = true, strides = array<i32>} : memref<1x1024xf32, #tpu.memory_space<vmem>>, vector<1x16xf32>,
      %get3A_1750 = arith.constant 12 : i32
      %get3A_1751 = arith.constant 0 : i32
      %get3A_1752 = arith.constant 0 : i32
      %get3A_1753 = tpu.memref_slice %arg6[%scan3A_422, %get3A_1751, %get3A_1752] : memref<2x16x1024xf32, #tpu.memory_space<vmem>> -> memref<1x16x1024xf32, #tpu.memory_space<vmem>>
      %get3A_1754 = tpu.memref_squeeze %get3A_1753 : memref<1x16x1024xf32, #tpu.memory_space<vmem>> -> memref<16x1024xf32, #tpu.memory_space<vmem>>
      %get3A_1755 = arith.index_cast %get3A_1750 : i32 to index
      %get3A_1756 = arith.index_cast %mul3A_1557 : i32 to index
      %get3A_1757 = tpu.vector_load %get3A_1754[%get3A_1755, %get3A_1756] {strides = array<i32>} : memref<16x1024xf32, #tpu.memory_space<vmem>>, vector<1x16xf32>,
      %get3A_1758 = vector.shape_cast %get3A_1757 : vector<1x16xf32> to vector<16xf32>
      %mul3A_1759 = arith.mulf %get3A_1758, %broadcast_in_dim3A_480 : vector<16xf32>
      %swap3A_1760 = arith.constant 0 : i32
      %swap3A_1761 = arith.index_cast %swap3A_1760 : i32 to index
      %swap3A_1762 = arith.index_cast %mul3A_1557 : i32 to index
      %swap3A_1763 = tpu.vector_load %arg8[%swap3A_1761, %swap3A_1762] {strides = array<i32>} : memref<1x1024xf32, #tpu.memory_space<vmem>>, vector<1x16xf32>,
      %swap3A_1764 = vector.shape_cast %swap3A_1763 : vector<1x16xf32> to vector<16xf32>
      %swap3A_1765 = vector.shape_cast %mul3A_1759 : vector<16xf32> to vector<1x16xf32>
      tpu.vector_store %arg8[%swap3A_1761, %swap3A_1762], %swap3A_1765 {add = true, strides = array<i32>} : memref<1x1024xf32, #tpu.memory_space<vmem>>, vector<1x16xf32>,
      %get3A_1766 = arith.constant 13 : i32
      %get3A_1767 = arith.constant 0 : i32
      %get3A_1768 = arith.constant 0 : i32
      %get3A_1769 = tpu.memref_slice %arg6[%scan3A_422, %get3A_1767, %get3A_1768] : memref<2x16x1024xf32, #tpu.memory_space<vmem>> -> memref<1x16x1024xf32, #tpu.memory_space<vmem>>
      %get3A_1770 = tpu.memref_squeeze %get3A_1769 : memref<1x16x1024xf32, #tpu.memory_space<vmem>> -> memref<16x1024xf32, #tpu.memory_space<vmem>>
      %get3A_1771 = arith.index_cast %get3A_1766 : i32 to index
      %get3A_1772 = arith.index_cast %mul3A_1557 : i32 to index
      %get3A_1773 = tpu.vector_load %get3A_1770[%get3A_1771, %get3A_1772] {strides = array<i32>} : memref<16x1024xf32, #tpu.memory_space<vmem>>, vector<1x16xf32>,
      %get3A_1774 = vector.shape_cast %get3A_1773 : vector<1x16xf32> to vector<16xf32>
      %mul3A_1775 = arith.mulf %get3A_1774, %broadcast_in_dim3A_483 : vector<16xf32>
      %swap3A_1776 = arith.constant 0 : i32
      %swap3A_1777 = arith.index_cast %swap3A_1776 : i32 to index
      %swap3A_1778 = arith.index_cast %mul3A_1557 : i32 to index
      %swap3A_1779 = tpu.vector_load %arg8[%swap3A_1777, %swap3A_1778] {strides = array<i32>} : memref<1x1024xf32, #tpu.memory_space<vmem>>, vector<1x16xf32>,
      %swap3A_1780 = vector.shape_cast %swap3A_1779 : vector<1x16xf32> to vector<16xf32>
      %swap3A_1781 = vector.shape_cast %mul3A_1775 : vector<16xf32> to vector<1x16xf32>
      tpu.vector_store %arg8[%swap3A_1777, %swap3A_1778], %swap3A_1781 {add = true, strides = array<i32>} : memref<1x1024xf32, #tpu.memory_space<vmem>>, vector<1x16xf32>,
      %get3A_1782 = arith.constant 14 : i32
      %get3A_1783 = arith.constant 0 : i32
      %get3A_1784 = arith.constant 0 : i32
      %get3A_1785 = tpu.memref_slice %arg6[%scan3A_422, %get3A_1783, %get3A_1784] : memref<2x16x1024xf32, #tpu.memory_space<vmem>> -> memref<1x16x1024xf32, #tpu.memory_space<vmem>>
      %get3A_1786 = tpu.memref_squeeze %get3A_1785 : memref<1x16x1024xf32, #tpu.memory_space<vmem>> -> memref<16x1024xf32, #tpu.memory_space<vmem>>
      %get3A_1787 = arith.index_cast %get3A_1782 : i32 to index
      %get3A_1788 = arith.index_cast %mul3A_1557 : i32 to index
      %get3A_1789 = tpu.vector_load %get3A_1786[%get3A_1787, %get3A_1788] {strides = array<i32>} : memref<16x1024xf32, #tpu.memory_space<vmem>>, vector<1x16xf32>,
      %get3A_1790 = vector.shape_cast %get3A_1789 : vector<1x16xf32> to vector<16xf32>
      %mul3A_1791 = arith.mulf %get3A_1790, %broadcast_in_dim3A_486 : vector<16xf32>
      %swap3A_1792 = arith.constant 0 : i32
      %swap3A_1793 = arith.index_cast %swap3A_1792 : i32 to index
      %swap3A_1794 = arith.index_cast %mul3A_1557 : i32 to index
      %swap3A_1795 = tpu.vector_load %arg8[%swap3A_1793, %swap3A_1794] {strides = array<i32>} : memref<1x1024xf32, #tpu.memory_space<vmem>>, vector<1x16xf32>,
      %swap3A_1796 = vector.shape_cast %swap3A_1795 : vector<1x16xf32> to vector<16xf32>
      %swap3A_1797 = vector.shape_cast %mul3A_1791 : vector<16xf32> to vector<1x16xf32>
      tpu.vector_store %arg8[%swap3A_1793, %swap3A_1794], %swap3A_1797 {add = true, strides = array<i32>} : memref<1x1024xf32, #tpu.memory_space<vmem>>, vector<1x16xf32>,
      %get3A_1798 = arith.constant 15 : i32
      %get3A_1799 = arith.constant 0 : i32
      %get3A_1800 = arith.constant 0 : i32
      %get3A_1801 = tpu.memref_slice %arg6[%scan3A_422, %get3A_1799, %get3A_1800] : memref<2x16x1024xf32, #tpu.memory_space<vmem>> -> memref<1x16x1024xf32, #tpu.memory_space<vmem>>
      %get3A_1802 = tpu.memref_squeeze %get3A_1801 : memref<1x16x1024xf32, #tpu.memory_space<vmem>> -> memref<16x1024xf32, #tpu.memory_space<vmem>>
      %get3A_1803 = arith.index_cast %get3A_1798 : i32 to index
      %get3A_1804 = arith.index_cast %mul3A_1557 : i32 to index
      %get3A_1805 = tpu.vector_load %get3A_1802[%get3A_1803, %get3A_1804] {strides = array<i32>} : memref<16x1024xf32, #tpu.memory_space<vmem>>, vector<1x16xf32>,
      %get3A_1806 = vector.shape_cast %get3A_1805 : vector<1x16xf32> to vector<16xf32>
      %mul3A_1807 = arith.mulf %get3A_1806, %broadcast_in_dim3A_489 : vector<16xf32>
      %swap3A_1808 = arith.constant 0 : i32
      %swap3A_1809 = arith.index_cast %swap3A_1808 : i32 to index
      %swap3A_1810 = arith.index_cast %mul3A_1557 : i32 to index
      %swap3A_1811 = tpu.vector_load %arg8[%swap3A_1809, %swap3A_1810] {strides = array<i32>} : memref<1x1024xf32, #tpu.memory_space<vmem>>, vector<1x16xf32>,
      %swap3A_1812 = vector.shape_cast %swap3A_1811 : vector<1x16xf32> to vector<16xf32>
      %swap3A_1813 = vector.shape_cast %mul3A_1807 : vector<16xf32> to vector<1x16xf32>
      tpu.vector_store %arg8[%swap3A_1809, %swap3A_1810], %swap3A_1813 {add = true, strides = array<i32>} : memref<1x1024xf32, #tpu.memory_space<vmem>>, vector<1x16xf32>,
    }
    %scan3A_495 = arith.constant 64 : i32
    %swap3A_496 = arith.constant 0 : i32
    %swap3A_497 = arith.index_cast %swap3A_496 : i32 to index
    %swap3A_498 = arith.constant 0 : index
    %swap3A_499 = tpu.vector_load %arg9[%swap3A_497, %swap3A_498] {strides = array<i32>} : memref<1x16xf32, #tpu.memory_space<vmem>>, vector<1x16xf32>,
    %swap3A_500 = vector.shape_cast %swap3A_499 : vector<1x16xf32> to vector<16xf32>
    %swap3A_501 = vector.shape_cast %broadcast_in_dim3A_444 : vector<16xf32> to vector<1x16xf32>
    tpu.vector_store %arg9[%swap3A_497, %swap3A_498], %swap3A_501 {add = true, strides = array<i32>} : memref<1x16xf32, #tpu.memory_space<vmem>>, vector<1x16xf32>,
    %swap3A_502 = arith.constant 0 : i32
    %swap3A_503 = arith.index_cast %swap3A_502 : i32 to index
    %swap3A_504 = arith.constant 0 : index
    %swap3A_505 = tpu.vector_load %arg9[%swap3A_503, %swap3A_504] {strides = array<i32>} : memref<1x16xf32, #tpu.memory_space<vmem>>, vector<1x16xf32>,
    %swap3A_506 = vector.shape_cast %swap3A_505 : vector<1x16xf32> to vector<16xf32>
    %swap3A_507 = vector.shape_cast %broadcast_in_dim3A_447 : vector<16xf32> to vector<1x16xf32>
    tpu.vector_store %arg9[%swap3A_503, %swap3A_504], %swap3A_507 {add = true, strides = array<i32>} : memref<1x16xf32, #tpu.memory_space<vmem>>, vector<1x16xf32>,
    %swap3A_508 = arith.constant 0 : i32
    %swap3A_509 = arith.index_cast %swap3A_508 : i32 to index
    %swap3A_510 = arith.constant 0 : index
    %swap3A_511 = tpu.vector_load %arg9[%swap3A_509, %swap3A_510] {strides = array<i32>} : memref<1x16xf32, #tpu.memory_space<vmem>>, vector<1x16xf32>,
    %swap3A_512 = vector.shape_cast %swap3A_511 : vector<1x16xf32> to vector<16xf32>
    %swap3A_513 = vector.shape_cast %broadcast_in_dim3A_450 : vector<16xf32> to vector<1x16xf32>
    tpu.vector_store %arg9[%swap3A_509, %swap3A_510], %swap3A_513 {add = true, strides = array<i32>} : memref<1x16xf32, #tpu.memory_space<vmem>>, vector<1x16xf32>,
    %swap3A_514 = arith.constant 0 : i32
    %swap3A_515 = arith.index_cast %swap3A_514 : i32 to index
    %swap3A_516 = arith.constant 0 : index
    %swap3A_517 = tpu.vector_load %arg9[%swap3A_515, %swap3A_516] {strides = array<i32>} : memref<1x16xf32, #tpu.memory_space<vmem>>, vector<1x16xf32>,
    %swap3A_518 = vector.shape_cast %swap3A_517 : vector<1x16xf32> to vector<16xf32>
    %swap3A_519 = vector.shape_cast %broadcast_in_dim3A_453 : vector<16xf32> to vector<1x16xf32>
    tpu.vector_store %arg9[%swap3A_515, %swap3A_516], %swap3A_519 {add = true, strides = array<i32>} : memref<1x16xf32, #tpu.memory_space<vmem>>, vector<1x16xf32>,
    %swap3A_520 = arith.constant 0 : i32
    %swap3A_521 = arith.index_cast %swap3A_520 : i32 to index
    %swap3A_522 = arith.constant 0 : index
    %swap3A_523 = tpu.vector_load %arg9[%swap3A_521, %swap3A_522] {strides = array<i32>} : memref<1x16xf32, #tpu.memory_space<vmem>>, vector<1x16xf32>,
    %swap3A_524 = vector.shape_cast %swap3A_523 : vector<1x16xf32> to vector<16xf32>
    %swap3A_525 = vector.shape_cast %broadcast_in_dim3A_456 : vector<16xf32> to vector<1x16xf32>
    tpu.vector_store %arg9[%swap3A_521, %swap3A_522], %swap3A_525 {add = true, strides = array<i32>} : memref<1x16xf32, #tpu.memory_space<vmem>>, vector<1x16xf32>,
    %swap3A_526 = arith.constant 0 : i32
    %swap3A_527 = arith.index_cast %swap3A_526 : i32 to index
    %swap3A_528 = arith.constant 0 : index
    %swap3A_529 = tpu.vector_load %arg9[%swap3A_527, %swap3A_528] {strides = array<i32>} : memref<1x16xf32, #tpu.memory_space<vmem>>, vector<1x16xf32>,
    %swap3A_530 = vector.shape_cast %swap3A_529 : vector<1x16xf32> to vector<16xf32>
    %swap3A_531 = vector.shape_cast %broadcast_in_dim3A_459 : vector<16xf32> to vector<1x16xf32>
    tpu.vector_store %arg9[%swap3A_527, %swap3A_528], %swap3A_531 {add = true, strides = array<i32>} : memref<1x16xf32, #tpu.memory_space<vmem>>, vector<1x16xf32>,
    %swap3A_532 = arith.constant 0 : i32
    %swap3A_533 = arith.index_cast %swap3A_532 : i32 to index
    %swap3A_534 = arith.constant 0 : index
    %swap3A_535 = tpu.vector_load %arg9[%swap3A_533, %swap3A_534] {strides = array<i32>} : memref<1x16xf32, #tpu.memory_space<vmem>>, vector<1x16xf32>,
    %swap3A_536 = vector.shape_cast %swap3A_535 : vector<1x16xf32> to vector<16xf32>
    %swap3A_537 = vector.shape_cast %broadcast_in_dim3A_462 : vector<16xf32> to vector<1x16xf32>
    tpu.vector_store %arg9[%swap3A_533, %swap3A_534], %swap3A_537 {add = true, strides = array<i32>} : memref<1x16xf32, #tpu.memory_space<vmem>>, vector<1x16xf32>,
    %swap3A_538 = arith.constant 0 : i32
    %swap3A_539 = arith.index_cast %swap3A_538 : i32 to index
    %swap3A_540 = arith.constant 0 : index
    %swap3A_541 = tpu.vector_load %arg9[%swap3A_539, %swap3A_540] {strides = array<i32>} : memref<1x16xf32, #tpu.memory_space<vmem>>, vector<1x16xf32>,
    %swap3A_542 = vector.shape_cast %swap3A_541 : vector<1x16xf32> to vector<16xf32>
    %swap3A_543 = vector.shape_cast %broadcast_in_dim3A_465 : vector<16xf32> to vector<1x16xf32>
    tpu.vector_store %arg9[%swap3A_539, %swap3A_540], %swap3A_543 {add = true, strides = array<i32>} : memref<1x16xf32, #tpu.memory_space<vmem>>, vector<1x16xf32>,
    %swap3A_544 = arith.constant 0 : i32
    %swap3A_545 = arith.index_cast %swap3A_544 : i32 to index
    %swap3A_546 = arith.constant 0 : index
    %swap3A_547 = tpu.vector_load %arg9[%swap3A_545, %swap3A_546] {strides = array<i32>} : memref<1x16xf32, #tpu.memory_space<vmem>>, vector<1x16xf32>,
    %swap3A_548 = vector.shape_cast %swap3A_547 : vector<1x16xf32> to vector<16xf32>
    %swap3A_549 = vector.shape_cast %broadcast_in_dim3A_468 : vector<16xf32> to vector<1x16xf32>
    tpu.vector_store %arg9[%swap3A_545, %swap3A_546], %swap3A_549 {add = true, strides = array<i32>} : memref<1x16xf32, #tpu.memory_space<vmem>>, vector<1x16xf32>,
    %swap3A_550 = arith.constant 0 : i32
    %swap3A_551 = arith.index_cast %swap3A_550 : i32 to index
    %swap3A_552 = arith.constant 0 : index
    %swap3A_553 = tpu.vector_load %arg9[%swap3A_551, %swap3A_552] {strides = array<i32>} : memref<1x16xf32, #tpu.memory_space<vmem>>, vector<1x16xf32>,
    %swap3A_554 = vector.shape_cast %swap3A_553 : vector<1x16xf32> to vector<16xf32>
    %swap3A_555 = vector.shape_cast %broadcast_in_dim3A_471 : vector<16xf32> to vector<1x16xf32>
    tpu.vector_store %arg9[%swap3A_551, %swap3A_552], %swap3A_555 {add = true, strides = array<i32>} : memref<1x16xf32, #tpu.memory_space<vmem>>, vector<1x16xf32>,
    %swap3A_556 = arith.constant 0 : i32
    %swap3A_557 = arith.index_cast %swap3A_556 : i32 to index
    %swap3A_558 = arith.constant 0 : index
    %swap3A_559 = tpu.vector_load %arg9[%swap3A_557, %swap3A_558] {strides = array<i32>} : memref<1x16xf32, #tpu.memory_space<vmem>>, vector<1x16xf32>,
    %swap3A_560 = vector.shape_cast %swap3A_559 : vector<1x16xf32> to vector<16xf32>
    %swap3A_561 = vector.shape_cast %broadcast_in_dim3A_474 : vector<16xf32> to vector<1x16xf32>
    tpu.vector_store %arg9[%swap3A_557, %swap3A_558], %swap3A_561 {add = true, strides = array<i32>} : memref<1x16xf32, #tpu.memory_space<vmem>>, vector<1x16xf32>,
    %swap3A_562 = arith.constant 0 : i32
    %swap3A_563 = arith.index_cast %swap3A_562 : i32 to index
    %swap3A_564 = arith.constant 0 : index
    %swap3A_565 = tpu.vector_load %arg9[%swap3A_563, %swap3A_564] {strides = array<i32>} : memref<1x16xf32, #tpu.memory_space<vmem>>, vector<1x16xf32>,
    %swap3A_566 = vector.shape_cast %swap3A_565 : vector<1x16xf32> to vector<16xf32>
    %swap3A_567 = vector.shape_cast %broadcast_in_dim3A_477 : vector<16xf32> to vector<1x16xf32>
    tpu.vector_store %arg9[%swap3A_563, %swap3A_564], %swap3A_567 {add = true, strides = array<i32>} : memref<1x16xf32, #tpu.memory_space<vmem>>, vector<1x16xf32>,
    %swap3A_568 = arith.constant 0 : i32
    %swap3A_569 = arith.index_cast %swap3A_568 : i32 to index
    %swap3A_570 = arith.constant 0 : index
    %swap3A_571 = tpu.vector_load %arg9[%swap3A_569, %swap3A_570] {strides = array<i32>} : memref<1x16xf32, #tpu.memory_space<vmem>>, vector<1x16xf32>,
    %swap3A_572 = vector.shape_cast %swap3A_571 : vector<1x16xf32> to vector<16xf32>
    %swap3A_573 = vector.shape_cast %broadcast_in_dim3A_480 : vector<16xf32> to vector<1x16xf32>
    tpu.vector_store %arg9[%swap3A_569, %swap3A_570], %swap3A_573 {add = true, strides = array<i32>} : memref<1x16xf32, #tpu.memory_space<vmem>>, vector<1x16xf32>,
    %swap3A_574 = arith.constant 0 : i32
    %swap3A_575 = arith.index_cast %swap3A_574 : i32 to index
    %swap3A_576 = arith.constant 0 : index
    %swap3A_577 = tpu.vector_load %arg9[%swap3A_575, %swap3A_576] {strides = array<i32>} : memref<1x16xf32, #tpu.memory_space<vmem>>, vector<1x16xf32>,
    %swap3A_578 = vector.shape_cast %swap3A_577 : vector<1x16xf32> to vector<16xf32>
    %swap3A_579 = vector.shape_cast %broadcast_in_dim3A_483 : vector<16xf32> to vector<1x16xf32>
    tpu.vector_store %arg9[%swap3A_575, %swap3A_576], %swap3A_579 {add = true, strides = array<i32>} : memref<1x16xf32, #tpu.memory_space<vmem>>, vector<1x16xf32>,
    %swap3A_580 = arith.constant 0 : i32
    %swap3A_581 = arith.index_cast %swap3A_580 : i32 to index
    %swap3A_582 = arith.constant 0 : index
    %swap3A_583 = tpu.vector_load %arg9[%swap3A_581, %swap3A_582] {strides = array<i32>} : memref<1x16xf32, #tpu.memory_space<vmem>>, vector<1x16xf32>,
    %swap3A_584 = vector.shape_cast %swap3A_583 : vector<1x16xf32> to vector<16xf32>
    %swap3A_585 = vector.shape_cast %broadcast_in_dim3A_486 : vector<16xf32> to vector<1x16xf32>
    tpu.vector_store %arg9[%swap3A_581, %swap3A_582], %swap3A_585 {add = true, strides = array<i32>} : memref<1x16xf32, #tpu.memory_space<vmem>>, vector<1x16xf32>,
    %swap3A_586 = arith.constant 0 : i32
    %swap3A_587 = arith.index_cast %swap3A_586 : i32 to index
    %swap3A_588 = arith.constant 0 : index
    %swap3A_589 = tpu.vector_load %arg9[%swap3A_587, %swap3A_588] {strides = array<i32>} : memref<1x16xf32, #tpu.memory_space<vmem>>, vector<1x16xf32>,
    %swap3A_590 = vector.shape_cast %swap3A_589 : vector<1x16xf32> to vector<16xf32>
    %swap3A_591 = vector.shape_cast %broadcast_in_dim3A_489 : vector<16xf32> to vector<1x16xf32>
    tpu.vector_store %arg9[%swap3A_587, %swap3A_588], %swap3A_591 {add = true, strides = array<i32>} : memref<1x16xf32, #tpu.memory_space<vmem>>, vector<1x16xf32>,
    %add3A_592 = arith.constant 2 : i32
    %add3A_593 = arith.addi %mul3A_426, %add3A_592 : i32
    %lt3A = arith.constant 64 : i32
    %lt3A_594 = arith.cmpi slt, %add3A_593, %lt3A : i32
    %convert_element_type3A = arith.extui %lt3A_594 : i1 to i32
    %cond3A = arith.constant 0 : i32
    %cond3A_595 = arith.cmpi ne, %convert_element_type3A, %cond3A : i32
    scf.if %cond3A_595 {
      %add3A_775 = arith.constant 2 : i32
      %add3A_776 = arith.addi %mul3A_426, %add3A_775 : i32
      %mul3A_777 = arith.constant 16 : i32
      %mul3A_778 = arith.muli %add3A_776, %mul3A_777 : i32
      %add3A_779 = arith.addi %mul3A_2, %mul3A_778 : i32
      %dma_start3A_780 = arith.constant 0 : i32
      %dma_start3A_781 = arith.constant 0 : i32
      %dma_start3A_782 = tpu.memref_slice %arg6[%scan3A_422, %dma_start3A_780, %dma_start3A_781] : memref<2x16x1024xf32, #tpu.memory_space<vmem>> -> memref<1x16x1024xf32, #tpu.memory_space<vmem>>
      %dma_start3A_783 = tpu.memref_squeeze %dma_start3A_782 : memref<1x16x1024xf32, #tpu.memory_space<vmem>> -> memref<16x1024xf32, #tpu.memory_space<vmem>>
      %dma_start3A_784 = arith.constant 0 : i32
      %dma_start3A_785 = tpu.memref_slice %arg2[%add3A_779, %dma_start3A_784] : memref<32768x1024xf32, #tpu.memory_space<hbm>> -> memref<16x1024xf32, #tpu.memory_space<hbm>>
      %dma_start3A_786 = arith.constant 0 : i32
      %dma_start3A_787 = arith.constant 0 : i32
      %dma_start3A_788 = tpu.memref_slice %arg6[%scan3A_422, %dma_start3A_786, %dma_start3A_787] : memref<2x16x1024xf32, #tpu.memory_space<vmem>> -> memref<1x16x1024xf32, #tpu.memory_space<vmem>>
      %dma_start3A_789 = tpu.memref_squeeze %dma_start3A_788 : memref<1x16x1024xf32, #tpu.memory_space<vmem>> -> memref<16x1024xf32, #tpu.memory_space<vmem>>
      %dma_start3A_790 = arith.constant 0 : i32
      %dma_start3A_791 = tpu.memref_slice %arg2[%add3A_779, %dma_start3A_790] : memref<32768x1024xf32, #tpu.memory_space<hbm>> -> memref<16x1024xf32, #tpu.memory_space<hbm>>
      tpu.enqueue_dma source(%dma_start3A_791 : memref<16x1024xf32, #tpu.memory_space<hbm>>) target(%dma_start3A_789 : memref<16x1024xf32, #tpu.memory_space<vmem>>) target_semaphore(%arg10 : memref<!tpu.dma_semaphore, #tpu.memory_space<semaphore_mem>>)
    } else {
    }
    %dma_wait3A_596 = arith.constant 0 : i32
    %dma_wait3A_597 = arith.constant 0 : i32
    %dma_wait3A_598 = tpu.memref_slice %arg6[%scan3A_423, %dma_wait3A_596, %dma_wait3A_597] : memref<2x16x1024xf32, #tpu.memory_space<vmem>> -> memref<1x16x1024xf32, #tpu.memory_space<vmem>>
    %dma_wait3A_599 = tpu.memref_squeeze %dma_wait3A_598 : memref<1x16x1024xf32, #tpu.memory_space<vmem>> -> memref<16x1024xf32, #tpu.memory_space<vmem>>
    %dma_wait3A_600 = arith.constant 0 : i32
    %dma_wait3A_601 = arith.constant 0 : i32
    %dma_wait3A_602 = tpu.memref_slice %arg2[%dma_wait3A_600, %dma_wait3A_601] : memref<32768x1024xf32, #tpu.memory_space<hbm>> -> memref<16x1024xf32, #tpu.memory_space<hbm>>
    %dma_wait3A_603 = arith.constant 0 : i32
    %dma_wait3A_604 = arith.constant 0 : i32
    %dma_wait3A_605 = tpu.memref_slice %arg6[%scan3A_423, %dma_wait3A_603, %dma_wait3A_604] : memref<2x16x1024xf32, #tpu.memory_space<vmem>> -> memref<1x16x1024xf32, #tpu.memory_space<vmem>>
    %dma_wait3A_606 = tpu.memref_squeeze %dma_wait3A_605 : memref<1x16x1024xf32, #tpu.memory_space<vmem>> -> memref<16x1024xf32, #tpu.memory_space<vmem>>
    %dma_wait3A_607 = arith.constant 0 : i32
    %dma_wait3A_608 = arith.constant 0 : i32
    %dma_wait3A_609 = tpu.memref_slice %arg2[%dma_wait3A_607, %dma_wait3A_608] : memref<32768x1024xf32, #tpu.memory_space<hbm>> -> memref<16x1024xf32, #tpu.memory_space<hbm>>
    tpu.wait_dma2 semaphore(%arg11 : memref<!tpu.dma_semaphore, #tpu.memory_space<semaphore_mem>>) src(%dma_wait3A_609 : memref<16x1024xf32, #tpu.memory_space<hbm>>) dst(%dma_wait3A_606 : memref<16x1024xf32, #tpu.memory_space<vmem>>)
    %add3A_610 = arith.constant 1 : i32
    %add3A_611 = arith.addi %mul3A_426, %add3A_610 : i32
    %mul3A_612 = arith.constant 16 : i32
    %mul3A_613 = arith.muli %add3A_611, %mul3A_612 : i32
    %get3A_614 = arith.index_cast %mul3A_613 : i32 to index
    %get3A_615 = tpu.vector_load %arg7[%get3A_614] {strides = array<i32>} : memref<1040xf32, #tpu.memory_space<vmem>>, vector<16xf32>,
    %get3A_616 = vector.shape_cast %get3A_615 : vector<16xf32> to vector<16xf32>
    %slice3A_617 = vector.extract_strided_slice %get3A_616 {offsets = [0], sizes = [1], strides = [1]} : vector<16xf32> to vector<1xf32>
    %squeeze3A_618 = vector.extract %slice3A_617[0] : f32 from vector<1xf32>
    %broadcast_in_dim3A_619 = vector.broadcast %squeeze3A_618 : f32 to vector<16xf32>
    %slice3A_620 = vector.extract_strided_slice %get3A_616 {offsets = [1], sizes = [1], strides = [1]} : vector<16xf32> to vector<1xf32>
    %squeeze3A_621 = vector.extract %slice3A_620[0] : f32 from vector<1xf32>
    %broadcast_in_dim3A_622 = vector.broadcast %squeeze3A_621 : f32 to vector<16xf32>
    %slice3A_623 = vector.extract_strided_slice %get3A_616 {offsets = [2], sizes = [1], strides = [1]} : vector<16xf32> to vector<1xf32>
    %squeeze3A_624 = vector.extract %slice3A_623[0] : f32 from vector<1xf32>
    %broadcast_in_dim3A_625 = vector.broadcast %squeeze3A_624 : f32 to vector<16xf32>
    %slice3A_626 = vector.extract_strided_slice %get3A_616 {offsets = [3], sizes = [1], strides = [1]} : vector<16xf32> to vector<1xf32>
    %squeeze3A_627 = vector.extract %slice3A_626[0] : f32 from vector<1xf32>
    %broadcast_in_dim3A_628 = vector.broadcast %squeeze3A_627 : f32 to vector<16xf32>
    %slice3A_629 = vector.extract_strided_slice %get3A_616 {offsets = [4], sizes = [1], strides = [1]} : vector<16xf32> to vector<1xf32>
    %squeeze3A_630 = vector.extract %slice3A_629[0] : f32 from vector<1xf32>
    %broadcast_in_dim3A_631 = vector.broadcast %squeeze3A_630 : f32 to vector<16xf32>
    %slice3A_632 = vector.extract_strided_slice %get3A_616 {offsets = [5], sizes = [1], strides = [1]} : vector<16xf32> to vector<1xf32>
    %squeeze3A_633 = vector.extract %slice3A_632[0] : f32 from vector<1xf32>
    %broadcast_in_dim3A_634 = vector.broadcast %squeeze3A_633 : f32 to vector<16xf32>
    %slice3A_635 = vector.extract_strided_slice %get3A_616 {offsets = [6], sizes = [1], strides = [1]} : vector<16xf32> to vector<1xf32>
    %squeeze3A_636 = vector.extract %slice3A_635[0] : f32 from vector<1xf32>
    %broadcast_in_dim3A_637 = vector.broadcast %squeeze3A_636 : f32 to vector<16xf32>
    %slice3A_638 = vector.extract_strided_slice %get3A_616 {offsets = [7], sizes = [1], strides = [1]} : vector<16xf32> to vector<1xf32>
    %squeeze3A_639 = vector.extract %slice3A_638[0] : f32 from vector<1xf32>
    %broadcast_in_dim3A_640 = vector.broadcast %squeeze3A_639 : f32 to vector<16xf32>
    %slice3A_641 = vector.extract_strided_slice %get3A_616 {offsets = [8], sizes = [1], strides = [1]} : vector<16xf32> to vector<1xf32>
    %squeeze3A_642 = vector.extract %slice3A_641[0] : f32 from vector<1xf32>
    %broadcast_in_dim3A_643 = vector.broadcast %squeeze3A_642 : f32 to vector<16xf32>
    %slice3A_644 = vector.extract_strided_slice %get3A_616 {offsets = [9], sizes = [1], strides = [1]} : vector<16xf32> to vector<1xf32>
    %squeeze3A_645 = vector.extract %slice3A_644[0] : f32 from vector<1xf32>
    %broadcast_in_dim3A_646 = vector.broadcast %squeeze3A_645 : f32 to vector<16xf32>
    %slice3A_647 = vector.extract_strided_slice %get3A_616 {offsets = [10], sizes = [1], strides = [1]} : vector<16xf32> to vector<1xf32>
    %squeeze3A_648 = vector.extract %slice3A_647[0] : f32 from vector<1xf32>
    %broadcast_in_dim3A_649 = vector.broadcast %squeeze3A_648 : f32 to vector<16xf32>
    %slice3A_650 = vector.extract_strided_slice %get3A_616 {offsets = [11], sizes = [1], strides = [1]} : vector<16xf32> to vector<1xf32>
    %squeeze3A_651 = vector.extract %slice3A_650[0] : f32 from vector<1xf32>
    %broadcast_in_dim3A_652 = vector.broadcast %squeeze3A_651 : f32 to vector<16xf32>
    %slice3A_653 = vector.extract_strided_slice %get3A_616 {offsets = [12], sizes = [1], strides = [1]} : vector<16xf32> to vector<1xf32>
    %squeeze3A_654 = vector.extract %slice3A_653[0] : f32 from vector<1xf32>
    %broadcast_in_dim3A_655 = vector.broadcast %squeeze3A_654 : f32 to vector<16xf32>
    %slice3A_656 = vector.extract_strided_slice %get3A_616 {offsets = [13], sizes = [1], strides = [1]} : vector<16xf32> to vector<1xf32>
    %squeeze3A_657 = vector.extract %slice3A_656[0] : f32 from vector<1xf32>
    %broadcast_in_dim3A_658 = vector.broadcast %squeeze3A_657 : f32 to vector<16xf32>
    %slice3A_659 = vector.extract_strided_slice %get3A_616 {offsets = [14], sizes = [1], strides = [1]} : vector<16xf32> to vector<1xf32>
    %squeeze3A_660 = vector.extract %slice3A_659[0] : f32 from vector<1xf32>
    %broadcast_in_dim3A_661 = vector.broadcast %squeeze3A_660 : f32 to vector<16xf32>
    %slice3A_662 = vector.extract_strided_slice %get3A_616 {offsets = [15], sizes = [1], strides = [1]} : vector<16xf32> to vector<1xf32>
    %squeeze3A_663 = vector.extract %slice3A_662[0] : f32 from vector<1xf32>
    %broadcast_in_dim3A_664 = vector.broadcast %squeeze3A_663 : f32 to vector<16xf32>
    %scan3A_665 = arith.constant 0 : i32
    %scan3A_666 = arith.constant 0 : i32
    %scan3A_667 = arith.constant 64 : i32
    %scan3A_668 = arith.addi %scan3A_666, %scan3A_667 : i32
    %scan3A_669 = arith.constant 4 : i32
    scf.for %scan3A_775 = %scan3A_666 to %scan3A_668 step %scan3A_669  : i32 {
      %mul3A_776 = arith.constant 16 : i32
      %mul3A_777 = arith.muli %scan3A_775, %mul3A_776 : i32
      %get3A_778 = arith.constant 0 : i32
      %get3A_779 = arith.constant 0 : i32
      %get3A_780 = arith.constant 0 : i32
      %get3A_781 = tpu.memref_slice %arg6[%scan3A_423, %get3A_779, %get3A_780] : memref<2x16x1024xf32, #tpu.memory_space<vmem>> -> memref<1x16x1024xf32, #tpu.memory_space<vmem>>
      %get3A_782 = tpu.memref_squeeze %get3A_781 : memref<1x16x1024xf32, #tpu.memory_space<vmem>> -> memref<16x1024xf32, #tpu.memory_space<vmem>>
      %get3A_783 = arith.index_cast %get3A_778 : i32 to index
      %get3A_784 = arith.index_cast %mul3A_777 : i32 to index
      %get3A_785 = tpu.vector_load %get3A_782[%get3A_783, %get3A_784] {strides = array<i32>} : memref<16x1024xf32, #tpu.memory_space<vmem>>, vector<1x16xf32>,
      %get3A_786 = vector.shape_cast %get3A_785 : vector<1x16xf32> to vector<16xf32>
      %mul3A_787 = arith.mulf %get3A_786, %broadcast_in_dim3A_619 : vector<16xf32>
      %swap3A_788 = arith.constant 0 : i32
      %swap3A_789 = arith.index_cast %swap3A_788 : i32 to index
      %swap3A_790 = arith.index_cast %mul3A_777 : i32 to index
      %swap3A_791 = tpu.vector_load %arg8[%swap3A_789, %swap3A_790] {strides = array<i32>} : memref<1x1024xf32, #tpu.memory_space<vmem>>, vector<1x16xf32>,
      %swap3A_792 = vector.shape_cast %swap3A_791 : vector<1x16xf32> to vector<16xf32>
      %swap3A_793 = vector.shape_cast %mul3A_787 : vector<16xf32> to vector<1x16xf32>
      tpu.vector_store %arg8[%swap3A_789, %swap3A_790], %swap3A_793 {add = true, strides = array<i32>} : memref<1x1024xf32, #tpu.memory_space<vmem>>, vector<1x16xf32>,
      %get3A_794 = arith.constant 1 : i32
      %get3A_795 = arith.constant 0 : i32
      %get3A_796 = arith.constant 0 : i32
      %get3A_797 = tpu.memref_slice %arg6[%scan3A_423, %get3A_795, %get3A_796] : memref<2x16x1024xf32, #tpu.memory_space<vmem>> -> memref<1x16x1024xf32, #tpu.memory_space<vmem>>
      %get3A_798 = tpu.memref_squeeze %get3A_797 : memref<1x16x1024xf32, #tpu.memory_space<vmem>> -> memref<16x1024xf32, #tpu.memory_space<vmem>>
      %get3A_799 = arith.index_cast %get3A_794 : i32 to index
      %get3A_800 = arith.index_cast %mul3A_777 : i32 to index
      %get3A_801 = tpu.vector_load %get3A_798[%get3A_799, %get3A_800] {strides = array<i32>} : memref<16x1024xf32, #tpu.memory_space<vmem>>, vector<1x16xf32>,
      %get3A_802 = vector.shape_cast %get3A_801 : vector<1x16xf32> to vector<16xf32>
      %mul3A_803 = arith.mulf %get3A_802, %broadcast_in_dim3A_622 : vector<16xf32>
      %swap3A_804 = arith.constant 0 : i32
      %swap3A_805 = arith.index_cast %swap3A_804 : i32 to index
      %swap3A_806 = arith.index_cast %mul3A_777 : i32 to index
      %swap3A_807 = tpu.vector_load %arg8[%swap3A_805, %swap3A_806] {strides = array<i32>} : memref<1x1024xf32, #tpu.memory_space<vmem>>, vector<1x16xf32>,
      %swap3A_808 = vector.shape_cast %swap3A_807 : vector<1x16xf32> to vector<16xf32>
      %swap3A_809 = vector.shape_cast %mul3A_803 : vector<16xf32> to vector<1x16xf32>
      tpu.vector_store %arg8[%swap3A_805, %swap3A_806], %swap3A_809 {add = true, strides = array<i32>} : memref<1x1024xf32, #tpu.memory_space<vmem>>, vector<1x16xf32>,
      %get3A_810 = arith.constant 2 : i32
      %get3A_811 = arith.constant 0 : i32
      %get3A_812 = arith.constant 0 : i32
      %get3A_813 = tpu.memref_slice %arg6[%scan3A_423, %get3A_811, %get3A_812] : memref<2x16x1024xf32, #tpu.memory_space<vmem>> -> memref<1x16x1024xf32, #tpu.memory_space<vmem>>
      %get3A_814 = tpu.memref_squeeze %get3A_813 : memref<1x16x1024xf32, #tpu.memory_space<vmem>> -> memref<16x1024xf32, #tpu.memory_space<vmem>>
      %get3A_815 = arith.index_cast %get3A_810 : i32 to index
      %get3A_816 = arith.index_cast %mul3A_777 : i32 to index
      %get3A_817 = tpu.vector_load %get3A_814[%get3A_815, %get3A_816] {strides = array<i32>} : memref<16x1024xf32, #tpu.memory_space<vmem>>, vector<1x16xf32>,
      %get3A_818 = vector.shape_cast %get3A_817 : vector<1x16xf32> to vector<16xf32>
      %mul3A_819 = arith.mulf %get3A_818, %broadcast_in_dim3A_625 : vector<16xf32>
      %swap3A_820 = arith.constant 0 : i32
      %swap3A_821 = arith.index_cast %swap3A_820 : i32 to index
      %swap3A_822 = arith.index_cast %mul3A_777 : i32 to index
      %swap3A_823 = tpu.vector_load %arg8[%swap3A_821, %swap3A_822] {strides = array<i32>} : memref<1x1024xf32, #tpu.memory_space<vmem>>, vector<1x16xf32>,
      %swap3A_824 = vector.shape_cast %swap3A_823 : vector<1x16xf32> to vector<16xf32>
      %swap3A_825 = vector.shape_cast %mul3A_819 : vector<16xf32> to vector<1x16xf32>
      tpu.vector_store %arg8[%swap3A_821, %swap3A_822], %swap3A_825 {add = true, strides = array<i32>} : memref<1x1024xf32, #tpu.memory_space<vmem>>, vector<1x16xf32>,
      %get3A_826 = arith.constant 3 : i32
      %get3A_827 = arith.constant 0 : i32
      %get3A_828 = arith.constant 0 : i32
      %get3A_829 = tpu.memref_slice %arg6[%scan3A_423, %get3A_827, %get3A_828] : memref<2x16x1024xf32, #tpu.memory_space<vmem>> -> memref<1x16x1024xf32, #tpu.memory_space<vmem>>
      %get3A_830 = tpu.memref_squeeze %get3A_829 : memref<1x16x1024xf32, #tpu.memory_space<vmem>> -> memref<16x1024xf32, #tpu.memory_space<vmem>>
      %get3A_831 = arith.index_cast %get3A_826 : i32 to index
      %get3A_832 = arith.index_cast %mul3A_777 : i32 to index
      %get3A_833 = tpu.vector_load %get3A_830[%get3A_831, %get3A_832] {strides = array<i32>} : memref<16x1024xf32, #tpu.memory_space<vmem>>, vector<1x16xf32>,
      %get3A_834 = vector.shape_cast %get3A_833 : vector<1x16xf32> to vector<16xf32>
      %mul3A_835 = arith.mulf %get3A_834, %broadcast_in_dim3A_628 : vector<16xf32>
      %swap3A_836 = arith.constant 0 : i32
      %swap3A_837 = arith.index_cast %swap3A_836 : i32 to index
      %swap3A_838 = arith.index_cast %mul3A_777 : i32 to index
      %swap3A_839 = tpu.vector_load %arg8[%swap3A_837, %swap3A_838] {strides = array<i32>} : memref<1x1024xf32, #tpu.memory_space<vmem>>, vector<1x16xf32>,
      %swap3A_840 = vector.shape_cast %swap3A_839 : vector<1x16xf32> to vector<16xf32>
      %swap3A_841 = vector.shape_cast %mul3A_835 : vector<16xf32> to vector<1x16xf32>
      tpu.vector_store %arg8[%swap3A_837, %swap3A_838], %swap3A_841 {add = true, strides = array<i32>} : memref<1x1024xf32, #tpu.memory_space<vmem>>, vector<1x16xf32>,
      %get3A_842 = arith.constant 4 : i32
      %get3A_843 = arith.constant 0 : i32
      %get3A_844 = arith.constant 0 : i32
      %get3A_845 = tpu.memref_slice %arg6[%scan3A_423, %get3A_843, %get3A_844] : memref<2x16x1024xf32, #tpu.memory_space<vmem>> -> memref<1x16x1024xf32, #tpu.memory_space<vmem>>
      %get3A_846 = tpu.memref_squeeze %get3A_845 : memref<1x16x1024xf32, #tpu.memory_space<vmem>> -> memref<16x1024xf32, #tpu.memory_space<vmem>>
      %get3A_847 = arith.index_cast %get3A_842 : i32 to index
      %get3A_848 = arith.index_cast %mul3A_777 : i32 to index
      %get3A_849 = tpu.vector_load %get3A_846[%get3A_847, %get3A_848] {strides = array<i32>} : memref<16x1024xf32, #tpu.memory_space<vmem>>, vector<1x16xf32>,
      %get3A_850 = vector.shape_cast %get3A_849 : vector<1x16xf32> to vector<16xf32>
      %mul3A_851 = arith.mulf %get3A_850, %broadcast_in_dim3A_631 : vector<16xf32>
      %swap3A_852 = arith.constant 0 : i32
      %swap3A_853 = arith.index_cast %swap3A_852 : i32 to index
      %swap3A_854 = arith.index_cast %mul3A_777 : i32 to index
      %swap3A_855 = tpu.vector_load %arg8[%swap3A_853, %swap3A_854] {strides = array<i32>} : memref<1x1024xf32, #tpu.memory_space<vmem>>, vector<1x16xf32>,
      %swap3A_856 = vector.shape_cast %swap3A_855 : vector<1x16xf32> to vector<16xf32>
      %swap3A_857 = vector.shape_cast %mul3A_851 : vector<16xf32> to vector<1x16xf32>
      tpu.vector_store %arg8[%swap3A_853, %swap3A_854], %swap3A_857 {add = true, strides = array<i32>} : memref<1x1024xf32, #tpu.memory_space<vmem>>, vector<1x16xf32>,
      %get3A_858 = arith.constant 5 : i32
      %get3A_859 = arith.constant 0 : i32
      %get3A_860 = arith.constant 0 : i32
      %get3A_861 = tpu.memref_slice %arg6[%scan3A_423, %get3A_859, %get3A_860] : memref<2x16x1024xf32, #tpu.memory_space<vmem>> -> memref<1x16x1024xf32, #tpu.memory_space<vmem>>
      %get3A_862 = tpu.memref_squeeze %get3A_861 : memref<1x16x1024xf32, #tpu.memory_space<vmem>> -> memref<16x1024xf32, #tpu.memory_space<vmem>>
      %get3A_863 = arith.index_cast %get3A_858 : i32 to index
      %get3A_864 = arith.index_cast %mul3A_777 : i32 to index
      %get3A_865 = tpu.vector_load %get3A_862[%get3A_863, %get3A_864] {strides = array<i32>} : memref<16x1024xf32, #tpu.memory_space<vmem>>, vector<1x16xf32>,
      %get3A_866 = vector.shape_cast %get3A_865 : vector<1x16xf32> to vector<16xf32>
      %mul3A_867 = arith.mulf %get3A_866, %broadcast_in_dim3A_634 : vector<16xf32>
      %swap3A_868 = arith.constant 0 : i32
      %swap3A_869 = arith.index_cast %swap3A_868 : i32 to index
      %swap3A_870 = arith.index_cast %mul3A_777 : i32 to index
      %swap3A_871 = tpu.vector_load %arg8[%swap3A_869, %swap3A_870] {strides = array<i32>} : memref<1x1024xf32, #tpu.memory_space<vmem>>, vector<1x16xf32>,
      %swap3A_872 = vector.shape_cast %swap3A_871 : vector<1x16xf32> to vector<16xf32>
      %swap3A_873 = vector.shape_cast %mul3A_867 : vector<16xf32> to vector<1x16xf32>
      tpu.vector_store %arg8[%swap3A_869, %swap3A_870], %swap3A_873 {add = true, strides = array<i32>} : memref<1x1024xf32, #tpu.memory_space<vmem>>, vector<1x16xf32>,
      %get3A_874 = arith.constant 6 : i32
      %get3A_875 = arith.constant 0 : i32
      %get3A_876 = arith.constant 0 : i32
      %get3A_877 = tpu.memref_slice %arg6[%scan3A_423, %get3A_875, %get3A_876] : memref<2x16x1024xf32, #tpu.memory_space<vmem>> -> memref<1x16x1024xf32, #tpu.memory_space<vmem>>
      %get3A_878 = tpu.memref_squeeze %get3A_877 : memref<1x16x1024xf32, #tpu.memory_space<vmem>> -> memref<16x1024xf32, #tpu.memory_space<vmem>>
      %get3A_879 = arith.index_cast %get3A_874 : i32 to index
      %get3A_880 = arith.index_cast %mul3A_777 : i32 to index
      %get3A_881 = tpu.vector_load %get3A_878[%get3A_879, %get3A_880] {strides = array<i32>} : memref<16x1024xf32, #tpu.memory_space<vmem>>, vector<1x16xf32>,
      %get3A_882 = vector.shape_cast %get3A_881 : vector<1x16xf32> to vector<16xf32>
      %mul3A_883 = arith.mulf %get3A_882, %broadcast_in_dim3A_637 : vector<16xf32>
      %swap3A_884 = arith.constant 0 : i32
      %swap3A_885 = arith.index_cast %swap3A_884 : i32 to index
      %swap3A_886 = arith.index_cast %mul3A_777 : i32 to index
      %swap3A_887 = tpu.vector_load %arg8[%swap3A_885, %swap3A_886] {strides = array<i32>} : memref<1x1024xf32, #tpu.memory_space<vmem>>, vector<1x16xf32>,
      %swap3A_888 = vector.shape_cast %swap3A_887 : vector<1x16xf32> to vector<16xf32>
      %swap3A_889 = vector.shape_cast %mul3A_883 : vector<16xf32> to vector<1x16xf32>
      tpu.vector_store %arg8[%swap3A_885, %swap3A_886], %swap3A_889 {add = true, strides = array<i32>} : memref<1x1024xf32, #tpu.memory_space<vmem>>, vector<1x16xf32>,
      %get3A_890 = arith.constant 7 : i32
      %get3A_891 = arith.constant 0 : i32
      %get3A_892 = arith.constant 0 : i32
      %get3A_893 = tpu.memref_slice %arg6[%scan3A_423, %get3A_891, %get3A_892] : memref<2x16x1024xf32, #tpu.memory_space<vmem>> -> memref<1x16x1024xf32, #tpu.memory_space<vmem>>
      %get3A_894 = tpu.memref_squeeze %get3A_893 : memref<1x16x1024xf32, #tpu.memory_space<vmem>> -> memref<16x1024xf32, #tpu.memory_space<vmem>>
      %get3A_895 = arith.index_cast %get3A_890 : i32 to index
      %get3A_896 = arith.index_cast %mul3A_777 : i32 to index
      %get3A_897 = tpu.vector_load %get3A_894[%get3A_895, %get3A_896] {strides = array<i32>} : memref<16x1024xf32, #tpu.memory_space<vmem>>, vector<1x16xf32>,
      %get3A_898 = vector.shape_cast %get3A_897 : vector<1x16xf32> to vector<16xf32>
      %mul3A_899 = arith.mulf %get3A_898, %broadcast_in_dim3A_640 : vector<16xf32>
      %swap3A_900 = arith.constant 0 : i32
      %swap3A_901 = arith.index_cast %swap3A_900 : i32 to index
      %swap3A_902 = arith.index_cast %mul3A_777 : i32 to index
      %swap3A_903 = tpu.vector_load %arg8[%swap3A_901, %swap3A_902] {strides = array<i32>} : memref<1x1024xf32, #tpu.memory_space<vmem>>, vector<1x16xf32>,
      %swap3A_904 = vector.shape_cast %swap3A_903 : vector<1x16xf32> to vector<16xf32>
      %swap3A_905 = vector.shape_cast %mul3A_899 : vector<16xf32> to vector<1x16xf32>
      tpu.vector_store %arg8[%swap3A_901, %swap3A_902], %swap3A_905 {add = true, strides = array<i32>} : memref<1x1024xf32, #tpu.memory_space<vmem>>, vector<1x16xf32>,
      %get3A_906 = arith.constant 8 : i32
      %get3A_907 = arith.constant 0 : i32
      %get3A_908 = arith.constant 0 : i32
      %get3A_909 = tpu.memref_slice %arg6[%scan3A_423, %get3A_907, %get3A_908] : memref<2x16x1024xf32, #tpu.memory_space<vmem>> -> memref<1x16x1024xf32, #tpu.memory_space<vmem>>
      %get3A_910 = tpu.memref_squeeze %get3A_909 : memref<1x16x1024xf32, #tpu.memory_space<vmem>> -> memref<16x1024xf32, #tpu.memory_space<vmem>>
      %get3A_911 = arith.index_cast %get3A_906 : i32 to index
      %get3A_912 = arith.index_cast %mul3A_777 : i32 to index
      %get3A_913 = tpu.vector_load %get3A_910[%get3A_911, %get3A_912] {strides = array<i32>} : memref<16x1024xf32, #tpu.memory_space<vmem>>, vector<1x16xf32>,
      %get3A_914 = vector.shape_cast %get3A_913 : vector<1x16xf32> to vector<16xf32>
      %mul3A_915 = arith.mulf %get3A_914, %broadcast_in_dim3A_643 : vector<16xf32>
      %swap3A_916 = arith.constant 0 : i32
      %swap3A_917 = arith.index_cast %swap3A_916 : i32 to index
      %swap3A_918 = arith.index_cast %mul3A_777 : i32 to index
      %swap3A_919 = tpu.vector_load %arg8[%swap3A_917, %swap3A_918] {strides = array<i32>} : memref<1x1024xf32, #tpu.memory_space<vmem>>, vector<1x16xf32>,
      %swap3A_920 = vector.shape_cast %swap3A_919 : vector<1x16xf32> to vector<16xf32>
      %swap3A_921 = vector.shape_cast %mul3A_915 : vector<16xf32> to vector<1x16xf32>
      tpu.vector_store %arg8[%swap3A_917, %swap3A_918], %swap3A_921 {add = true, strides = array<i32>} : memref<1x1024xf32, #tpu.memory_space<vmem>>, vector<1x16xf32>,
      %get3A_922 = arith.constant 9 : i32
      %get3A_923 = arith.constant 0 : i32
      %get3A_924 = arith.constant 0 : i32
      %get3A_925 = tpu.memref_slice %arg6[%scan3A_423, %get3A_923, %get3A_924] : memref<2x16x1024xf32, #tpu.memory_space<vmem>> -> memref<1x16x1024xf32, #tpu.memory_space<vmem>>
      %get3A_926 = tpu.memref_squeeze %get3A_925 : memref<1x16x1024xf32, #tpu.memory_space<vmem>> -> memref<16x1024xf32, #tpu.memory_space<vmem>>
      %get3A_927 = arith.index_cast %get3A_922 : i32 to index
      %get3A_928 = arith.index_cast %mul3A_777 : i32 to index
      %get3A_929 = tpu.vector_load %get3A_926[%get3A_927, %get3A_928] {strides = array<i32>} : memref<16x1024xf32, #tpu.memory_space<vmem>>, vector<1x16xf32>,
      %get3A_930 = vector.shape_cast %get3A_929 : vector<1x16xf32> to vector<16xf32>
      %mul3A_931 = arith.mulf %get3A_930, %broadcast_in_dim3A_646 : vector<16xf32>
      %swap3A_932 = arith.constant 0 : i32
      %swap3A_933 = arith.index_cast %swap3A_932 : i32 to index
      %swap3A_934 = arith.index_cast %mul3A_777 : i32 to index
      %swap3A_935 = tpu.vector_load %arg8[%swap3A_933, %swap3A_934] {strides = array<i32>} : memref<1x1024xf32, #tpu.memory_space<vmem>>, vector<1x16xf32>,
      %swap3A_936 = vector.shape_cast %swap3A_935 : vector<1x16xf32> to vector<16xf32>
      %swap3A_937 = vector.shape_cast %mul3A_931 : vector<16xf32> to vector<1x16xf32>
      tpu.vector_store %arg8[%swap3A_933, %swap3A_934], %swap3A_937 {add = true, strides = array<i32>} : memref<1x1024xf32, #tpu.memory_space<vmem>>, vector<1x16xf32>,
      %get3A_938 = arith.constant 10 : i32
      %get3A_939 = arith.constant 0 : i32
      %get3A_940 = arith.constant 0 : i32
      %get3A_941 = tpu.memref_slice %arg6[%scan3A_423, %get3A_939, %get3A_940] : memref<2x16x1024xf32, #tpu.memory_space<vmem>> -> memref<1x16x1024xf32, #tpu.memory_space<vmem>>
      %get3A_942 = tpu.memref_squeeze %get3A_941 : memref<1x16x1024xf32, #tpu.memory_space<vmem>> -> memref<16x1024xf32, #tpu.memory_space<vmem>>
      %get3A_943 = arith.index_cast %get3A_938 : i32 to index
      %get3A_944 = arith.index_cast %mul3A_777 : i32 to index
      %get3A_945 = tpu.vector_load %get3A_942[%get3A_943, %get3A_944] {strides = array<i32>} : memref<16x1024xf32, #tpu.memory_space<vmem>>, vector<1x16xf32>,
      %get3A_946 = vector.shape_cast %get3A_945 : vector<1x16xf32> to vector<16xf32>
      %mul3A_947 = arith.mulf %get3A_946, %broadcast_in_dim3A_649 : vector<16xf32>
      %swap3A_948 = arith.constant 0 : i32
      %swap3A_949 = arith.index_cast %swap3A_948 : i32 to index
      %swap3A_950 = arith.index_cast %mul3A_777 : i32 to index
      %swap3A_951 = tpu.vector_load %arg8[%swap3A_949, %swap3A_950] {strides = array<i32>} : memref<1x1024xf32, #tpu.memory_space<vmem>>, vector<1x16xf32>,
      %swap3A_952 = vector.shape_cast %swap3A_951 : vector<1x16xf32> to vector<16xf32>
      %swap3A_953 = vector.shape_cast %mul3A_947 : vector<16xf32> to vector<1x16xf32>
      tpu.vector_store %arg8[%swap3A_949, %swap3A_950], %swap3A_953 {add = true, strides = array<i32>} : memref<1x1024xf32, #tpu.memory_space<vmem>>, vector<1x16xf32>,
      %get3A_954 = arith.constant 11 : i32
      %get3A_955 = arith.constant 0 : i32
      %get3A_956 = arith.constant 0 : i32
      %get3A_957 = tpu.memref_slice %arg6[%scan3A_423, %get3A_955, %get3A_956] : memref<2x16x1024xf32, #tpu.memory_space<vmem>> -> memref<1x16x1024xf32, #tpu.memory_space<vmem>>
      %get3A_958 = tpu.memref_squeeze %get3A_957 : memref<1x16x1024xf32, #tpu.memory_space<vmem>> -> memref<16x1024xf32, #tpu.memory_space<vmem>>
      %get3A_959 = arith.index_cast %get3A_954 : i32 to index
      %get3A_960 = arith.index_cast %mul3A_777 : i32 to index
      %get3A_961 = tpu.vector_load %get3A_958[%get3A_959, %get3A_960] {strides = array<i32>} : memref<16x1024xf32, #tpu.memory_space<vmem>>, vector<1x16xf32>,
      %get3A_962 = vector.shape_cast %get3A_961 : vector<1x16xf32> to vector<16xf32>
      %mul3A_963 = arith.mulf %get3A_962, %broadcast_in_dim3A_652 : vector<16xf32>
      %swap3A_964 = arith.constant 0 : i32
      %swap3A_965 = arith.index_cast %swap3A_964 : i32 to index
      %swap3A_966 = arith.index_cast %mul3A_777 : i32 to index
      %swap3A_967 = tpu.vector_load %arg8[%swap3A_965, %swap3A_966] {strides = array<i32>} : memref<1x1024xf32, #tpu.memory_space<vmem>>, vector<1x16xf32>,
      %swap3A_968 = vector.shape_cast %swap3A_967 : vector<1x16xf32> to vector<16xf32>
      %swap3A_969 = vector.shape_cast %mul3A_963 : vector<16xf32> to vector<1x16xf32>
      tpu.vector_store %arg8[%swap3A_965, %swap3A_966], %swap3A_969 {add = true, strides = array<i32>} : memref<1x1024xf32, #tpu.memory_space<vmem>>, vector<1x16xf32>,
      %get3A_970 = arith.constant 12 : i32
      %get3A_971 = arith.constant 0 : i32
      %get3A_972 = arith.constant 0 : i32
      %get3A_973 = tpu.memref_slice %arg6[%scan3A_423, %get3A_971, %get3A_972] : memref<2x16x1024xf32, #tpu.memory_space<vmem>> -> memref<1x16x1024xf32, #tpu.memory_space<vmem>>
      %get3A_974 = tpu.memref_squeeze %get3A_973 : memref<1x16x1024xf32, #tpu.memory_space<vmem>> -> memref<16x1024xf32, #tpu.memory_space<vmem>>
      %get3A_975 = arith.index_cast %get3A_970 : i32 to index
      %get3A_976 = arith.index_cast %mul3A_777 : i32 to index
      %get3A_977 = tpu.vector_load %get3A_974[%get3A_975, %get3A_976] {strides = array<i32>} : memref<16x1024xf32, #tpu.memory_space<vmem>>, vector<1x16xf32>,
      %get3A_978 = vector.shape_cast %get3A_977 : vector<1x16xf32> to vector<16xf32>
      %mul3A_979 = arith.mulf %get3A_978, %broadcast_in_dim3A_655 : vector<16xf32>
      %swap3A_980 = arith.constant 0 : i32
      %swap3A_981 = arith.index_cast %swap3A_980 : i32 to index
      %swap3A_982 = arith.index_cast %mul3A_777 : i32 to index
      %swap3A_983 = tpu.vector_load %arg8[%swap3A_981, %swap3A_982] {strides = array<i32>} : memref<1x1024xf32, #tpu.memory_space<vmem>>, vector<1x16xf32>,
      %swap3A_984 = vector.shape_cast %swap3A_983 : vector<1x16xf32> to vector<16xf32>
      %swap3A_985 = vector.shape_cast %mul3A_979 : vector<16xf32> to vector<1x16xf32>
      tpu.vector_store %arg8[%swap3A_981, %swap3A_982], %swap3A_985 {add = true, strides = array<i32>} : memref<1x1024xf32, #tpu.memory_space<vmem>>, vector<1x16xf32>,
      %get3A_986 = arith.constant 13 : i32
      %get3A_987 = arith.constant 0 : i32
      %get3A_988 = arith.constant 0 : i32
      %get3A_989 = tpu.memref_slice %arg6[%scan3A_423, %get3A_987, %get3A_988] : memref<2x16x1024xf32, #tpu.memory_space<vmem>> -> memref<1x16x1024xf32, #tpu.memory_space<vmem>>
      %get3A_990 = tpu.memref_squeeze %get3A_989 : memref<1x16x1024xf32, #tpu.memory_space<vmem>> -> memref<16x1024xf32, #tpu.memory_space<vmem>>
      %get3A_991 = arith.index_cast %get3A_986 : i32 to index
      %get3A_992 = arith.index_cast %mul3A_777 : i32 to index
      %get3A_993 = tpu.vector_load %get3A_990[%get3A_991, %get3A_992] {strides = array<i32>} : memref<16x1024xf32, #tpu.memory_space<vmem>>, vector<1x16xf32>,
      %get3A_994 = vector.shape_cast %get3A_993 : vector<1x16xf32> to vector<16xf32>
      %mul3A_995 = arith.mulf %get3A_994, %broadcast_in_dim3A_658 : vector<16xf32>
      %swap3A_996 = arith.constant 0 : i32
      %swap3A_997 = arith.index_cast %swap3A_996 : i32 to index
      %swap3A_998 = arith.index_cast %mul3A_777 : i32 to index
      %swap3A_999 = tpu.vector_load %arg8[%swap3A_997, %swap3A_998] {strides = array<i32>} : memref<1x1024xf32, #tpu.memory_space<vmem>>, vector<1x16xf32>,
      %swap3A_1000 = vector.shape_cast %swap3A_999 : vector<1x16xf32> to vector<16xf32>
      %swap3A_1001 = vector.shape_cast %mul3A_995 : vector<16xf32> to vector<1x16xf32>
      tpu.vector_store %arg8[%swap3A_997, %swap3A_998], %swap3A_1001 {add = true, strides = array<i32>} : memref<1x1024xf32, #tpu.memory_space<vmem>>, vector<1x16xf32>,
      %get3A_1002 = arith.constant 14 : i32
      %get3A_1003 = arith.constant 0 : i32
      %get3A_1004 = arith.constant 0 : i32
      %get3A_1005 = tpu.memref_slice %arg6[%scan3A_423, %get3A_1003, %get3A_1004] : memref<2x16x1024xf32, #tpu.memory_space<vmem>> -> memref<1x16x1024xf32, #tpu.memory_space<vmem>>
      %get3A_1006 = tpu.memref_squeeze %get3A_1005 : memref<1x16x1024xf32, #tpu.memory_space<vmem>> -> memref<16x1024xf32, #tpu.memory_space<vmem>>
      %get3A_1007 = arith.index_cast %get3A_1002 : i32 to index
      %get3A_1008 = arith.index_cast %mul3A_777 : i32 to index
      %get3A_1009 = tpu.vector_load %get3A_1006[%get3A_1007, %get3A_1008] {strides = array<i32>} : memref<16x1024xf32, #tpu.memory_space<vmem>>, vector<1x16xf32>,
      %get3A_1010 = vector.shape_cast %get3A_1009 : vector<1x16xf32> to vector<16xf32>
      %mul3A_1011 = arith.mulf %get3A_1010, %broadcast_in_dim3A_661 : vector<16xf32>
      %swap3A_1012 = arith.constant 0 : i32
      %swap3A_1013 = arith.index_cast %swap3A_1012 : i32 to index
      %swap3A_1014 = arith.index_cast %mul3A_777 : i32 to index
      %swap3A_1015 = tpu.vector_load %arg8[%swap3A_1013, %swap3A_1014] {strides = array<i32>} : memref<1x1024xf32, #tpu.memory_space<vmem>>, vector<1x16xf32>,
      %swap3A_1016 = vector.shape_cast %swap3A_1015 : vector<1x16xf32> to vector<16xf32>
      %swap3A_1017 = vector.shape_cast %mul3A_1011 : vector<16xf32> to vector<1x16xf32>
      tpu.vector_store %arg8[%swap3A_1013, %swap3A_1014], %swap3A_1017 {add = true, strides = array<i32>} : memref<1x1024xf32, #tpu.memory_space<vmem>>, vector<1x16xf32>,
      %get3A_1018 = arith.constant 15 : i32
      %get3A_1019 = arith.constant 0 : i32
      %get3A_1020 = arith.constant 0 : i32
      %get3A_1021 = tpu.memref_slice %arg6[%scan3A_423, %get3A_1019, %get3A_1020] : memref<2x16x1024xf32, #tpu.memory_space<vmem>> -> memref<1x16x1024xf32, #tpu.memory_space<vmem>>
      %get3A_1022 = tpu.memref_squeeze %get3A_1021 : memref<1x16x1024xf32, #tpu.memory_space<vmem>> -> memref<16x1024xf32, #tpu.memory_space<vmem>>
      %get3A_1023 = arith.index_cast %get3A_1018 : i32 to index
      %get3A_1024 = arith.index_cast %mul3A_777 : i32 to index
      %get3A_1025 = tpu.vector_load %get3A_1022[%get3A_1023, %get3A_1024] {strides = array<i32>} : memref<16x1024xf32, #tpu.memory_space<vmem>>, vector<1x16xf32>,
      %get3A_1026 = vector.shape_cast %get3A_1025 : vector<1x16xf32> to vector<16xf32>
      %mul3A_1027 = arith.mulf %get3A_1026, %broadcast_in_dim3A_664 : vector<16xf32>
      %swap3A_1028 = arith.constant 0 : i32
      %swap3A_1029 = arith.index_cast %swap3A_1028 : i32 to index
      %swap3A_1030 = arith.index_cast %mul3A_777 : i32 to index
      %swap3A_1031 = tpu.vector_load %arg8[%swap3A_1029, %swap3A_1030] {strides = array<i32>} : memref<1x1024xf32, #tpu.memory_space<vmem>>, vector<1x16xf32>,
      %swap3A_1032 = vector.shape_cast %swap3A_1031 : vector<1x16xf32> to vector<16xf32>
      %swap3A_1033 = vector.shape_cast %mul3A_1027 : vector<16xf32> to vector<1x16xf32>
      tpu.vector_store %arg8[%swap3A_1029, %swap3A_1030], %swap3A_1033 {add = true, strides = array<i32>} : memref<1x1024xf32, #tpu.memory_space<vmem>>, vector<1x16xf32>,
      %scan3A_1034 = arith.constant 1 : i32
      %scan3A_1035 = arith.addi %scan3A_775, %scan3A_1034 : i32
      %mul3A_1036 = arith.constant 16 : i32
      %mul3A_1037 = arith.muli %scan3A_1035, %mul3A_1036 : i32
      %get3A_1038 = arith.constant 0 : i32
      %get3A_1039 = arith.constant 0 : i32
      %get3A_1040 = arith.constant 0 : i32
      %get3A_1041 = tpu.memref_slice %arg6[%scan3A_423, %get3A_1039, %get3A_1040] : memref<2x16x1024xf32, #tpu.memory_space<vmem>> -> memref<1x16x1024xf32, #tpu.memory_space<vmem>>
      %get3A_1042 = tpu.memref_squeeze %get3A_1041 : memref<1x16x1024xf32, #tpu.memory_space<vmem>> -> memref<16x1024xf32, #tpu.memory_space<vmem>>
      %get3A_1043 = arith.index_cast %get3A_1038 : i32 to index
      %get3A_1044 = arith.index_cast %mul3A_1037 : i32 to index
      %get3A_1045 = tpu.vector_load %get3A_1042[%get3A_1043, %get3A_1044] {strides = array<i32>} : memref<16x1024xf32, #tpu.memory_space<vmem>>, vector<1x16xf32>,
      %get3A_1046 = vector.shape_cast %get3A_1045 : vector<1x16xf32> to vector<16xf32>
      %mul3A_1047 = arith.mulf %get3A_1046, %broadcast_in_dim3A_619 : vector<16xf32>
      %swap3A_1048 = arith.constant 0 : i32
      %swap3A_1049 = arith.index_cast %swap3A_1048 : i32 to index
      %swap3A_1050 = arith.index_cast %mul3A_1037 : i32 to index
      %swap3A_1051 = tpu.vector_load %arg8[%swap3A_1049, %swap3A_1050] {strides = array<i32>} : memref<1x1024xf32, #tpu.memory_space<vmem>>, vector<1x16xf32>,
      %swap3A_1052 = vector.shape_cast %swap3A_1051 : vector<1x16xf32> to vector<16xf32>
      %swap3A_1053 = vector.shape_cast %mul3A_1047 : vector<16xf32> to vector<1x16xf32>
      tpu.vector_store %arg8[%swap3A_1049, %swap3A_1050], %swap3A_1053 {add = true, strides = array<i32>} : memref<1x1024xf32, #tpu.memory_space<vmem>>, vector<1x16xf32>,
      %get3A_1054 = arith.constant 1 : i32
      %get3A_1055 = arith.constant 0 : i32
      %get3A_1056 = arith.constant 0 : i32
      %get3A_1057 = tpu.memref_slice %arg6[%scan3A_423, %get3A_1055, %get3A_1056] : memref<2x16x1024xf32, #tpu.memory_space<vmem>> -> memref<1x16x1024xf32, #tpu.memory_space<vmem>>
      %get3A_1058 = tpu.memref_squeeze %get3A_1057 : memref<1x16x1024xf32, #tpu.memory_space<vmem>> -> memref<16x1024xf32, #tpu.memory_space<vmem>>
      %get3A_1059 = arith.index_cast %get3A_1054 : i32 to index
      %get3A_1060 = arith.index_cast %mul3A_1037 : i32 to index
      %get3A_1061 = tpu.vector_load %get3A_1058[%get3A_1059, %get3A_1060] {strides = array<i32>} : memref<16x1024xf32, #tpu.memory_space<vmem>>, vector<1x16xf32>,
      %get3A_1062 = vector.shape_cast %get3A_1061 : vector<1x16xf32> to vector<16xf32>
      %mul3A_1063 = arith.mulf %get3A_1062, %broadcast_in_dim3A_622 : vector<16xf32>
      %swap3A_1064 = arith.constant 0 : i32
      %swap3A_1065 = arith.index_cast %swap3A_1064 : i32 to index
      %swap3A_1066 = arith.index_cast %mul3A_1037 : i32 to index
      %swap3A_1067 = tpu.vector_load %arg8[%swap3A_1065, %swap3A_1066] {strides = array<i32>} : memref<1x1024xf32, #tpu.memory_space<vmem>>, vector<1x16xf32>,
      %swap3A_1068 = vector.shape_cast %swap3A_1067 : vector<1x16xf32> to vector<16xf32>
      %swap3A_1069 = vector.shape_cast %mul3A_1063 : vector<16xf32> to vector<1x16xf32>
      tpu.vector_store %arg8[%swap3A_1065, %swap3A_1066], %swap3A_1069 {add = true, strides = array<i32>} : memref<1x1024xf32, #tpu.memory_space<vmem>>, vector<1x16xf32>,
      %get3A_1070 = arith.constant 2 : i32
      %get3A_1071 = arith.constant 0 : i32
      %get3A_1072 = arith.constant 0 : i32
      %get3A_1073 = tpu.memref_slice %arg6[%scan3A_423, %get3A_1071, %get3A_1072] : memref<2x16x1024xf32, #tpu.memory_space<vmem>> -> memref<1x16x1024xf32, #tpu.memory_space<vmem>>
      %get3A_1074 = tpu.memref_squeeze %get3A_1073 : memref<1x16x1024xf32, #tpu.memory_space<vmem>> -> memref<16x1024xf32, #tpu.memory_space<vmem>>
      %get3A_1075 = arith.index_cast %get3A_1070 : i32 to index
      %get3A_1076 = arith.index_cast %mul3A_1037 : i32 to index
      %get3A_1077 = tpu.vector_load %get3A_1074[%get3A_1075, %get3A_1076] {strides = array<i32>} : memref<16x1024xf32, #tpu.memory_space<vmem>>, vector<1x16xf32>,
      %get3A_1078 = vector.shape_cast %get3A_1077 : vector<1x16xf32> to vector<16xf32>
      %mul3A_1079 = arith.mulf %get3A_1078, %broadcast_in_dim3A_625 : vector<16xf32>
      %swap3A_1080 = arith.constant 0 : i32
      %swap3A_1081 = arith.index_cast %swap3A_1080 : i32 to index
      %swap3A_1082 = arith.index_cast %mul3A_1037 : i32 to index
      %swap3A_1083 = tpu.vector_load %arg8[%swap3A_1081, %swap3A_1082] {strides = array<i32>} : memref<1x1024xf32, #tpu.memory_space<vmem>>, vector<1x16xf32>,
      %swap3A_1084 = vector.shape_cast %swap3A_1083 : vector<1x16xf32> to vector<16xf32>
      %swap3A_1085 = vector.shape_cast %mul3A_1079 : vector<16xf32> to vector<1x16xf32>
      tpu.vector_store %arg8[%swap3A_1081, %swap3A_1082], %swap3A_1085 {add = true, strides = array<i32>} : memref<1x1024xf32, #tpu.memory_space<vmem>>, vector<1x16xf32>,
      %get3A_1086 = arith.constant 3 : i32
      %get3A_1087 = arith.constant 0 : i32
      %get3A_1088 = arith.constant 0 : i32
      %get3A_1089 = tpu.memref_slice %arg6[%scan3A_423, %get3A_1087, %get3A_1088] : memref<2x16x1024xf32, #tpu.memory_space<vmem>> -> memref<1x16x1024xf32, #tpu.memory_space<vmem>>
      %get3A_1090 = tpu.memref_squeeze %get3A_1089 : memref<1x16x1024xf32, #tpu.memory_space<vmem>> -> memref<16x1024xf32, #tpu.memory_space<vmem>>
      %get3A_1091 = arith.index_cast %get3A_1086 : i32 to index
      %get3A_1092 = arith.index_cast %mul3A_1037 : i32 to index
      %get3A_1093 = tpu.vector_load %get3A_1090[%get3A_1091, %get3A_1092] {strides = array<i32>} : memref<16x1024xf32, #tpu.memory_space<vmem>>, vector<1x16xf32>,
      %get3A_1094 = vector.shape_cast %get3A_1093 : vector<1x16xf32> to vector<16xf32>
      %mul3A_1095 = arith.mulf %get3A_1094, %broadcast_in_dim3A_628 : vector<16xf32>
      %swap3A_1096 = arith.constant 0 : i32
      %swap3A_1097 = arith.index_cast %swap3A_1096 : i32 to index
      %swap3A_1098 = arith.index_cast %mul3A_1037 : i32 to index
      %swap3A_1099 = tpu.vector_load %arg8[%swap3A_1097, %swap3A_1098] {strides = array<i32>} : memref<1x1024xf32, #tpu.memory_space<vmem>>, vector<1x16xf32>,
      %swap3A_1100 = vector.shape_cast %swap3A_1099 : vector<1x16xf32> to vector<16xf32>
      %swap3A_1101 = vector.shape_cast %mul3A_1095 : vector<16xf32> to vector<1x16xf32>
      tpu.vector_store %arg8[%swap3A_1097, %swap3A_1098], %swap3A_1101 {add = true, strides = array<i32>} : memref<1x1024xf32, #tpu.memory_space<vmem>>, vector<1x16xf32>,
      %get3A_1102 = arith.constant 4 : i32
      %get3A_1103 = arith.constant 0 : i32
      %get3A_1104 = arith.constant 0 : i32
      %get3A_1105 = tpu.memref_slice %arg6[%scan3A_423, %get3A_1103, %get3A_1104] : memref<2x16x1024xf32, #tpu.memory_space<vmem>> -> memref<1x16x1024xf32, #tpu.memory_space<vmem>>
      %get3A_1106 = tpu.memref_squeeze %get3A_1105 : memref<1x16x1024xf32, #tpu.memory_space<vmem>> -> memref<16x1024xf32, #tpu.memory_space<vmem>>
      %get3A_1107 = arith.index_cast %get3A_1102 : i32 to index
      %get3A_1108 = arith.index_cast %mul3A_1037 : i32 to index
      %get3A_1109 = tpu.vector_load %get3A_1106[%get3A_1107, %get3A_1108] {strides = array<i32>} : memref<16x1024xf32, #tpu.memory_space<vmem>>, vector<1x16xf32>,
      %get3A_1110 = vector.shape_cast %get3A_1109 : vector<1x16xf32> to vector<16xf32>
      %mul3A_1111 = arith.mulf %get3A_1110, %broadcast_in_dim3A_631 : vector<16xf32>
      %swap3A_1112 = arith.constant 0 : i32
      %swap3A_1113 = arith.index_cast %swap3A_1112 : i32 to index
      %swap3A_1114 = arith.index_cast %mul3A_1037 : i32 to index
      %swap3A_1115 = tpu.vector_load %arg8[%swap3A_1113, %swap3A_1114] {strides = array<i32>} : memref<1x1024xf32, #tpu.memory_space<vmem>>, vector<1x16xf32>,
      %swap3A_1116 = vector.shape_cast %swap3A_1115 : vector<1x16xf32> to vector<16xf32>
      %swap3A_1117 = vector.shape_cast %mul3A_1111 : vector<16xf32> to vector<1x16xf32>
      tpu.vector_store %arg8[%swap3A_1113, %swap3A_1114], %swap3A_1117 {add = true, strides = array<i32>} : memref<1x1024xf32, #tpu.memory_space<vmem>>, vector<1x16xf32>,
      %get3A_1118 = arith.constant 5 : i32
      %get3A_1119 = arith.constant 0 : i32
      %get3A_1120 = arith.constant 0 : i32
      %get3A_1121 = tpu.memref_slice %arg6[%scan3A_423, %get3A_1119, %get3A_1120] : memref<2x16x1024xf32, #tpu.memory_space<vmem>> -> memref<1x16x1024xf32, #tpu.memory_space<vmem>>
      %get3A_1122 = tpu.memref_squeeze %get3A_1121 : memref<1x16x1024xf32, #tpu.memory_space<vmem>> -> memref<16x1024xf32, #tpu.memory_space<vmem>>
      %get3A_1123 = arith.index_cast %get3A_1118 : i32 to index
      %get3A_1124 = arith.index_cast %mul3A_1037 : i32 to index
      %get3A_1125 = tpu.vector_load %get3A_1122[%get3A_1123, %get3A_1124] {strides = array<i32>} : memref<16x1024xf32, #tpu.memory_space<vmem>>, vector<1x16xf32>,
      %get3A_1126 = vector.shape_cast %get3A_1125 : vector<1x16xf32> to vector<16xf32>
      %mul3A_1127 = arith.mulf %get3A_1126, %broadcast_in_dim3A_634 : vector<16xf32>
      %swap3A_1128 = arith.constant 0 : i32
      %swap3A_1129 = arith.index_cast %swap3A_1128 : i32 to index
      %swap3A_1130 = arith.index_cast %mul3A_1037 : i32 to index
      %swap3A_1131 = tpu.vector_load %arg8[%swap3A_1129, %swap3A_1130] {strides = array<i32>} : memref<1x1024xf32, #tpu.memory_space<vmem>>, vector<1x16xf32>,
      %swap3A_1132 = vector.shape_cast %swap3A_1131 : vector<1x16xf32> to vector<16xf32>
      %swap3A_1133 = vector.shape_cast %mul3A_1127 : vector<16xf32> to vector<1x16xf32>
      tpu.vector_store %arg8[%swap3A_1129, %swap3A_1130], %swap3A_1133 {add = true, strides = array<i32>} : memref<1x1024xf32, #tpu.memory_space<vmem>>, vector<1x16xf32>,
      %get3A_1134 = arith.constant 6 : i32
      %get3A_1135 = arith.constant 0 : i32
      %get3A_1136 = arith.constant 0 : i32
      %get3A_1137 = tpu.memref_slice %arg6[%scan3A_423, %get3A_1135, %get3A_1136] : memref<2x16x1024xf32, #tpu.memory_space<vmem>> -> memref<1x16x1024xf32, #tpu.memory_space<vmem>>
      %get3A_1138 = tpu.memref_squeeze %get3A_1137 : memref<1x16x1024xf32, #tpu.memory_space<vmem>> -> memref<16x1024xf32, #tpu.memory_space<vmem>>
      %get3A_1139 = arith.index_cast %get3A_1134 : i32 to index
      %get3A_1140 = arith.index_cast %mul3A_1037 : i32 to index
      %get3A_1141 = tpu.vector_load %get3A_1138[%get3A_1139, %get3A_1140] {strides = array<i32>} : memref<16x1024xf32, #tpu.memory_space<vmem>>, vector<1x16xf32>,
      %get3A_1142 = vector.shape_cast %get3A_1141 : vector<1x16xf32> to vector<16xf32>
      %mul3A_1143 = arith.mulf %get3A_1142, %broadcast_in_dim3A_637 : vector<16xf32>
      %swap3A_1144 = arith.constant 0 : i32
      %swap3A_1145 = arith.index_cast %swap3A_1144 : i32 to index
      %swap3A_1146 = arith.index_cast %mul3A_1037 : i32 to index
      %swap3A_1147 = tpu.vector_load %arg8[%swap3A_1145, %swap3A_1146] {strides = array<i32>} : memref<1x1024xf32, #tpu.memory_space<vmem>>, vector<1x16xf32>,
      %swap3A_1148 = vector.shape_cast %swap3A_1147 : vector<1x16xf32> to vector<16xf32>
      %swap3A_1149 = vector.shape_cast %mul3A_1143 : vector<16xf32> to vector<1x16xf32>
      tpu.vector_store %arg8[%swap3A_1145, %swap3A_1146], %swap3A_1149 {add = true, strides = array<i32>} : memref<1x1024xf32, #tpu.memory_space<vmem>>, vector<1x16xf32>,
      %get3A_1150 = arith.constant 7 : i32
      %get3A_1151 = arith.constant 0 : i32
      %get3A_1152 = arith.constant 0 : i32
      %get3A_1153 = tpu.memref_slice %arg6[%scan3A_423, %get3A_1151, %get3A_1152] : memref<2x16x1024xf32, #tpu.memory_space<vmem>> -> memref<1x16x1024xf32, #tpu.memory_space<vmem>>
      %get3A_1154 = tpu.memref_squeeze %get3A_1153 : memref<1x16x1024xf32, #tpu.memory_space<vmem>> -> memref<16x1024xf32, #tpu.memory_space<vmem>>
      %get3A_1155 = arith.index_cast %get3A_1150 : i32 to index
      %get3A_1156 = arith.index_cast %mul3A_1037 : i32 to index
      %get3A_1157 = tpu.vector_load %get3A_1154[%get3A_1155, %get3A_1156] {strides = array<i32>} : memref<16x1024xf32, #tpu.memory_space<vmem>>, vector<1x16xf32>,
      %get3A_1158 = vector.shape_cast %get3A_1157 : vector<1x16xf32> to vector<16xf32>
      %mul3A_1159 = arith.mulf %get3A_1158, %broadcast_in_dim3A_640 : vector<16xf32>
      %swap3A_1160 = arith.constant 0 : i32
      %swap3A_1161 = arith.index_cast %swap3A_1160 : i32 to index
      %swap3A_1162 = arith.index_cast %mul3A_1037 : i32 to index
      %swap3A_1163 = tpu.vector_load %arg8[%swap3A_1161, %swap3A_1162] {strides = array<i32>} : memref<1x1024xf32, #tpu.memory_space<vmem>>, vector<1x16xf32>,
      %swap3A_1164 = vector.shape_cast %swap3A_1163 : vector<1x16xf32> to vector<16xf32>
      %swap3A_1165 = vector.shape_cast %mul3A_1159 : vector<16xf32> to vector<1x16xf32>
      tpu.vector_store %arg8[%swap3A_1161, %swap3A_1162], %swap3A_1165 {add = true, strides = array<i32>} : memref<1x1024xf32, #tpu.memory_space<vmem>>, vector<1x16xf32>,
      %get3A_1166 = arith.constant 8 : i32
      %get3A_1167 = arith.constant 0 : i32
      %get3A_1168 = arith.constant 0 : i32
      %get3A_1169 = tpu.memref_slice %arg6[%scan3A_423, %get3A_1167, %get3A_1168] : memref<2x16x1024xf32, #tpu.memory_space<vmem>> -> memref<1x16x1024xf32, #tpu.memory_space<vmem>>
      %get3A_1170 = tpu.memref_squeeze %get3A_1169 : memref<1x16x1024xf32, #tpu.memory_space<vmem>> -> memref<16x1024xf32, #tpu.memory_space<vmem>>
      %get3A_1171 = arith.index_cast %get3A_1166 : i32 to index
      %get3A_1172 = arith.index_cast %mul3A_1037 : i32 to index
      %get3A_1173 = tpu.vector_load %get3A_1170[%get3A_1171, %get3A_1172] {strides = array<i32>} : memref<16x1024xf32, #tpu.memory_space<vmem>>, vector<1x16xf32>,
      %get3A_1174 = vector.shape_cast %get3A_1173 : vector<1x16xf32> to vector<16xf32>
      %mul3A_1175 = arith.mulf %get3A_1174, %broadcast_in_dim3A_643 : vector<16xf32>
      %swap3A_1176 = arith.constant 0 : i32
      %swap3A_1177 = arith.index_cast %swap3A_1176 : i32 to index
      %swap3A_1178 = arith.index_cast %mul3A_1037 : i32 to index
      %swap3A_1179 = tpu.vector_load %arg8[%swap3A_1177, %swap3A_1178] {strides = array<i32>} : memref<1x1024xf32, #tpu.memory_space<vmem>>, vector<1x16xf32>,
      %swap3A_1180 = vector.shape_cast %swap3A_1179 : vector<1x16xf32> to vector<16xf32>
      %swap3A_1181 = vector.shape_cast %mul3A_1175 : vector<16xf32> to vector<1x16xf32>
      tpu.vector_store %arg8[%swap3A_1177, %swap3A_1178], %swap3A_1181 {add = true, strides = array<i32>} : memref<1x1024xf32, #tpu.memory_space<vmem>>, vector<1x16xf32>,
      %get3A_1182 = arith.constant 9 : i32
      %get3A_1183 = arith.constant 0 : i32
      %get3A_1184 = arith.constant 0 : i32
      %get3A_1185 = tpu.memref_slice %arg6[%scan3A_423, %get3A_1183, %get3A_1184] : memref<2x16x1024xf32, #tpu.memory_space<vmem>> -> memref<1x16x1024xf32, #tpu.memory_space<vmem>>
      %get3A_1186 = tpu.memref_squeeze %get3A_1185 : memref<1x16x1024xf32, #tpu.memory_space<vmem>> -> memref<16x1024xf32, #tpu.memory_space<vmem>>
      %get3A_1187 = arith.index_cast %get3A_1182 : i32 to index
      %get3A_1188 = arith.index_cast %mul3A_1037 : i32 to index
      %get3A_1189 = tpu.vector_load %get3A_1186[%get3A_1187, %get3A_1188] {strides = array<i32>} : memref<16x1024xf32, #tpu.memory_space<vmem>>, vector<1x16xf32>,
      %get3A_1190 = vector.shape_cast %get3A_1189 : vector<1x16xf32> to vector<16xf32>
      %mul3A_1191 = arith.mulf %get3A_1190, %broadcast_in_dim3A_646 : vector<16xf32>
      %swap3A_1192 = arith.constant 0 : i32
      %swap3A_1193 = arith.index_cast %swap3A_1192 : i32 to index
      %swap3A_1194 = arith.index_cast %mul3A_1037 : i32 to index
      %swap3A_1195 = tpu.vector_load %arg8[%swap3A_1193, %swap3A_1194] {strides = array<i32>} : memref<1x1024xf32, #tpu.memory_space<vmem>>, vector<1x16xf32>,
      %swap3A_1196 = vector.shape_cast %swap3A_1195 : vector<1x16xf32> to vector<16xf32>
      %swap3A_1197 = vector.shape_cast %mul3A_1191 : vector<16xf32> to vector<1x16xf32>
      tpu.vector_store %arg8[%swap3A_1193, %swap3A_1194], %swap3A_1197 {add = true, strides = array<i32>} : memref<1x1024xf32, #tpu.memory_space<vmem>>, vector<1x16xf32>,
      %get3A_1198 = arith.constant 10 : i32
      %get3A_1199 = arith.constant 0 : i32
      %get3A_1200 = arith.constant 0 : i32
      %get3A_1201 = tpu.memref_slice %arg6[%scan3A_423, %get3A_1199, %get3A_1200] : memref<2x16x1024xf32, #tpu.memory_space<vmem>> -> memref<1x16x1024xf32, #tpu.memory_space<vmem>>
      %get3A_1202 = tpu.memref_squeeze %get3A_1201 : memref<1x16x1024xf32, #tpu.memory_space<vmem>> -> memref<16x1024xf32, #tpu.memory_space<vmem>>
      %get3A_1203 = arith.index_cast %get3A_1198 : i32 to index
      %get3A_1204 = arith.index_cast %mul3A_1037 : i32 to index
      %get3A_1205 = tpu.vector_load %get3A_1202[%get3A_1203, %get3A_1204] {strides = array<i32>} : memref<16x1024xf32, #tpu.memory_space<vmem>>, vector<1x16xf32>,
      %get3A_1206 = vector.shape_cast %get3A_1205 : vector<1x16xf32> to vector<16xf32>
      %mul3A_1207 = arith.mulf %get3A_1206, %broadcast_in_dim3A_649 : vector<16xf32>
      %swap3A_1208 = arith.constant 0 : i32
      %swap3A_1209 = arith.index_cast %swap3A_1208 : i32 to index
      %swap3A_1210 = arith.index_cast %mul3A_1037 : i32 to index
      %swap3A_1211 = tpu.vector_load %arg8[%swap3A_1209, %swap3A_1210] {strides = array<i32>} : memref<1x1024xf32, #tpu.memory_space<vmem>>, vector<1x16xf32>,
      %swap3A_1212 = vector.shape_cast %swap3A_1211 : vector<1x16xf32> to vector<16xf32>
      %swap3A_1213 = vector.shape_cast %mul3A_1207 : vector<16xf32> to vector<1x16xf32>
      tpu.vector_store %arg8[%swap3A_1209, %swap3A_1210], %swap3A_1213 {add = true, strides = array<i32>} : memref<1x1024xf32, #tpu.memory_space<vmem>>, vector<1x16xf32>,
      %get3A_1214 = arith.constant 11 : i32
      %get3A_1215 = arith.constant 0 : i32
      %get3A_1216 = arith.constant 0 : i32
      %get3A_1217 = tpu.memref_slice %arg6[%scan3A_423, %get3A_1215, %get3A_1216] : memref<2x16x1024xf32, #tpu.memory_space<vmem>> -> memref<1x16x1024xf32, #tpu.memory_space<vmem>>
      %get3A_1218 = tpu.memref_squeeze %get3A_1217 : memref<1x16x1024xf32, #tpu.memory_space<vmem>> -> memref<16x1024xf32, #tpu.memory_space<vmem>>
      %get3A_1219 = arith.index_cast %get3A_1214 : i32 to index
      %get3A_1220 = arith.index_cast %mul3A_1037 : i32 to index
      %get3A_1221 = tpu.vector_load %get3A_1218[%get3A_1219, %get3A_1220] {strides = array<i32>} : memref<16x1024xf32, #tpu.memory_space<vmem>>, vector<1x16xf32>,
      %get3A_1222 = vector.shape_cast %get3A_1221 : vector<1x16xf32> to vector<16xf32>
      %mul3A_1223 = arith.mulf %get3A_1222, %broadcast_in_dim3A_652 : vector<16xf32>
      %swap3A_1224 = arith.constant 0 : i32
      %swap3A_1225 = arith.index_cast %swap3A_1224 : i32 to index
      %swap3A_1226 = arith.index_cast %mul3A_1037 : i32 to index
      %swap3A_1227 = tpu.vector_load %arg8[%swap3A_1225, %swap3A_1226] {strides = array<i32>} : memref<1x1024xf32, #tpu.memory_space<vmem>>, vector<1x16xf32>,
      %swap3A_1228 = vector.shape_cast %swap3A_1227 : vector<1x16xf32> to vector<16xf32>
      %swap3A_1229 = vector.shape_cast %mul3A_1223 : vector<16xf32> to vector<1x16xf32>
      tpu.vector_store %arg8[%swap3A_1225, %swap3A_1226], %swap3A_1229 {add = true, strides = array<i32>} : memref<1x1024xf32, #tpu.memory_space<vmem>>, vector<1x16xf32>,
      %get3A_1230 = arith.constant 12 : i32
      %get3A_1231 = arith.constant 0 : i32
      %get3A_1232 = arith.constant 0 : i32
      %get3A_1233 = tpu.memref_slice %arg6[%scan3A_423, %get3A_1231, %get3A_1232] : memref<2x16x1024xf32, #tpu.memory_space<vmem>> -> memref<1x16x1024xf32, #tpu.memory_space<vmem>>
      %get3A_1234 = tpu.memref_squeeze %get3A_1233 : memref<1x16x1024xf32, #tpu.memory_space<vmem>> -> memref<16x1024xf32, #tpu.memory_space<vmem>>
      %get3A_1235 = arith.index_cast %get3A_1230 : i32 to index
      %get3A_1236 = arith.index_cast %mul3A_1037 : i32 to index
      %get3A_1237 = tpu.vector_load %get3A_1234[%get3A_1235, %get3A_1236] {strides = array<i32>} : memref<16x1024xf32, #tpu.memory_space<vmem>>, vector<1x16xf32>,
      %get3A_1238 = vector.shape_cast %get3A_1237 : vector<1x16xf32> to vector<16xf32>
      %mul3A_1239 = arith.mulf %get3A_1238, %broadcast_in_dim3A_655 : vector<16xf32>
      %swap3A_1240 = arith.constant 0 : i32
      %swap3A_1241 = arith.index_cast %swap3A_1240 : i32 to index
      %swap3A_1242 = arith.index_cast %mul3A_1037 : i32 to index
      %swap3A_1243 = tpu.vector_load %arg8[%swap3A_1241, %swap3A_1242] {strides = array<i32>} : memref<1x1024xf32, #tpu.memory_space<vmem>>, vector<1x16xf32>,
      %swap3A_1244 = vector.shape_cast %swap3A_1243 : vector<1x16xf32> to vector<16xf32>
      %swap3A_1245 = vector.shape_cast %mul3A_1239 : vector<16xf32> to vector<1x16xf32>
      tpu.vector_store %arg8[%swap3A_1241, %swap3A_1242], %swap3A_1245 {add = true, strides = array<i32>} : memref<1x1024xf32, #tpu.memory_space<vmem>>, vector<1x16xf32>,
      %get3A_1246 = arith.constant 13 : i32
      %get3A_1247 = arith.constant 0 : i32
      %get3A_1248 = arith.constant 0 : i32
      %get3A_1249 = tpu.memref_slice %arg6[%scan3A_423, %get3A_1247, %get3A_1248] : memref<2x16x1024xf32, #tpu.memory_space<vmem>> -> memref<1x16x1024xf32, #tpu.memory_space<vmem>>
      %get3A_1250 = tpu.memref_squeeze %get3A_1249 : memref<1x16x1024xf32, #tpu.memory_space<vmem>> -> memref<16x1024xf32, #tpu.memory_space<vmem>>
      %get3A_1251 = arith.index_cast %get3A_1246 : i32 to index
      %get3A_1252 = arith.index_cast %mul3A_1037 : i32 to index
      %get3A_1253 = tpu.vector_load %get3A_1250[%get3A_1251, %get3A_1252] {strides = array<i32>} : memref<16x1024xf32, #tpu.memory_space<vmem>>, vector<1x16xf32>,
      %get3A_1254 = vector.shape_cast %get3A_1253 : vector<1x16xf32> to vector<16xf32>
      %mul3A_1255 = arith.mulf %get3A_1254, %broadcast_in_dim3A_658 : vector<16xf32>
      %swap3A_1256 = arith.constant 0 : i32
      %swap3A_1257 = arith.index_cast %swap3A_1256 : i32 to index
      %swap3A_1258 = arith.index_cast %mul3A_1037 : i32 to index
      %swap3A_1259 = tpu.vector_load %arg8[%swap3A_1257, %swap3A_1258] {strides = array<i32>} : memref<1x1024xf32, #tpu.memory_space<vmem>>, vector<1x16xf32>,
      %swap3A_1260 = vector.shape_cast %swap3A_1259 : vector<1x16xf32> to vector<16xf32>
      %swap3A_1261 = vector.shape_cast %mul3A_1255 : vector<16xf32> to vector<1x16xf32>
      tpu.vector_store %arg8[%swap3A_1257, %swap3A_1258], %swap3A_1261 {add = true, strides = array<i32>} : memref<1x1024xf32, #tpu.memory_space<vmem>>, vector<1x16xf32>,
      %get3A_1262 = arith.constant 14 : i32
      %get3A_1263 = arith.constant 0 : i32
      %get3A_1264 = arith.constant 0 : i32
      %get3A_1265 = tpu.memref_slice %arg6[%scan3A_423, %get3A_1263, %get3A_1264] : memref<2x16x1024xf32, #tpu.memory_space<vmem>> -> memref<1x16x1024xf32, #tpu.memory_space<vmem>>
      %get3A_1266 = tpu.memref_squeeze %get3A_1265 : memref<1x16x1024xf32, #tpu.memory_space<vmem>> -> memref<16x1024xf32, #tpu.memory_space<vmem>>
      %get3A_1267 = arith.index_cast %get3A_1262 : i32 to index
      %get3A_1268 = arith.index_cast %mul3A_1037 : i32 to index
      %get3A_1269 = tpu.vector_load %get3A_1266[%get3A_1267, %get3A_1268] {strides = array<i32>} : memref<16x1024xf32, #tpu.memory_space<vmem>>, vector<1x16xf32>,
      %get3A_1270 = vector.shape_cast %get3A_1269 : vector<1x16xf32> to vector<16xf32>
      %mul3A_1271 = arith.mulf %get3A_1270, %broadcast_in_dim3A_661 : vector<16xf32>
      %swap3A_1272 = arith.constant 0 : i32
      %swap3A_1273 = arith.index_cast %swap3A_1272 : i32 to index
      %swap3A_1274 = arith.index_cast %mul3A_1037 : i32 to index
      %swap3A_1275 = tpu.vector_load %arg8[%swap3A_1273, %swap3A_1274] {strides = array<i32>} : memref<1x1024xf32, #tpu.memory_space<vmem>>, vector<1x16xf32>,
      %swap3A_1276 = vector.shape_cast %swap3A_1275 : vector<1x16xf32> to vector<16xf32>
      %swap3A_1277 = vector.shape_cast %mul3A_1271 : vector<16xf32> to vector<1x16xf32>
      tpu.vector_store %arg8[%swap3A_1273, %swap3A_1274], %swap3A_1277 {add = true, strides = array<i32>} : memref<1x1024xf32, #tpu.memory_space<vmem>>, vector<1x16xf32>,
      %get3A_1278 = arith.constant 15 : i32
      %get3A_1279 = arith.constant 0 : i32
      %get3A_1280 = arith.constant 0 : i32
      %get3A_1281 = tpu.memref_slice %arg6[%scan3A_423, %get3A_1279, %get3A_1280] : memref<2x16x1024xf32, #tpu.memory_space<vmem>> -> memref<1x16x1024xf32, #tpu.memory_space<vmem>>
      %get3A_1282 = tpu.memref_squeeze %get3A_1281 : memref<1x16x1024xf32, #tpu.memory_space<vmem>> -> memref<16x1024xf32, #tpu.memory_space<vmem>>
      %get3A_1283 = arith.index_cast %get3A_1278 : i32 to index
      %get3A_1284 = arith.index_cast %mul3A_1037 : i32 to index
      %get3A_1285 = tpu.vector_load %get3A_1282[%get3A_1283, %get3A_1284] {strides = array<i32>} : memref<16x1024xf32, #tpu.memory_space<vmem>>, vector<1x16xf32>,
      %get3A_1286 = vector.shape_cast %get3A_1285 : vector<1x16xf32> to vector<16xf32>
      %mul3A_1287 = arith.mulf %get3A_1286, %broadcast_in_dim3A_664 : vector<16xf32>
      %swap3A_1288 = arith.constant 0 : i32
      %swap3A_1289 = arith.index_cast %swap3A_1288 : i32 to index
      %swap3A_1290 = arith.index_cast %mul3A_1037 : i32 to index
      %swap3A_1291 = tpu.vector_load %arg8[%swap3A_1289, %swap3A_1290] {strides = array<i32>} : memref<1x1024xf32, #tpu.memory_space<vmem>>, vector<1x16xf32>,
      %swap3A_1292 = vector.shape_cast %swap3A_1291 : vector<1x16xf32> to vector<16xf32>
      %swap3A_1293 = vector.shape_cast %mul3A_1287 : vector<16xf32> to vector<1x16xf32>
      tpu.vector_store %arg8[%swap3A_1289, %swap3A_1290], %swap3A_1293 {add = true, strides = array<i32>} : memref<1x1024xf32, #tpu.memory_space<vmem>>, vector<1x16xf32>,
      %scan3A_1294 = arith.constant 2 : i32
      %scan3A_1295 = arith.addi %scan3A_775, %scan3A_1294 : i32
      %mul3A_1296 = arith.constant 16 : i32
      %mul3A_1297 = arith.muli %scan3A_1295, %mul3A_1296 : i32
      %get3A_1298 = arith.constant 0 : i32
      %get3A_1299 = arith.constant 0 : i32
      %get3A_1300 = arith.constant 0 : i32
      %get3A_1301 = tpu.memref_slice %arg6[%scan3A_423, %get3A_1299, %get3A_1300] : memref<2x16x1024xf32, #tpu.memory_space<vmem>> -> memref<1x16x1024xf32, #tpu.memory_space<vmem>>
      %get3A_1302 = tpu.memref_squeeze %get3A_1301 : memref<1x16x1024xf32, #tpu.memory_space<vmem>> -> memref<16x1024xf32, #tpu.memory_space<vmem>>
      %get3A_1303 = arith.index_cast %get3A_1298 : i32 to index
      %get3A_1304 = arith.index_cast %mul3A_1297 : i32 to index
      %get3A_1305 = tpu.vector_load %get3A_1302[%get3A_1303, %get3A_1304] {strides = array<i32>} : memref<16x1024xf32, #tpu.memory_space<vmem>>, vector<1x16xf32>,
      %get3A_1306 = vector.shape_cast %get3A_1305 : vector<1x16xf32> to vector<16xf32>
      %mul3A_1307 = arith.mulf %get3A_1306, %broadcast_in_dim3A_619 : vector<16xf32>
      %swap3A_1308 = arith.constant 0 : i32
      %swap3A_1309 = arith.index_cast %swap3A_1308 : i32 to index
      %swap3A_1310 = arith.index_cast %mul3A_1297 : i32 to index
      %swap3A_1311 = tpu.vector_load %arg8[%swap3A_1309, %swap3A_1310] {strides = array<i32>} : memref<1x1024xf32, #tpu.memory_space<vmem>>, vector<1x16xf32>,
      %swap3A_1312 = vector.shape_cast %swap3A_1311 : vector<1x16xf32> to vector<16xf32>
      %swap3A_1313 = vector.shape_cast %mul3A_1307 : vector<16xf32> to vector<1x16xf32>
      tpu.vector_store %arg8[%swap3A_1309, %swap3A_1310], %swap3A_1313 {add = true, strides = array<i32>} : memref<1x1024xf32, #tpu.memory_space<vmem>>, vector<1x16xf32>,
      %get3A_1314 = arith.constant 1 : i32
      %get3A_1315 = arith.constant 0 : i32
      %get3A_1316 = arith.constant 0 : i32
      %get3A_1317 = tpu.memref_slice %arg6[%scan3A_423, %get3A_1315, %get3A_1316] : memref<2x16x1024xf32, #tpu.memory_space<vmem>> -> memref<1x16x1024xf32, #tpu.memory_space<vmem>>
      %get3A_1318 = tpu.memref_squeeze %get3A_1317 : memref<1x16x1024xf32, #tpu.memory_space<vmem>> -> memref<16x1024xf32, #tpu.memory_space<vmem>>
      %get3A_1319 = arith.index_cast %get3A_1314 : i32 to index
      %get3A_1320 = arith.index_cast %mul3A_1297 : i32 to index
      %get3A_1321 = tpu.vector_load %get3A_1318[%get3A_1319, %get3A_1320] {strides = array<i32>} : memref<16x1024xf32, #tpu.memory_space<vmem>>, vector<1x16xf32>,
      %get3A_1322 = vector.shape_cast %get3A_1321 : vector<1x16xf32> to vector<16xf32>
      %mul3A_1323 = arith.mulf %get3A_1322, %broadcast_in_dim3A_622 : vector<16xf32>
      %swap3A_1324 = arith.constant 0 : i32
      %swap3A_1325 = arith.index_cast %swap3A_1324 : i32 to index
      %swap3A_1326 = arith.index_cast %mul3A_1297 : i32 to index
      %swap3A_1327 = tpu.vector_load %arg8[%swap3A_1325, %swap3A_1326] {strides = array<i32>} : memref<1x1024xf32, #tpu.memory_space<vmem>>, vector<1x16xf32>,
      %swap3A_1328 = vector.shape_cast %swap3A_1327 : vector<1x16xf32> to vector<16xf32>
      %swap3A_1329 = vector.shape_cast %mul3A_1323 : vector<16xf32> to vector<1x16xf32>
      tpu.vector_store %arg8[%swap3A_1325, %swap3A_1326], %swap3A_1329 {add = true, strides = array<i32>} : memref<1x1024xf32, #tpu.memory_space<vmem>>, vector<1x16xf32>,
      %get3A_1330 = arith.constant 2 : i32
      %get3A_1331 = arith.constant 0 : i32
      %get3A_1332 = arith.constant 0 : i32
      %get3A_1333 = tpu.memref_slice %arg6[%scan3A_423, %get3A_1331, %get3A_1332] : memref<2x16x1024xf32, #tpu.memory_space<vmem>> -> memref<1x16x1024xf32, #tpu.memory_space<vmem>>
      %get3A_1334 = tpu.memref_squeeze %get3A_1333 : memref<1x16x1024xf32, #tpu.memory_space<vmem>> -> memref<16x1024xf32, #tpu.memory_space<vmem>>
      %get3A_1335 = arith.index_cast %get3A_1330 : i32 to index
      %get3A_1336 = arith.index_cast %mul3A_1297 : i32 to index
      %get3A_1337 = tpu.vector_load %get3A_1334[%get3A_1335, %get3A_1336] {strides = array<i32>} : memref<16x1024xf32, #tpu.memory_space<vmem>>, vector<1x16xf32>,
      %get3A_1338 = vector.shape_cast %get3A_1337 : vector<1x16xf32> to vector<16xf32>
      %mul3A_1339 = arith.mulf %get3A_1338, %broadcast_in_dim3A_625 : vector<16xf32>
      %swap3A_1340 = arith.constant 0 : i32
      %swap3A_1341 = arith.index_cast %swap3A_1340 : i32 to index
      %swap3A_1342 = arith.index_cast %mul3A_1297 : i32 to index
      %swap3A_1343 = tpu.vector_load %arg8[%swap3A_1341, %swap3A_1342] {strides = array<i32>} : memref<1x1024xf32, #tpu.memory_space<vmem>>, vector<1x16xf32>,
      %swap3A_1344 = vector.shape_cast %swap3A_1343 : vector<1x16xf32> to vector<16xf32>
      %swap3A_1345 = vector.shape_cast %mul3A_1339 : vector<16xf32> to vector<1x16xf32>
      tpu.vector_store %arg8[%swap3A_1341, %swap3A_1342], %swap3A_1345 {add = true, strides = array<i32>} : memref<1x1024xf32, #tpu.memory_space<vmem>>, vector<1x16xf32>,
      %get3A_1346 = arith.constant 3 : i32
      %get3A_1347 = arith.constant 0 : i32
      %get3A_1348 = arith.constant 0 : i32
      %get3A_1349 = tpu.memref_slice %arg6[%scan3A_423, %get3A_1347, %get3A_1348] : memref<2x16x1024xf32, #tpu.memory_space<vmem>> -> memref<1x16x1024xf32, #tpu.memory_space<vmem>>
      %get3A_1350 = tpu.memref_squeeze %get3A_1349 : memref<1x16x1024xf32, #tpu.memory_space<vmem>> -> memref<16x1024xf32, #tpu.memory_space<vmem>>
      %get3A_1351 = arith.index_cast %get3A_1346 : i32 to index
      %get3A_1352 = arith.index_cast %mul3A_1297 : i32 to index
      %get3A_1353 = tpu.vector_load %get3A_1350[%get3A_1351, %get3A_1352] {strides = array<i32>} : memref<16x1024xf32, #tpu.memory_space<vmem>>, vector<1x16xf32>,
      %get3A_1354 = vector.shape_cast %get3A_1353 : vector<1x16xf32> to vector<16xf32>
      %mul3A_1355 = arith.mulf %get3A_1354, %broadcast_in_dim3A_628 : vector<16xf32>
      %swap3A_1356 = arith.constant 0 : i32
      %swap3A_1357 = arith.index_cast %swap3A_1356 : i32 to index
      %swap3A_1358 = arith.index_cast %mul3A_1297 : i32 to index
      %swap3A_1359 = tpu.vector_load %arg8[%swap3A_1357, %swap3A_1358] {strides = array<i32>} : memref<1x1024xf32, #tpu.memory_space<vmem>>, vector<1x16xf32>,
      %swap3A_1360 = vector.shape_cast %swap3A_1359 : vector<1x16xf32> to vector<16xf32>
      %swap3A_1361 = vector.shape_cast %mul3A_1355 : vector<16xf32> to vector<1x16xf32>
      tpu.vector_store %arg8[%swap3A_1357, %swap3A_1358], %swap3A_1361 {add = true, strides = array<i32>} : memref<1x1024xf32, #tpu.memory_space<vmem>>, vector<1x16xf32>,
      %get3A_1362 = arith.constant 4 : i32
      %get3A_1363 = arith.constant 0 : i32
      %get3A_1364 = arith.constant 0 : i32
      %get3A_1365 = tpu.memref_slice %arg6[%scan3A_423, %get3A_1363, %get3A_1364] : memref<2x16x1024xf32, #tpu.memory_space<vmem>> -> memref<1x16x1024xf32, #tpu.memory_space<vmem>>
      %get3A_1366 = tpu.memref_squeeze %get3A_1365 : memref<1x16x1024xf32, #tpu.memory_space<vmem>> -> memref<16x1024xf32, #tpu.memory_space<vmem>>
      %get3A_1367 = arith.index_cast %get3A_1362 : i32 to index
      %get3A_1368 = arith.index_cast %mul3A_1297 : i32 to index
      %get3A_1369 = tpu.vector_load %get3A_1366[%get3A_1367, %get3A_1368] {strides = array<i32>} : memref<16x1024xf32, #tpu.memory_space<vmem>>, vector<1x16xf32>,
      %get3A_1370 = vector.shape_cast %get3A_1369 : vector<1x16xf32> to vector<16xf32>
      %mul3A_1371 = arith.mulf %get3A_1370, %broadcast_in_dim3A_631 : vector<16xf32>
      %swap3A_1372 = arith.constant 0 : i32
      %swap3A_1373 = arith.index_cast %swap3A_1372 : i32 to index
      %swap3A_1374 = arith.index_cast %mul3A_1297 : i32 to index
      %swap3A_1375 = tpu.vector_load %arg8[%swap3A_1373, %swap3A_1374] {strides = array<i32>} : memref<1x1024xf32, #tpu.memory_space<vmem>>, vector<1x16xf32>,
      %swap3A_1376 = vector.shape_cast %swap3A_1375 : vector<1x16xf32> to vector<16xf32>
      %swap3A_1377 = vector.shape_cast %mul3A_1371 : vector<16xf32> to vector<1x16xf32>
      tpu.vector_store %arg8[%swap3A_1373, %swap3A_1374], %swap3A_1377 {add = true, strides = array<i32>} : memref<1x1024xf32, #tpu.memory_space<vmem>>, vector<1x16xf32>,
      %get3A_1378 = arith.constant 5 : i32
      %get3A_1379 = arith.constant 0 : i32
      %get3A_1380 = arith.constant 0 : i32
      %get3A_1381 = tpu.memref_slice %arg6[%scan3A_423, %get3A_1379, %get3A_1380] : memref<2x16x1024xf32, #tpu.memory_space<vmem>> -> memref<1x16x1024xf32, #tpu.memory_space<vmem>>
      %get3A_1382 = tpu.memref_squeeze %get3A_1381 : memref<1x16x1024xf32, #tpu.memory_space<vmem>> -> memref<16x1024xf32, #tpu.memory_space<vmem>>
      %get3A_1383 = arith.index_cast %get3A_1378 : i32 to index
      %get3A_1384 = arith.index_cast %mul3A_1297 : i32 to index
      %get3A_1385 = tpu.vector_load %get3A_1382[%get3A_1383, %get3A_1384] {strides = array<i32>} : memref<16x1024xf32, #tpu.memory_space<vmem>>, vector<1x16xf32>,
      %get3A_1386 = vector.shape_cast %get3A_1385 : vector<1x16xf32> to vector<16xf32>
      %mul3A_1387 = arith.mulf %get3A_1386, %broadcast_in_dim3A_634 : vector<16xf32>
      %swap3A_1388 = arith.constant 0 : i32
      %swap3A_1389 = arith.index_cast %swap3A_1388 : i32 to index
      %swap3A_1390 = arith.index_cast %mul3A_1297 : i32 to index
      %swap3A_1391 = tpu.vector_load %arg8[%swap3A_1389, %swap3A_1390] {strides = array<i32>} : memref<1x1024xf32, #tpu.memory_space<vmem>>, vector<1x16xf32>,
      %swap3A_1392 = vector.shape_cast %swap3A_1391 : vector<1x16xf32> to vector<16xf32>
      %swap3A_1393 = vector.shape_cast %mul3A_1387 : vector<16xf32> to vector<1x16xf32>
      tpu.vector_store %arg8[%swap3A_1389, %swap3A_1390], %swap3A_1393 {add = true, strides = array<i32>} : memref<1x1024xf32, #tpu.memory_space<vmem>>, vector<1x16xf32>,
      %get3A_1394 = arith.constant 6 : i32
      %get3A_1395 = arith.constant 0 : i32
      %get3A_1396 = arith.constant 0 : i32
      %get3A_1397 = tpu.memref_slice %arg6[%scan3A_423, %get3A_1395, %get3A_1396] : memref<2x16x1024xf32, #tpu.memory_space<vmem>> -> memref<1x16x1024xf32, #tpu.memory_space<vmem>>
      %get3A_1398 = tpu.memref_squeeze %get3A_1397 : memref<1x16x1024xf32, #tpu.memory_space<vmem>> -> memref<16x1024xf32, #tpu.memory_space<vmem>>
      %get3A_1399 = arith.index_cast %get3A_1394 : i32 to index
      %get3A_1400 = arith.index_cast %mul3A_1297 : i32 to index
      %get3A_1401 = tpu.vector_load %get3A_1398[%get3A_1399, %get3A_1400] {strides = array<i32>} : memref<16x1024xf32, #tpu.memory_space<vmem>>, vector<1x16xf32>,
      %get3A_1402 = vector.shape_cast %get3A_1401 : vector<1x16xf32> to vector<16xf32>
      %mul3A_1403 = arith.mulf %get3A_1402, %broadcast_in_dim3A_637 : vector<16xf32>
      %swap3A_1404 = arith.constant 0 : i32
      %swap3A_1405 = arith.index_cast %swap3A_1404 : i32 to index
      %swap3A_1406 = arith.index_cast %mul3A_1297 : i32 to index
      %swap3A_1407 = tpu.vector_load %arg8[%swap3A_1405, %swap3A_1406] {strides = array<i32>} : memref<1x1024xf32, #tpu.memory_space<vmem>>, vector<1x16xf32>,
      %swap3A_1408 = vector.shape_cast %swap3A_1407 : vector<1x16xf32> to vector<16xf32>
      %swap3A_1409 = vector.shape_cast %mul3A_1403 : vector<16xf32> to vector<1x16xf32>
      tpu.vector_store %arg8[%swap3A_1405, %swap3A_1406], %swap3A_1409 {add = true, strides = array<i32>} : memref<1x1024xf32, #tpu.memory_space<vmem>>, vector<1x16xf32>,
      %get3A_1410 = arith.constant 7 : i32
      %get3A_1411 = arith.constant 0 : i32
      %get3A_1412 = arith.constant 0 : i32
      %get3A_1413 = tpu.memref_slice %arg6[%scan3A_423, %get3A_1411, %get3A_1412] : memref<2x16x1024xf32, #tpu.memory_space<vmem>> -> memref<1x16x1024xf32, #tpu.memory_space<vmem>>
      %get3A_1414 = tpu.memref_squeeze %get3A_1413 : memref<1x16x1024xf32, #tpu.memory_space<vmem>> -> memref<16x1024xf32, #tpu.memory_space<vmem>>
      %get3A_1415 = arith.index_cast %get3A_1410 : i32 to index
      %get3A_1416 = arith.index_cast %mul3A_1297 : i32 to index
      %get3A_1417 = tpu.vector_load %get3A_1414[%get3A_1415, %get3A_1416] {strides = array<i32>} : memref<16x1024xf32, #tpu.memory_space<vmem>>, vector<1x16xf32>,
      %get3A_1418 = vector.shape_cast %get3A_1417 : vector<1x16xf32> to vector<16xf32>
      %mul3A_1419 = arith.mulf %get3A_1418, %broadcast_in_dim3A_640 : vector<16xf32>
      %swap3A_1420 = arith.constant 0 : i32
      %swap3A_1421 = arith.index_cast %swap3A_1420 : i32 to index
      %swap3A_1422 = arith.index_cast %mul3A_1297 : i32 to index
      %swap3A_1423 = tpu.vector_load %arg8[%swap3A_1421, %swap3A_1422] {strides = array<i32>} : memref<1x1024xf32, #tpu.memory_space<vmem>>, vector<1x16xf32>,
      %swap3A_1424 = vector.shape_cast %swap3A_1423 : vector<1x16xf32> to vector<16xf32>
      %swap3A_1425 = vector.shape_cast %mul3A_1419 : vector<16xf32> to vector<1x16xf32>
      tpu.vector_store %arg8[%swap3A_1421, %swap3A_1422], %swap3A_1425 {add = true, strides = array<i32>} : memref<1x1024xf32, #tpu.memory_space<vmem>>, vector<1x16xf32>,
      %get3A_1426 = arith.constant 8 : i32
      %get3A_1427 = arith.constant 0 : i32
      %get3A_1428 = arith.constant 0 : i32
      %get3A_1429 = tpu.memref_slice %arg6[%scan3A_423, %get3A_1427, %get3A_1428] : memref<2x16x1024xf32, #tpu.memory_space<vmem>> -> memref<1x16x1024xf32, #tpu.memory_space<vmem>>
      %get3A_1430 = tpu.memref_squeeze %get3A_1429 : memref<1x16x1024xf32, #tpu.memory_space<vmem>> -> memref<16x1024xf32, #tpu.memory_space<vmem>>
      %get3A_1431 = arith.index_cast %get3A_1426 : i32 to index
      %get3A_1432 = arith.index_cast %mul3A_1297 : i32 to index
      %get3A_1433 = tpu.vector_load %get3A_1430[%get3A_1431, %get3A_1432] {strides = array<i32>} : memref<16x1024xf32, #tpu.memory_space<vmem>>, vector<1x16xf32>,
      %get3A_1434 = vector.shape_cast %get3A_1433 : vector<1x16xf32> to vector<16xf32>
      %mul3A_1435 = arith.mulf %get3A_1434, %broadcast_in_dim3A_643 : vector<16xf32>
      %swap3A_1436 = arith.constant 0 : i32
      %swap3A_1437 = arith.index_cast %swap3A_1436 : i32 to index
      %swap3A_1438 = arith.index_cast %mul3A_1297 : i32 to index
      %swap3A_1439 = tpu.vector_load %arg8[%swap3A_1437, %swap3A_1438] {strides = array<i32>} : memref<1x1024xf32, #tpu.memory_space<vmem>>, vector<1x16xf32>,
      %swap3A_1440 = vector.shape_cast %swap3A_1439 : vector<1x16xf32> to vector<16xf32>
      %swap3A_1441 = vector.shape_cast %mul3A_1435 : vector<16xf32> to vector<1x16xf32>
      tpu.vector_store %arg8[%swap3A_1437, %swap3A_1438], %swap3A_1441 {add = true, strides = array<i32>} : memref<1x1024xf32, #tpu.memory_space<vmem>>, vector<1x16xf32>,
      %get3A_1442 = arith.constant 9 : i32
      %get3A_1443 = arith.constant 0 : i32
      %get3A_1444 = arith.constant 0 : i32
      %get3A_1445 = tpu.memref_slice %arg6[%scan3A_423, %get3A_1443, %get3A_1444] : memref<2x16x1024xf32, #tpu.memory_space<vmem>> -> memref<1x16x1024xf32, #tpu.memory_space<vmem>>
      %get3A_1446 = tpu.memref_squeeze %get3A_1445 : memref<1x16x1024xf32, #tpu.memory_space<vmem>> -> memref<16x1024xf32, #tpu.memory_space<vmem>>
      %get3A_1447 = arith.index_cast %get3A_1442 : i32 to index
      %get3A_1448 = arith.index_cast %mul3A_1297 : i32 to index
      %get3A_1449 = tpu.vector_load %get3A_1446[%get3A_1447, %get3A_1448] {strides = array<i32>} : memref<16x1024xf32, #tpu.memory_space<vmem>>, vector<1x16xf32>,
      %get3A_1450 = vector.shape_cast %get3A_1449 : vector<1x16xf32> to vector<16xf32>
      %mul3A_1451 = arith.mulf %get3A_1450, %broadcast_in_dim3A_646 : vector<16xf32>
      %swap3A_1452 = arith.constant 0 : i32
      %swap3A_1453 = arith.index_cast %swap3A_1452 : i32 to index
      %swap3A_1454 = arith.index_cast %mul3A_1297 : i32 to index
      %swap3A_1455 = tpu.vector_load %arg8[%swap3A_1453, %swap3A_1454] {strides = array<i32>} : memref<1x1024xf32, #tpu.memory_space<vmem>>, vector<1x16xf32>,
      %swap3A_1456 = vector.shape_cast %swap3A_1455 : vector<1x16xf32> to vector<16xf32>
      %swap3A_1457 = vector.shape_cast %mul3A_1451 : vector<16xf32> to vector<1x16xf32>
      tpu.vector_store %arg8[%swap3A_1453, %swap3A_1454], %swap3A_1457 {add = true, strides = array<i32>} : memref<1x1024xf32, #tpu.memory_space<vmem>>, vector<1x16xf32>,
      %get3A_1458 = arith.constant 10 : i32
      %get3A_1459 = arith.constant 0 : i32
      %get3A_1460 = arith.constant 0 : i32
      %get3A_1461 = tpu.memref_slice %arg6[%scan3A_423, %get3A_1459, %get3A_1460] : memref<2x16x1024xf32, #tpu.memory_space<vmem>> -> memref<1x16x1024xf32, #tpu.memory_space<vmem>>
      %get3A_1462 = tpu.memref_squeeze %get3A_1461 : memref<1x16x1024xf32, #tpu.memory_space<vmem>> -> memref<16x1024xf32, #tpu.memory_space<vmem>>
      %get3A_1463 = arith.index_cast %get3A_1458 : i32 to index
      %get3A_1464 = arith.index_cast %mul3A_1297 : i32 to index
      %get3A_1465 = tpu.vector_load %get3A_1462[%get3A_1463, %get3A_1464] {strides = array<i32>} : memref<16x1024xf32, #tpu.memory_space<vmem>>, vector<1x16xf32>,
      %get3A_1466 = vector.shape_cast %get3A_1465 : vector<1x16xf32> to vector<16xf32>
      %mul3A_1467 = arith.mulf %get3A_1466, %broadcast_in_dim3A_649 : vector<16xf32>
      %swap3A_1468 = arith.constant 0 : i32
      %swap3A_1469 = arith.index_cast %swap3A_1468 : i32 to index
      %swap3A_1470 = arith.index_cast %mul3A_1297 : i32 to index
      %swap3A_1471 = tpu.vector_load %arg8[%swap3A_1469, %swap3A_1470] {strides = array<i32>} : memref<1x1024xf32, #tpu.memory_space<vmem>>, vector<1x16xf32>,
      %swap3A_1472 = vector.shape_cast %swap3A_1471 : vector<1x16xf32> to vector<16xf32>
      %swap3A_1473 = vector.shape_cast %mul3A_1467 : vector<16xf32> to vector<1x16xf32>
      tpu.vector_store %arg8[%swap3A_1469, %swap3A_1470], %swap3A_1473 {add = true, strides = array<i32>} : memref<1x1024xf32, #tpu.memory_space<vmem>>, vector<1x16xf32>,
      %get3A_1474 = arith.constant 11 : i32
      %get3A_1475 = arith.constant 0 : i32
      %get3A_1476 = arith.constant 0 : i32
      %get3A_1477 = tpu.memref_slice %arg6[%scan3A_423, %get3A_1475, %get3A_1476] : memref<2x16x1024xf32, #tpu.memory_space<vmem>> -> memref<1x16x1024xf32, #tpu.memory_space<vmem>>
      %get3A_1478 = tpu.memref_squeeze %get3A_1477 : memref<1x16x1024xf32, #tpu.memory_space<vmem>> -> memref<16x1024xf32, #tpu.memory_space<vmem>>
      %get3A_1479 = arith.index_cast %get3A_1474 : i32 to index
      %get3A_1480 = arith.index_cast %mul3A_1297 : i32 to index
      %get3A_1481 = tpu.vector_load %get3A_1478[%get3A_1479, %get3A_1480] {strides = array<i32>} : memref<16x1024xf32, #tpu.memory_space<vmem>>, vector<1x16xf32>,
      %get3A_1482 = vector.shape_cast %get3A_1481 : vector<1x16xf32> to vector<16xf32>
      %mul3A_1483 = arith.mulf %get3A_1482, %broadcast_in_dim3A_652 : vector<16xf32>
      %swap3A_1484 = arith.constant 0 : i32
      %swap3A_1485 = arith.index_cast %swap3A_1484 : i32 to index
      %swap3A_1486 = arith.index_cast %mul3A_1297 : i32 to index
      %swap3A_1487 = tpu.vector_load %arg8[%swap3A_1485, %swap3A_1486] {strides = array<i32>} : memref<1x1024xf32, #tpu.memory_space<vmem>>, vector<1x16xf32>,
      %swap3A_1488 = vector.shape_cast %swap3A_1487 : vector<1x16xf32> to vector<16xf32>
      %swap3A_1489 = vector.shape_cast %mul3A_1483 : vector<16xf32> to vector<1x16xf32>
      tpu.vector_store %arg8[%swap3A_1485, %swap3A_1486], %swap3A_1489 {add = true, strides = array<i32>} : memref<1x1024xf32, #tpu.memory_space<vmem>>, vector<1x16xf32>,
      %get3A_1490 = arith.constant 12 : i32
      %get3A_1491 = arith.constant 0 : i32
      %get3A_1492 = arith.constant 0 : i32
      %get3A_1493 = tpu.memref_slice %arg6[%scan3A_423, %get3A_1491, %get3A_1492] : memref<2x16x1024xf32, #tpu.memory_space<vmem>> -> memref<1x16x1024xf32, #tpu.memory_space<vmem>>
      %get3A_1494 = tpu.memref_squeeze %get3A_1493 : memref<1x16x1024xf32, #tpu.memory_space<vmem>> -> memref<16x1024xf32, #tpu.memory_space<vmem>>
      %get3A_1495 = arith.index_cast %get3A_1490 : i32 to index
      %get3A_1496 = arith.index_cast %mul3A_1297 : i32 to index
      %get3A_1497 = tpu.vector_load %get3A_1494[%get3A_1495, %get3A_1496] {strides = array<i32>} : memref<16x1024xf32, #tpu.memory_space<vmem>>, vector<1x16xf32>,
      %get3A_1498 = vector.shape_cast %get3A_1497 : vector<1x16xf32> to vector<16xf32>
      %mul3A_1499 = arith.mulf %get3A_1498, %broadcast_in_dim3A_655 : vector<16xf32>
      %swap3A_1500 = arith.constant 0 : i32
      %swap3A_1501 = arith.index_cast %swap3A_1500 : i32 to index
      %swap3A_1502 = arith.index_cast %mul3A_1297 : i32 to index
      %swap3A_1503 = tpu.vector_load %arg8[%swap3A_1501, %swap3A_1502] {strides = array<i32>} : memref<1x1024xf32, #tpu.memory_space<vmem>>, vector<1x16xf32>,
      %swap3A_1504 = vector.shape_cast %swap3A_1503 : vector<1x16xf32> to vector<16xf32>
      %swap3A_1505 = vector.shape_cast %mul3A_1499 : vector<16xf32> to vector<1x16xf32>
      tpu.vector_store %arg8[%swap3A_1501, %swap3A_1502], %swap3A_1505 {add = true, strides = array<i32>} : memref<1x1024xf32, #tpu.memory_space<vmem>>, vector<1x16xf32>,
      %get3A_1506 = arith.constant 13 : i32
      %get3A_1507 = arith.constant 0 : i32
      %get3A_1508 = arith.constant 0 : i32
      %get3A_1509 = tpu.memref_slice %arg6[%scan3A_423, %get3A_1507, %get3A_1508] : memref<2x16x1024xf32, #tpu.memory_space<vmem>> -> memref<1x16x1024xf32, #tpu.memory_space<vmem>>
      %get3A_1510 = tpu.memref_squeeze %get3A_1509 : memref<1x16x1024xf32, #tpu.memory_space<vmem>> -> memref<16x1024xf32, #tpu.memory_space<vmem>>
      %get3A_1511 = arith.index_cast %get3A_1506 : i32 to index
      %get3A_1512 = arith.index_cast %mul3A_1297 : i32 to index
      %get3A_1513 = tpu.vector_load %get3A_1510[%get3A_1511, %get3A_1512] {strides = array<i32>} : memref<16x1024xf32, #tpu.memory_space<vmem>>, vector<1x16xf32>,
      %get3A_1514 = vector.shape_cast %get3A_1513 : vector<1x16xf32> to vector<16xf32>
      %mul3A_1515 = arith.mulf %get3A_1514, %broadcast_in_dim3A_658 : vector<16xf32>
      %swap3A_1516 = arith.constant 0 : i32
      %swap3A_1517 = arith.index_cast %swap3A_1516 : i32 to index
      %swap3A_1518 = arith.index_cast %mul3A_1297 : i32 to index
      %swap3A_1519 = tpu.vector_load %arg8[%swap3A_1517, %swap3A_1518] {strides = array<i32>} : memref<1x1024xf32, #tpu.memory_space<vmem>>, vector<1x16xf32>,
      %swap3A_1520 = vector.shape_cast %swap3A_1519 : vector<1x16xf32> to vector<16xf32>
      %swap3A_1521 = vector.shape_cast %mul3A_1515 : vector<16xf32> to vector<1x16xf32>
      tpu.vector_store %arg8[%swap3A_1517, %swap3A_1518], %swap3A_1521 {add = true, strides = array<i32>} : memref<1x1024xf32, #tpu.memory_space<vmem>>, vector<1x16xf32>,
      %get3A_1522 = arith.constant 14 : i32
      %get3A_1523 = arith.constant 0 : i32
      %get3A_1524 = arith.constant 0 : i32
      %get3A_1525 = tpu.memref_slice %arg6[%scan3A_423, %get3A_1523, %get3A_1524] : memref<2x16x1024xf32, #tpu.memory_space<vmem>> -> memref<1x16x1024xf32, #tpu.memory_space<vmem>>
      %get3A_1526 = tpu.memref_squeeze %get3A_1525 : memref<1x16x1024xf32, #tpu.memory_space<vmem>> -> memref<16x1024xf32, #tpu.memory_space<vmem>>
      %get3A_1527 = arith.index_cast %get3A_1522 : i32 to index
      %get3A_1528 = arith.index_cast %mul3A_1297 : i32 to index
      %get3A_1529 = tpu.vector_load %get3A_1526[%get3A_1527, %get3A_1528] {strides = array<i32>} : memref<16x1024xf32, #tpu.memory_space<vmem>>, vector<1x16xf32>,
      %get3A_1530 = vector.shape_cast %get3A_1529 : vector<1x16xf32> to vector<16xf32>
      %mul3A_1531 = arith.mulf %get3A_1530, %broadcast_in_dim3A_661 : vector<16xf32>
      %swap3A_1532 = arith.constant 0 : i32
      %swap3A_1533 = arith.index_cast %swap3A_1532 : i32 to index
      %swap3A_1534 = arith.index_cast %mul3A_1297 : i32 to index
      %swap3A_1535 = tpu.vector_load %arg8[%swap3A_1533, %swap3A_1534] {strides = array<i32>} : memref<1x1024xf32, #tpu.memory_space<vmem>>, vector<1x16xf32>,
      %swap3A_1536 = vector.shape_cast %swap3A_1535 : vector<1x16xf32> to vector<16xf32>
      %swap3A_1537 = vector.shape_cast %mul3A_1531 : vector<16xf32> to vector<1x16xf32>
      tpu.vector_store %arg8[%swap3A_1533, %swap3A_1534], %swap3A_1537 {add = true, strides = array<i32>} : memref<1x1024xf32, #tpu.memory_space<vmem>>, vector<1x16xf32>,
      %get3A_1538 = arith.constant 15 : i32
      %get3A_1539 = arith.constant 0 : i32
      %get3A_1540 = arith.constant 0 : i32
      %get3A_1541 = tpu.memref_slice %arg6[%scan3A_423, %get3A_1539, %get3A_1540] : memref<2x16x1024xf32, #tpu.memory_space<vmem>> -> memref<1x16x1024xf32, #tpu.memory_space<vmem>>
      %get3A_1542 = tpu.memref_squeeze %get3A_1541 : memref<1x16x1024xf32, #tpu.memory_space<vmem>> -> memref<16x1024xf32, #tpu.memory_space<vmem>>
      %get3A_1543 = arith.index_cast %get3A_1538 : i32 to index
      %get3A_1544 = arith.index_cast %mul3A_1297 : i32 to index
      %get3A_1545 = tpu.vector_load %get3A_1542[%get3A_1543, %get3A_1544] {strides = array<i32>} : memref<16x1024xf32, #tpu.memory_space<vmem>>, vector<1x16xf32>,
      %get3A_1546 = vector.shape_cast %get3A_1545 : vector<1x16xf32> to vector<16xf32>
      %mul3A_1547 = arith.mulf %get3A_1546, %broadcast_in_dim3A_664 : vector<16xf32>
      %swap3A_1548 = arith.constant 0 : i32
      %swap3A_1549 = arith.index_cast %swap3A_1548 : i32 to index
      %swap3A_1550 = arith.index_cast %mul3A_1297 : i32 to index
      %swap3A_1551 = tpu.vector_load %arg8[%swap3A_1549, %swap3A_1550] {strides = array<i32>} : memref<1x1024xf32, #tpu.memory_space<vmem>>, vector<1x16xf32>,
      %swap3A_1552 = vector.shape_cast %swap3A_1551 : vector<1x16xf32> to vector<16xf32>
      %swap3A_1553 = vector.shape_cast %mul3A_1547 : vector<16xf32> to vector<1x16xf32>
      tpu.vector_store %arg8[%swap3A_1549, %swap3A_1550], %swap3A_1553 {add = true, strides = array<i32>} : memref<1x1024xf32, #tpu.memory_space<vmem>>, vector<1x16xf32>,
      %scan3A_1554 = arith.constant 3 : i32
      %scan3A_1555 = arith.addi %scan3A_775, %scan3A_1554 : i32
      %mul3A_1556 = arith.constant 16 : i32
      %mul3A_1557 = arith.muli %scan3A_1555, %mul3A_1556 : i32
      %get3A_1558 = arith.constant 0 : i32
      %get3A_1559 = arith.constant 0 : i32
      %get3A_1560 = arith.constant 0 : i32
      %get3A_1561 = tpu.memref_slice %arg6[%scan3A_423, %get3A_1559, %get3A_1560] : memref<2x16x1024xf32, #tpu.memory_space<vmem>> -> memref<1x16x1024xf32, #tpu.memory_space<vmem>>
      %get3A_1562 = tpu.memref_squeeze %get3A_1561 : memref<1x16x1024xf32, #tpu.memory_space<vmem>> -> memref<16x1024xf32, #tpu.memory_space<vmem>>
      %get3A_1563 = arith.index_cast %get3A_1558 : i32 to index
      %get3A_1564 = arith.index_cast %mul3A_1557 : i32 to index
      %get3A_1565 = tpu.vector_load %get3A_1562[%get3A_1563, %get3A_1564] {strides = array<i32>} : memref<16x1024xf32, #tpu.memory_space<vmem>>, vector<1x16xf32>,
      %get3A_1566 = vector.shape_cast %get3A_1565 : vector<1x16xf32> to vector<16xf32>
      %mul3A_1567 = arith.mulf %get3A_1566, %broadcast_in_dim3A_619 : vector<16xf32>
      %swap3A_1568 = arith.constant 0 : i32
      %swap3A_1569 = arith.index_cast %swap3A_1568 : i32 to index
      %swap3A_1570 = arith.index_cast %mul3A_1557 : i32 to index
      %swap3A_1571 = tpu.vector_load %arg8[%swap3A_1569, %swap3A_1570] {strides = array<i32>} : memref<1x1024xf32, #tpu.memory_space<vmem>>, vector<1x16xf32>,
      %swap3A_1572 = vector.shape_cast %swap3A_1571 : vector<1x16xf32> to vector<16xf32>
      %swap3A_1573 = vector.shape_cast %mul3A_1567 : vector<16xf32> to vector<1x16xf32>
      tpu.vector_store %arg8[%swap3A_1569, %swap3A_1570], %swap3A_1573 {add = true, strides = array<i32>} : memref<1x1024xf32, #tpu.memory_space<vmem>>, vector<1x16xf32>,
      %get3A_1574 = arith.constant 1 : i32
      %get3A_1575 = arith.constant 0 : i32
      %get3A_1576 = arith.constant 0 : i32
      %get3A_1577 = tpu.memref_slice %arg6[%scan3A_423, %get3A_1575, %get3A_1576] : memref<2x16x1024xf32, #tpu.memory_space<vmem>> -> memref<1x16x1024xf32, #tpu.memory_space<vmem>>
      %get3A_1578 = tpu.memref_squeeze %get3A_1577 : memref<1x16x1024xf32, #tpu.memory_space<vmem>> -> memref<16x1024xf32, #tpu.memory_space<vmem>>
      %get3A_1579 = arith.index_cast %get3A_1574 : i32 to index
      %get3A_1580 = arith.index_cast %mul3A_1557 : i32 to index
      %get3A_1581 = tpu.vector_load %get3A_1578[%get3A_1579, %get3A_1580] {strides = array<i32>} : memref<16x1024xf32, #tpu.memory_space<vmem>>, vector<1x16xf32>,
      %get3A_1582 = vector.shape_cast %get3A_1581 : vector<1x16xf32> to vector<16xf32>
      %mul3A_1583 = arith.mulf %get3A_1582, %broadcast_in_dim3A_622 : vector<16xf32>
      %swap3A_1584 = arith.constant 0 : i32
      %swap3A_1585 = arith.index_cast %swap3A_1584 : i32 to index
      %swap3A_1586 = arith.index_cast %mul3A_1557 : i32 to index
      %swap3A_1587 = tpu.vector_load %arg8[%swap3A_1585, %swap3A_1586] {strides = array<i32>} : memref<1x1024xf32, #tpu.memory_space<vmem>>, vector<1x16xf32>,
      %swap3A_1588 = vector.shape_cast %swap3A_1587 : vector<1x16xf32> to vector<16xf32>
      %swap3A_1589 = vector.shape_cast %mul3A_1583 : vector<16xf32> to vector<1x16xf32>
      tpu.vector_store %arg8[%swap3A_1585, %swap3A_1586], %swap3A_1589 {add = true, strides = array<i32>} : memref<1x1024xf32, #tpu.memory_space<vmem>>, vector<1x16xf32>,
      %get3A_1590 = arith.constant 2 : i32
      %get3A_1591 = arith.constant 0 : i32
      %get3A_1592 = arith.constant 0 : i32
      %get3A_1593 = tpu.memref_slice %arg6[%scan3A_423, %get3A_1591, %get3A_1592] : memref<2x16x1024xf32, #tpu.memory_space<vmem>> -> memref<1x16x1024xf32, #tpu.memory_space<vmem>>
      %get3A_1594 = tpu.memref_squeeze %get3A_1593 : memref<1x16x1024xf32, #tpu.memory_space<vmem>> -> memref<16x1024xf32, #tpu.memory_space<vmem>>
      %get3A_1595 = arith.index_cast %get3A_1590 : i32 to index
      %get3A_1596 = arith.index_cast %mul3A_1557 : i32 to index
      %get3A_1597 = tpu.vector_load %get3A_1594[%get3A_1595, %get3A_1596] {strides = array<i32>} : memref<16x1024xf32, #tpu.memory_space<vmem>>, vector<1x16xf32>,
      %get3A_1598 = vector.shape_cast %get3A_1597 : vector<1x16xf32> to vector<16xf32>
      %mul3A_1599 = arith.mulf %get3A_1598, %broadcast_in_dim3A_625 : vector<16xf32>
      %swap3A_1600 = arith.constant 0 : i32
      %swap3A_1601 = arith.index_cast %swap3A_1600 : i32 to index
      %swap3A_1602 = arith.index_cast %mul3A_1557 : i32 to index
      %swap3A_1603 = tpu.vector_load %arg8[%swap3A_1601, %swap3A_1602] {strides = array<i32>} : memref<1x1024xf32, #tpu.memory_space<vmem>>, vector<1x16xf32>,
      %swap3A_1604 = vector.shape_cast %swap3A_1603 : vector<1x16xf32> to vector<16xf32>
      %swap3A_1605 = vector.shape_cast %mul3A_1599 : vector<16xf32> to vector<1x16xf32>
      tpu.vector_store %arg8[%swap3A_1601, %swap3A_1602], %swap3A_1605 {add = true, strides = array<i32>} : memref<1x1024xf32, #tpu.memory_space<vmem>>, vector<1x16xf32>,
      %get3A_1606 = arith.constant 3 : i32
      %get3A_1607 = arith.constant 0 : i32
      %get3A_1608 = arith.constant 0 : i32
      %get3A_1609 = tpu.memref_slice %arg6[%scan3A_423, %get3A_1607, %get3A_1608] : memref<2x16x1024xf32, #tpu.memory_space<vmem>> -> memref<1x16x1024xf32, #tpu.memory_space<vmem>>
      %get3A_1610 = tpu.memref_squeeze %get3A_1609 : memref<1x16x1024xf32, #tpu.memory_space<vmem>> -> memref<16x1024xf32, #tpu.memory_space<vmem>>
      %get3A_1611 = arith.index_cast %get3A_1606 : i32 to index
      %get3A_1612 = arith.index_cast %mul3A_1557 : i32 to index
      %get3A_1613 = tpu.vector_load %get3A_1610[%get3A_1611, %get3A_1612] {strides = array<i32>} : memref<16x1024xf32, #tpu.memory_space<vmem>>, vector<1x16xf32>,
      %get3A_1614 = vector.shape_cast %get3A_1613 : vector<1x16xf32> to vector<16xf32>
      %mul3A_1615 = arith.mulf %get3A_1614, %broadcast_in_dim3A_628 : vector<16xf32>
      %swap3A_1616 = arith.constant 0 : i32
      %swap3A_1617 = arith.index_cast %swap3A_1616 : i32 to index
      %swap3A_1618 = arith.index_cast %mul3A_1557 : i32 to index
      %swap3A_1619 = tpu.vector_load %arg8[%swap3A_1617, %swap3A_1618] {strides = array<i32>} : memref<1x1024xf32, #tpu.memory_space<vmem>>, vector<1x16xf32>,
      %swap3A_1620 = vector.shape_cast %swap3A_1619 : vector<1x16xf32> to vector<16xf32>
      %swap3A_1621 = vector.shape_cast %mul3A_1615 : vector<16xf32> to vector<1x16xf32>
      tpu.vector_store %arg8[%swap3A_1617, %swap3A_1618], %swap3A_1621 {add = true, strides = array<i32>} : memref<1x1024xf32, #tpu.memory_space<vmem>>, vector<1x16xf32>,
      %get3A_1622 = arith.constant 4 : i32
      %get3A_1623 = arith.constant 0 : i32
      %get3A_1624 = arith.constant 0 : i32
      %get3A_1625 = tpu.memref_slice %arg6[%scan3A_423, %get3A_1623, %get3A_1624] : memref<2x16x1024xf32, #tpu.memory_space<vmem>> -> memref<1x16x1024xf32, #tpu.memory_space<vmem>>
      %get3A_1626 = tpu.memref_squeeze %get3A_1625 : memref<1x16x1024xf32, #tpu.memory_space<vmem>> -> memref<16x1024xf32, #tpu.memory_space<vmem>>
      %get3A_1627 = arith.index_cast %get3A_1622 : i32 to index
      %get3A_1628 = arith.index_cast %mul3A_1557 : i32 to index
      %get3A_1629 = tpu.vector_load %get3A_1626[%get3A_1627, %get3A_1628] {strides = array<i32>} : memref<16x1024xf32, #tpu.memory_space<vmem>>, vector<1x16xf32>,
      %get3A_1630 = vector.shape_cast %get3A_1629 : vector<1x16xf32> to vector<16xf32>
      %mul3A_1631 = arith.mulf %get3A_1630, %broadcast_in_dim3A_631 : vector<16xf32>
      %swap3A_1632 = arith.constant 0 : i32
      %swap3A_1633 = arith.index_cast %swap3A_1632 : i32 to index
      %swap3A_1634 = arith.index_cast %mul3A_1557 : i32 to index
      %swap3A_1635 = tpu.vector_load %arg8[%swap3A_1633, %swap3A_1634] {strides = array<i32>} : memref<1x1024xf32, #tpu.memory_space<vmem>>, vector<1x16xf32>,
      %swap3A_1636 = vector.shape_cast %swap3A_1635 : vector<1x16xf32> to vector<16xf32>
      %swap3A_1637 = vector.shape_cast %mul3A_1631 : vector<16xf32> to vector<1x16xf32>
      tpu.vector_store %arg8[%swap3A_1633, %swap3A_1634], %swap3A_1637 {add = true, strides = array<i32>} : memref<1x1024xf32, #tpu.memory_space<vmem>>, vector<1x16xf32>,
      %get3A_1638 = arith.constant 5 : i32
      %get3A_1639 = arith.constant 0 : i32
      %get3A_1640 = arith.constant 0 : i32
      %get3A_1641 = tpu.memref_slice %arg6[%scan3A_423, %get3A_1639, %get3A_1640] : memref<2x16x1024xf32, #tpu.memory_space<vmem>> -> memref<1x16x1024xf32, #tpu.memory_space<vmem>>
      %get3A_1642 = tpu.memref_squeeze %get3A_1641 : memref<1x16x1024xf32, #tpu.memory_space<vmem>> -> memref<16x1024xf32, #tpu.memory_space<vmem>>
      %get3A_1643 = arith.index_cast %get3A_1638 : i32 to index
      %get3A_1644 = arith.index_cast %mul3A_1557 : i32 to index
      %get3A_1645 = tpu.vector_load %get3A_1642[%get3A_1643, %get3A_1644] {strides = array<i32>} : memref<16x1024xf32, #tpu.memory_space<vmem>>, vector<1x16xf32>,
      %get3A_1646 = vector.shape_cast %get3A_1645 : vector<1x16xf32> to vector<16xf32>
      %mul3A_1647 = arith.mulf %get3A_1646, %broadcast_in_dim3A_634 : vector<16xf32>
      %swap3A_1648 = arith.constant 0 : i32
      %swap3A_1649 = arith.index_cast %swap3A_1648 : i32 to index
      %swap3A_1650 = arith.index_cast %mul3A_1557 : i32 to index
      %swap3A_1651 = tpu.vector_load %arg8[%swap3A_1649, %swap3A_1650] {strides = array<i32>} : memref<1x1024xf32, #tpu.memory_space<vmem>>, vector<1x16xf32>,
      %swap3A_1652 = vector.shape_cast %swap3A_1651 : vector<1x16xf32> to vector<16xf32>
      %swap3A_1653 = vector.shape_cast %mul3A_1647 : vector<16xf32> to vector<1x16xf32>
      tpu.vector_store %arg8[%swap3A_1649, %swap3A_1650], %swap3A_1653 {add = true, strides = array<i32>} : memref<1x1024xf32, #tpu.memory_space<vmem>>, vector<1x16xf32>,
      %get3A_1654 = arith.constant 6 : i32
      %get3A_1655 = arith.constant 0 : i32
      %get3A_1656 = arith.constant 0 : i32
      %get3A_1657 = tpu.memref_slice %arg6[%scan3A_423, %get3A_1655, %get3A_1656] : memref<2x16x1024xf32, #tpu.memory_space<vmem>> -> memref<1x16x1024xf32, #tpu.memory_space<vmem>>
      %get3A_1658 = tpu.memref_squeeze %get3A_1657 : memref<1x16x1024xf32, #tpu.memory_space<vmem>> -> memref<16x1024xf32, #tpu.memory_space<vmem>>
      %get3A_1659 = arith.index_cast %get3A_1654 : i32 to index
      %get3A_1660 = arith.index_cast %mul3A_1557 : i32 to index
      %get3A_1661 = tpu.vector_load %get3A_1658[%get3A_1659, %get3A_1660] {strides = array<i32>} : memref<16x1024xf32, #tpu.memory_space<vmem>>, vector<1x16xf32>,
      %get3A_1662 = vector.shape_cast %get3A_1661 : vector<1x16xf32> to vector<16xf32>
      %mul3A_1663 = arith.mulf %get3A_1662, %broadcast_in_dim3A_637 : vector<16xf32>
      %swap3A_1664 = arith.constant 0 : i32
      %swap3A_1665 = arith.index_cast %swap3A_1664 : i32 to index
      %swap3A_1666 = arith.index_cast %mul3A_1557 : i32 to index
      %swap3A_1667 = tpu.vector_load %arg8[%swap3A_1665, %swap3A_1666] {strides = array<i32>} : memref<1x1024xf32, #tpu.memory_space<vmem>>, vector<1x16xf32>,
      %swap3A_1668 = vector.shape_cast %swap3A_1667 : vector<1x16xf32> to vector<16xf32>
      %swap3A_1669 = vector.shape_cast %mul3A_1663 : vector<16xf32> to vector<1x16xf32>
      tpu.vector_store %arg8[%swap3A_1665, %swap3A_1666], %swap3A_1669 {add = true, strides = array<i32>} : memref<1x1024xf32, #tpu.memory_space<vmem>>, vector<1x16xf32>,
      %get3A_1670 = arith.constant 7 : i32
      %get3A_1671 = arith.constant 0 : i32
      %get3A_1672 = arith.constant 0 : i32
      %get3A_1673 = tpu.memref_slice %arg6[%scan3A_423, %get3A_1671, %get3A_1672] : memref<2x16x1024xf32, #tpu.memory_space<vmem>> -> memref<1x16x1024xf32, #tpu.memory_space<vmem>>
      %get3A_1674 = tpu.memref_squeeze %get3A_1673 : memref<1x16x1024xf32, #tpu.memory_space<vmem>> -> memref<16x1024xf32, #tpu.memory_space<vmem>>
      %get3A_1675 = arith.index_cast %get3A_1670 : i32 to index
      %get3A_1676 = arith.index_cast %mul3A_1557 : i32 to index
      %get3A_1677 = tpu.vector_load %get3A_1674[%get3A_1675, %get3A_1676] {strides = array<i32>} : memref<16x1024xf32, #tpu.memory_space<vmem>>, vector<1x16xf32>,
      %get3A_1678 = vector.shape_cast %get3A_1677 : vector<1x16xf32> to vector<16xf32>
      %mul3A_1679 = arith.mulf %get3A_1678, %broadcast_in_dim3A_640 : vector<16xf32>
      %swap3A_1680 = arith.constant 0 : i32
      %swap3A_1681 = arith.index_cast %swap3A_1680 : i32 to index
      %swap3A_1682 = arith.index_cast %mul3A_1557 : i32 to index
      %swap3A_1683 = tpu.vector_load %arg8[%swap3A_1681, %swap3A_1682] {strides = array<i32>} : memref<1x1024xf32, #tpu.memory_space<vmem>>, vector<1x16xf32>,
      %swap3A_1684 = vector.shape_cast %swap3A_1683 : vector<1x16xf32> to vector<16xf32>
      %swap3A_1685 = vector.shape_cast %mul3A_1679 : vector<16xf32> to vector<1x16xf32>
      tpu.vector_store %arg8[%swap3A_1681, %swap3A_1682], %swap3A_1685 {add = true, strides = array<i32>} : memref<1x1024xf32, #tpu.memory_space<vmem>>, vector<1x16xf32>,
      %get3A_1686 = arith.constant 8 : i32
      %get3A_1687 = arith.constant 0 : i32
      %get3A_1688 = arith.constant 0 : i32
      %get3A_1689 = tpu.memref_slice %arg6[%scan3A_423, %get3A_1687, %get3A_1688] : memref<2x16x1024xf32, #tpu.memory_space<vmem>> -> memref<1x16x1024xf32, #tpu.memory_space<vmem>>
      %get3A_1690 = tpu.memref_squeeze %get3A_1689 : memref<1x16x1024xf32, #tpu.memory_space<vmem>> -> memref<16x1024xf32, #tpu.memory_space<vmem>>
      %get3A_1691 = arith.index_cast %get3A_1686 : i32 to index
      %get3A_1692 = arith.index_cast %mul3A_1557 : i32 to index
      %get3A_1693 = tpu.vector_load %get3A_1690[%get3A_1691, %get3A_1692] {strides = array<i32>} : memref<16x1024xf32, #tpu.memory_space<vmem>>, vector<1x16xf32>,
      %get3A_1694 = vector.shape_cast %get3A_1693 : vector<1x16xf32> to vector<16xf32>
      %mul3A_1695 = arith.mulf %get3A_1694, %broadcast_in_dim3A_643 : vector<16xf32>
      %swap3A_1696 = arith.constant 0 : i32
      %swap3A_1697 = arith.index_cast %swap3A_1696 : i32 to index
      %swap3A_1698 = arith.index_cast %mul3A_1557 : i32 to index
      %swap3A_1699 = tpu.vector_load %arg8[%swap3A_1697, %swap3A_1698] {strides = array<i32>} : memref<1x1024xf32, #tpu.memory_space<vmem>>, vector<1x16xf32>,
      %swap3A_1700 = vector.shape_cast %swap3A_1699 : vector<1x16xf32> to vector<16xf32>
      %swap3A_1701 = vector.shape_cast %mul3A_1695 : vector<16xf32> to vector<1x16xf32>
      tpu.vector_store %arg8[%swap3A_1697, %swap3A_1698], %swap3A_1701 {add = true, strides = array<i32>} : memref<1x1024xf32, #tpu.memory_space<vmem>>, vector<1x16xf32>,
      %get3A_1702 = arith.constant 9 : i32
      %get3A_1703 = arith.constant 0 : i32
      %get3A_1704 = arith.constant 0 : i32
      %get3A_1705 = tpu.memref_slice %arg6[%scan3A_423, %get3A_1703, %get3A_1704] : memref<2x16x1024xf32, #tpu.memory_space<vmem>> -> memref<1x16x1024xf32, #tpu.memory_space<vmem>>
      %get3A_1706 = tpu.memref_squeeze %get3A_1705 : memref<1x16x1024xf32, #tpu.memory_space<vmem>> -> memref<16x1024xf32, #tpu.memory_space<vmem>>
      %get3A_1707 = arith.index_cast %get3A_1702 : i32 to index
      %get3A_1708 = arith.index_cast %mul3A_1557 : i32 to index
      %get3A_1709 = tpu.vector_load %get3A_1706[%get3A_1707, %get3A_1708] {strides = array<i32>} : memref<16x1024xf32, #tpu.memory_space<vmem>>, vector<1x16xf32>,
      %get3A_1710 = vector.shape_cast %get3A_1709 : vector<1x16xf32> to vector<16xf32>
      %mul3A_1711 = arith.mulf %get3A_1710, %broadcast_in_dim3A_646 : vector<16xf32>
      %swap3A_1712 = arith.constant 0 : i32
      %swap3A_1713 = arith.index_cast %swap3A_1712 : i32 to index
      %swap3A_1714 = arith.index_cast %mul3A_1557 : i32 to index
      %swap3A_1715 = tpu.vector_load %arg8[%swap3A_1713, %swap3A_1714] {strides = array<i32>} : memref<1x1024xf32, #tpu.memory_space<vmem>>, vector<1x16xf32>,
      %swap3A_1716 = vector.shape_cast %swap3A_1715 : vector<1x16xf32> to vector<16xf32>
      %swap3A_1717 = vector.shape_cast %mul3A_1711 : vector<16xf32> to vector<1x16xf32>
      tpu.vector_store %arg8[%swap3A_1713, %swap3A_1714], %swap3A_1717 {add = true, strides = array<i32>} : memref<1x1024xf32, #tpu.memory_space<vmem>>, vector<1x16xf32>,
      %get3A_1718 = arith.constant 10 : i32
      %get3A_1719 = arith.constant 0 : i32
      %get3A_1720 = arith.constant 0 : i32
      %get3A_1721 = tpu.memref_slice %arg6[%scan3A_423, %get3A_1719, %get3A_1720] : memref<2x16x1024xf32, #tpu.memory_space<vmem>> -> memref<1x16x1024xf32, #tpu.memory_space<vmem>>
      %get3A_1722 = tpu.memref_squeeze %get3A_1721 : memref<1x16x1024xf32, #tpu.memory_space<vmem>> -> memref<16x1024xf32, #tpu.memory_space<vmem>>
      %get3A_1723 = arith.index_cast %get3A_1718 : i32 to index
      %get3A_1724 = arith.index_cast %mul3A_1557 : i32 to index
      %get3A_1725 = tpu.vector_load %get3A_1722[%get3A_1723, %get3A_1724] {strides = array<i32>} : memref<16x1024xf32, #tpu.memory_space<vmem>>, vector<1x16xf32>,
      %get3A_1726 = vector.shape_cast %get3A_1725 : vector<1x16xf32> to vector<16xf32>
      %mul3A_1727 = arith.mulf %get3A_1726, %broadcast_in_dim3A_649 : vector<16xf32>
      %swap3A_1728 = arith.constant 0 : i32
      %swap3A_1729 = arith.index_cast %swap3A_1728 : i32 to index
      %swap3A_1730 = arith.index_cast %mul3A_1557 : i32 to index
      %swap3A_1731 = tpu.vector_load %arg8[%swap3A_1729, %swap3A_1730] {strides = array<i32>} : memref<1x1024xf32, #tpu.memory_space<vmem>>, vector<1x16xf32>,
      %swap3A_1732 = vector.shape_cast %swap3A_1731 : vector<1x16xf32> to vector<16xf32>
      %swap3A_1733 = vector.shape_cast %mul3A_1727 : vector<16xf32> to vector<1x16xf32>
      tpu.vector_store %arg8[%swap3A_1729, %swap3A_1730], %swap3A_1733 {add = true, strides = array<i32>} : memref<1x1024xf32, #tpu.memory_space<vmem>>, vector<1x16xf32>,
      %get3A_1734 = arith.constant 11 : i32
      %get3A_1735 = arith.constant 0 : i32
      %get3A_1736 = arith.constant 0 : i32
      %get3A_1737 = tpu.memref_slice %arg6[%scan3A_423, %get3A_1735, %get3A_1736] : memref<2x16x1024xf32, #tpu.memory_space<vmem>> -> memref<1x16x1024xf32, #tpu.memory_space<vmem>>
      %get3A_1738 = tpu.memref_squeeze %get3A_1737 : memref<1x16x1024xf32, #tpu.memory_space<vmem>> -> memref<16x1024xf32, #tpu.memory_space<vmem>>
      %get3A_1739 = arith.index_cast %get3A_1734 : i32 to index
      %get3A_1740 = arith.index_cast %mul3A_1557 : i32 to index
      %get3A_1741 = tpu.vector_load %get3A_1738[%get3A_1739, %get3A_1740] {strides = array<i32>} : memref<16x1024xf32, #tpu.memory_space<vmem>>, vector<1x16xf32>,
      %get3A_1742 = vector.shape_cast %get3A_1741 : vector<1x16xf32> to vector<16xf32>
      %mul3A_1743 = arith.mulf %get3A_1742, %broadcast_in_dim3A_652 : vector<16xf32>
      %swap3A_1744 = arith.constant 0 : i32
      %swap3A_1745 = arith.index_cast %swap3A_1744 : i32 to index
      %swap3A_1746 = arith.index_cast %mul3A_1557 : i32 to index
      %swap3A_1747 = tpu.vector_load %arg8[%swap3A_1745, %swap3A_1746] {strides = array<i32>} : memref<1x1024xf32, #tpu.memory_space<vmem>>, vector<1x16xf32>,
      %swap3A_1748 = vector.shape_cast %swap3A_1747 : vector<1x16xf32> to vector<16xf32>
      %swap3A_1749 = vector.shape_cast %mul3A_1743 : vector<16xf32> to vector<1x16xf32>
      tpu.vector_store %arg8[%swap3A_1745, %swap3A_1746], %swap3A_1749 {add = true, strides = array<i32>} : memref<1x1024xf32, #tpu.memory_space<vmem>>, vector<1x16xf32>,
      %get3A_1750 = arith.constant 12 : i32
      %get3A_1751 = arith.constant 0 : i32
      %get3A_1752 = arith.constant 0 : i32
      %get3A_1753 = tpu.memref_slice %arg6[%scan3A_423, %get3A_1751, %get3A_1752] : memref<2x16x1024xf32, #tpu.memory_space<vmem>> -> memref<1x16x1024xf32, #tpu.memory_space<vmem>>
      %get3A_1754 = tpu.memref_squeeze %get3A_1753 : memref<1x16x1024xf32, #tpu.memory_space<vmem>> -> memref<16x1024xf32, #tpu.memory_space<vmem>>
      %get3A_1755 = arith.index_cast %get3A_1750 : i32 to index
      %get3A_1756 = arith.index_cast %mul3A_1557 : i32 to index
      %get3A_1757 = tpu.vector_load %get3A_1754[%get3A_1755, %get3A_1756] {strides = array<i32>} : memref<16x1024xf32, #tpu.memory_space<vmem>>, vector<1x16xf32>,
      %get3A_1758 = vector.shape_cast %get3A_1757 : vector<1x16xf32> to vector<16xf32>
      %mul3A_1759 = arith.mulf %get3A_1758, %broadcast_in_dim3A_655 : vector<16xf32>
      %swap3A_1760 = arith.constant 0 : i32
      %swap3A_1761 = arith.index_cast %swap3A_1760 : i32 to index
      %swap3A_1762 = arith.index_cast %mul3A_1557 : i32 to index
      %swap3A_1763 = tpu.vector_load %arg8[%swap3A_1761, %swap3A_1762] {strides = array<i32>} : memref<1x1024xf32, #tpu.memory_space<vmem>>, vector<1x16xf32>,
      %swap3A_1764 = vector.shape_cast %swap3A_1763 : vector<1x16xf32> to vector<16xf32>
      %swap3A_1765 = vector.shape_cast %mul3A_1759 : vector<16xf32> to vector<1x16xf32>
      tpu.vector_store %arg8[%swap3A_1761, %swap3A_1762], %swap3A_1765 {add = true, strides = array<i32>} : memref<1x1024xf32, #tpu.memory_space<vmem>>, vector<1x16xf32>,
      %get3A_1766 = arith.constant 13 : i32
      %get3A_1767 = arith.constant 0 : i32
      %get3A_1768 = arith.constant 0 : i32
      %get3A_1769 = tpu.memref_slice %arg6[%scan3A_423, %get3A_1767, %get3A_1768] : memref<2x16x1024xf32, #tpu.memory_space<vmem>> -> memref<1x16x1024xf32, #tpu.memory_space<vmem>>
      %get3A_1770 = tpu.memref_squeeze %get3A_1769 : memref<1x16x1024xf32, #tpu.memory_space<vmem>> -> memref<16x1024xf32, #tpu.memory_space<vmem>>
      %get3A_1771 = arith.index_cast %get3A_1766 : i32 to index
      %get3A_1772 = arith.index_cast %mul3A_1557 : i32 to index
      %get3A_1773 = tpu.vector_load %get3A_1770[%get3A_1771, %get3A_1772] {strides = array<i32>} : memref<16x1024xf32, #tpu.memory_space<vmem>>, vector<1x16xf32>,
      %get3A_1774 = vector.shape_cast %get3A_1773 : vector<1x16xf32> to vector<16xf32>
      %mul3A_1775 = arith.mulf %get3A_1774, %broadcast_in_dim3A_658 : vector<16xf32>
      %swap3A_1776 = arith.constant 0 : i32
      %swap3A_1777 = arith.index_cast %swap3A_1776 : i32 to index
      %swap3A_1778 = arith.index_cast %mul3A_1557 : i32 to index
      %swap3A_1779 = tpu.vector_load %arg8[%swap3A_1777, %swap3A_1778] {strides = array<i32>} : memref<1x1024xf32, #tpu.memory_space<vmem>>, vector<1x16xf32>,
      %swap3A_1780 = vector.shape_cast %swap3A_1779 : vector<1x16xf32> to vector<16xf32>
      %swap3A_1781 = vector.shape_cast %mul3A_1775 : vector<16xf32> to vector<1x16xf32>
      tpu.vector_store %arg8[%swap3A_1777, %swap3A_1778], %swap3A_1781 {add = true, strides = array<i32>} : memref<1x1024xf32, #tpu.memory_space<vmem>>, vector<1x16xf32>,
      %get3A_1782 = arith.constant 14 : i32
      %get3A_1783 = arith.constant 0 : i32
      %get3A_1784 = arith.constant 0 : i32
      %get3A_1785 = tpu.memref_slice %arg6[%scan3A_423, %get3A_1783, %get3A_1784] : memref<2x16x1024xf32, #tpu.memory_space<vmem>> -> memref<1x16x1024xf32, #tpu.memory_space<vmem>>
      %get3A_1786 = tpu.memref_squeeze %get3A_1785 : memref<1x16x1024xf32, #tpu.memory_space<vmem>> -> memref<16x1024xf32, #tpu.memory_space<vmem>>
      %get3A_1787 = arith.index_cast %get3A_1782 : i32 to index
      %get3A_1788 = arith.index_cast %mul3A_1557 : i32 to index
      %get3A_1789 = tpu.vector_load %get3A_1786[%get3A_1787, %get3A_1788] {strides = array<i32>} : memref<16x1024xf32, #tpu.memory_space<vmem>>, vector<1x16xf32>,
      %get3A_1790 = vector.shape_cast %get3A_1789 : vector<1x16xf32> to vector<16xf32>
      %mul3A_1791 = arith.mulf %get3A_1790, %broadcast_in_dim3A_661 : vector<16xf32>
      %swap3A_1792 = arith.constant 0 : i32
      %swap3A_1793 = arith.index_cast %swap3A_1792 : i32 to index
      %swap3A_1794 = arith.index_cast %mul3A_1557 : i32 to index
      %swap3A_1795 = tpu.vector_load %arg8[%swap3A_1793, %swap3A_1794] {strides = array<i32>} : memref<1x1024xf32, #tpu.memory_space<vmem>>, vector<1x16xf32>,
      %swap3A_1796 = vector.shape_cast %swap3A_1795 : vector<1x16xf32> to vector<16xf32>
      %swap3A_1797 = vector.shape_cast %mul3A_1791 : vector<16xf32> to vector<1x16xf32>
      tpu.vector_store %arg8[%swap3A_1793, %swap3A_1794], %swap3A_1797 {add = true, strides = array<i32>} : memref<1x1024xf32, #tpu.memory_space<vmem>>, vector<1x16xf32>,
      %get3A_1798 = arith.constant 15 : i32
      %get3A_1799 = arith.constant 0 : i32
      %get3A_1800 = arith.constant 0 : i32
      %get3A_1801 = tpu.memref_slice %arg6[%scan3A_423, %get3A_1799, %get3A_1800] : memref<2x16x1024xf32, #tpu.memory_space<vmem>> -> memref<1x16x1024xf32, #tpu.memory_space<vmem>>
      %get3A_1802 = tpu.memref_squeeze %get3A_1801 : memref<1x16x1024xf32, #tpu.memory_space<vmem>> -> memref<16x1024xf32, #tpu.memory_space<vmem>>
      %get3A_1803 = arith.index_cast %get3A_1798 : i32 to index
      %get3A_1804 = arith.index_cast %mul3A_1557 : i32 to index
      %get3A_1805 = tpu.vector_load %get3A_1802[%get3A_1803, %get3A_1804] {strides = array<i32>} : memref<16x1024xf32, #tpu.memory_space<vmem>>, vector<1x16xf32>,
      %get3A_1806 = vector.shape_cast %get3A_1805 : vector<1x16xf32> to vector<16xf32>
      %mul3A_1807 = arith.mulf %get3A_1806, %broadcast_in_dim3A_664 : vector<16xf32>
      %swap3A_1808 = arith.constant 0 : i32
      %swap3A_1809 = arith.index_cast %swap3A_1808 : i32 to index
      %swap3A_1810 = arith.index_cast %mul3A_1557 : i32 to index
      %swap3A_1811 = tpu.vector_load %arg8[%swap3A_1809, %swap3A_1810] {strides = array<i32>} : memref<1x1024xf32, #tpu.memory_space<vmem>>, vector<1x16xf32>,
      %swap3A_1812 = vector.shape_cast %swap3A_1811 : vector<1x16xf32> to vector<16xf32>
      %swap3A_1813 = vector.shape_cast %mul3A_1807 : vector<16xf32> to vector<1x16xf32>
      tpu.vector_store %arg8[%swap3A_1809, %swap3A_1810], %swap3A_1813 {add = true, strides = array<i32>} : memref<1x1024xf32, #tpu.memory_space<vmem>>, vector<1x16xf32>,
    }
    %scan3A_670 = arith.constant 64 : i32
    %swap3A_671 = arith.constant 0 : i32
    %swap3A_672 = arith.index_cast %swap3A_671 : i32 to index
    %swap3A_673 = arith.constant 0 : index
    %swap3A_674 = tpu.vector_load %arg9[%swap3A_672, %swap3A_673] {strides = array<i32>} : memref<1x16xf32, #tpu.memory_space<vmem>>, vector<1x16xf32>,
    %swap3A_675 = vector.shape_cast %swap3A_674 : vector<1x16xf32> to vector<16xf32>
    %swap3A_676 = vector.shape_cast %broadcast_in_dim3A_619 : vector<16xf32> to vector<1x16xf32>
    tpu.vector_store %arg9[%swap3A_672, %swap3A_673], %swap3A_676 {add = true, strides = array<i32>} : memref<1x16xf32, #tpu.memory_space<vmem>>, vector<1x16xf32>,
    %swap3A_677 = arith.constant 0 : i32
    %swap3A_678 = arith.index_cast %swap3A_677 : i32 to index
    %swap3A_679 = arith.constant 0 : index
    %swap3A_680 = tpu.vector_load %arg9[%swap3A_678, %swap3A_679] {strides = array<i32>} : memref<1x16xf32, #tpu.memory_space<vmem>>, vector<1x16xf32>,
    %swap3A_681 = vector.shape_cast %swap3A_680 : vector<1x16xf32> to vector<16xf32>
    %swap3A_682 = vector.shape_cast %broadcast_in_dim3A_622 : vector<16xf32> to vector<1x16xf32>
    tpu.vector_store %arg9[%swap3A_678, %swap3A_679], %swap3A_682 {add = true, strides = array<i32>} : memref<1x16xf32, #tpu.memory_space<vmem>>, vector<1x16xf32>,
    %swap3A_683 = arith.constant 0 : i32
    %swap3A_684 = arith.index_cast %swap3A_683 : i32 to index
    %swap3A_685 = arith.constant 0 : index
    %swap3A_686 = tpu.vector_load %arg9[%swap3A_684, %swap3A_685] {strides = array<i32>} : memref<1x16xf32, #tpu.memory_space<vmem>>, vector<1x16xf32>,
    %swap3A_687 = vector.shape_cast %swap3A_686 : vector<1x16xf32> to vector<16xf32>
    %swap3A_688 = vector.shape_cast %broadcast_in_dim3A_625 : vector<16xf32> to vector<1x16xf32>
    tpu.vector_store %arg9[%swap3A_684, %swap3A_685], %swap3A_688 {add = true, strides = array<i32>} : memref<1x16xf32, #tpu.memory_space<vmem>>, vector<1x16xf32>,
    %swap3A_689 = arith.constant 0 : i32
    %swap3A_690 = arith.index_cast %swap3A_689 : i32 to index
    %swap3A_691 = arith.constant 0 : index
    %swap3A_692 = tpu.vector_load %arg9[%swap3A_690, %swap3A_691] {strides = array<i32>} : memref<1x16xf32, #tpu.memory_space<vmem>>, vector<1x16xf32>,
    %swap3A_693 = vector.shape_cast %swap3A_692 : vector<1x16xf32> to vector<16xf32>
    %swap3A_694 = vector.shape_cast %broadcast_in_dim3A_628 : vector<16xf32> to vector<1x16xf32>
    tpu.vector_store %arg9[%swap3A_690, %swap3A_691], %swap3A_694 {add = true, strides = array<i32>} : memref<1x16xf32, #tpu.memory_space<vmem>>, vector<1x16xf32>,
    %swap3A_695 = arith.constant 0 : i32
    %swap3A_696 = arith.index_cast %swap3A_695 : i32 to index
    %swap3A_697 = arith.constant 0 : index
    %swap3A_698 = tpu.vector_load %arg9[%swap3A_696, %swap3A_697] {strides = array<i32>} : memref<1x16xf32, #tpu.memory_space<vmem>>, vector<1x16xf32>,
    %swap3A_699 = vector.shape_cast %swap3A_698 : vector<1x16xf32> to vector<16xf32>
    %swap3A_700 = vector.shape_cast %broadcast_in_dim3A_631 : vector<16xf32> to vector<1x16xf32>
    tpu.vector_store %arg9[%swap3A_696, %swap3A_697], %swap3A_700 {add = true, strides = array<i32>} : memref<1x16xf32, #tpu.memory_space<vmem>>, vector<1x16xf32>,
    %swap3A_701 = arith.constant 0 : i32
    %swap3A_702 = arith.index_cast %swap3A_701 : i32 to index
    %swap3A_703 = arith.constant 0 : index
    %swap3A_704 = tpu.vector_load %arg9[%swap3A_702, %swap3A_703] {strides = array<i32>} : memref<1x16xf32, #tpu.memory_space<vmem>>, vector<1x16xf32>,
    %swap3A_705 = vector.shape_cast %swap3A_704 : vector<1x16xf32> to vector<16xf32>
    %swap3A_706 = vector.shape_cast %broadcast_in_dim3A_634 : vector<16xf32> to vector<1x16xf32>
    tpu.vector_store %arg9[%swap3A_702, %swap3A_703], %swap3A_706 {add = true, strides = array<i32>} : memref<1x16xf32, #tpu.memory_space<vmem>>, vector<1x16xf32>,
    %swap3A_707 = arith.constant 0 : i32
    %swap3A_708 = arith.index_cast %swap3A_707 : i32 to index
    %swap3A_709 = arith.constant 0 : index
    %swap3A_710 = tpu.vector_load %arg9[%swap3A_708, %swap3A_709] {strides = array<i32>} : memref<1x16xf32, #tpu.memory_space<vmem>>, vector<1x16xf32>,
    %swap3A_711 = vector.shape_cast %swap3A_710 : vector<1x16xf32> to vector<16xf32>
    %swap3A_712 = vector.shape_cast %broadcast_in_dim3A_637 : vector<16xf32> to vector<1x16xf32>
    tpu.vector_store %arg9[%swap3A_708, %swap3A_709], %swap3A_712 {add = true, strides = array<i32>} : memref<1x16xf32, #tpu.memory_space<vmem>>, vector<1x16xf32>,
    %swap3A_713 = arith.constant 0 : i32
    %swap3A_714 = arith.index_cast %swap3A_713 : i32 to index
    %swap3A_715 = arith.constant 0 : index
    %swap3A_716 = tpu.vector_load %arg9[%swap3A_714, %swap3A_715] {strides = array<i32>} : memref<1x16xf32, #tpu.memory_space<vmem>>, vector<1x16xf32>,
    %swap3A_717 = vector.shape_cast %swap3A_716 : vector<1x16xf32> to vector<16xf32>
    %swap3A_718 = vector.shape_cast %broadcast_in_dim3A_640 : vector<16xf32> to vector<1x16xf32>
    tpu.vector_store %arg9[%swap3A_714, %swap3A_715], %swap3A_718 {add = true, strides = array<i32>} : memref<1x16xf32, #tpu.memory_space<vmem>>, vector<1x16xf32>,
    %swap3A_719 = arith.constant 0 : i32
    %swap3A_720 = arith.index_cast %swap3A_719 : i32 to index
    %swap3A_721 = arith.constant 0 : index
    %swap3A_722 = tpu.vector_load %arg9[%swap3A_720, %swap3A_721] {strides = array<i32>} : memref<1x16xf32, #tpu.memory_space<vmem>>, vector<1x16xf32>,
    %swap3A_723 = vector.shape_cast %swap3A_722 : vector<1x16xf32> to vector<16xf32>
    %swap3A_724 = vector.shape_cast %broadcast_in_dim3A_643 : vector<16xf32> to vector<1x16xf32>
    tpu.vector_store %arg9[%swap3A_720, %swap3A_721], %swap3A_724 {add = true, strides = array<i32>} : memref<1x16xf32, #tpu.memory_space<vmem>>, vector<1x16xf32>,
    %swap3A_725 = arith.constant 0 : i32
    %swap3A_726 = arith.index_cast %swap3A_725 : i32 to index
    %swap3A_727 = arith.constant 0 : index
    %swap3A_728 = tpu.vector_load %arg9[%swap3A_726, %swap3A_727] {strides = array<i32>} : memref<1x16xf32, #tpu.memory_space<vmem>>, vector<1x16xf32>,
    %swap3A_729 = vector.shape_cast %swap3A_728 : vector<1x16xf32> to vector<16xf32>
    %swap3A_730 = vector.shape_cast %broadcast_in_dim3A_646 : vector<16xf32> to vector<1x16xf32>
    tpu.vector_store %arg9[%swap3A_726, %swap3A_727], %swap3A_730 {add = true, strides = array<i32>} : memref<1x16xf32, #tpu.memory_space<vmem>>, vector<1x16xf32>,
    %swap3A_731 = arith.constant 0 : i32
    %swap3A_732 = arith.index_cast %swap3A_731 : i32 to index
    %swap3A_733 = arith.constant 0 : index
    %swap3A_734 = tpu.vector_load %arg9[%swap3A_732, %swap3A_733] {strides = array<i32>} : memref<1x16xf32, #tpu.memory_space<vmem>>, vector<1x16xf32>,
    %swap3A_735 = vector.shape_cast %swap3A_734 : vector<1x16xf32> to vector<16xf32>
    %swap3A_736 = vector.shape_cast %broadcast_in_dim3A_649 : vector<16xf32> to vector<1x16xf32>
    tpu.vector_store %arg9[%swap3A_732, %swap3A_733], %swap3A_736 {add = true, strides = array<i32>} : memref<1x16xf32, #tpu.memory_space<vmem>>, vector<1x16xf32>,
    %swap3A_737 = arith.constant 0 : i32
    %swap3A_738 = arith.index_cast %swap3A_737 : i32 to index
    %swap3A_739 = arith.constant 0 : index
    %swap3A_740 = tpu.vector_load %arg9[%swap3A_738, %swap3A_739] {strides = array<i32>} : memref<1x16xf32, #tpu.memory_space<vmem>>, vector<1x16xf32>,
    %swap3A_741 = vector.shape_cast %swap3A_740 : vector<1x16xf32> to vector<16xf32>
    %swap3A_742 = vector.shape_cast %broadcast_in_dim3A_652 : vector<16xf32> to vector<1x16xf32>
    tpu.vector_store %arg9[%swap3A_738, %swap3A_739], %swap3A_742 {add = true, strides = array<i32>} : memref<1x16xf32, #tpu.memory_space<vmem>>, vector<1x16xf32>,
    %swap3A_743 = arith.constant 0 : i32
    %swap3A_744 = arith.index_cast %swap3A_743 : i32 to index
    %swap3A_745 = arith.constant 0 : index
    %swap3A_746 = tpu.vector_load %arg9[%swap3A_744, %swap3A_745] {strides = array<i32>} : memref<1x16xf32, #tpu.memory_space<vmem>>, vector<1x16xf32>,
    %swap3A_747 = vector.shape_cast %swap3A_746 : vector<1x16xf32> to vector<16xf32>
    %swap3A_748 = vector.shape_cast %broadcast_in_dim3A_655 : vector<16xf32> to vector<1x16xf32>
    tpu.vector_store %arg9[%swap3A_744, %swap3A_745], %swap3A_748 {add = true, strides = array<i32>} : memref<1x16xf32, #tpu.memory_space<vmem>>, vector<1x16xf32>,
    %swap3A_749 = arith.constant 0 : i32
    %swap3A_750 = arith.index_cast %swap3A_749 : i32 to index
    %swap3A_751 = arith.constant 0 : index
    %swap3A_752 = tpu.vector_load %arg9[%swap3A_750, %swap3A_751] {strides = array<i32>} : memref<1x16xf32, #tpu.memory_space<vmem>>, vector<1x16xf32>,
    %swap3A_753 = vector.shape_cast %swap3A_752 : vector<1x16xf32> to vector<16xf32>
    %swap3A_754 = vector.shape_cast %broadcast_in_dim3A_658 : vector<16xf32> to vector<1x16xf32>
    tpu.vector_store %arg9[%swap3A_750, %swap3A_751], %swap3A_754 {add = true, strides = array<i32>} : memref<1x16xf32, #tpu.memory_space<vmem>>, vector<1x16xf32>,
    %swap3A_755 = arith.constant 0 : i32
    %swap3A_756 = arith.index_cast %swap3A_755 : i32 to index
    %swap3A_757 = arith.constant 0 : index
    %swap3A_758 = tpu.vector_load %arg9[%swap3A_756, %swap3A_757] {strides = array<i32>} : memref<1x16xf32, #tpu.memory_space<vmem>>, vector<1x16xf32>,
    %swap3A_759 = vector.shape_cast %swap3A_758 : vector<1x16xf32> to vector<16xf32>
    %swap3A_760 = vector.shape_cast %broadcast_in_dim3A_661 : vector<16xf32> to vector<1x16xf32>
    tpu.vector_store %arg9[%swap3A_756, %swap3A_757], %swap3A_760 {add = true, strides = array<i32>} : memref<1x16xf32, #tpu.memory_space<vmem>>, vector<1x16xf32>,
    %swap3A_761 = arith.constant 0 : i32
    %swap3A_762 = arith.index_cast %swap3A_761 : i32 to index
    %swap3A_763 = arith.constant 0 : index
    %swap3A_764 = tpu.vector_load %arg9[%swap3A_762, %swap3A_763] {strides = array<i32>} : memref<1x16xf32, #tpu.memory_space<vmem>>, vector<1x16xf32>,
    %swap3A_765 = vector.shape_cast %swap3A_764 : vector<1x16xf32> to vector<16xf32>
    %swap3A_766 = vector.shape_cast %broadcast_in_dim3A_664 : vector<16xf32> to vector<1x16xf32>
    tpu.vector_store %arg9[%swap3A_762, %swap3A_763], %swap3A_766 {add = true, strides = array<i32>} : memref<1x16xf32, #tpu.memory_space<vmem>>, vector<1x16xf32>,
    %add3A_767 = arith.constant 3 : i32
    %add3A_768 = arith.addi %mul3A_426, %add3A_767 : i32
    %lt3A_769 = arith.constant 64 : i32
    %lt3A_770 = arith.cmpi slt, %add3A_768, %lt3A_769 : i32
    %convert_element_type3A_771 = arith.extui %lt3A_770 : i1 to i32
    %cond3A_772 = arith.constant 0 : i32
    %cond3A_773 = arith.cmpi ne, %convert_element_type3A_771, %cond3A_772 : i32
    scf.if %cond3A_773 {
      %add3A_775 = arith.constant 3 : i32
      %add3A_776 = arith.addi %mul3A_426, %add3A_775 : i32
      %mul3A_777 = arith.constant 16 : i32
      %mul3A_778 = arith.muli %add3A_776, %mul3A_777 : i32
      %add3A_779 = arith.addi %mul3A_2, %mul3A_778 : i32
      %dma_start3A_780 = arith.constant 0 : i32
      %dma_start3A_781 = arith.constant 0 : i32
      %dma_start3A_782 = tpu.memref_slice %arg6[%scan3A_423, %dma_start3A_780, %dma_start3A_781] : memref<2x16x1024xf32, #tpu.memory_space<vmem>> -> memref<1x16x1024xf32, #tpu.memory_space<vmem>>
      %dma_start3A_783 = tpu.memref_squeeze %dma_start3A_782 : memref<1x16x1024xf32, #tpu.memory_space<vmem>> -> memref<16x1024xf32, #tpu.memory_space<vmem>>
      %dma_start3A_784 = arith.constant 0 : i32
      %dma_start3A_785 = tpu.memref_slice %arg2[%add3A_779, %dma_start3A_784] : memref<32768x1024xf32, #tpu.memory_space<hbm>> -> memref<16x1024xf32, #tpu.memory_space<hbm>>
      %dma_start3A_786 = arith.constant 0 : i32
      %dma_start3A_787 = arith.constant 0 : i32
      %dma_start3A_788 = tpu.memref_slice %arg6[%scan3A_423, %dma_start3A_786, %dma_start3A_787] : memref<2x16x1024xf32, #tpu.memory_space<vmem>> -> memref<1x16x1024xf32, #tpu.memory_space<vmem>>
      %dma_start3A_789 = tpu.memref_squeeze %dma_start3A_788 : memref<1x16x1024xf32, #tpu.memory_space<vmem>> -> memref<16x1024xf32, #tpu.memory_space<vmem>>
      %dma_start3A_790 = arith.constant 0 : i32
      %dma_start3A_791 = tpu.memref_slice %arg2[%add3A_779, %dma_start3A_790] : memref<32768x1024xf32, #tpu.memory_space<hbm>> -> memref<16x1024xf32, #tpu.memory_space<hbm>>
      tpu.enqueue_dma source(%dma_start3A_791 : memref<16x1024xf32, #tpu.memory_space<hbm>>) target(%dma_start3A_789 : memref<16x1024xf32, #tpu.memory_space<vmem>>) target_semaphore(%arg11 : memref<!tpu.dma_semaphore, #tpu.memory_space<semaphore_mem>>)
    } else {
    }
    %scan3A_774 = arith.constant 1 : i32
    "tpu.region"() ({
      %run_scoped3A = tpu.sem_alloc : memref<!tpu.dma_semaphore, #tpu.memory_space<semaphore_mem>>
      %dma_start3A_775 = arith.constant 0 : i32
      %dma_start3A_776 = tpu.memref_slice %arg4[%add3A, %dma_start3A_775] : memref<32x1024xf32, #tpu.memory_space<hbm>> -> memref<1x1024xf32, #tpu.memory_space<hbm>>
      %dma_start3A_777 = arith.constant 0 : i32
      %dma_start3A_778 = tpu.memref_slice %arg4[%add3A, %dma_start3A_777] : memref<32x1024xf32, #tpu.memory_space<hbm>> -> memref<1x1024xf32, #tpu.memory_space<hbm>>
      tpu.enqueue_dma source(%arg8 : memref<1x1024xf32, #tpu.memory_space<vmem>>) target(%dma_start3A_778 : memref<1x1024xf32, #tpu.memory_space<hbm>>) target_semaphore(%run_scoped3A : memref<!tpu.dma_semaphore, #tpu.memory_space<semaphore_mem>>)
      %dma_wait3A_779 = arith.constant 0 : i32
      %dma_wait3A_780 = tpu.memref_slice %arg4[%add3A, %dma_wait3A_779] : memref<32x1024xf32, #tpu.memory_space<hbm>> -> memref<1x1024xf32, #tpu.memory_space<hbm>>
      %dma_wait3A_781 = arith.constant 0 : i32
      %dma_wait3A_782 = tpu.memref_slice %arg4[%add3A, %dma_wait3A_781] : memref<32x1024xf32, #tpu.memory_space<hbm>> -> memref<1x1024xf32, #tpu.memory_space<hbm>>
      tpu.wait_dma2 semaphore(%run_scoped3A : memref<!tpu.dma_semaphore, #tpu.memory_space<semaphore_mem>>) src(%arg8 : memref<1x1024xf32, #tpu.memory_space<vmem>>) dst(%dma_wait3A_782 : memref<1x1024xf32, #tpu.memory_space<hbm>>)
      tpu.yield
    }) : () -> ()
    "tpu.region"() ({
      %run_scoped3A = tpu.sem_alloc : memref<!tpu.dma_semaphore, #tpu.memory_space<semaphore_mem>>
      %dma_start3A_775 = arith.constant 0 : i32
      %dma_start3A_776 = tpu.memref_slice %arg5[%add3A, %dma_start3A_775] : memref<32x16xf32, #tpu.memory_space<hbm>> -> memref<1x16xf32, #tpu.memory_space<hbm>>
      %dma_start3A_777 = arith.constant 0 : i32
      %dma_start3A_778 = tpu.memref_slice %arg5[%add3A, %dma_start3A_777] : memref<32x16xf32, #tpu.memory_space<hbm>> -> memref<1x16xf32, #tpu.memory_space<hbm>>
      tpu.enqueue_dma source(%arg9 : memref<1x16xf32, #tpu.memory_space<vmem>>) target(%dma_start3A_778 : memref<1x16xf32, #tpu.memory_space<hbm>>) target_semaphore(%run_scoped3A : memref<!tpu.dma_semaphore, #tpu.memory_space<semaphore_mem>>)
      %dma_wait3A_779 = arith.constant 0 : i32
      %dma_wait3A_780 = tpu.memref_slice %arg5[%add3A, %dma_wait3A_779] : memref<32x16xf32, #tpu.memory_space<hbm>> -> memref<1x16xf32, #tpu.memory_space<hbm>>
      %dma_wait3A_781 = arith.constant 0 : i32
      %dma_wait3A_782 = tpu.memref_slice %arg5[%add3A, %dma_wait3A_781] : memref<32x16xf32, #tpu.memory_space<hbm>> -> memref<1x16xf32, #tpu.memory_space<hbm>>
      tpu.wait_dma2 semaphore(%run_scoped3A : memref<!tpu.dma_semaphore, #tpu.memory_space<semaphore_mem>>) src(%arg9 : memref<1x16xf32, #tpu.memory_space<vmem>>) dst(%dma_wait3A_782 : memref<1x16xf32, #tpu.memory_space<hbm>>)
      tpu.yield
    }) : () -> ()
    return
  }
}

</mosaic_0001>

<sc_bundles>
// kernel: _sc_partial.3.cloned.1.call-start
scs
__scs_entry_jumppad:
0x0: {  	(pc) =	sbr.rel $0x88, $3  }
0x1: {  	(tag) =	ssettag $0x0;
	lr =	simm.s32 $0x1  }
0x2: {  	[smem:$0x3F9F] =	sst lr;
	_ =	strace $0xD0000000  }
0x3: {  	_ = 	snop  }
0x4: {  	_ = 	snop  }
0x5: {  	_ = 	snop  }
0x6: {  	_ = 	snop  }
0x7: {  	_ = 	snop  }
__scs_overlays_trampoline_lowered:
0x8: {  	[smem:$0x3FAE] =	sst s0  }
0x9: {  	[smem:$0x3FAF] =	sst s1  }
0xa: {  	[smem:$0x3FB0] =	sst s2  }
0xb: {  	[smem:$0x3FB1] =	sst s3  }
0xc: {  	[smem:$0x3FB2] =	sst s4  }
0xd: {  	[smem:$0x3FB3] =	sst s5  }
0xe: {  	[smem:$0x3FB4] =	sst s6  }
0xf: {  	[smem:$0x3FB5] =	sst s7  }
0x10: {  	[smem:$0x3FB6] =	sst s8  }
0x11: {  	[smem:$0x3FB7] =	sst s9;
	s0 =	simm.s32 @!p0 $0x0  }
0x12: {  	s1 =	sld [smem:$0x3F9D];
	s0 =	simm.s32 @p0 $0x1  }
0x13: {  	[smem:$0x3FB8] =	sst s0;
	s0 =	simm.s32 @!p1 $0x0  }
0x14: {  	s2 =	sld [smem:$0x3F9C];
	s0 =	simm.s32 @p1 $0x1  }
0x15: {  	[smem:$0x3FB9] =	sst s0;
	s0 =	simm.s32 @!p2 $0x0  }
0x16: {  	s3 =	sld [smem:$0x3FDB];
	s0 =	simm.s32 @p2 $0x1  }
0x17: {  	s4 =	simm.s32 $0x1BF5;
	[smem:$0x3FBB] =	sst s0  }
0x18: {  	s0 =	sld [smem:$0x3F9E];
	_ =	swait.ge [sflag:s4], $0x0  }
0x19: {  	s7 =	sld [smem:$0x3F9F]  }
0x1a: {  	s8 =	sadd.s32 $0xFFFFE003, lr  }
0x1b: {  	s9 =	sadd.s32 $0xFFFFFEF7, lr;
	s5 =	simm.s32 $0xFFFFFFFF;
	p2 =	slt.u32 s8, $0xFFFFF086  }
0x1c: {  	p1 =	slt.u32 s9, $0xF7A;
	s5 =	simm.s32 @!p2 $0x0  }
0x1d: {  	s5 =	simm.s32 @p1 $0x1;
	p0 =	seq.s32 s7, s2  }
0x1e: {  	s7 =	smul.u32 @!p0 $0xF7A, s2;
	p2 =	seq.s32 @!p0 s5, $0x0  }
0x1f: {  	s9 =	smul.u32 $0xF7A, s1;
	s8 =	simm.s32 @!p0 $0x1BF5;
	p2 =	por !p2, p0  }
0x20: {  	[sflag:s8] =	ssyncset.s32 @!p0 $0xFFFFF086;
	s6 =	sadd.s32 @!p0 s3, s7;
	s7 =	simm.s32 @!p0 $0x108  }
0x21: {  	s3 =	sadd.s32 s3, s9;
	s6 =	sadd.s32 @!p0 $0x88, s6;
	s7 =	simm.s32 @p2 $0x1082  }
0x22: {  	[simem:s7], [sflag:s8] =	dma.local @!p0 [hbm:s6], $0xF7A  }
0x23: {  	s9 =	sor.u32 $0xD0000000, s2;
	s6 =	simm.s32 $0x108;
	_ =	swait.ge @!p0 [sflag:s8], $0x0  }
0x24: {  	s3 =	sadd.s32 $0x88, s3;
	s6 =	simm.s32 @!p1 $0x1082;
	[sflag:s4] =	ssyncset.s32 $0xFFFFF086  }
0x25: {  	[simem:s6], [sflag:s4] =	dma.local [hbm:s3], $0xF7A  }
0x26: {  	[smem:$0x3F9F] =	sst s1;
	(tag) =	ssettag s2;
	_ =	strace s9  }
0x27: {  	s1 =	sld [smem:$0x3FAF]  }
0x28: {  	s2 =	sld [smem:$0x3FB0]  }
0x29: {  	s4 =	sld [smem:$0x3FB2]  }
0x2a: {  	p0 =	seq.s32 s5, $0x0;
	s5 =	sld [smem:$0x3FB3]  }
0x2b: {  	s6 =	sld [smem:$0x3FB4]  }
0x2c: {  	s7 =	sld [smem:$0x3FB5]  }
0x2d: {  	s3 =	simm.s32 $0x108;
	s8 =	sld [smem:$0x3FB6]  }
0x2e: {  	s3 =	simm.s32 @!p0 $0x1082;
	s9 =	sld [smem:$0x3FB7]  }
0x2f: {  	lr =	sadd.s32 s0, s3;
	s0 =	sld [smem:$0x3FAE]  }
0x30: {  	s3 =	sld [smem:$0x3FB1]  }
0x31: {  	[smem:$0x3FBA] =	sst s10  }
0x32: {  	s10 =	sld [smem:$0x3FB8];
	_ =	sdelay $0x3  }
0x33: {  	p0 =	seq.s32 s10, $0x1;
	s10 =	sld [smem:$0x3FBA];
	_ =	sdelay $0x3  }
0x34: {  	[smem:$0x3FBA] =	sst s10  }
0x35: {  	s10 =	sld [smem:$0x3FB9];
	_ =	sdelay $0x3  }
0x36: {  	p1 =	seq.s32 s10, $0x1;
	s10 =	sld [smem:$0x3FBA];
	_ =	sdelay $0x3  }
0x37: {  	[smem:$0x3FBA] =	sst s10  }
0x38: {  	s10 =	sld [smem:$0x3FBB]  }
0x39: {  	_ = 	snop;
	(pc) =	sbr.ind lr, $3  }
0x3a: {  	_ = 	snop  }
0x3b: {  	_ = 	snop  }
0x3c: {  	p2 =	seq.s32 s10, $0x1;
	s10 =	sld [smem:$0x3FBA]  }
0x3d: {  	_ =	shalt  }
0x3e: {  	_ =	shalt  }
0x3f: {  	_ =	shalt  }
0x40: {  	_ =	shalt  }
0x41: {  	_ =	shalt  }
0x42: {  	_ =	shalt  }
0x43: {  	_ =	shalt  }
0x44: {  	_ =	shalt  }
0x45: {  	_ =	shalt  }
0x46: {  	_ =	shalt  }
0x47: {  	_ =	shalt  }
0x48: {  	_ =	shalt  }
0x49: {  	_ =	shalt  }
0x4a: {  	_ =	shalt  }
0x4b: {  	_ =	shalt  }
0x4c: {  	_ =	shalt  }
0x4d: {  	_ =	shalt  }
0x4e: {  	_ =	shalt  }
0x4f: {  	_ =	shalt  }
0x50: {  	_ =	shalt  }
0x51: {  	_ =	shalt  }
0x52: {  	_ =	shalt  }
0x53: {  	_ =	shalt  }
0x54: {  	_ =	shalt  }
0x55: {  	_ =	shalt  }
0x56: {  	_ =	shalt  }
0x57: {  	_ =	shalt  }
0x58: {  	_ =	shalt  }
0x59: {  	_ =	shalt  }
0x5a: {  	_ =	shalt  }
0x5b: {  	_ =	shalt  }
0x5c: {  	_ =	shalt  }
0x5d: {  	_ =	shalt  }
0x5e: {  	_ =	shalt  }
0x5f: {  	_ =	shalt  }
0x60: {  	_ =	shalt  }
0x61: {  	_ =	shalt  }
0x62: {  	_ =	shalt  }
0x63: {  	_ =	shalt  }
0x64: {  	_ =	shalt  }
0x65: {  	_ =	shalt  }
0x66: {  	_ =	shalt  }
0x67: {  	_ =	shalt  }
0x68: {  	_ =	shalt  }
0x69: {  	_ =	shalt  }
0x6a: {  	_ =	shalt  }
0x6b: {  	_ =	shalt  }
0x6c: {  	_ =	shalt  }
0x6d: {  	_ =	shalt  }
0x6e: {  	_ =	shalt  }
0x6f: {  	_ =	shalt  }
0x70: {  	_ =	shalt  }
0x71: {  	_ =	shalt  }
0x72: {  	_ =	shalt  }
0x73: {  	_ =	shalt  }
0x74: {  	_ =	shalt  }
0x75: {  	_ =	shalt  }
0x76: {  	_ =	shalt  }
0x77: {  	_ =	shalt  }
0x78: {  	_ =	shalt  }
0x79: {  	_ =	shalt  }
0x7a: {  	_ =	shalt  }
0x7b: {  	_ =	shalt  }
0x7c: {  	_ =	shalt  }
0x7d: {  	_ =	shalt  }
0x7e: {  	_ =	shalt  }
0x7f: {  	_ =	shalt  }
0x80: {  	_ =	shalt  }
0x81: {  	_ =	shalt  }
0x82: {  	_ =	shalt  }
0x83: {  	_ =	shalt  }
0x84: {  	_ =	shalt  }
0x85: {  	_ =	shalt  }
0x86: {  	_ =	shalt  }
0x87: {  	_ =	shalt  }
.Lfunc_end0:
.L_simem_size_0:
called_computation_lowered:
.L_overlay_start_0:
0x88: {  	s2 =	sld [smem:$0x3FD9]  }
0x89: {  	s3 =	sld [smem:$0x3FFE];
	_ =	sdelay $0x1  }
0x8a: {  	s1 =	srdreg.scid  }
0x8b: {  	s0 =	sand.u32 $0x1, s1  }
0x8c: {  	s14 =	sshll.u32 s0, $0xA;
	s2 =	sadd.s32 s3, s2  }
0x8d: {  	s2 =	sadd.s32 s2, s14  }
0x8e: {  	[smem:$0x3FC6] =	sst s2  }
0x8f: {  	_ = 	snop  }
0x90: {  	s2 =	sld [smem:$0x3FD0];
	_ =	sdelay $0x1  }
0x91: {  	s15 =	sld [smem:$0x3FC9]  }
0x92: {  	s5 =	simm.s32 $0xA;
	s6 =	simm.s32 $0x10;
	s4 =	sld [smem:$0x3FC8]  }
0x93: {  	[smem:s6], [sflag:s5] =	dma.local [hbm:s2], $0x1  }
0x94: {  	_ =	swait.eq [sflag:s5], $0x1  }
0x95: {  	[sflag:s5] =	ssyncset.done $0x0  }
0x96: {  	[sflag:s5] =	ssyncadd.s32 $0xFFFFFFFF  }
0x97: {  	s16 =	sld [smem:$0x10];
	(tm) =	ssettm $0x1  }
0x98: {  	s17 =	sld [smem:$0x3FFB];
	_ =	sdelay $0x3  }
0x99: {  	_ =	strace s17  }
0x9a: {  	s5 =	sld [smem:$0x3FFC];
	_ =	sdelay $0x3  }
0x9b: {  	_ =	strace s5  }
0x9c: {  	s5 =	sld [smem:$0x3FFD];
	_ =	sdelay $0x3  }
0x9d: {  	_ =	strace s5  }
0x9e: {  	_ =	strace $0x8FFFFFFF  }
0x9f: {  	s18 =	sld [smem:$0x3FDB];
	_ =	sdelay $0x1  }
0xa0: {  	s19 =	simm.s32 $_scs_section_size  }
0xa1: {  	s7 =	simm.s32 $_size__tile_overlayer_lowered;
	s8 =	simm.s32 $_tile_overlayer_lowered  }
0xa2: {  	s22 =	simm.s32 $0x1BFF;
	s21 =	sshll.u32 s8, $0x1;
	s5 =	sadd.s32 s19, s18  }
0xa3: {  	s9 =	simm.s32 $0x0;
	s20 =	sshll.u32 s7, $0x1;
	s7 =	sadd.s32 s21, s5  }
0xa4: {  	[timem:s9], [sflag:s22] =	dma.local [hbm:s7], s20  }
0xa5: {  	_ =	swait.ge [sflag:s22], s20  }
0xa6: {  	s6 =	ssub.s32 $0x0, s20;
	[sflag:s22] =	ssyncset.done $0x0  }
0xa7: {  	[sflag:s22] =	ssyncadd.s32 s6;
	_ =	sdelay $0x1  }
0xa8: {  	s23 =	simm.s32 $0x1B8B  }
0xa9: {  	_ =	swait.ge [sflag:s23], $0x1  }
0xaa: {  	[sflag:s23] =	ssyncset.done $0x0  }
0xab: {  	s25 =	simm.s32 $0x1B8E;
	s24 =	sld [smem:$0x3FFE];
	[sflag:s23] =	ssyncadd.s32 $0xFFFFFFFF  }
0xac: {  	s26 =	simm.s32 $execute0_lowered;
	[smem:$0x3FD2] =	sst s25  }
0xad: {  	s7 =	sshll.u32 s26, $0x1;
	_ =	strace $0x80000046;
	[dreg:$0x1] =	wrdreg $0xFFFFFFFF  }
0xae: {  	s28 =	simm.s32 $_size_execute0_lowered;
	s5 =	sadd.s32 s5, s7;
	[dreg:$0x0] =	wrdreg $0x0  }
0xaf: {  	s7 =	sshll.u32 s28, $0x1;
	[dreg:$0x2] =	wrdreg s5  }
0xb0: {  	[dreg:$0x3] =	wrdreg s7  }
0xb1: {  	[dreg:$0x4] =	wrdreg $0xC0  }
0xb2: {  	_ =	task [dreg:s9], $0x5FFFF  }
0xb3: {  	[dreg:$0x1] =	wrdreg $0xFFFFFFFF  }
0xb4: {  	[dreg:$0x0] =	wrdreg $0x60  }
0xb5: {  	[dreg:$0x2] =	wrdreg s15  }
0xb6: {  	[dreg:$0x3] =	wrdreg s4  }
0xb7: {  	[dreg:$0x4] =	wrdreg s16  }
0xb8: {  	[dreg:$0x5] =	wrdreg s24  }
0xb9: {  	[dreg:$0x6] =	wrdreg $0x9  }
0xba: {  	_ =	task.clear_ibuf [dreg:s9], $0x7FFFF;
	_ =	strace $0x90000046  }
0xbb: {  	s29 =	simm.s32 $0x9;
	_ =	strace $0x80000048  }
0xbc: {  	_ =	swait.ge [sflag:s29], $0x1  }
0xbd: {  	[sflag:s29] =	ssyncadd.s32 $0xFFFFFFFF  }
0xbe: {  	_ =	strace $0x90000048  }
0xbf: {  	_ =	sfence  }
0xc0: {  	s30 =	sld [smem:$0x0];
	_ =	sdelay $0x2  }
0xc1: {  	s31 =	sshll.u32 s1, $0xD;
	s1 =	sshrl.u32 s1, $0x2  }
0xc2: {  	s3 =	sand.u32 $0x4000, s31;
	s1 =	sadd.s32 s1, s30  }
0xc3: {  	s0 =	sor.u32 s3, s0;
	s1 =	sshll.u32 s1, $0x11  }
0xc4: {  	s0 =	sor.u32 s1, s0  }
0xc5: {  	s0 =	sadd.s32 $0x8F2B, s0  }
0xc6: {  	[sflag:s0] =	ssyncadd.remote.s32 $0x1  }
0xc7: {  	_ =	sfence.sel $0xFFFF  }
0xc8: {  	[dreg:$0x0] =	wrdreg $0xFFFFFFFF;
	(pc) =	sbr.abs _section_cstart, $3  }
0xc9: {  	[dreg:$0x1] =	wrdreg $0xFFFFFFFF  }
0xca: {  	_ =	task.clear_ibuf [dreg:s9], $0x2FFFF;
	_ =	strace $0x9FFFFFFF  }
0xcb: {  	(tm) =	ssettm $0x7FFFFFFF  }
tec
execute0_lowered:
.L_overlay_start_1:
0x0: {  	(tag) =	ssettag $0x1  }
0x1: {  	s1 =	rddreg [dreg:$0x0]  }
0x2: {  	s4 =	rddreg [dreg:$0x1]  }
0x3: {  	s0 =	srdreg.scid;
	s8 =	rddreg [dreg:$0x2]  }
0x4: {  	s6 =	stileid.u32;
	s7 =	rddreg [dreg:$0x3];
	s12 =	simm.s32 $0x3  }
0x5: {  	s14 =	simm.s32 $0x1;
	s15 =	simm.s32 $0x8880;
	s16 =	simm.s32 $0x2  }
0x6: {  	s0 =	sand.u32 $0x1, s0;
	s2 =	sshll.u32 s6, $0x1;
	s6 =	sshrl.u32 s6, $0x2  }
0x7: {  	s20 =	simm.s32 $0x0;
	s3 =	sor.u32 s0, s2;
	s10 =	sshll.u32 s6, $0xA  }
0x8: {  	s2 =	simm.s32 $0x0;
	s0 =	ssub.s32 $0x2, s0;
	s6 =	sshll.u32 s6, $0xD  }
0x9: {  	s5 =	sshll.u32 s3, $0x7;
	[smem:$0x7FF] =	sst s2;
	s28 =	sshrl.u32 s0, $0x1  }
0xa: {  	s3 =	sshll.u32 s3, $0x11;
	s9 =	sand.u32 $0x380, s5;
	_ =	strace $0x80000047  }
0xb: {  	s0 =	ssub.s32 s0, s28;
	s3 =	sadd.s32 s1, s3;
	s4 =	sadd.s32 s4, s5  }
0xc: {  	s10 =	sor.u32 s10, s9;
	s29 =	sor.u32 s6, s9;
	[dreg:$0x5] =	wrdreg s4  }
0xd: {  	s30 =	sadd.s32 $0x800, s3;
	s31 =	sadd.s32 $0x1000, s3;
	s4 =	simm.s32 $0x4000  }
0xe: {  	s10 =	sshrl.u32 s10, $0x3;
	[dreg:$0x6] =	wrdreg s30;
	s1 =	sshrl.u32 s29, $0x3  }
0xf: {  	[dreg:$0x7] =	wrdreg s31;
	s10 =	sadd.s32 s10, s7;
	s7 =	sadd.s32 $0x1800, s3  }
0x10: {  	v0 =	vimm.f32 $0.0e+00;
	s8 =	sadd.s32 s8, s1;
	s9 =	sadd.s32 $0x800, s10;
	s10 =	smax.u32 s0, $0x1  }
.LBB2_1:
0x11: {  	s0 =	rddreg [dreg:$0x5];
	s1 =	simm.s32 $0x8000  }
0x12: {  	[tilespmem:s1], [sflag:$0x3] =	stream.linear.gather [hbm4b:s0+s2], $0x400, $0x38;
	[tilespmem:$0x8900] =	vst v63  }
0x13: {  	_ =	swait.ge [sflag:s12], $0x400  }
0x14: {  	[sflag:s12] =	ssyncset.done $0x0  }
0x15: {  	[sflag:s12] =	ssyncadd.s32 $0xFFFFFC00  }
0x16: {  	[tilespmem:$0x8480] =	vst v0  }
0x17: {  	[tilespmem:$0x8490] =	vst v0  }
0x18: {  	[tilespmem:$0x84A0] =	vst v0  }
0x19: {  	[tilespmem:$0x84B0] =	vst v0  }
0x1a: {  	[tilespmem:$0x84C0] =	vst v0  }
0x1b: {  	[tilespmem:$0x84D0] =	vst v0  }
0x1c: {  	[tilespmem:$0x84E0] =	vst v0  }
0x1d: {  	[tilespmem:$0x84F0] =	vst v0  }
0x1e: {  	[tilespmem:$0x8500] =	vst v0  }
0x1f: {  	[tilespmem:$0x8510] =	vst v0  }
0x20: {  	[tilespmem:$0x8520] =	vst v0  }
0x21: {  	[tilespmem:$0x8530] =	vst v0  }
0x22: {  	[tilespmem:$0x8540] =	vst v0  }
0x23: {  	[tilespmem:$0x8550] =	vst v0  }
0x24: {  	[tilespmem:$0x8560] =	vst v0  }
0x25: {  	[tilespmem:$0x8570] =	vst v0  }
0x26: {  	[tilespmem:$0x8580] =	vst v0  }
0x27: {  	[tilespmem:$0x8590] =	vst v0  }
0x28: {  	[tilespmem:$0x85A0] =	vst v0  }
0x29: {  	[tilespmem:$0x85B0] =	vst v0  }
0x2a: {  	[tilespmem:$0x85C0] =	vst v0  }
0x2b: {  	[tilespmem:$0x85D0] =	vst v0  }
0x2c: {  	[tilespmem:$0x85E0] =	vst v0  }
0x2d: {  	[tilespmem:$0x85F0] =	vst v0  }
0x2e: {  	[tilespmem:$0x8600] =	vst v0  }
0x2f: {  	[tilespmem:$0x8610] =	vst v0  }
0x30: {  	[tilespmem:$0x8620] =	vst v0  }
0x31: {  	[tilespmem:$0x8630] =	vst v0  }
0x32: {  	[tilespmem:$0x8640] =	vst v0  }
0x33: {  	[tilespmem:$0x8650] =	vst v0  }
0x34: {  	[tilespmem:$0x8660] =	vst v0  }
0x35: {  	[tilespmem:$0x8670] =	vst v0  }
0x36: {  	[tilespmem:$0x8680] =	vst v0  }
0x37: {  	[tilespmem:$0x8690] =	vst v0  }
0x38: {  	[tilespmem:$0x86A0] =	vst v0  }
0x39: {  	[tilespmem:$0x86B0] =	vst v0  }
0x3a: {  	[tilespmem:$0x86C0] =	vst v0  }
0x3b: {  	[tilespmem:$0x86D0] =	vst v0  }
0x3c: {  	[tilespmem:$0x86E0] =	vst v0  }
0x3d: {  	[tilespmem:$0x86F0] =	vst v0  }
0x3e: {  	[tilespmem:$0x8700] =	vst v0  }
0x3f: {  	[tilespmem:$0x8710] =	vst v0  }
0x40: {  	[tilespmem:$0x8720] =	vst v0  }
0x41: {  	[tilespmem:$0x8730] =	vst v0  }
0x42: {  	[tilespmem:$0x8740] =	vst v0  }
0x43: {  	[tilespmem:$0x8750] =	vst v0  }
0x44: {  	[tilespmem:$0x8760] =	vst v0  }
0x45: {  	[tilespmem:$0x8770] =	vst v0  }
0x46: {  	[tilespmem:$0x8780] =	vst v0  }
0x47: {  	[tilespmem:$0x8790] =	vst v0  }
0x48: {  	[tilespmem:$0x87A0] =	vst v0  }
0x49: {  	[tilespmem:$0x87B0] =	vst v0  }
0x4a: {  	[tilespmem:$0x87C0] =	vst v0  }
0x4b: {  	[tilespmem:$0x87D0] =	vst v0  }
0x4c: {  	[tilespmem:$0x87E0] =	vst v0  }
0x4d: {  	[tilespmem:$0x87F0] =	vst v0  }
0x4e: {  	[tilespmem:$0x8800] =	vst v0  }
0x4f: {  	[tilespmem:$0x8810] =	vst v0  }
0x50: {  	[tilespmem:$0x8820] =	vst v0  }
0x51: {  	[tilespmem:$0x8830] =	vst v0  }
0x52: {  	[tilespmem:$0x8840] =	vst v0  }
0x53: {  	[tilespmem:$0x8850] =	vst v0  }
0x54: {  	[tilespmem:$0x8860] =	vst v0  }
0x55: {  	[tilespmem:$0x8870] =	vst v0  }
0x56: {  	[tilespmem:$0x8880] =	vst v0  }
0x57: {  	[tilespmem:s2], [sflag:$0x1] =	stream.linear.gather [hbm4b:s3+s2], $0x4000, $0x38;
	[tilespmem:$0x8900] =	vst v63  }
0x58: {  	s31 =	rddreg [dreg:$0x6]  }
0x59: {  	[tilespmem:s4], [sflag:$0x2] =	stream.linear.gather [hbm4b:s31+s2], $0x4000, $0x38;
	[tilespmem:$0x8900] =	vst v63  }
0x5a: {  	_ =	swait.ge [sflag:s14], $0x4000  }
0x5b: {  	[sflag:s14] =	ssyncset.done $0x0  }
0x5c: {  	[sflag:s14] =	ssyncadd.s32 $0xFFFFC000  }
0x5d: {  	v16 =	vld [tilespmem:$0x8000];
	_ =	sdelay $0x4  }
0x5e: {  	v1 =	vbroadcast v16, $0x0;
	v2 =	vbroadcast v16, $0x1  }
0x5f: {  	v3 =	vbroadcast v16, $0x2;
	v4 =	vbroadcast v16, $0x3  }
0x60: {  	v5 =	vbroadcast v16, $0x4;
	v6 =	vbroadcast v16, $0x5  }
0x61: {  	v7 =	vbroadcast v16, $0x6;
	v8 =	vbroadcast v16, $0x7  }
0x62: {  	v9 =	vbroadcast v16, $0x8;
	v10 =	vbroadcast v16, $0x9  }
0x63: {  	v11 =	vbroadcast v16, $0xA;
	v12 =	vbroadcast v16, $0xB  }
0x64: {  	s21 =	simm.s32 $0xFFFFFFFC;
	p0 =	por $0x0, $0x0;
	v13 =	vbroadcast v16, $0xC;
	v14 =	vbroadcast v16, $0xD  }
0x65: {  	s22 =	simm.s32 $0x8480;
	s23 =	simm.s32 $0x0;
	s24 =	simm.s32 $0x0;
	v15 =	vbroadcast v16, $0xE;
	v16 =	vbroadcast v16, $0xF  }
.LBB2_2:
0x66: {  	s26 =	sand.u32 $0x40, s23;
	s25 =	sand.u32 $0x1C00, s24  }
0x67: {  	s0 =	sor.u32 s26, s25  }
0x68: {  	v17 =	vld [tilespmem:s0+$0x0];
	_ =	sdelay $0x4  }
0x69: {  	v17 =	vmul.f32 v17, v1;
	_ =	sdelay $0x1  }
0x6a: {  	[tilespmem:s22+$0x0] =	vst.add.f32.msk $0xffff, v17  }
0x6b: {  	v17 =	vld [tilespmem:s0+$0x80];
	_ =	sdelay $0x4  }
0x6c: {  	v17 =	vmul.f32 v17, v2;
	_ =	sdelay $0x1  }
0x6d: {  	[tilespmem:s22+$0x0] =	vst.add.f32.msk $0xffff, v17  }
0x6e: {  	v17 =	vld [tilespmem:s0+$0x100];
	_ =	sdelay $0x4  }
0x6f: {  	v17 =	vmul.f32 v17, v3;
	_ =	sdelay $0x1  }
0x70: {  	[tilespmem:s22+$0x0] =	vst.add.f32.msk $0xffff, v17  }
0x71: {  	v17 =	vld [tilespmem:s0+$0x180];
	_ =	sdelay $0x2  }
0x72: {  	s0 =	simm.s32 $0x1  }
0x73: {  	s0 =	simm.s32 @!p0 $0x0  }
0x74: {  	s0 =	sshll.u32 s0, $0x6;
	v17 =	vmul.f32 v17, v4  }
0x75: {  	s28 =	sadd.s32 s0, s24  }
0x76: {  	s0 =	sor.u32 $0x200, s28;
	[tilespmem:s22+$0x0] =	vst.add.f32.msk $0xffff, v17  }
0x77: {  	v17 =	vld [tilespmem:s0+$0x0];
	_ =	sdelay $0x4  }
0x78: {  	v17 =	vmul.f32 v17, v5;
	_ =	sdelay $0x1  }
0x79: {  	s5 =	sor.u32 $0x280, s28;
	[tilespmem:s22+$0x0] =	vst.add.f32.msk $0xffff, v17  }
0x7a: {  	v17 =	vld [tilespmem:s5+$0x0];
	_ =	sdelay $0x4  }
0x7b: {  	v17 =	vmul.f32 v17, v6;
	_ =	sdelay $0x1  }
0x7c: {  	s6 =	sor.u32 $0x300, s28;
	[tilespmem:s22+$0x0] =	vst.add.f32.msk $0xffff, v17  }
0x7d: {  	v17 =	vld [tilespmem:s6+$0x0];
	_ =	sdelay $0x4  }
0x7e: {  	v17 =	vmul.f32 v17, v7  }
0x7f: {  	s11 =	sor.u32 s24, s23  }
0x80: {  	s0 =	sor.u32 $0x380, s11;
	[tilespmem:s22+$0x0] =	vst.add.f32.msk $0xffff, v17  }
0x81: {  	v17 =	vld [tilespmem:s0+$0x0];
	_ =	sdelay $0x4  }
0x82: {  	v17 =	vmul.f32 v17, v8  }
0x83: {  	s29 =	sor.u32 $0x2000, s25  }
0x84: {  	s13 =	sor.u32 s26, s29;
	[tilespmem:s22+$0x0] =	vst.add.f32.msk $0xffff, v17  }
0x85: {  	v17 =	vld [tilespmem:s13+$0x0];
	_ =	sdelay $0x4  }
0x86: {  	v17 =	vmul.f32 v17, v9  }
0x87: {  	s30 =	sor.u32 $0x2080, s25  }
0x88: {  	s17 =	sor.u32 s26, s30;
	[tilespmem:s22+$0x0] =	vst.add.f32.msk $0xffff, v17  }
0x89: {  	v17 =	vld [tilespmem:s17+$0x0];
	_ =	sdelay $0x4  }
0x8a: {  	v17 =	vmul.f32 v17, v10  }
0x8b: {  	s31 =	sor.u32 $0x2100, s25  }
0x8c: {  	s18 =	sor.u32 s26, s31;
	[tilespmem:s22+$0x0] =	vst.add.f32.msk $0xffff, v17  }
0x8d: {  	v17 =	vld [tilespmem:s18+$0x0];
	_ =	sdelay $0x4  }
0x8e: {  	v17 =	vmul.f32 v17, v11  }
0x8f: {  	s1 =	sor.u32 $0x2180, s25  }
0x90: {  	s19 =	sor.u32 s26, s1;
	[tilespmem:s22+$0x0] =	vst.add.f32.msk $0xffff, v17  }
0x91: {  	v17 =	vld [tilespmem:s19+$0x0];
	_ =	sdelay $0x4  }
0x92: {  	v17 =	vmul.f32 v17, v12  }
0x93: {  	s0 =	sor.u32 $0x2200, s25  }
0x94: {  	s11 =	sor.u32 s26, s0;
	[tilespmem:s22+$0x0] =	vst.add.f32.msk $0xffff, v17  }
0x95: {  	v17 =	vld [tilespmem:s11+$0x0];
	_ =	sdelay $0x4  }
0x96: {  	v17 =	vmul.f32 v17, v13  }
0x97: {  	s11 =	sor.u32 $0x2280, s25  }
0x98: {  	s13 =	sor.u32 s26, s11;
	[tilespmem:s22+$0x0] =	vst.add.f32.msk $0xffff, v17  }
0x99: {  	v17 =	vld [tilespmem:s13+$0x0];
	_ =	sdelay $0x4  }
0x9a: {  	v17 =	vmul.f32 v17, v14  }
0x9b: {  	s17 =	sor.u32 $0x2300, s25  }
0x9c: {  	s4 =	sor.u32 s26, s17;
	[tilespmem:s22+$0x0] =	vst.add.f32.msk $0xffff, v17  }
0x9d: {  	v17 =	vld [tilespmem:s4+$0x0];
	_ =	sdelay $0x4  }
0x9e: {  	v17 =	vmul.f32 v17, v15  }
0x9f: {  	s18 =	sor.u32 $0x2380, s25  }
0xa0: {  	s5 =	sor.u32 s26, s18;
	[tilespmem:s22+$0x0] =	vst.add.f32.msk $0xffff, v17  }
0xa1: {  	v17 =	vld [tilespmem:s5+$0x0];
	_ =	sdelay $0x4  }
0xa2: {  	v17 =	vmul.f32 v17, v16  }
0xa3: {  	s13 =	sor.u32 $0x10, s26  }
0xa4: {  	s4 =	sor.u32 s13, s25;
	[tilespmem:s22+$0x0] =	vst.add.f32.msk $0xffff, v17  }
0xa5: {  	v17 =	vld [tilespmem:s4+$0x0];
	_ =	sdelay $0x3  }
0xa6: {  	s19 =	sand.u32 $0x380, s23  }
0xa7: {  	s19 =	sadd.s32 $0x8480, s19;
	v17 =	vmul.f32 v17, v1  }
0xa8: {  	s5 =	sor.u32 s13, s19  }
0xa9: {  	[tilespmem:s5+$0x0] =	vst.add.f32.msk $0xffff, v17  }
0xaa: {  	v17 =	vld [tilespmem:s4+$0x80];
	_ =	sdelay $0x4  }
0xab: {  	v17 =	vmul.f32 v17, v2;
	_ =	sdelay $0x1  }
0xac: {  	[tilespmem:s5+$0x0] =	vst.add.f32.msk $0xffff, v17  }
0xad: {  	v17 =	vld [tilespmem:s4+$0x100];
	_ =	sdelay $0x4  }
0xae: {  	v17 =	vmul.f32 v17, v3;
	_ =	sdelay $0x1  }
0xaf: {  	[tilespmem:s5+$0x0] =	vst.add.f32.msk $0xffff, v17  }
0xb0: {  	v17 =	vld [tilespmem:s4+$0x180];
	_ =	sdelay $0x4  }
0xb1: {  	v17 =	vmul.f32 v17, v4  }
0xb2: {  	s4 =	sadd.s32 $0x10, s28  }
0xb3: {  	s6 =	sor.u32 $0x200, s4;
	[tilespmem:s5+$0x0] =	vst.add.f32.msk $0xffff, v17  }
0xb4: {  	v17 =	vld [tilespmem:s6+$0x0];
	_ =	sdelay $0x4  }
0xb5: {  	v17 =	vmul.f32 v17, v5;
	_ =	sdelay $0x1  }
0xb6: {  	s6 =	sor.u32 $0x280, s4;
	[tilespmem:s5+$0x0] =	vst.add.f32.msk $0xffff, v17  }
0xb7: {  	v17 =	vld [tilespmem:s6+$0x0];
	_ =	sdelay $0x4  }
0xb8: {  	v17 =	vmul.f32 v17, v6;
	_ =	sdelay $0x1  }
0xb9: {  	s6 =	sor.u32 $0x300, s4;
	[tilespmem:s5+$0x0] =	vst.add.f32.msk $0xffff, v17  }
0xba: {  	v17 =	vld [tilespmem:s6+$0x0];
	_ =	sdelay $0x4  }
0xbb: {  	v17 =	vmul.f32 v17, v7;
	_ =	sdelay $0x1  }
0xbc: {  	s4 =	sor.u32 $0x380, s4;
	[tilespmem:s5+$0x0] =	vst.add.f32.msk $0xffff, v17  }
0xbd: {  	v17 =	vld [tilespmem:s4+$0x0];
	_ =	sdelay $0x4  }
0xbe: {  	v17 =	vmul.f32 v17, v8;
	_ =	sdelay $0x1  }
0xbf: {  	s6 =	sor.u32 s13, s29;
	[tilespmem:s5+$0x0] =	vst.add.f32.msk $0xffff, v17  }
0xc0: {  	v17 =	vld [tilespmem:s6+$0x0];
	_ =	sdelay $0x4  }
0xc1: {  	v17 =	vmul.f32 v17, v9;
	_ =	sdelay $0x1  }
0xc2: {  	s6 =	sor.u32 s13, s30;
	[tilespmem:s5+$0x0] =	vst.add.f32.msk $0xffff, v17  }
0xc3: {  	v17 =	vld [tilespmem:s6+$0x0];
	_ =	sdelay $0x4  }
0xc4: {  	v17 =	vmul.f32 v17, v10;
	_ =	sdelay $0x1  }
0xc5: {  	s6 =	sor.u32 s13, s31;
	[tilespmem:s5+$0x0] =	vst.add.f32.msk $0xffff, v17  }
0xc6: {  	v17 =	vld [tilespmem:s6+$0x0];
	_ =	sdelay $0x4  }
0xc7: {  	v17 =	vmul.f32 v17, v11;
	_ =	sdelay $0x1  }
0xc8: {  	s6 =	sor.u32 s13, s1;
	[tilespmem:s5+$0x0] =	vst.add.f32.msk $0xffff, v17  }
0xc9: {  	v17 =	vld [tilespmem:s6+$0x0];
	_ =	sdelay $0x4  }
0xca: {  	v17 =	vmul.f32 v17, v12;
	_ =	sdelay $0x1  }
0xcb: {  	s6 =	sor.u32 s13, s0;
	[tilespmem:s5+$0x0] =	vst.add.f32.msk $0xffff, v17  }
0xcc: {  	v17 =	vld [tilespmem:s6+$0x0];
	_ =	sdelay $0x4  }
0xcd: {  	v17 =	vmul.f32 v17, v13;
	_ =	sdelay $0x1  }
0xce: {  	s6 =	sor.u32 s13, s11;
	[tilespmem:s5+$0x0] =	vst.add.f32.msk $0xffff, v17  }
0xcf: {  	v17 =	vld [tilespmem:s6+$0x0];
	_ =	sdelay $0x4  }
0xd0: {  	v17 =	vmul.f32 v17, v14;
	_ =	sdelay $0x1  }
0xd1: {  	s6 =	sor.u32 s13, s17;
	[tilespmem:s5+$0x0] =	vst.add.f32.msk $0xffff, v17  }
0xd2: {  	v17 =	vld [tilespmem:s6+$0x0];
	_ =	sdelay $0x4  }
0xd3: {  	v17 =	vmul.f32 v17, v15;
	_ =	sdelay $0x1  }
0xd4: {  	s6 =	sor.u32 s13, s18;
	[tilespmem:s5+$0x0] =	vst.add.f32.msk $0xffff, v17  }
0xd5: {  	v17 =	vld [tilespmem:s6+$0x0];
	_ =	sdelay $0x4  }
0xd6: {  	v17 =	vmul.f32 v17, v16  }
0xd7: {  	s4 =	sor.u32 $0x20, s26  }
0xd8: {  	s13 =	sor.u32 s4, s25;
	[tilespmem:s5+$0x0] =	vst.add.f32.msk $0xffff, v17  }
0xd9: {  	v17 =	vld [tilespmem:s13+$0x0];
	_ =	sdelay $0x4  }
0xda: {  	v17 =	vmul.f32 v17, v1  }
0xdb: {  	s6 =	sor.u32 s4, s19  }
0xdc: {  	[tilespmem:s6+$0x0] =	vst.add.f32.msk $0xffff, v17  }
0xdd: {  	v17 =	vld [tilespmem:s13+$0x80];
	_ =	sdelay $0x4  }
0xde: {  	v17 =	vmul.f32 v17, v2;
	_ =	sdelay $0x1  }
0xdf: {  	[tilespmem:s6+$0x0] =	vst.add.f32.msk $0xffff, v17  }
0xe0: {  	v17 =	vld [tilespmem:s13+$0x100];
	_ =	sdelay $0x4  }
0xe1: {  	v17 =	vmul.f32 v17, v3;
	_ =	sdelay $0x1  }
0xe2: {  	[tilespmem:s6+$0x0] =	vst.add.f32.msk $0xffff, v17  }
0xe3: {  	v17 =	vld [tilespmem:s13+$0x180];
	_ =	sdelay $0x4  }
0xe4: {  	v17 =	vmul.f32 v17, v4  }
0xe5: {  	s5 =	sadd.s32 $0x20, s28  }
0xe6: {  	s13 =	sor.u32 $0x200, s5;
	[tilespmem:s6+$0x0] =	vst.add.f32.msk $0xffff, v17  }
0xe7: {  	v17 =	vld [tilespmem:s13+$0x0];
	_ =	sdelay $0x4  }
0xe8: {  	v17 =	vmul.f32 v17, v5;
	_ =	sdelay $0x1  }
0xe9: {  	s13 =	sor.u32 $0x280, s5;
	[tilespmem:s6+$0x0] =	vst.add.f32.msk $0xffff, v17  }
0xea: {  	v17 =	vld [tilespmem:s13+$0x0];
	_ =	sdelay $0x4  }
0xeb: {  	v17 =	vmul.f32 v17, v6;
	_ =	sdelay $0x1  }
0xec: {  	s13 =	sor.u32 $0x300, s5;
	[tilespmem:s6+$0x0] =	vst.add.f32.msk $0xffff, v17  }
0xed: {  	v17 =	vld [tilespmem:s13+$0x0];
	_ =	sdelay $0x4  }
0xee: {  	v17 =	vmul.f32 v17, v7;
	_ =	sdelay $0x1  }
0xef: {  	s5 =	sor.u32 $0x380, s5;
	[tilespmem:s6+$0x0] =	vst.add.f32.msk $0xffff, v17  }
0xf0: {  	v17 =	vld [tilespmem:s5+$0x0];
	_ =	sdelay $0x4  }
0xf1: {  	v17 =	vmul.f32 v17, v8;
	_ =	sdelay $0x1  }
0xf2: {  	s13 =	sor.u32 s4, s29;
	[tilespmem:s6+$0x0] =	vst.add.f32.msk $0xffff, v17  }
0xf3: {  	v17 =	vld [tilespmem:s13+$0x0];
	_ =	sdelay $0x4  }
0xf4: {  	v17 =	vmul.f32 v17, v9;
	_ =	sdelay $0x1  }
0xf5: {  	s13 =	sor.u32 s4, s30;
	[tilespmem:s6+$0x0] =	vst.add.f32.msk $0xffff, v17  }
0xf6: {  	v17 =	vld [tilespmem:s13+$0x0];
	_ =	sdelay $0x4  }
0xf7: {  	v17 =	vmul.f32 v17, v10;
	_ =	sdelay $0x1  }
0xf8: {  	s13 =	sor.u32 s4, s31;
	[tilespmem:s6+$0x0] =	vst.add.f32.msk $0xffff, v17  }
0xf9: {  	v17 =	vld [tilespmem:s13+$0x0];
	_ =	sdelay $0x4  }
0xfa: {  	v17 =	vmul.f32 v17, v11;
	_ =	sdelay $0x1  }
0xfb: {  	s13 =	sor.u32 s4, s1;
	[tilespmem:s6+$0x0] =	vst.add.f32.msk $0xffff, v17  }
0xfc: {  	v17 =	vld [tilespmem:s13+$0x0];
	_ =	sdelay $0x4  }
0xfd: {  	v17 =	vmul.f32 v17, v12;
	_ =	sdelay $0x1  }
0xfe: {  	s13 =	sor.u32 s4, s0;
	[tilespmem:s6+$0x0] =	vst.add.f32.msk $0xffff, v17  }
0xff: {  	v17 =	vld [tilespmem:s13+$0x0];
	_ =	sdelay $0x4  }
0x100: {  	v17 =	vmul.f32 v17, v13;
	_ =	sdelay $0x1  }
0x101: {  	s13 =	sor.u32 s4, s11;
	[tilespmem:s6+$0x0] =	vst.add.f32.msk $0xffff, v17  }
0x102: {  	v17 =	vld [tilespmem:s13+$0x0];
	_ =	sdelay $0x4  }
0x103: {  	v17 =	vmul.f32 v17, v14;
	_ =	sdelay $0x1  }
0x104: {  	s13 =	sor.u32 s4, s17;
	[tilespmem:s6+$0x0] =	vst.add.f32.msk $0xffff, v17  }
0x105: {  	v17 =	vld [tilespmem:s13+$0x0];
	_ =	sdelay $0x4  }
0x106: {  	v17 =	vmul.f32 v17, v15;
	_ =	sdelay $0x1  }
0x107: {  	s4 =	sor.u32 s4, s18;
	[tilespmem:s6+$0x0] =	vst.add.f32.msk $0xffff, v17  }
0x108: {  	v17 =	vld [tilespmem:s4+$0x0];
	_ =	sdelay $0x4  }
0x109: {  	v17 =	vmul.f32 v17, v16  }
0x10a: {  	s4 =	sor.u32 $0x30, s26  }
0x10b: {  	s13 =	sor.u32 s4, s25;
	[tilespmem:s6+$0x0] =	vst.add.f32.msk $0xffff, v17  }
0x10c: {  	v17 =	vld [tilespmem:s13+$0x0];
	_ =	sdelay $0x4  }
0x10d: {  	v17 =	vmul.f32 v17, v1  }
0x10e: {  	s6 =	sor.u32 s4, s19  }
0x10f: {  	[tilespmem:s6+$0x0] =	vst.add.f32.msk $0xffff, v17  }
0x110: {  	v17 =	vld [tilespmem:s13+$0x80];
	_ =	sdelay $0x4  }
0x111: {  	v17 =	vmul.f32 v17, v2;
	_ =	sdelay $0x1  }
0x112: {  	[tilespmem:s6+$0x0] =	vst.add.f32.msk $0xffff, v17  }
0x113: {  	v17 =	vld [tilespmem:s13+$0x100];
	_ =	sdelay $0x4  }
0x114: {  	v17 =	vmul.f32 v17, v3;
	_ =	sdelay $0x1  }
0x115: {  	[tilespmem:s6+$0x0] =	vst.add.f32.msk $0xffff, v17  }
0x116: {  	v17 =	vld [tilespmem:s13+$0x180];
	_ =	sdelay $0x4  }
0x117: {  	v17 =	vmul.f32 v17, v4  }
0x118: {  	s25 =	sadd.s32 $0x30, s28  }
0x119: {  	s26 =	sor.u32 $0x200, s25;
	[tilespmem:s6+$0x0] =	vst.add.f32.msk $0xffff, v17  }
0x11a: {  	v17 =	vld [tilespmem:s26+$0x0];
	_ =	sdelay $0x4  }
0x11b: {  	v17 =	vmul.f32 v17, v5;
	_ =	sdelay $0x1  }
0x11c: {  	s28 =	sor.u32 $0x280, s25;
	[tilespmem:s6+$0x0] =	vst.add.f32.msk $0xffff, v17  }
0x11d: {  	v17 =	vld [tilespmem:s28+$0x0];
	_ =	sdelay $0x4  }
0x11e: {  	v17 =	vmul.f32 v17, v6;
	_ =	sdelay $0x1  }
0x11f: {  	s19 =	sor.u32 $0x300, s25;
	[tilespmem:s6+$0x0] =	vst.add.f32.msk $0xffff, v17  }
0x120: {  	v17 =	vld [tilespmem:s19+$0x0];
	_ =	sdelay $0x4  }
0x121: {  	v17 =	vmul.f32 v17, v7;
	_ =	sdelay $0x1  }
0x122: {  	s5 =	sor.u32 $0x380, s25;
	[tilespmem:s6+$0x0] =	vst.add.f32.msk $0xffff, v17  }
0x123: {  	v17 =	vld [tilespmem:s5+$0x0];
	_ =	sdelay $0x4  }
0x124: {  	v17 =	vmul.f32 v17, v8;
	_ =	sdelay $0x1  }
0x125: {  	s25 =	sor.u32 s4, s29;
	[tilespmem:s6+$0x0] =	vst.add.f32.msk $0xffff, v17  }
0x126: {  	v17 =	vld [tilespmem:s25+$0x0];
	_ =	sdelay $0x4  }
0x127: {  	v17 =	vmul.f32 v17, v9;
	_ =	sdelay $0x1  }
0x128: {  	s26 =	sor.u32 s4, s30;
	[tilespmem:s6+$0x0] =	vst.add.f32.msk $0xffff, v17  }
0x129: {  	v17 =	vld [tilespmem:s26+$0x0];
	_ =	sdelay $0x4  }
0x12a: {  	v17 =	vmul.f32 v17, v10;
	_ =	sdelay $0x1  }
0x12b: {  	s28 =	sor.u32 s4, s31;
	[tilespmem:s6+$0x0] =	vst.add.f32.msk $0xffff, v17  }
0x12c: {  	v17 =	vld [tilespmem:s28+$0x0];
	_ =	sdelay $0x4  }
0x12d: {  	v17 =	vmul.f32 v17, v11;
	_ =	sdelay $0x1  }
0x12e: {  	s1 =	sor.u32 s4, s1;
	[tilespmem:s6+$0x0] =	vst.add.f32.msk $0xffff, v17  }
0x12f: {  	v17 =	vld [tilespmem:s1+$0x0];
	_ =	sdelay $0x4  }
0x130: {  	v17 =	vmul.f32 v17, v12;
	_ =	sdelay $0x1  }
0x131: {  	s0 =	sor.u32 s4, s0;
	[tilespmem:s6+$0x0] =	vst.add.f32.msk $0xffff, v17  }
0x132: {  	v17 =	vld [tilespmem:s0+$0x0];
	_ =	sdelay $0x4  }
0x133: {  	v17 =	vmul.f32 v17, v13;
	_ =	sdelay $0x1  }
0x134: {  	s29 =	sor.u32 s4, s11;
	[tilespmem:s6+$0x0] =	vst.add.f32.msk $0xffff, v17  }
0x135: {  	v17 =	vld [tilespmem:s29+$0x0];
	_ =	sdelay $0x4  }
0x136: {  	v17 =	vmul.f32 v17, v14;
	_ =	sdelay $0x1  }
0x137: {  	s30 =	sor.u32 s4, s17;
	[tilespmem:s6+$0x0] =	vst.add.f32.msk $0xffff, v17  }
0x138: {  	v17 =	vld [tilespmem:s30+$0x0];
	_ =	sdelay $0x4  }
0x139: {  	v17 =	vmul.f32 v17, v15;
	_ =	sdelay $0x1  }
0x13a: {  	s31 =	sor.u32 s4, s18;
	[tilespmem:s6+$0x0] =	vst.add.f32.msk $0xffff, v17  }
0x13b: {  	v17 =	vld [tilespmem:s31+$0x0]  }
0x13c: {  	s21 =	sadd.s32 $0x4, s21  }
0x13d: {  	p1 =	slt.u32 s21, $0x3C  }
.Ltmp0:
0x13e: {  	_ = 	snop;
	(pc) =	sbr.rel @p1 .LBB2_2-.Ltmp0, $4  }
0x13f: {  	_ = 	snop  }
0x140: {  	v17 =	vmul.f32 v17, v16  }
0x141: {  	p0 =	por !p0, !p0  }
0x142: {  	s24 =	sadd.s32 $0x200, s24;
	s23 =	sadd.s32 $0x40, s23;
	s22 =	sadd.s32 $0x40, s22;
	[tilespmem:s6+$0x0] =	vst.add.f32.msk $0xffff, v17  }
0x143: {  	[tilespmem:s15+$0x0] =	vst.add.f32.msk $0xffff, v1  }
0x144: {  	[tilespmem:s15+$0x0] =	vst.add.f32.msk $0xffff, v2  }
0x145: {  	[tilespmem:s15+$0x0] =	vst.add.f32.msk $0xffff, v3  }
0x146: {  	[tilespmem:s15+$0x0] =	vst.add.f32.msk $0xffff, v4  }
0x147: {  	[tilespmem:s15+$0x0] =	vst.add.f32.msk $0xffff, v5  }
0x148: {  	[tilespmem:s15+$0x0] =	vst.add.f32.msk $0xffff, v6  }
0x149: {  	[tilespmem:s15+$0x0] =	vst.add.f32.msk $0xffff, v7  }
0x14a: {  	[tilespmem:s15+$0x0] =	vst.add.f32.msk $0xffff, v8  }
0x14b: {  	[tilespmem:s15+$0x0] =	vst.add.f32.msk $0xffff, v9  }
0x14c: {  	[tilespmem:s15+$0x0] =	vst.add.f32.msk $0xffff, v10  }
0x14d: {  	[tilespmem:s15+$0x0] =	vst.add.f32.msk $0xffff, v11  }
0x14e: {  	[tilespmem:s15+$0x0] =	vst.add.f32.msk $0xffff, v12  }
0x14f: {  	[tilespmem:s15+$0x0] =	vst.add.f32.msk $0xffff, v13  }
0x150: {  	[tilespmem:s15+$0x0] =	vst.add.f32.msk $0xffff, v14  }
0x151: {  	[tilespmem:s15+$0x0] =	vst.add.f32.msk $0xffff, v15  }
0x152: {  	s21 =	simm.s32 $0x0;
	s0 =	rddreg [dreg:$0x7];
	[tilespmem:s15+$0x0] =	vst.add.f32.msk $0xffff, v16  }
0x153: {  	[tilespmem:s21], [sflag:$0x1] =	stream.linear.gather [hbm4b:s0+s21], $0x4000, $0x38;
	[tilespmem:$0x8900] =	vst v63  }
0x154: {  	_ =	swait.ge [sflag:s16], $0x4000  }
0x155: {  	[sflag:s16] =	ssyncset.done $0x0  }
0x156: {  	[sflag:s16] =	ssyncadd.s32 $0xFFFFC000  }
0x157: {  	v16 =	vld [tilespmem:$0x8010];
	_ =	sdelay $0x4  }
0x158: {  	v1 =	vbroadcast v16, $0x0;
	v2 =	vbroadcast v16, $0x1  }
0x159: {  	v3 =	vbroadcast v16, $0x2;
	v4 =	vbroadcast v16, $0x3  }
0x15a: {  	v5 =	vbroadcast v16, $0x4;
	v6 =	vbroadcast v16, $0x5  }
0x15b: {  	v7 =	vbroadcast v16, $0x6;
	v8 =	vbroadcast v16, $0x7  }
0x15c: {  	v9 =	vbroadcast v16, $0x8;
	v10 =	vbroadcast v16, $0x9  }
0x15d: {  	v11 =	vbroadcast v16, $0xA;
	v12 =	vbroadcast v16, $0xB  }
0x15e: {  	s22 =	simm.s32 $0xFFFFFFFC;
	v13 =	vbroadcast v16, $0xC;
	v14 =	vbroadcast v16, $0xD  }
0x15f: {  	p0 =	por $0x0, $0x0;
	s23 =	simm.s32 $0x8480;
	s24 =	simm.s32 $0x0;
	v15 =	vbroadcast v16, $0xE;
	v16 =	vbroadcast v16, $0xF  }
.LBB2_4:
0x160: {  	s18 =	sand.u32 $0x1C00, s24  }
0x161: {  	s26 =	sand.u32 $0x40, s21;
	s25 =	sor.u32 $0x4000, s18  }
0x162: {  	s0 =	sor.u32 s26, s25  }
0x163: {  	v17 =	vld [tilespmem:s0+$0x0];
	_ =	sdelay $0x4  }
0x164: {  	v17 =	vmul.f32 v17, v1;
	_ =	sdelay $0x1  }
0x165: {  	[tilespmem:s23+$0x0] =	vst.add.f32.msk $0xffff, v17  }
0x166: {  	v17 =	vld [tilespmem:s0+$0x80];
	_ =	sdelay $0x4  }
0x167: {  	v17 =	vmul.f32 v17, v2;
	_ =	sdelay $0x1  }
0x168: {  	[tilespmem:s23+$0x0] =	vst.add.f32.msk $0xffff, v17  }
0x169: {  	v17 =	vld [tilespmem:s0+$0x100];
	_ =	sdelay $0x4  }
0x16a: {  	v17 =	vmul.f32 v17, v3;
	_ =	sdelay $0x1  }
0x16b: {  	[tilespmem:s23+$0x0] =	vst.add.f32.msk $0xffff, v17  }
0x16c: {  	v17 =	vld [tilespmem:s0+$0x180];
	_ =	sdelay $0x2  }
0x16d: {  	s0 =	simm.s32 $0x1  }
0x16e: {  	s0 =	simm.s32 @!p0 $0x0  }
0x16f: {  	s0 =	sshll.u32 s0, $0x6;
	v17 =	vmul.f32 v17, v4  }
0x170: {  	s28 =	sadd.s32 s0, s24  }
0x171: {  	s0 =	sor.u32 $0x200, s28;
	[tilespmem:s23+$0x0] =	vst.add.f32.msk $0xffff, v17  }
0x172: {  	v17 =	vld [tilespmem:s0+$0x4000];
	_ =	sdelay $0x4  }
0x173: {  	v17 =	vmul.f32 v17, v5;
	_ =	sdelay $0x1  }
0x174: {  	s31 =	sor.u32 $0x280, s28;
	[tilespmem:s23+$0x0] =	vst.add.f32.msk $0xffff, v17  }
0x175: {  	v17 =	vld [tilespmem:s31+$0x4000];
	_ =	sdelay $0x4  }
0x176: {  	v17 =	vmul.f32 v17, v6;
	_ =	sdelay $0x1  }
0x177: {  	s1 =	sor.u32 $0x300, s28;
	[tilespmem:s23+$0x0] =	vst.add.f32.msk $0xffff, v17  }
0x178: {  	v17 =	vld [tilespmem:s1+$0x4000];
	_ =	sdelay $0x4  }
0x179: {  	v17 =	vmul.f32 v17, v7  }
0x17a: {  	s4 =	sor.u32 s24, s21  }
0x17b: {  	s0 =	sor.u32 $0x380, s4;
	[tilespmem:s23+$0x0] =	vst.add.f32.msk $0xffff, v17  }
0x17c: {  	v17 =	vld [tilespmem:s0+$0x4000];
	_ =	sdelay $0x4  }
0x17d: {  	v17 =	vmul.f32 v17, v8  }
0x17e: {  	s29 =	sor.u32 $0x6000, s18  }
0x17f: {  	s5 =	sor.u32 s26, s29;
	[tilespmem:s23+$0x0] =	vst.add.f32.msk $0xffff, v17  }
0x180: {  	v17 =	vld [tilespmem:s5+$0x0];
	_ =	sdelay $0x4  }
0x181: {  	v17 =	vmul.f32 v17, v9  }
0x182: {  	s30 =	sor.u32 $0x6080, s18  }
0x183: {  	s6 =	sor.u32 s26, s30;
	[tilespmem:s23+$0x0] =	vst.add.f32.msk $0xffff, v17  }
0x184: {  	v17 =	vld [tilespmem:s6+$0x0];
	_ =	sdelay $0x4  }
0x185: {  	v17 =	vmul.f32 v17, v10  }
0x186: {  	s31 =	sor.u32 $0x6100, s18  }
0x187: {  	s11 =	sor.u32 s26, s31;
	[tilespmem:s23+$0x0] =	vst.add.f32.msk $0xffff, v17  }
0x188: {  	v17 =	vld [tilespmem:s11+$0x0];
	_ =	sdelay $0x4  }
0x189: {  	v17 =	vmul.f32 v17, v11  }
0x18a: {  	s1 =	sor.u32 $0x6180, s18  }
0x18b: {  	s13 =	sor.u32 s26, s1;
	[tilespmem:s23+$0x0] =	vst.add.f32.msk $0xffff, v17  }
0x18c: {  	v17 =	vld [tilespmem:s13+$0x0];
	_ =	sdelay $0x4  }
0x18d: {  	v17 =	vmul.f32 v17, v12  }
0x18e: {  	s0 =	sor.u32 $0x6200, s18  }
0x18f: {  	s4 =	sor.u32 s26, s0;
	[tilespmem:s23+$0x0] =	vst.add.f32.msk $0xffff, v17  }
0x190: {  	v17 =	vld [tilespmem:s4+$0x0];
	_ =	sdelay $0x4  }
0x191: {  	v17 =	vmul.f32 v17, v13  }
0x192: {  	s11 =	sor.u32 $0x6280, s18  }
0x193: {  	s17 =	sor.u32 s26, s11;
	[tilespmem:s23+$0x0] =	vst.add.f32.msk $0xffff, v17  }
0x194: {  	v17 =	vld [tilespmem:s17+$0x0];
	_ =	sdelay $0x4  }
0x195: {  	v17 =	vmul.f32 v17, v14  }
0x196: {  	s17 =	sor.u32 $0x6300, s18  }
0x197: {  	s19 =	sor.u32 s26, s17;
	[tilespmem:s23+$0x0] =	vst.add.f32.msk $0xffff, v17  }
0x198: {  	v17 =	vld [tilespmem:s19+$0x0];
	_ =	sdelay $0x4  }
0x199: {  	v17 =	vmul.f32 v17, v15  }
0x19a: {  	s18 =	sor.u32 $0x6380, s18  }
0x19b: {  	s5 =	sor.u32 s26, s18;
	[tilespmem:s23+$0x0] =	vst.add.f32.msk $0xffff, v17  }
0x19c: {  	v17 =	vld [tilespmem:s5+$0x0];
	_ =	sdelay $0x4  }
0x19d: {  	v17 =	vmul.f32 v17, v16  }
0x19e: {  	s13 =	sor.u32 $0x10, s26  }
0x19f: {  	s6 =	sor.u32 s13, s25;
	[tilespmem:s23+$0x0] =	vst.add.f32.msk $0xffff, v17  }
0x1a0: {  	v17 =	vld [tilespmem:s6+$0x0];
	_ =	sdelay $0x3  }
0x1a1: {  	s5 =	sand.u32 $0x380, s21  }
0x1a2: {  	s19 =	sadd.s32 $0x8480, s5;
	v17 =	vmul.f32 v17, v1  }
0x1a3: {  	s5 =	sor.u32 s13, s19  }
0x1a4: {  	[tilespmem:s5+$0x0] =	vst.add.f32.msk $0xffff, v17  }
0x1a5: {  	v17 =	vld [tilespmem:s6+$0x80];
	_ =	sdelay $0x4  }
0x1a6: {  	v17 =	vmul.f32 v17, v2;
	_ =	sdelay $0x1  }
0x1a7: {  	[tilespmem:s5+$0x0] =	vst.add.f32.msk $0xffff, v17  }
0x1a8: {  	v17 =	vld [tilespmem:s6+$0x100];
	_ =	sdelay $0x4  }
0x1a9: {  	v17 =	vmul.f32 v17, v3;
	_ =	sdelay $0x1  }
0x1aa: {  	[tilespmem:s5+$0x0] =	vst.add.f32.msk $0xffff, v17  }
0x1ab: {  	v17 =	vld [tilespmem:s6+$0x180];
	_ =	sdelay $0x4  }
0x1ac: {  	v17 =	vmul.f32 v17, v4  }
0x1ad: {  	s4 =	sadd.s32 $0x10, s28  }
0x1ae: {  	s6 =	sor.u32 $0x200, s4;
	[tilespmem:s5+$0x0] =	vst.add.f32.msk $0xffff, v17  }
0x1af: {  	v17 =	vld [tilespmem:s6+$0x4000];
	_ =	sdelay $0x4  }
0x1b0: {  	v17 =	vmul.f32 v17, v5;
	_ =	sdelay $0x1  }
0x1b1: {  	s6 =	sor.u32 $0x280, s4;
	[tilespmem:s5+$0x0] =	vst.add.f32.msk $0xffff, v17  }
0x1b2: {  	v17 =	vld [tilespmem:s6+$0x4000];
	_ =	sdelay $0x4  }
0x1b3: {  	v17 =	vmul.f32 v17, v6;
	_ =	sdelay $0x1  }
0x1b4: {  	s6 =	sor.u32 $0x300, s4;
	[tilespmem:s5+$0x0] =	vst.add.f32.msk $0xffff, v17  }
0x1b5: {  	v17 =	vld [tilespmem:s6+$0x4000];
	_ =	sdelay $0x4  }
0x1b6: {  	v17 =	vmul.f32 v17, v7;
	_ =	sdelay $0x1  }
0x1b7: {  	s4 =	sor.u32 $0x380, s4;
	[tilespmem:s5+$0x0] =	vst.add.f32.msk $0xffff, v17  }
0x1b8: {  	v17 =	vld [tilespmem:s4+$0x4000];
	_ =	sdelay $0x4  }
0x1b9: {  	v17 =	vmul.f32 v17, v8;
	_ =	sdelay $0x1  }
0x1ba: {  	s6 =	sor.u32 s13, s29;
	[tilespmem:s5+$0x0] =	vst.add.f32.msk $0xffff, v17  }
0x1bb: {  	v17 =	vld [tilespmem:s6+$0x0];
	_ =	sdelay $0x4  }
0x1bc: {  	v17 =	vmul.f32 v17, v9;
	_ =	sdelay $0x1  }
0x1bd: {  	s6 =	sor.u32 s13, s30;
	[tilespmem:s5+$0x0] =	vst.add.f32.msk $0xffff, v17  }
0x1be: {  	v17 =	vld [tilespmem:s6+$0x0];
	_ =	sdelay $0x4  }
0x1bf: {  	v17 =	vmul.f32 v17, v10;
	_ =	sdelay $0x1  }
0x1c0: {  	s6 =	sor.u32 s13, s31;
	[tilespmem:s5+$0x0] =	vst.add.f32.msk $0xffff, v17  }
0x1c1: {  	v17 =	vld [tilespmem:s6+$0x0];
	_ =	sdelay $0x4  }
0x1c2: {  	v17 =	vmul.f32 v17, v11;
	_ =	sdelay $0x1  }
0x1c3: {  	s6 =	sor.u32 s13, s1;
	[tilespmem:s5+$0x0] =	vst.add.f32.msk $0xffff, v17  }
0x1c4: {  	v17 =	vld [tilespmem:s6+$0x0];
	_ =	sdelay $0x4  }
0x1c5: {  	v17 =	vmul.f32 v17, v12;
	_ =	sdelay $0x1  }
0x1c6: {  	s6 =	sor.u32 s13, s0;
	[tilespmem:s5+$0x0] =	vst.add.f32.msk $0xffff, v17  }
0x1c7: {  	v17 =	vld [tilespmem:s6+$0x0];
	_ =	sdelay $0x4  }
0x1c8: {  	v17 =	vmul.f32 v17, v13;
	_ =	sdelay $0x1  }
0x1c9: {  	s6 =	sor.u32 s13, s11;
	[tilespmem:s5+$0x0] =	vst.add.f32.msk $0xffff, v17  }
0x1ca: {  	v17 =	vld [tilespmem:s6+$0x0];
	_ =	sdelay $0x4  }
0x1cb: {  	v17 =	vmul.f32 v17, v14;
	_ =	sdelay $0x1  }
0x1cc: {  	s6 =	sor.u32 s13, s17;
	[tilespmem:s5+$0x0] =	vst.add.f32.msk $0xffff, v17  }
0x1cd: {  	v17 =	vld [tilespmem:s6+$0x0];
	_ =	sdelay $0x4  }
0x1ce: {  	v17 =	vmul.f32 v17, v15;
	_ =	sdelay $0x1  }
0x1cf: {  	s6 =	sor.u32 s13, s18;
	[tilespmem:s5+$0x0] =	vst.add.f32.msk $0xffff, v17  }
0x1d0: {  	v17 =	vld [tilespmem:s6+$0x0];
	_ =	sdelay $0x4  }
0x1d1: {  	v17 =	vmul.f32 v17, v16  }
0x1d2: {  	s4 =	sor.u32 $0x20, s26  }
0x1d3: {  	s13 =	sor.u32 s4, s25;
	[tilespmem:s5+$0x0] =	vst.add.f32.msk $0xffff, v17  }
0x1d4: {  	v17 =	vld [tilespmem:s13+$0x0];
	_ =	sdelay $0x4  }
0x1d5: {  	v17 =	vmul.f32 v17, v1  }
0x1d6: {  	s6 =	sor.u32 s4, s19  }
0x1d7: {  	[tilespmem:s6+$0x0] =	vst.add.f32.msk $0xffff, v17  }
0x1d8: {  	v17 =	vld [tilespmem:s13+$0x80];
	_ =	sdelay $0x4  }
0x1d9: {  	v17 =	vmul.f32 v17, v2;
	_ =	sdelay $0x1  }
0x1da: {  	[tilespmem:s6+$0x0] =	vst.add.f32.msk $0xffff, v17  }
0x1db: {  	v17 =	vld [tilespmem:s13+$0x100];
	_ =	sdelay $0x4  }
0x1dc: {  	v17 =	vmul.f32 v17, v3;
	_ =	sdelay $0x1  }
0x1dd: {  	[tilespmem:s6+$0x0] =	vst.add.f32.msk $0xffff, v17  }
0x1de: {  	v17 =	vld [tilespmem:s13+$0x180];
	_ =	sdelay $0x4  }
0x1df: {  	v17 =	vmul.f32 v17, v4  }
0x1e0: {  	s5 =	sadd.s32 $0x20, s28  }
0x1e1: {  	s13 =	sor.u32 $0x200, s5;
	[tilespmem:s6+$0x0] =	vst.add.f32.msk $0xffff, v17  }
0x1e2: {  	v17 =	vld [tilespmem:s13+$0x4000];
	_ =	sdelay $0x4  }
0x1e3: {  	v17 =	vmul.f32 v17, v5;
	_ =	sdelay $0x1  }
0x1e4: {  	s13 =	sor.u32 $0x280, s5;
	[tilespmem:s6+$0x0] =	vst.add.f32.msk $0xffff, v17  }
0x1e5: {  	v17 =	vld [tilespmem:s13+$0x4000];
	_ =	sdelay $0x4  }
0x1e6: {  	v17 =	vmul.f32 v17, v6;
	_ =	sdelay $0x1  }
0x1e7: {  	s13 =	sor.u32 $0x300, s5;
	[tilespmem:s6+$0x0] =	vst.add.f32.msk $0xffff, v17  }
0x1e8: {  	v17 =	vld [tilespmem:s13+$0x4000];
	_ =	sdelay $0x4  }
0x1e9: {  	v17 =	vmul.f32 v17, v7;
	_ =	sdelay $0x1  }
0x1ea: {  	s5 =	sor.u32 $0x380, s5;
	[tilespmem:s6+$0x0] =	vst.add.f32.msk $0xffff, v17  }
0x1eb: {  	v17 =	vld [tilespmem:s5+$0x4000];
	_ =	sdelay $0x4  }
0x1ec: {  	v17 =	vmul.f32 v17, v8;
	_ =	sdelay $0x1  }
0x1ed: {  	s13 =	sor.u32 s4, s29;
	[tilespmem:s6+$0x0] =	vst.add.f32.msk $0xffff, v17  }
0x1ee: {  	v17 =	vld [tilespmem:s13+$0x0];
	_ =	sdelay $0x4  }
0x1ef: {  	v17 =	vmul.f32 v17, v9;
	_ =	sdelay $0x1  }
0x1f0: {  	s13 =	sor.u32 s4, s30;
	[tilespmem:s6+$0x0] =	vst.add.f32.msk $0xffff, v17  }
0x1f1: {  	v17 =	vld [tilespmem:s13+$0x0];
	_ =	sdelay $0x4  }
0x1f2: {  	v17 =	vmul.f32 v17, v10;
	_ =	sdelay $0x1  }
0x1f3: {  	s13 =	sor.u32 s4, s31;
	[tilespmem:s6+$0x0] =	vst.add.f32.msk $0xffff, v17  }
0x1f4: {  	v17 =	vld [tilespmem:s13+$0x0];
	_ =	sdelay $0x4  }
0x1f5: {  	v17 =	vmul.f32 v17, v11;
	_ =	sdelay $0x1  }
0x1f6: {  	s13 =	sor.u32 s4, s1;
	[tilespmem:s6+$0x0] =	vst.add.f32.msk $0xffff, v17  }
0x1f7: {  	v17 =	vld [tilespmem:s13+$0x0];
	_ =	sdelay $0x4  }
0x1f8: {  	v17 =	vmul.f32 v17, v12;
	_ =	sdelay $0x1  }
0x1f9: {  	s13 =	sor.u32 s4, s0;
	[tilespmem:s6+$0x0] =	vst.add.f32.msk $0xffff, v17  }
0x1fa: {  	v17 =	vld [tilespmem:s13+$0x0];
	_ =	sdelay $0x4  }
0x1fb: {  	v17 =	vmul.f32 v17, v13;
	_ =	sdelay $0x1  }
0x1fc: {  	s13 =	sor.u32 s4, s11;
	[tilespmem:s6+$0x0] =	vst.add.f32.msk $0xffff, v17  }
0x1fd: {  	v17 =	vld [tilespmem:s13+$0x0];
	_ =	sdelay $0x4  }
0x1fe: {  	v17 =	vmul.f32 v17, v14;
	_ =	sdelay $0x1  }
0x1ff: {  	s13 =	sor.u32 s4, s17;
	[tilespmem:s6+$0x0] =	vst.add.f32.msk $0xffff, v17  }
0x200: {  	v17 =	vld [tilespmem:s13+$0x0];
	_ =	sdelay $0x4  }
0x201: {  	v17 =	vmul.f32 v17, v15;
	_ =	sdelay $0x1  }
0x202: {  	s4 =	sor.u32 s4, s18;
	[tilespmem:s6+$0x0] =	vst.add.f32.msk $0xffff, v17  }
0x203: {  	v17 =	vld [tilespmem:s4+$0x0];
	_ =	sdelay $0x4  }
0x204: {  	v17 =	vmul.f32 v17, v16  }
0x205: {  	s4 =	sor.u32 $0x30, s26  }
0x206: {  	s13 =	sor.u32 s4, s25;
	[tilespmem:s6+$0x0] =	vst.add.f32.msk $0xffff, v17  }
0x207: {  	v17 =	vld [tilespmem:s13+$0x0];
	_ =	sdelay $0x4  }
0x208: {  	v17 =	vmul.f32 v17, v1  }
0x209: {  	s6 =	sor.u32 s4, s19  }
0x20a: {  	[tilespmem:s6+$0x0] =	vst.add.f32.msk $0xffff, v17  }
0x20b: {  	v17 =	vld [tilespmem:s13+$0x80];
	_ =	sdelay $0x4  }
0x20c: {  	v17 =	vmul.f32 v17, v2;
	_ =	sdelay $0x1  }
0x20d: {  	[tilespmem:s6+$0x0] =	vst.add.f32.msk $0xffff, v17  }
0x20e: {  	v17 =	vld [tilespmem:s13+$0x100];
	_ =	sdelay $0x4  }
0x20f: {  	v17 =	vmul.f32 v17, v3;
	_ =	sdelay $0x1  }
0x210: {  	[tilespmem:s6+$0x0] =	vst.add.f32.msk $0xffff, v17  }
0x211: {  	v17 =	vld [tilespmem:s13+$0x180];
	_ =	sdelay $0x4  }
0x212: {  	v17 =	vmul.f32 v17, v4  }
0x213: {  	s25 =	sadd.s32 $0x30, s28  }
0x214: {  	s26 =	sor.u32 $0x200, s25;
	[tilespmem:s6+$0x0] =	vst.add.f32.msk $0xffff, v17  }
0x215: {  	v17 =	vld [tilespmem:s26+$0x4000];
	_ =	sdelay $0x4  }
0x216: {  	v17 =	vmul.f32 v17, v5;
	_ =	sdelay $0x1  }
0x217: {  	s28 =	sor.u32 $0x280, s25;
	[tilespmem:s6+$0x0] =	vst.add.f32.msk $0xffff, v17  }
0x218: {  	v17 =	vld [tilespmem:s28+$0x4000];
	_ =	sdelay $0x4  }
0x219: {  	v17 =	vmul.f32 v17, v6;
	_ =	sdelay $0x1  }
0x21a: {  	s19 =	sor.u32 $0x300, s25;
	[tilespmem:s6+$0x0] =	vst.add.f32.msk $0xffff, v17  }
0x21b: {  	v17 =	vld [tilespmem:s19+$0x4000];
	_ =	sdelay $0x4  }
0x21c: {  	v17 =	vmul.f32 v17, v7;
	_ =	sdelay $0x1  }
0x21d: {  	s5 =	sor.u32 $0x380, s25;
	[tilespmem:s6+$0x0] =	vst.add.f32.msk $0xffff, v17  }
0x21e: {  	v17 =	vld [tilespmem:s5+$0x4000];
	_ =	sdelay $0x4  }
0x21f: {  	v17 =	vmul.f32 v17, v8;
	_ =	sdelay $0x1  }
0x220: {  	s25 =	sor.u32 s4, s29;
	[tilespmem:s6+$0x0] =	vst.add.f32.msk $0xffff, v17  }
0x221: {  	v17 =	vld [tilespmem:s25+$0x0];
	_ =	sdelay $0x4  }
0x222: {  	v17 =	vmul.f32 v17, v9;
	_ =	sdelay $0x1  }
0x223: {  	s26 =	sor.u32 s4, s30;
	[tilespmem:s6+$0x0] =	vst.add.f32.msk $0xffff, v17  }
0x224: {  	v17 =	vld [tilespmem:s26+$0x0];
	_ =	sdelay $0x4  }
0x225: {  	v17 =	vmul.f32 v17, v10;
	_ =	sdelay $0x1  }
0x226: {  	s28 =	sor.u32 s4, s31;
	[tilespmem:s6+$0x0] =	vst.add.f32.msk $0xffff, v17  }
0x227: {  	v17 =	vld [tilespmem:s28+$0x0];
	_ =	sdelay $0x4  }
0x228: {  	v17 =	vmul.f32 v17, v11;
	_ =	sdelay $0x1  }
0x229: {  	s1 =	sor.u32 s4, s1;
	[tilespmem:s6+$0x0] =	vst.add.f32.msk $0xffff, v17  }
0x22a: {  	v17 =	vld [tilespmem:s1+$0x0];
	_ =	sdelay $0x4  }
0x22b: {  	v17 =	vmul.f32 v17, v12;
	_ =	sdelay $0x1  }
0x22c: {  	s0 =	sor.u32 s4, s0;
	[tilespmem:s6+$0x0] =	vst.add.f32.msk $0xffff, v17  }
0x22d: {  	v17 =	vld [tilespmem:s0+$0x0];
	_ =	sdelay $0x4  }
0x22e: {  	v17 =	vmul.f32 v17, v13;
	_ =	sdelay $0x1  }
0x22f: {  	s29 =	sor.u32 s4, s11;
	[tilespmem:s6+$0x0] =	vst.add.f32.msk $0xffff, v17  }
0x230: {  	v17 =	vld [tilespmem:s29+$0x0];
	_ =	sdelay $0x4  }
0x231: {  	v17 =	vmul.f32 v17, v14;
	_ =	sdelay $0x1  }
0x232: {  	s30 =	sor.u32 s4, s17;
	[tilespmem:s6+$0x0] =	vst.add.f32.msk $0xffff, v17  }
0x233: {  	v17 =	vld [tilespmem:s30+$0x0];
	_ =	sdelay $0x4  }
0x234: {  	v17 =	vmul.f32 v17, v15;
	_ =	sdelay $0x1  }
0x235: {  	s31 =	sor.u32 s4, s18;
	[tilespmem:s6+$0x0] =	vst.add.f32.msk $0xffff, v17  }
0x236: {  	v17 =	vld [tilespmem:s31+$0x0]  }
0x237: {  	s22 =	sadd.s32 $0x4, s22  }
0x238: {  	p1 =	slt.u32 s22, $0x3C  }
.Ltmp1:
0x239: {  	_ = 	snop;
	(pc) =	sbr.rel @p1 .LBB2_4-.Ltmp1, $4  }
0x23a: {  	_ = 	snop  }
0x23b: {  	v17 =	vmul.f32 v17, v16  }
0x23c: {  	p0 =	por !p0, !p0  }
0x23d: {  	s24 =	sadd.s32 $0x200, s24;
	s21 =	sadd.s32 $0x40, s21;
	s23 =	sadd.s32 $0x40, s23;
	[tilespmem:s6+$0x0] =	vst.add.f32.msk $0xffff, v17  }
0x23e: {  	[tilespmem:s15+$0x0] =	vst.add.f32.msk $0xffff, v1  }
0x23f: {  	[tilespmem:s15+$0x0] =	vst.add.f32.msk $0xffff, v2  }
0x240: {  	[tilespmem:s15+$0x0] =	vst.add.f32.msk $0xffff, v3  }
0x241: {  	[tilespmem:s15+$0x0] =	vst.add.f32.msk $0xffff, v4  }
0x242: {  	[tilespmem:s15+$0x0] =	vst.add.f32.msk $0xffff, v5  }
0x243: {  	[tilespmem:s15+$0x0] =	vst.add.f32.msk $0xffff, v6  }
0x244: {  	[tilespmem:s15+$0x0] =	vst.add.f32.msk $0xffff, v7  }
0x245: {  	[tilespmem:s15+$0x0] =	vst.add.f32.msk $0xffff, v8  }
0x246: {  	[tilespmem:s15+$0x0] =	vst.add.f32.msk $0xffff, v9  }
0x247: {  	[tilespmem:s15+$0x0] =	vst.add.f32.msk $0xffff, v10  }
0x248: {  	[tilespmem:s15+$0x0] =	vst.add.f32.msk $0xffff, v11  }
0x249: {  	[tilespmem:s15+$0x0] =	vst.add.f32.msk $0xffff, v12  }
0x24a: {  	[tilespmem:s15+$0x0] =	vst.add.f32.msk $0xffff, v13  }
0x24b: {  	[tilespmem:s15+$0x0] =	vst.add.f32.msk $0xffff, v14  }
0x24c: {  	[tilespmem:s15+$0x0] =	vst.add.f32.msk $0xffff, v15  }
0x24d: {  	s4 =	simm.s32 $0x4000;
	[tilespmem:s15+$0x0] =	vst.add.f32.msk $0xffff, v16  }
0x24e: {  	[tilespmem:s4], [sflag:$0x2] =	stream.linear.gather [hbm4b:s7+s2], $0x4000, $0x38;
	[tilespmem:$0x8900] =	vst v63  }
0x24f: {  	s0 =	simm.s32 $0x80;
	s1 =	simm.s32 $0x400;
	s5 =	simm.s32 $0x8480  }
0x250: {  	[hbm4b:s8+s0] =	stream.strided.scatter [tilespmem:s5], [sflag:$0x3], $0x400, s1, s0, $0x38;
	[tilespmem:$0x8900] =	vst v63  }
0x251: {  	s20 =	sadd.s32 $0x1, s20;
	_ =	swait.ge [sflag:s12], $0x400  }
0x252: {  	p0 =	sne.s32 s20, s10;
	[sflag:s12] =	ssyncset.done $0x0  }
.Ltmp2:
0x253: {  	[sflag:s12] =	ssyncadd.s32 $0xFFFFFC00;
	(pc) =	sbr.rel @p0 .LBB2_1-.Ltmp2, $4  }
0x254: {  	[hbm4b:s9+s2] =	stream.linear.scatter [tilespmem:s15], [sflag:$0x3], $0x80, $0x38;
	[tilespmem:$0x8900] =	vst v63  }
0x255: {  	_ =	swait.ge [sflag:s12], $0x80  }
0x256: {  	[sflag:s12] =	ssyncset.done $0x0  }
0x257: {  	[sflag:s12] =	ssyncadd.s32 $0xFFFFFF80  }
0x258: {  	_ =	sfence.sel $0x180000  }
0x259: {  	[bflag:$0x0] =	sbarrier.arrive $0xFFFF  }
0x25a: {  	_ =	strace $0x90000047  }
0x25b: {  	s0 =	stileid.u32;
	[bflag:$0x2] =	sbarrier.arrive $0xFFFF  }
0x25c: {  	p0 =	sne.s32 s0, $0x0;
	s0 =	rddreg [dreg:$0x4]  }
0x25d: {  	s0 =	sadd.s32 @!p0 $0x100000, s0  }
0x25e: {  	[sflag:s0] =	ssyncadd.tile.s32 @!p0 $0x1;
	_ =	shalt  }
.Lfunc_end2:
_tile_overlayer_lowered:
.L_overlay_start_2:
0x25f: {  	(tag) =	ssettag $0x2  }
0x260: {  	s0 =	rddreg [dreg:$0x0];
	s2 =	stileid.u32  }
0x261: {  	s1 =	rddreg [dreg:$0x1];
	p0 =	sne.s32 s2, $0x0  }
0x262: {  	s3 =	rddreg [dreg:$0x2];
	[bflag:$0x3] =	sbarrier.arrive $0xFFFF;
	s2 =	simm.s32 @!p0 $0x1C03  }
0x263: {  	[timem:s3], [sflag:s2] =	dma.local @!p0 [hbm:s0], s1  }
0x264: {  	s0 =	simm.s32 @!p0 $0x3  }
0x265: {  	_ =	swait.ge @!p0 [sflag:s0], s1  }
0x266: {  	s1 =	ssub.s32 @!p0 $0x0, s1;
	[sflag:s0] =	ssyncset.done @!p0 $0x0  }
0x267: {  	[sflag:s0] =	ssyncadd.s32 @!p0 s1  }
0x268: {  	[bflag:$0x3] =	sbarrier.arrive $0xFFFF  }
0x269: {  	_ =	shalt  }

</sc_bundles>
